<compile_context>
chip_gen: v7x
topology: tpu7x:2x2x1
jax: 0.10.2.dev20260603
libtpu: 0.0.44.dev20260713+nightly
codegen_flags: <defaults>
</compile_context>

<pallas_src>
import functools

import jax
import jax.numpy as jnp
import numpy as np
from jax import lax
from jax.experimental import pallas as pl
from jax.experimental.pallas import tpu as pltpu
from jax.experimental.pallas import tpu_sc as plsc

N_NODES = 10000
FDIM = 128
NC = 2
NS = 16
NW = NC * NS
NPAD = 10240
TRASH = NPAD - N_NODES
ECHUNK = 128
NCH_REAL = 2500
CPT = 80
HC = 40
TAIL = NCH_REAL - (NW - 1) * CPT
EX = CPT - 16
RPT = NPAD // NS
PADE = (EX - 4) * ECHUNK
BLK = 1024
GRID = NPAD // BLK

_mesh = plsc.VectorSubcoreMesh(core_axis_name="c", subcore_axis_name="s")
_sc_params = pltpu.CompilerParams(needs_layout_passes=False)


def _count_body(edge_hbm, extra_hbm, ones_hbm, zeros_hbm, out0, out1,
                dst_v, ones_v, sem, cnt_sh):
    c = lax.axis_index("c")
    s = lax.axis_index("s")
    wid = c * NS + s

    pltpu.sync_copy(zeros_hbm, cnt_sh.at[pl.ds(s * RPT, RPT)])
    pltpu.sync_copy(ones_hbm, ones_v)

    @pl.when(wid < NW - 1)
    def _():
        pltpu.sync_copy(edge_hbm.at[1, pl.ds(wid * CPT, CPT)], dst_v)

    @pl.when(wid == NW - 1)
    def _():
        pltpu.sync_copy(edge_hbm.at[1, pl.ds((NW - 1) * CPT, 16)],
                        dst_v.at[pl.ds(0, 16)])
        pltpu.sync_copy(extra_hbm.at[1], dst_v.at[pl.ds(16, EX)])

    plsc.subcore_barrier()

    def _step(g, carry):
        for u in range(16):
            pltpu.async_copy(ones_v, cnt_sh.at[dst_v.at[g * 16 + u]], sem,
                             add=True)
        for u in range(16):
            pltpu.make_async_copy(ones_v, cnt_sh.at[dst_v.at[g * 16 + u]],
                                  sem).wait()
        return carry

    lax.fori_loop(0, CPT // 16, _step, 0)
    plsc.subcore_barrier()

    @pl.when(c == 0)
    def _():
        pltpu.sync_copy(cnt_sh.at[pl.ds(s * RPT, RPT)],
                        out0.at[pl.ds(s * RPT, RPT)])

    @pl.when(c == 1)
    def _():
        pltpu.sync_copy(cnt_sh.at[pl.ds(s * RPT, RPT)],
                        out1.at[pl.ds(s * RPT, RPT)])


_count_call = pl.kernel(
    _count_body,
    out_type=[jax.ShapeDtypeStruct((NPAD,), jnp.float32),
              jax.ShapeDtypeStruct((NPAD,), jnp.float32)],
    mesh=_mesh,
    scratch_types=[
        pltpu.VMEM((CPT, ECHUNK), jnp.int32),
        pltpu.VMEM((ECHUNK,), jnp.float32),
        pltpu.SemaphoreType.DMA,
        pltpu.VMEM_SHARED((NPAD,), jnp.float32),
    ],
    compiler_params=_sc_params,
)


def _scatter_body(coef, *refs):
    if coef:
        (table_hbm, edge_hbm, extra_hbm, w_hbm, zeros_hbm,
         part_out, cp0_out, cp1_out,
         src_v, dst_v, rows_a, rows_b, sem_a, sem_b,
         wbuf_a, wbuf_b, sem_wa, sem_wb, sem_c, acc_sh, c_sh) = refs
    else:
        (table_hbm, edge_hbm, extra_hbm, part_out,
         src_v, dst_v, rows_a, rows_b, sem_a, sem_b, acc_sh) = refs
    c = lax.axis_index("c")
    s = lax.axis_index("s")
    wid = c * NS + s

    def _zrow(r, carry):
        for k in range(FDIM // 16):
            rows_b[r, pl.ds(k * 16, 16)] = jnp.zeros((16,), jnp.float32)
        return carry

    lax.fori_loop(0, ECHUNK, _zrow, 0)
    for t in range(RPT // ECHUNK):
        pltpu.async_copy(rows_b,
                         acc_sh.at[pl.ds(s * RPT + t * ECHUNK, ECHUNK)],
                         sem_b)
    if coef:
        pltpu.sync_copy(zeros_hbm, c_sh.at[pl.ds(s * RPT, RPT)])

    def _gather(j, rbuf, rsem, wbuf, wsem, climit):
        pltpu.async_copy(table_hbm.at[src_v.at[j]], rbuf, rsem)
        if coef:
            @pl.when(j < climit)
            def _():
                pltpu.async_copy(w_hbm.at[dst_v.at[j]], wbuf, wsem)

    def _drain_scatter(j, rbuf, rsem, wbuf, wsem, climit):
        pltpu.make_async_copy(table_hbm.at[src_v.at[j]], rbuf, rsem).wait()
        if coef:
            @pl.when(j < climit)
            def _():
                pltpu.make_async_copy(w_hbm.at[dst_v.at[j]], wbuf,
                                      wsem).wait()
                pltpu.async_copy(wbuf, c_sh.at[src_v.at[j]], sem_c, add=True)
        pltpu.sync_copy(rbuf, acc_sh.at[dst_v.at[j]], add=True)
        if coef:
            @pl.when(j < climit)
            def _():
                pltpu.make_async_copy(wbuf, c_sh.at[src_v.at[j]],
                                      sem_c).wait()

    def _pipeline(climit):
        _gather(0, rows_a, sem_a, wbuf_a if coef else None,
                sem_wa if coef else None, climit)

        def _step(j2, carry):
            j = j2 * 2
            _gather(j + 1, rows_b, sem_b, wbuf_b if coef else None,
                    sem_wb if coef else None, climit)
            _drain_scatter(j, rows_a, sem_a, wbuf_a if coef else None,
                           sem_wa if coef else None, climit)

            @pl.when(j + 2 < HC)
            def _():
                _gather(j + 2, rows_a, sem_a, wbuf_a if coef else None,
                        sem_wa if coef else None, climit)

            _drain_scatter(j + 1, rows_b, sem_b, wbuf_b if coef else None,
                           sem_wb if coef else None, climit)
            return carry

        lax.fori_loop(0, HC // 2, _step, 0)

    last = wid == NW - 1
    @pl.when(jnp.logical_not(last))
    def _():
        pltpu.sync_copy(edge_hbm.at[0, pl.ds(wid * CPT, HC)], src_v)
        pltpu.sync_copy(edge_hbm.at[1, pl.ds(wid * CPT, HC)], dst_v)

    @pl.when(last)
    def _():
        pltpu.sync_copy(edge_hbm.at[0, pl.ds((NW - 1) * CPT, 16)],
                        src_v.at[pl.ds(0, 16)])
        pltpu.sync_copy(edge_hbm.at[1, pl.ds((NW - 1) * CPT, 16)],
                        dst_v.at[pl.ds(0, 16)])
        pltpu.sync_copy(extra_hbm.at[0, pl.ds(0, HC - 16)],
                        src_v.at[pl.ds(16, HC - 16)])
        pltpu.sync_copy(extra_hbm.at[1, pl.ds(0, HC - 16)],
                        dst_v.at[pl.ds(16, HC - 16)])

    for t in range(RPT // ECHUNK):
        pltpu.make_async_copy(
            rows_b, acc_sh.at[pl.ds(s * RPT + t * ECHUNK, ECHUNK)],
            sem_b).wait()
    plsc.subcore_barrier()
    _pipeline(jnp.where(last, 20, HC))
    @pl.when(jnp.logical_not(last))
    def _():
        pltpu.sync_copy(edge_hbm.at[0, pl.ds(wid * CPT + HC, HC)], src_v)
        pltpu.sync_copy(edge_hbm.at[1, pl.ds(wid * CPT + HC, HC)], dst_v)

    @pl.when(last)
    def _():
        pltpu.sync_copy(extra_hbm.at[0, pl.ds(HC - 16, HC)], src_v)
        pltpu.sync_copy(extra_hbm.at[1, pl.ds(HC - 16, HC)], dst_v)

    _pipeline(jnp.where(last, 0, HC))

    plsc.subcore_barrier()
    pltpu.sync_copy(acc_sh.at[pl.ds(s * RPT, RPT)],
                    part_out.at[c, pl.ds(s * RPT, RPT)])
    if coef:
        @pl.when(c == 0)
        def _():
            pltpu.sync_copy(c_sh.at[pl.ds(s * RPT, RPT)],
                            cp0_out.at[pl.ds(s * RPT, RPT)])

        @pl.when(c == 1)
        def _():
            pltpu.sync_copy(c_sh.at[pl.ds(s * RPT, RPT)],
                            cp1_out.at[pl.ds(s * RPT, RPT)])


def _make_scatter(coef):
    part_type = jax.ShapeDtypeStruct((NC, NPAD, FDIM), jnp.float32)
    out_type = [part_type]
    scratch = [
        pltpu.VMEM((HC, ECHUNK), jnp.int32),
        pltpu.VMEM((HC, ECHUNK), jnp.int32),
        pltpu.VMEM((ECHUNK, FDIM), jnp.float32),
        pltpu.VMEM((ECHUNK, FDIM), jnp.float32),
        pltpu.SemaphoreType.DMA,
        pltpu.SemaphoreType.DMA,
    ]
    if coef:
        out_type += [jax.ShapeDtypeStruct((NPAD,), jnp.float32),
                     jax.ShapeDtypeStruct((NPAD,), jnp.float32)]
        scratch += [
            pltpu.VMEM((ECHUNK,), jnp.float32),
            pltpu.VMEM((ECHUNK,), jnp.float32),
            pltpu.SemaphoreType.DMA,
            pltpu.SemaphoreType.DMA,
            pltpu.SemaphoreType.DMA,
        ]
    scratch.append(pltpu.VMEM_SHARED((NPAD, FDIM), jnp.float32))
    if coef:
        scratch.append(pltpu.VMEM_SHARED((NPAD,), jnp.float32))
    return pl.kernel(
        functools.partial(_scatter_body, coef),
        out_type=out_type if coef else part_type,
        mesh=_mesh,
        scratch_types=scratch,
        compiler_params=_sc_params,
    )


_scatter_coef_call = _make_scatter(True)
_scatter_call = _make_scatter(False)


def _mm_body(x_ref, w_ref, o_ref):
    o_ref[...] = jnp.dot(x_ref[...], w_ref[...],
                         preferred_element_type=jnp.float32)


def _mm_call(x, W):
    nblk = x.shape[0] // GRID
    return pl.pallas_call(
        _mm_body,
        grid=(GRID,),
        in_specs=[
            pl.BlockSpec((nblk, FDIM), lambda i: (i, 0)),
            pl.BlockSpec((FDIM, FDIM), lambda i: (0, 0)),
        ],
        out_specs=pl.BlockSpec((nblk, FDIM), lambda i: (i, 0)),
        out_shape=jax.ShapeDtypeStruct((NPAD, FDIM), jnp.float32),
    )(x, W)


def _k2_body(xw_ref, c0_ref, c1_ref, y_ref, dinv_ref, wcol_ref):
    cnt = c0_ref[...] + c1_ref[...]
    dinv = lax.rsqrt(cnt + 1.0)
    y_ref[...] = xw_ref[...] * jnp.reshape(dinv, (BLK, 1))
    dinv_ref[...] = dinv
    wcol_ref[...] = 1.0 / jnp.maximum(cnt, 1.0)


def _k2_call(xw, cnt0, cnt1):
    return pl.pallas_call(
        _k2_body,
        grid=(GRID,),
        in_specs=[
            pl.BlockSpec((BLK, FDIM), lambda i: (i, 0)),
            pl.BlockSpec((BLK,), lambda i: (i,)),
            pl.BlockSpec((BLK,), lambda i: (i,)),
        ],
        out_specs=[
            pl.BlockSpec((BLK, FDIM), lambda i: (i, 0)),
            pl.BlockSpec((BLK,), lambda i: (i,)),
            pl.BlockSpec((BLK,), lambda i: (i,)),
        ],
        out_shape=[
            jax.ShapeDtypeStruct((NPAD, FDIM), jnp.float32),
            jax.ShapeDtypeStruct((NPAD,), jnp.float32),
            jax.ShapeDtypeStruct((NPAD,), jnp.float32),
        ],
    )(xw, cnt0, cnt1)


def _k4_body(p_ref, y_ref, dinv_ref, b_ref, h0_ref):
    dcol = jnp.reshape(dinv_ref[...], (BLK, 1))
    t = (p_ref[0] + p_ref[1] + y_ref[...]) * dcol
    h0_ref[...] = jnp.maximum(t + b_ref[...], 0.0)


def _k4_call(parts, y, dinv_col, b_gcn2):
    return pl.pallas_call(
        _k4_body,
        grid=(GRID,),
        in_specs=[
            pl.BlockSpec((NC, BLK, FDIM), lambda i: (0, i, 0)),
            pl.BlockSpec((BLK, FDIM), lambda i: (i, 0)),
            pl.BlockSpec((BLK,), lambda i: (i,)),
            pl.BlockSpec((1, FDIM), lambda i: (0, 0)),
        ],
        out_specs=pl.BlockSpec((BLK, FDIM), lambda i: (i, 0)),
        out_shape=jax.ShapeDtypeStruct((NPAD, FDIM), jnp.float32),
    )(parts, y, dinv_col, b_gcn2)


def _k6_body(q_ref, r_ref, wcol_ref, cp0_ref, cp1_ref, wl_ref, bl_ref,
             wl2, bl2, wr2, w0, b0, g0, be0, w1, b1, g1, be1,
             w2, b2, g2, be2, w3, b3, out_ref, s_ref):
    i = pl.program_id(0)
    wcol = jnp.reshape(wcol_ref[...], (BLK, 1))
    agg = (q_ref[0] + q_ref[1]) * wcol
    h1 = (jnp.dot(agg, wl_ref[...], preferred_element_type=jnp.float32)
          + bl_ref[...] + r_ref[...])
    h1 = jnp.maximum(h1, 0.0)
    rows = i * BLK + lax.broadcasted_iota(jnp.int32, (BLK, 1), 0)
    h1 = jnp.where(rows < N_NODES, h1, 0.0)
    ccol = jnp.reshape(cp0_ref[...] + cp1_ref[...], (BLK, 1))
    s0 = jnp.sum(h1, axis=0, keepdims=True)
    s1 = jnp.sum(ccol * h1, axis=0, keepdims=True)
    blk = jnp.concatenate([s0, s1], axis=0)

    @pl.when(i == 0)
    def _():
        s_ref[...] = blk

    @pl.when(i > 0)
    def _():
        s_ref[...] += blk

    @pl.when(i == GRID - 1)
    def _():
        inv = 1.0 / jnp.sqrt(jnp.float32(1.0 + 1e-5))
        m_h1 = s_ref[0:1, :] * (1.0 / N_NODES)
        m_agg = s_ref[1:2, :] * (1.0 / N_NODES)
        p = (jnp.dot(m_agg, wl2[...], preferred_element_type=jnp.float32)
             + bl2[...]
             + jnp.dot(m_h1, wr2[...], preferred_element_type=jnp.float32))
        z = jnp.dot(p, w0[...], preferred_element_type=jnp.float32) + b0[...]
        z = jnp.tanh(z * inv * g0[...] + be0[...])
        z = jnp.dot(z, w1[...], preferred_element_type=jnp.float32) + b1[...]
        z = jnp.tanh(z * inv * g1[...] + be1[...])
        z = jnp.dot(z, w2[...], preferred_element_type=jnp.float32) + b2[...]
        z = jnp.tanh(z * inv * g2[...] + be2[...])
        z = jnp.dot(z, w3[...], preferred_element_type=jnp.float32) + b3[...]
        z = z - jnp.max(z, axis=1, keepdims=True)
        ez = jnp.exp(z)
        out_ref[...] = ez / jnp.sum(ez, axis=1, keepdims=True)


def _k6_call(parts2, R, w_col, cp0, cp1, Wl1, bl1_2, *head):
    full = lambda a: pl.BlockSpec(a.shape, lambda i: tuple(0 for _ in a.shape))
    return pl.pallas_call(
        _k6_body,
        grid=(GRID,),
        in_specs=[
            pl.BlockSpec((NC, BLK, FDIM), lambda i: (0, i, 0)),
            pl.BlockSpec((BLK, FDIM), lambda i: (i, 0)),
            pl.BlockSpec((BLK,), lambda i: (i,)),
            pl.BlockSpec((BLK,), lambda i: (i,)),
            pl.BlockSpec((BLK,), lambda i: (i,)),
            pl.BlockSpec((FDIM, FDIM), lambda i: (0, 0)),
            pl.BlockSpec((1, FDIM), lambda i: (0, 0)),
        ] + [full(a) for a in head],
        out_specs=pl.BlockSpec((1, 10), lambda i: (0, 0)),
        out_shape=jax.ShapeDtypeStruct((1, 10), jnp.float32),
        scratch_shapes=[pltpu.VMEM((2, FDIM), jnp.float32)],
    )(parts2, R, w_col, cp0, cp1, Wl1, bl1_2, *head)


def kernel(x, edge_index, W_gcn, b_gcn, Wl1, bl1, Wr1, Wl2, bl2, Wr2,
           W0, b0, g0, be0, W1, b1, g1, be1, W2, b2, g2, be2, W3, b3):
    f32 = jnp.float32
    e = edge_index.shape[1]
    e3 = edge_index.reshape(2, NCH_REAL, ECHUNK)
    tail = lax.slice(edge_index, (0, ((NW - 1) * CPT + 16) * ECHUNK), (2, e))
    pad_np = np.stack([np.arange(PADE) % N_NODES,
                       N_NODES + np.arange(PADE) % TRASH]).astype(np.int32)
    extra3 = jnp.concatenate([tail, jnp.asarray(pad_np)],
                             axis=1).reshape(2, EX, ECHUNK)
    ones_c = jnp.asarray(np.ones((ECHUNK,), np.float32))
    zeros1_c = jnp.asarray(np.zeros((RPT,), np.float32))
    cnt0, cnt1 = _count_call(e3, extra3, ones_c, zeros1_c)
    xw = _mm_call(x, W_gcn)
    y, dinv_col, w_col = _k2_call(xw, cnt0, cnt1)
    parts, cp0, cp1 = _scatter_coef_call(y, e3, extra3, w_col, zeros1_c)
    h0 = _k4_call(parts, y, dinv_col, b_gcn.reshape(1, FDIM))
    parts2 = _scatter_call(h0, e3, extra3)
    R = _mm_call(h0, Wr1)
    return _k6_call(parts2, R, w_col, cp0, cp1,
                    Wl1, bl1.reshape(1, FDIM),
                    Wl2, bl2.reshape(1, FDIM), Wr2,
                    W0, b0.reshape(1, 200), g0.reshape(1, 200),
                    be0.reshape(1, 200),
                    W1, b1.reshape(1, 100), g1.reshape(1, 100),
                    be1.reshape(1, 100),
                    W2, b2.reshape(1, 50), g2.reshape(1, 50),
                    be2.reshape(1, 50),
                    W3, b3.reshape(1, 10))

# --- scband reference (transcript-rebuilt; emitter-appended) ---
"""Pipeline reference for scband-sageconv-net-34110630265037 (READ-ONLY COPY).

The authoritative reference and input builder live on the scoring server;
editing this copy changes nothing except your own understanding.
"""

import jax, jax.numpy as jnp
import numpy as np

N = 10000
E = 320000
D = 128
H = 128
C = 10


def setup_inputs(seed: int = 0) -> dict:
    key = jax.random.key(seed)
    ks = jax.random.split(key, 32)
    inp = {}
    inp["x"] = jax.random.normal(ks[0], (N, D), dtype=jnp.float32)
    inp["edge_index"] = jax.random.randint(ks[1], (2, E), 0, N, dtype=jnp.int32)
    s = 0.05
    # GCNConv layer 0
    inp["W_gcn"] = jax.random.normal(ks[2], (D, H), dtype=jnp.float32) * s
    inp["b_gcn"] = jnp.zeros((H,), dtype=jnp.float32)
    # SAGEConv layer 1 (lin_l with bias on aggregated neighbors, lin_r no bias on root)
    inp["Wl1"] = jax.random.normal(ks[3], (H, H), dtype=jnp.float32) * s
    inp["bl1"] = jnp.zeros((H,), dtype=jnp.float32)
    inp["Wr1"] = jax.random.normal(ks[4], (H, H), dtype=jnp.float32) * s
    # SAGEConv layer 2
    inp["Wl2"] = jax.random.normal(ks[5], (H, H), dtype=jnp.float32) * s
    inp["bl2"] = jnp.zeros((H,), dtype=jnp.float32)
    inp["Wr2"] = jax.random.normal(ks[6], (H, H), dtype=jnp.float32) * s
    # ClassifierBase: lin0 128->200, lin1 200->100, lin2 100->50, lin3 50->10
    inp["W0"] = jax.random.normal(ks[7], (H, 200), dtype=jnp.float32) * s
    inp["b0"] = jnp.zeros((200,), dtype=jnp.float32)
    inp["g0"] = jnp.ones((200,), dtype=jnp.float32)
    inp["be0"] = jnp.zeros((200,), dtype=jnp.float32)
    inp["W1"] = jax.random.normal(ks[8], (200, 100), dtype=jnp.float32) * s
    inp["b1"] = jnp.zeros((100,), dtype=jnp.float32)
    inp["g1"] = jnp.ones((100,), dtype=jnp.float32)
    inp["be1"] = jnp.zeros((100,), dtype=jnp.float32)
    inp["W2"] = jax.random.normal(ks[9], (100, 50), dtype=jnp.float32) * s
    inp["b2"] = jnp.zeros((50,), dtype=jnp.float32)
    inp["g2"] = jnp.ones((50,), dtype=jnp.float32)
    inp["be2"] = jnp.zeros((50,), dtype=jnp.float32)
    inp["W3"] = jax.random.normal(ks[10], (50, C), dtype=jnp.float32) * s
    inp["b3"] = jnp.zeros((C,), dtype=jnp.float32)
    return inp


def _gcn_conv(x, edge_index, W, b):
    # PyG GCNConv with add_self_loops=True, sym normalization
    n = x.shape[0]
    loop = jnp.arange(n, dtype=edge_index.dtype)
    src = jnp.concatenate([edge_index[0], loop])
    dst = jnp.concatenate([edge_index[1], loop])
    deg = jnp.zeros((n,), dtype=x.dtype).at[dst].add(1.0)
    dinv = jnp.where(deg > 0, deg ** -0.5, 0.0)
    norm = dinv[src] * dinv[dst]
    xw = x @ W
    out = jnp.zeros((n, W.shape[1]), dtype=x.dtype).at[dst].add(xw[src] * norm[:, None])
    return out + b


def _sage_conv(x, edge_index, Wl, bl, Wr):
    # PyG SAGEConv, aggr='mean', root_weight=True
    n = x.shape[0]
    src = edge_index[0]
    dst = edge_index[1]
    cnt = jnp.zeros((n,), dtype=x.dtype).at[dst].add(1.0)
    agg = jnp.zeros((n, x.shape[1]), dtype=x.dtype).at[dst].add(x[src])
    agg = agg / jnp.maximum(cnt, 1.0)[:, None]
    return agg @ Wl + bl + x @ Wr


def _bn_eval(x, g, b):
    # BatchNorm1d in eval mode with running_mean=0, running_var=1
    return (x / jnp.sqrt(1.0 + 1e-5)) * g + b


def reference(x, edge_index, W_gcn, b_gcn, Wl1, bl1, Wr1, Wl2, bl2, Wr2,
              W0, b0, g0, be0, W1, b1, g1, be1, W2, b2, g2, be2, W3, b3):
    h = _gcn_conv(x, edge_index, W_gcn, b_gcn)
    h = jax.nn.relu(h)
    h = _sage_conv(h, edge_index, Wl1, bl1, Wr1)
    h = jax.nn.relu(h)
    h = _sage_conv(h, edge_index, Wl2, bl2, Wr2)
    # global_mean_pool with batch = zeros -> single graph
    p = jnp.mean(h, axis=0, keepdims=True)
    # ClassifierBase (eval mode: dropout off, BN uses running stats)
    z = p @ W0 + b0
    z = jnp.tanh(_bn_eval(z, g0, be0))
    z = z @ W1 + b1
    z = jnp.tanh(_bn_eval(z, g1, be1))
    z = z @ W2 + b2
    z = jnp.tanh(_bn_eval(z, g2, be2))
    z = z @ W3 + b3
    return jax.nn.softmax(z, axis=1)

if __name__ == "__main__":
    import jax
    _d = setup_inputs()
    print(jax.jit(kernel)(*tuple(_d.values())))

</pallas_src>

<mosaic_0001>
#map = affine_map<(d0, d1) -> (0, 0)>
#map1 = affine_map<(d0, d1) -> (0, 0, 0)>
module attributes {stable_mosaic.version = 14 : i64} {
  func.func @_scatter_body(%arg0: i32, %arg1: i32, %arg2: memref<10240x128xf32, #tpu.memory_space<hbm>>, %arg3: memref<2x2500x128xi32, #tpu.memory_space<hbm>>, %arg4: memref<2x64x128xi32, #tpu.memory_space<hbm>>, %arg5: memref<2x10240x128xf32, #tpu.memory_space<hbm>>, %arg6: memref<40x128xi32, #tpu.memory_space<vmem>>, %arg7: memref<40x128xi32, #tpu.memory_space<vmem>>, %arg8: memref<128x128xf32, #tpu.memory_space<vmem>>, %arg9: memref<128x128xf32, #tpu.memory_space<vmem>>, %arg10: memref<!tpu.dma_semaphore, #tpu.memory_space<semaphore_mem>>, %arg11: memref<!tpu.dma_semaphore, #tpu.memory_space<semaphore_mem>>, %arg12: memref<10240x128xf32, #tpu.memory_space<vmem_shared>>) attributes {dimension_semantics = [#tpu.dimension_semantics<core_parallel>, #tpu.dimension_semantics<subcore_parallel>], iteration_bounds = array<i64: 2, 16>, scalar_prefetch = 0 : i64, scratch_operands = 7 : i64, tpu.core_type = #tpu.core_type<sc_vector_subcore>, window_params = [{transform_indices = #map}, {transform_indices = #map1}, {transform_indices = #map1}, {transform_indices = #map1}]} {
    %mul3A = arith.constant 16 : i32
    %mul3A_0 = arith.muli %arg0, %mul3A : i32
    %add3A = arith.addi %mul3A_0, %arg1 : i32
    %scan3A = arith.constant 0 : i32
    %scan3A_1 = arith.constant 0 : i32
    %scan3A_2 = arith.constant 128 : i32
    %scan3A_3 = arith.addi %scan3A_1, %scan3A_2 : i32
    %scan3A_4 = arith.constant 1 : i32
    scf.for %scan3A_133 = %scan3A_1 to %scan3A_3 step %scan3A_4  : i32 {
      %broadcast_in_dim3A = arith.constant 0.000000e+00 : f32
      %broadcast_in_dim3A_134 = vector.broadcast %broadcast_in_dim3A : f32 to vector<16xf32>
      %swap3A = arith.index_cast %scan3A_133 : i32 to index
      %swap3A_135 = arith.constant 0 : index
      %swap3A_136 = tpu.vector_load %arg9[%swap3A, %swap3A_135] {strides = array<i32>} : memref<128x128xf32, #tpu.memory_space<vmem>>, vector<16xf32>,
      tpu.vector_store %arg9[%swap3A, %swap3A_135], %broadcast_in_dim3A_134 {strides = array<i32>} : memref<128x128xf32, #tpu.memory_space<vmem>>, vector<16xf32>,
      %broadcast_in_dim3A_137 = arith.constant 0.000000e+00 : f32
      %broadcast_in_dim3A_138 = vector.broadcast %broadcast_in_dim3A_137 : f32 to vector<16xf32>
      %swap3A_139 = arith.index_cast %scan3A_133 : i32 to index
      %swap3A_140 = arith.constant 16 : index
      %swap3A_141 = tpu.vector_load %arg9[%swap3A_139, %swap3A_140] {strides = array<i32>} : memref<128x128xf32, #tpu.memory_space<vmem>>, vector<16xf32>,
      tpu.vector_store %arg9[%swap3A_139, %swap3A_140], %broadcast_in_dim3A_138 {strides = array<i32>} : memref<128x128xf32, #tpu.memory_space<vmem>>, vector<16xf32>,
      %broadcast_in_dim3A_142 = arith.constant 0.000000e+00 : f32
      %broadcast_in_dim3A_143 = vector.broadcast %broadcast_in_dim3A_142 : f32 to vector<16xf32>
      %swap3A_144 = arith.index_cast %scan3A_133 : i32 to index
      %swap3A_145 = arith.constant 32 : index
      %swap3A_146 = tpu.vector_load %arg9[%swap3A_144, %swap3A_145] {strides = array<i32>} : memref<128x128xf32, #tpu.memory_space<vmem>>, vector<16xf32>,
      tpu.vector_store %arg9[%swap3A_144, %swap3A_145], %broadcast_in_dim3A_143 {strides = array<i32>} : memref<128x128xf32, #tpu.memory_space<vmem>>, vector<16xf32>,
      %broadcast_in_dim3A_147 = arith.constant 0.000000e+00 : f32
      %broadcast_in_dim3A_148 = vector.broadcast %broadcast_in_dim3A_147 : f32 to vector<16xf32>
      %swap3A_149 = arith.index_cast %scan3A_133 : i32 to index
      %swap3A_150 = arith.constant 48 : index
      %swap3A_151 = tpu.vector_load %arg9[%swap3A_149, %swap3A_150] {strides = array<i32>} : memref<128x128xf32, #tpu.memory_space<vmem>>, vector<16xf32>,
      tpu.vector_store %arg9[%swap3A_149, %swap3A_150], %broadcast_in_dim3A_148 {strides = array<i32>} : memref<128x128xf32, #tpu.memory_space<vmem>>, vector<16xf32>,
      %broadcast_in_dim3A_152 = arith.constant 0.000000e+00 : f32
      %broadcast_in_dim3A_153 = vector.broadcast %broadcast_in_dim3A_152 : f32 to vector<16xf32>
      %swap3A_154 = arith.index_cast %scan3A_133 : i32 to index
      %swap3A_155 = arith.constant 64 : index
      %swap3A_156 = tpu.vector_load %arg9[%swap3A_154, %swap3A_155] {strides = array<i32>} : memref<128x128xf32, #tpu.memory_space<vmem>>, vector<16xf32>,
      tpu.vector_store %arg9[%swap3A_154, %swap3A_155], %broadcast_in_dim3A_153 {strides = array<i32>} : memref<128x128xf32, #tpu.memory_space<vmem>>, vector<16xf32>,
      %broadcast_in_dim3A_157 = arith.constant 0.000000e+00 : f32
      %broadcast_in_dim3A_158 = vector.broadcast %broadcast_in_dim3A_157 : f32 to vector<16xf32>
      %swap3A_159 = arith.index_cast %scan3A_133 : i32 to index
      %swap3A_160 = arith.constant 80 : index
      %swap3A_161 = tpu.vector_load %arg9[%swap3A_159, %swap3A_160] {strides = array<i32>} : memref<128x128xf32, #tpu.memory_space<vmem>>, vector<16xf32>,
      tpu.vector_store %arg9[%swap3A_159, %swap3A_160], %broadcast_in_dim3A_158 {strides = array<i32>} : memref<128x128xf32, #tpu.memory_space<vmem>>, vector<16xf32>,
      %broadcast_in_dim3A_162 = arith.constant 0.000000e+00 : f32
      %broadcast_in_dim3A_163 = vector.broadcast %broadcast_in_dim3A_162 : f32 to vector<16xf32>
      %swap3A_164 = arith.index_cast %scan3A_133 : i32 to index
      %swap3A_165 = arith.constant 96 : index
      %swap3A_166 = tpu.vector_load %arg9[%swap3A_164, %swap3A_165] {strides = array<i32>} : memref<128x128xf32, #tpu.memory_space<vmem>>, vector<16xf32>,
      tpu.vector_store %arg9[%swap3A_164, %swap3A_165], %broadcast_in_dim3A_163 {strides = array<i32>} : memref<128x128xf32, #tpu.memory_space<vmem>>, vector<16xf32>,
      %broadcast_in_dim3A_167 = arith.constant 0.000000e+00 : f32
      %broadcast_in_dim3A_168 = vector.broadcast %broadcast_in_dim3A_167 : f32 to vector<16xf32>
      %swap3A_169 = arith.index_cast %scan3A_133 : i32 to index
      %swap3A_170 = arith.constant 112 : index
      %swap3A_171 = tpu.vector_load %arg9[%swap3A_169, %swap3A_170] {strides = array<i32>} : memref<128x128xf32, #tpu.memory_space<vmem>>, vector<16xf32>,
      tpu.vector_store %arg9[%swap3A_169, %swap3A_170], %broadcast_in_dim3A_168 {strides = array<i32>} : memref<128x128xf32, #tpu.memory_space<vmem>>, vector<16xf32>,
    }
    %scan3A_5 = arith.constant 128 : i32
    %mul3A_6 = arith.constant 640 : i32
    %mul3A_7 = arith.muli %arg1, %mul3A_6 : i32
    %add3A_8 = arith.constant 0 : i32
    %add3A_9 = arith.addi %mul3A_7, %add3A_8 : i32
    %dma_start3A = arith.constant 0 : i32
    %dma_start3A_10 = tpu.memref_slice %arg12[%add3A_9, %dma_start3A] : memref<10240x128xf32, #tpu.memory_space<vmem_shared>> -> memref<128x128xf32, #tpu.memory_space<vmem_shared>>
    %dma_start3A_11 = arith.constant 0 : i32
    %dma_start3A_12 = tpu.memref_slice %arg12[%add3A_9, %dma_start3A_11] : memref<10240x128xf32, #tpu.memory_space<vmem_shared>> -> memref<128x128xf32, #tpu.memory_space<vmem_shared>>
    tpu.enqueue_dma source(%arg9 : memref<128x128xf32, #tpu.memory_space<vmem>>) target(%dma_start3A_12 : memref<128x128xf32, #tpu.memory_space<vmem_shared>>) target_semaphore(%arg11 : memref<!tpu.dma_semaphore, #tpu.memory_space<semaphore_mem>>)
    %mul3A_13 = arith.constant 640 : i32
    %mul3A_14 = arith.muli %arg1, %mul3A_13 : i32
    %add3A_15 = arith.constant 128 : i32
    %add3A_16 = arith.addi %mul3A_14, %add3A_15 : i32
    %dma_start3A_17 = arith.constant 0 : i32
    %dma_start3A_18 = tpu.memref_slice %arg12[%add3A_16, %dma_start3A_17] : memref<10240x128xf32, #tpu.memory_space<vmem_shared>> -> memref<128x128xf32, #tpu.memory_space<vmem_shared>>
    %dma_start3A_19 = arith.constant 0 : i32
    %dma_start3A_20 = tpu.memref_slice %arg12[%add3A_16, %dma_start3A_19] : memref<10240x128xf32, #tpu.memory_space<vmem_shared>> -> memref<128x128xf32, #tpu.memory_space<vmem_shared>>
    tpu.enqueue_dma source(%arg9 : memref<128x128xf32, #tpu.memory_space<vmem>>) target(%dma_start3A_20 : memref<128x128xf32, #tpu.memory_space<vmem_shared>>) target_semaphore(%arg11 : memref<!tpu.dma_semaphore, #tpu.memory_space<semaphore_mem>>)
    %mul3A_21 = arith.constant 640 : i32
    %mul3A_22 = arith.muli %arg1, %mul3A_21 : i32
    %add3A_23 = arith.constant 256 : i32
    %add3A_24 = arith.addi %mul3A_22, %add3A_23 : i32
    %dma_start3A_25 = arith.constant 0 : i32
    %dma_start3A_26 = tpu.memref_slice %arg12[%add3A_24, %dma_start3A_25] : memref<10240x128xf32, #tpu.memory_space<vmem_shared>> -> memref<128x128xf32, #tpu.memory_space<vmem_shared>>
    %dma_start3A_27 = arith.constant 0 : i32
    %dma_start3A_28 = tpu.memref_slice %arg12[%add3A_24, %dma_start3A_27] : memref<10240x128xf32, #tpu.memory_space<vmem_shared>> -> memref<128x128xf32, #tpu.memory_space<vmem_shared>>
    tpu.enqueue_dma source(%arg9 : memref<128x128xf32, #tpu.memory_space<vmem>>) target(%dma_start3A_28 : memref<128x128xf32, #tpu.memory_space<vmem_shared>>) target_semaphore(%arg11 : memref<!tpu.dma_semaphore, #tpu.memory_space<semaphore_mem>>)
    %mul3A_29 = arith.constant 640 : i32
    %mul3A_30 = arith.muli %arg1, %mul3A_29 : i32
    %add3A_31 = arith.constant 384 : i32
    %add3A_32 = arith.addi %mul3A_30, %add3A_31 : i32
    %dma_start3A_33 = arith.constant 0 : i32
    %dma_start3A_34 = tpu.memref_slice %arg12[%add3A_32, %dma_start3A_33] : memref<10240x128xf32, #tpu.memory_space<vmem_shared>> -> memref<128x128xf32, #tpu.memory_space<vmem_shared>>
    %dma_start3A_35 = arith.constant 0 : i32
    %dma_start3A_36 = tpu.memref_slice %arg12[%add3A_32, %dma_start3A_35] : memref<10240x128xf32, #tpu.memory_space<vmem_shared>> -> memref<128x128xf32, #tpu.memory_space<vmem_shared>>
    tpu.enqueue_dma source(%arg9 : memref<128x128xf32, #tpu.memory_space<vmem>>) target(%dma_start3A_36 : memref<128x128xf32, #tpu.memory_space<vmem_shared>>) target_semaphore(%arg11 : memref<!tpu.dma_semaphore, #tpu.memory_space<semaphore_mem>>)
    %mul3A_37 = arith.constant 640 : i32
    %mul3A_38 = arith.muli %arg1, %mul3A_37 : i32
    %add3A_39 = arith.constant 512 : i32
    %add3A_40 = arith.addi %mul3A_38, %add3A_39 : i32
    %dma_start3A_41 = arith.constant 0 : i32
    %dma_start3A_42 = tpu.memref_slice %arg12[%add3A_40, %dma_start3A_41] : memref<10240x128xf32, #tpu.memory_space<vmem_shared>> -> memref<128x128xf32, #tpu.memory_space<vmem_shared>>
    %dma_start3A_43 = arith.constant 0 : i32
    %dma_start3A_44 = tpu.memref_slice %arg12[%add3A_40, %dma_start3A_43] : memref<10240x128xf32, #tpu.memory_space<vmem_shared>> -> memref<128x128xf32, #tpu.memory_space<vmem_shared>>
    tpu.enqueue_dma source(%arg9 : memref<128x128xf32, #tpu.memory_space<vmem>>) target(%dma_start3A_44 : memref<128x128xf32, #tpu.memory_space<vmem_shared>>) target_semaphore(%arg11 : memref<!tpu.dma_semaphore, #tpu.memory_space<semaphore_mem>>)
    %eq3A = arith.constant 31 : i32
    %eq3A_45 = arith.cmpi eq, %add3A, %eq3A : i32
    %not3A = arith.constant true
    %not3A_46 = arith.xori %eq3A_45, %not3A : i1
    %convert_element_type3A = arith.extui %not3A_46 : i1 to i32
    %cond3A = arith.constant 0 : i32
    %cond3A_47 = arith.cmpi ne, %convert_element_type3A, %cond3A : i32
    scf.if %cond3A_47 {
      %mul3A_133 = arith.constant 80 : i32
      %mul3A_134 = arith.muli %add3A, %mul3A_133 : i32
      %run_scoped3A = arith.constant 0 : i32
      "tpu.region"() ({
        %run_scoped3A_138 = tpu.sem_alloc : memref<!tpu.dma_semaphore, #tpu.memory_space<semaphore_mem>>
        %dma_start3A_139 = arith.constant 0 : i32
        %dma_start3A_140 = tpu.memref_slice %arg3[%run_scoped3A, %mul3A_134, %dma_start3A_139] : memref<2x2500x128xi32, #tpu.memory_space<hbm>> -> memref<1x40x128xi32, #tpu.memory_space<hbm>>
        %dma_start3A_141 = tpu.memref_squeeze %dma_start3A_140 : memref<1x40x128xi32, #tpu.memory_space<hbm>> -> memref<40x128xi32, #tpu.memory_space<hbm>>
        %dma_start3A_142 = arith.constant 0 : i32
        %dma_start3A_143 = tpu.memref_slice %arg3[%run_scoped3A, %mul3A_134, %dma_start3A_142] : memref<2x2500x128xi32, #tpu.memory_space<hbm>> -> memref<1x40x128xi32, #tpu.memory_space<hbm>>
        %dma_start3A_144 = tpu.memref_squeeze %dma_start3A_143 : memref<1x40x128xi32, #tpu.memory_space<hbm>> -> memref<40x128xi32, #tpu.memory_space<hbm>>
        tpu.enqueue_dma source(%dma_start3A_144 : memref<40x128xi32, #tpu.memory_space<hbm>>) target(%arg6 : memref<40x128xi32, #tpu.memory_space<vmem>>) target_semaphore(%run_scoped3A_138 : memref<!tpu.dma_semaphore, #tpu.memory_space<semaphore_mem>>)
        %dma_wait3A_145 = arith.constant 0 : i32
        %dma_wait3A_146 = tpu.memref_slice %arg3[%run_scoped3A, %mul3A_134, %dma_wait3A_145] : memref<2x2500x128xi32, #tpu.memory_space<hbm>> -> memref<1x40x128xi32, #tpu.memory_space<hbm>>
        %dma_wait3A_147 = tpu.memref_squeeze %dma_wait3A_146 : memref<1x40x128xi32, #tpu.memory_space<hbm>> -> memref<40x128xi32, #tpu.memory_space<hbm>>
        %dma_wait3A_148 = arith.constant 0 : i32
        %dma_wait3A_149 = tpu.memref_slice %arg3[%run_scoped3A, %mul3A_134, %dma_wait3A_148] : memref<2x2500x128xi32, #tpu.memory_space<hbm>> -> memref<1x40x128xi32, #tpu.memory_space<hbm>>
        %dma_wait3A_150 = tpu.memref_squeeze %dma_wait3A_149 : memref<1x40x128xi32, #tpu.memory_space<hbm>> -> memref<40x128xi32, #tpu.memory_space<hbm>>
        tpu.wait_dma2 semaphore(%run_scoped3A_138 : memref<!tpu.dma_semaphore, #tpu.memory_space<semaphore_mem>>) src(%dma_wait3A_150 : memref<40x128xi32, #tpu.memory_space<hbm>>) dst(%arg6 : memref<40x128xi32, #tpu.memory_space<vmem>>)
        tpu.yield
      }) : () -> ()
      %mul3A_135 = arith.constant 80 : i32
      %mul3A_136 = arith.muli %add3A, %mul3A_135 : i32
      %run_scoped3A_137 = arith.constant 1 : i32
      "tpu.region"() ({
        %run_scoped3A_138 = tpu.sem_alloc : memref<!tpu.dma_semaphore, #tpu.memory_space<semaphore_mem>>
        %dma_start3A_139 = arith.constant 0 : i32
        %dma_start3A_140 = tpu.memref_slice %arg3[%run_scoped3A_137, %mul3A_136, %dma_start3A_139] : memref<2x2500x128xi32, #tpu.memory_space<hbm>> -> memref<1x40x128xi32, #tpu.memory_space<hbm>>
        %dma_start3A_141 = tpu.memref_squeeze %dma_start3A_140 : memref<1x40x128xi32, #tpu.memory_space<hbm>> -> memref<40x128xi32, #tpu.memory_space<hbm>>
        %dma_start3A_142 = arith.constant 0 : i32
        %dma_start3A_143 = tpu.memref_slice %arg3[%run_scoped3A_137, %mul3A_136, %dma_start3A_142] : memref<2x2500x128xi32, #tpu.memory_space<hbm>> -> memref<1x40x128xi32, #tpu.memory_space<hbm>>
        %dma_start3A_144 = tpu.memref_squeeze %dma_start3A_143 : memref<1x40x128xi32, #tpu.memory_space<hbm>> -> memref<40x128xi32, #tpu.memory_space<hbm>>
        tpu.enqueue_dma source(%dma_start3A_144 : memref<40x128xi32, #tpu.memory_space<hbm>>) target(%arg7 : memref<40x128xi32, #tpu.memory_space<vmem>>) target_semaphore(%run_scoped3A_138 : memref<!tpu.dma_semaphore, #tpu.memory_space<semaphore_mem>>)
        %dma_wait3A_145 = arith.constant 0 : i32
        %dma_wait3A_146 = tpu.memref_slice %arg3[%run_scoped3A_137, %mul3A_136, %dma_wait3A_145] : memref<2x2500x128xi32, #tpu.memory_space<hbm>> -> memref<1x40x128xi32, #tpu.memory_space<hbm>>
        %dma_wait3A_147 = tpu.memref_squeeze %dma_wait3A_146 : memref<1x40x128xi32, #tpu.memory_space<hbm>> -> memref<40x128xi32, #tpu.memory_space<hbm>>
        %dma_wait3A_148 = arith.constant 0 : i32
        %dma_wait3A_149 = tpu.memref_slice %arg3[%run_scoped3A_137, %mul3A_136, %dma_wait3A_148] : memref<2x2500x128xi32, #tpu.memory_space<hbm>> -> memref<1x40x128xi32, #tpu.memory_space<hbm>>
        %dma_wait3A_150 = tpu.memref_squeeze %dma_wait3A_149 : memref<1x40x128xi32, #tpu.memory_space<hbm>> -> memref<40x128xi32, #tpu.memory_space<hbm>>
        tpu.wait_dma2 semaphore(%run_scoped3A_138 : memref<!tpu.dma_semaphore, #tpu.memory_space<semaphore_mem>>) src(%dma_wait3A_150 : memref<40x128xi32, #tpu.memory_space<hbm>>) dst(%arg7 : memref<40x128xi32, #tpu.memory_space<vmem>>)
        tpu.yield
      }) : () -> ()
    } else {
    }
    %convert_element_type3A_48 = arith.extui %eq3A_45 : i1 to i32
    %cond3A_49 = arith.constant 0 : i32
    %cond3A_50 = arith.cmpi ne, %convert_element_type3A_48, %cond3A_49 : i32
    scf.if %cond3A_50 {
      %run_scoped3A = arith.constant 0 : i32
      "tpu.region"() ({
        %run_scoped3A_136 = tpu.sem_alloc : memref<!tpu.dma_semaphore, #tpu.memory_space<semaphore_mem>>
        %dma_start3A_137 = arith.constant 0 : i32
        %dma_start3A_138 = arith.constant 0 : i32
        %dma_start3A_139 = tpu.memref_slice %arg6[%dma_start3A_137, %dma_start3A_138] : memref<40x128xi32, #tpu.memory_space<vmem>> -> memref<16x128xi32, #tpu.memory_space<vmem>>
        %dma_start3A_140 = arith.constant 2480 : i32
        %dma_start3A_141 = arith.constant 0 : i32
        %dma_start3A_142 = tpu.memref_slice %arg3[%run_scoped3A, %dma_start3A_140, %dma_start3A_141] : memref<2x2500x128xi32, #tpu.memory_space<hbm>> -> memref<1x16x128xi32, #tpu.memory_space<hbm>>
        %dma_start3A_143 = tpu.memref_squeeze %dma_start3A_142 : memref<1x16x128xi32, #tpu.memory_space<hbm>> -> memref<16x128xi32, #tpu.memory_space<hbm>>
        %dma_start3A_144 = arith.constant 0 : i32
        %dma_start3A_145 = arith.constant 0 : i32
        %dma_start3A_146 = tpu.memref_slice %arg6[%dma_start3A_144, %dma_start3A_145] : memref<40x128xi32, #tpu.memory_space<vmem>> -> memref<16x128xi32, #tpu.memory_space<vmem>>
        %dma_start3A_147 = arith.constant 2480 : i32
        %dma_start3A_148 = arith.constant 0 : i32
        %dma_start3A_149 = tpu.memref_slice %arg3[%run_scoped3A, %dma_start3A_147, %dma_start3A_148] : memref<2x2500x128xi32, #tpu.memory_space<hbm>> -> memref<1x16x128xi32, #tpu.memory_space<hbm>>
        %dma_start3A_150 = tpu.memref_squeeze %dma_start3A_149 : memref<1x16x128xi32, #tpu.memory_space<hbm>> -> memref<16x128xi32, #tpu.memory_space<hbm>>
        tpu.enqueue_dma source(%dma_start3A_150 : memref<16x128xi32, #tpu.memory_space<hbm>>) target(%dma_start3A_146 : memref<16x128xi32, #tpu.memory_space<vmem>>) target_semaphore(%run_scoped3A_136 : memref<!tpu.dma_semaphore, #tpu.memory_space<semaphore_mem>>)
        %dma_wait3A_151 = arith.constant 0 : i32
        %dma_wait3A_152 = arith.constant 0 : i32
        %dma_wait3A_153 = tpu.memref_slice %arg6[%dma_wait3A_151, %dma_wait3A_152] : memref<40x128xi32, #tpu.memory_space<vmem>> -> memref<16x128xi32, #tpu.memory_space<vmem>>
        %dma_wait3A_154 = arith.constant 2480 : i32
        %dma_wait3A_155 = arith.constant 0 : i32
        %dma_wait3A_156 = tpu.memref_slice %arg3[%run_scoped3A, %dma_wait3A_154, %dma_wait3A_155] : memref<2x2500x128xi32, #tpu.memory_space<hbm>> -> memref<1x16x128xi32, #tpu.memory_space<hbm>>
        %dma_wait3A_157 = tpu.memref_squeeze %dma_wait3A_156 : memref<1x16x128xi32, #tpu.memory_space<hbm>> -> memref<16x128xi32, #tpu.memory_space<hbm>>
        %dma_wait3A_158 = arith.constant 0 : i32
        %dma_wait3A_159 = arith.constant 0 : i32
        %dma_wait3A_160 = tpu.memref_slice %arg6[%dma_wait3A_158, %dma_wait3A_159] : memref<40x128xi32, #tpu.memory_space<vmem>> -> memref<16x128xi32, #tpu.memory_space<vmem>>
        %dma_wait3A_161 = arith.constant 2480 : i32
        %dma_wait3A_162 = arith.constant 0 : i32
        %dma_wait3A_163 = tpu.memref_slice %arg3[%run_scoped3A, %dma_wait3A_161, %dma_wait3A_162] : memref<2x2500x128xi32, #tpu.memory_space<hbm>> -> memref<1x16x128xi32, #tpu.memory_space<hbm>>
        %dma_wait3A_164 = tpu.memref_squeeze %dma_wait3A_163 : memref<1x16x128xi32, #tpu.memory_space<hbm>> -> memref<16x128xi32, #tpu.memory_space<hbm>>
        tpu.wait_dma2 semaphore(%run_scoped3A_136 : memref<!tpu.dma_semaphore, #tpu.memory_space<semaphore_mem>>) src(%dma_wait3A_164 : memref<16x128xi32, #tpu.memory_space<hbm>>) dst(%dma_wait3A_160 : memref<16x128xi32, #tpu.memory_space<vmem>>)
        tpu.yield
      }) : () -> ()
      %run_scoped3A_133 = arith.constant 1 : i32
      "tpu.region"() ({
        %run_scoped3A_136 = tpu.sem_alloc : memref<!tpu.dma_semaphore, #tpu.memory_space<semaphore_mem>>
        %dma_start3A_137 = arith.constant 0 : i32
        %dma_start3A_138 = arith.constant 0 : i32
        %dma_start3A_139 = tpu.memref_slice %arg7[%dma_start3A_137, %dma_start3A_138] : memref<40x128xi32, #tpu.memory_space<vmem>> -> memref<16x128xi32, #tpu.memory_space<vmem>>
        %dma_start3A_140 = arith.constant 2480 : i32
        %dma_start3A_141 = arith.constant 0 : i32
        %dma_start3A_142 = tpu.memref_slice %arg3[%run_scoped3A_133, %dma_start3A_140, %dma_start3A_141] : memref<2x2500x128xi32, #tpu.memory_space<hbm>> -> memref<1x16x128xi32, #tpu.memory_space<hbm>>
        %dma_start3A_143 = tpu.memref_squeeze %dma_start3A_142 : memref<1x16x128xi32, #tpu.memory_space<hbm>> -> memref<16x128xi32, #tpu.memory_space<hbm>>
        %dma_start3A_144 = arith.constant 0 : i32
        %dma_start3A_145 = arith.constant 0 : i32
        %dma_start3A_146 = tpu.memref_slice %arg7[%dma_start3A_144, %dma_start3A_145] : memref<40x128xi32, #tpu.memory_space<vmem>> -> memref<16x128xi32, #tpu.memory_space<vmem>>
        %dma_start3A_147 = arith.constant 2480 : i32
        %dma_start3A_148 = arith.constant 0 : i32
        %dma_start3A_149 = tpu.memref_slice %arg3[%run_scoped3A_133, %dma_start3A_147, %dma_start3A_148] : memref<2x2500x128xi32, #tpu.memory_space<hbm>> -> memref<1x16x128xi32, #tpu.memory_space<hbm>>
        %dma_start3A_150 = tpu.memref_squeeze %dma_start3A_149 : memref<1x16x128xi32, #tpu.memory_space<hbm>> -> memref<16x128xi32, #tpu.memory_space<hbm>>
        tpu.enqueue_dma source(%dma_start3A_150 : memref<16x128xi32, #tpu.memory_space<hbm>>) target(%dma_start3A_146 : memref<16x128xi32, #tpu.memory_space<vmem>>) target_semaphore(%run_scoped3A_136 : memref<!tpu.dma_semaphore, #tpu.memory_space<semaphore_mem>>)
        %dma_wait3A_151 = arith.constant 0 : i32
        %dma_wait3A_152 = arith.constant 0 : i32
        %dma_wait3A_153 = tpu.memref_slice %arg7[%dma_wait3A_151, %dma_wait3A_152] : memref<40x128xi32, #tpu.memory_space<vmem>> -> memref<16x128xi32, #tpu.memory_space<vmem>>
        %dma_wait3A_154 = arith.constant 2480 : i32
        %dma_wait3A_155 = arith.constant 0 : i32
        %dma_wait3A_156 = tpu.memref_slice %arg3[%run_scoped3A_133, %dma_wait3A_154, %dma_wait3A_155] : memref<2x2500x128xi32, #tpu.memory_space<hbm>> -> memref<1x16x128xi32, #tpu.memory_space<hbm>>
        %dma_wait3A_157 = tpu.memref_squeeze %dma_wait3A_156 : memref<1x16x128xi32, #tpu.memory_space<hbm>> -> memref<16x128xi32, #tpu.memory_space<hbm>>
        %dma_wait3A_158 = arith.constant 0 : i32
        %dma_wait3A_159 = arith.constant 0 : i32
        %dma_wait3A_160 = tpu.memref_slice %arg7[%dma_wait3A_158, %dma_wait3A_159] : memref<40x128xi32, #tpu.memory_space<vmem>> -> memref<16x128xi32, #tpu.memory_space<vmem>>
        %dma_wait3A_161 = arith.constant 2480 : i32
        %dma_wait3A_162 = arith.constant 0 : i32
        %dma_wait3A_163 = tpu.memref_slice %arg3[%run_scoped3A_133, %dma_wait3A_161, %dma_wait3A_162] : memref<2x2500x128xi32, #tpu.memory_space<hbm>> -> memref<1x16x128xi32, #tpu.memory_space<hbm>>
        %dma_wait3A_164 = tpu.memref_squeeze %dma_wait3A_163 : memref<1x16x128xi32, #tpu.memory_space<hbm>> -> memref<16x128xi32, #tpu.memory_space<hbm>>
        tpu.wait_dma2 semaphore(%run_scoped3A_136 : memref<!tpu.dma_semaphore, #tpu.memory_space<semaphore_mem>>) src(%dma_wait3A_164 : memref<16x128xi32, #tpu.memory_space<hbm>>) dst(%dma_wait3A_160 : memref<16x128xi32, #tpu.memory_space<vmem>>)
        tpu.yield
      }) : () -> ()
      %run_scoped3A_134 = arith.constant 0 : i32
      "tpu.region"() ({
        %run_scoped3A_136 = tpu.sem_alloc : memref<!tpu.dma_semaphore, #tpu.memory_space<semaphore_mem>>
        %dma_start3A_137 = arith.constant 16 : i32
        %dma_start3A_138 = arith.constant 0 : i32
        %dma_start3A_139 = tpu.memref_slice %arg6[%dma_start3A_137, %dma_start3A_138] : memref<40x128xi32, #tpu.memory_space<vmem>> -> memref<24x128xi32, #tpu.memory_space<vmem>>
        %dma_start3A_140 = arith.constant 0 : i32
        %dma_start3A_141 = arith.constant 0 : i32
        %dma_start3A_142 = tpu.memref_slice %arg4[%run_scoped3A_134, %dma_start3A_140, %dma_start3A_141] : memref<2x64x128xi32, #tpu.memory_space<hbm>> -> memref<1x24x128xi32, #tpu.memory_space<hbm>>
        %dma_start3A_143 = tpu.memref_squeeze %dma_start3A_142 : memref<1x24x128xi32, #tpu.memory_space<hbm>> -> memref<24x128xi32, #tpu.memory_space<hbm>>
        %dma_start3A_144 = arith.constant 16 : i32
        %dma_start3A_145 = arith.constant 0 : i32
        %dma_start3A_146 = tpu.memref_slice %arg6[%dma_start3A_144, %dma_start3A_145] : memref<40x128xi32, #tpu.memory_space<vmem>> -> memref<24x128xi32, #tpu.memory_space<vmem>>
        %dma_start3A_147 = arith.constant 0 : i32
        %dma_start3A_148 = arith.constant 0 : i32
        %dma_start3A_149 = tpu.memref_slice %arg4[%run_scoped3A_134, %dma_start3A_147, %dma_start3A_148] : memref<2x64x128xi32, #tpu.memory_space<hbm>> -> memref<1x24x128xi32, #tpu.memory_space<hbm>>
        %dma_start3A_150 = tpu.memref_squeeze %dma_start3A_149 : memref<1x24x128xi32, #tpu.memory_space<hbm>> -> memref<24x128xi32, #tpu.memory_space<hbm>>
        tpu.enqueue_dma source(%dma_start3A_150 : memref<24x128xi32, #tpu.memory_space<hbm>>) target(%dma_start3A_146 : memref<24x128xi32, #tpu.memory_space<vmem>>) target_semaphore(%run_scoped3A_136 : memref<!tpu.dma_semaphore, #tpu.memory_space<semaphore_mem>>)
        %dma_wait3A_151 = arith.constant 16 : i32
        %dma_wait3A_152 = arith.constant 0 : i32
        %dma_wait3A_153 = tpu.memref_slice %arg6[%dma_wait3A_151, %dma_wait3A_152] : memref<40x128xi32, #tpu.memory_space<vmem>> -> memref<24x128xi32, #tpu.memory_space<vmem>>
        %dma_wait3A_154 = arith.constant 0 : i32
        %dma_wait3A_155 = arith.constant 0 : i32
        %dma_wait3A_156 = tpu.memref_slice %arg4[%run_scoped3A_134, %dma_wait3A_154, %dma_wait3A_155] : memref<2x64x128xi32, #tpu.memory_space<hbm>> -> memref<1x24x128xi32, #tpu.memory_space<hbm>>
        %dma_wait3A_157 = tpu.memref_squeeze %dma_wait3A_156 : memref<1x24x128xi32, #tpu.memory_space<hbm>> -> memref<24x128xi32, #tpu.memory_space<hbm>>
        %dma_wait3A_158 = arith.constant 16 : i32
        %dma_wait3A_159 = arith.constant 0 : i32
        %dma_wait3A_160 = tpu.memref_slice %arg6[%dma_wait3A_158, %dma_wait3A_159] : memref<40x128xi32, #tpu.memory_space<vmem>> -> memref<24x128xi32, #tpu.memory_space<vmem>>
        %dma_wait3A_161 = arith.constant 0 : i32
        %dma_wait3A_162 = arith.constant 0 : i32
        %dma_wait3A_163 = tpu.memref_slice %arg4[%run_scoped3A_134, %dma_wait3A_161, %dma_wait3A_162] : memref<2x64x128xi32, #tpu.memory_space<hbm>> -> memref<1x24x128xi32, #tpu.memory_space<hbm>>
        %dma_wait3A_164 = tpu.memref_squeeze %dma_wait3A_163 : memref<1x24x128xi32, #tpu.memory_space<hbm>> -> memref<24x128xi32, #tpu.memory_space<hbm>>
        tpu.wait_dma2 semaphore(%run_scoped3A_136 : memref<!tpu.dma_semaphore, #tpu.memory_space<semaphore_mem>>) src(%dma_wait3A_164 : memref<24x128xi32, #tpu.memory_space<hbm>>) dst(%dma_wait3A_160 : memref<24x128xi32, #tpu.memory_space<vmem>>)
        tpu.yield
      }) : () -> ()
      %run_scoped3A_135 = arith.constant 1 : i32
      "tpu.region"() ({
        %run_scoped3A_136 = tpu.sem_alloc : memref<!tpu.dma_semaphore, #tpu.memory_space<semaphore_mem>>
        %dma_start3A_137 = arith.constant 16 : i32
        %dma_start3A_138 = arith.constant 0 : i32
        %dma_start3A_139 = tpu.memref_slice %arg7[%dma_start3A_137, %dma_start3A_138] : memref<40x128xi32, #tpu.memory_space<vmem>> -> memref<24x128xi32, #tpu.memory_space<vmem>>
        %dma_start3A_140 = arith.constant 0 : i32
        %dma_start3A_141 = arith.constant 0 : i32
        %dma_start3A_142 = tpu.memref_slice %arg4[%run_scoped3A_135, %dma_start3A_140, %dma_start3A_141] : memref<2x64x128xi32, #tpu.memory_space<hbm>> -> memref<1x24x128xi32, #tpu.memory_space<hbm>>
        %dma_start3A_143 = tpu.memref_squeeze %dma_start3A_142 : memref<1x24x128xi32, #tpu.memory_space<hbm>> -> memref<24x128xi32, #tpu.memory_space<hbm>>
        %dma_start3A_144 = arith.constant 16 : i32
        %dma_start3A_145 = arith.constant 0 : i32
        %dma_start3A_146 = tpu.memref_slice %arg7[%dma_start3A_144, %dma_start3A_145] : memref<40x128xi32, #tpu.memory_space<vmem>> -> memref<24x128xi32, #tpu.memory_space<vmem>>
        %dma_start3A_147 = arith.constant 0 : i32
        %dma_start3A_148 = arith.constant 0 : i32
        %dma_start3A_149 = tpu.memref_slice %arg4[%run_scoped3A_135, %dma_start3A_147, %dma_start3A_148] : memref<2x64x128xi32, #tpu.memory_space<hbm>> -> memref<1x24x128xi32, #tpu.memory_space<hbm>>
        %dma_start3A_150 = tpu.memref_squeeze %dma_start3A_149 : memref<1x24x128xi32, #tpu.memory_space<hbm>> -> memref<24x128xi32, #tpu.memory_space<hbm>>
        tpu.enqueue_dma source(%dma_start3A_150 : memref<24x128xi32, #tpu.memory_space<hbm>>) target(%dma_start3A_146 : memref<24x128xi32, #tpu.memory_space<vmem>>) target_semaphore(%run_scoped3A_136 : memref<!tpu.dma_semaphore, #tpu.memory_space<semaphore_mem>>)
        %dma_wait3A_151 = arith.constant 16 : i32
        %dma_wait3A_152 = arith.constant 0 : i32
        %dma_wait3A_153 = tpu.memref_slice %arg7[%dma_wait3A_151, %dma_wait3A_152] : memref<40x128xi32, #tpu.memory_space<vmem>> -> memref<24x128xi32, #tpu.memory_space<vmem>>
        %dma_wait3A_154 = arith.constant 0 : i32
        %dma_wait3A_155 = arith.constant 0 : i32
        %dma_wait3A_156 = tpu.memref_slice %arg4[%run_scoped3A_135, %dma_wait3A_154, %dma_wait3A_155] : memref<2x64x128xi32, #tpu.memory_space<hbm>> -> memref<1x24x128xi32, #tpu.memory_space<hbm>>
        %dma_wait3A_157 = tpu.memref_squeeze %dma_wait3A_156 : memref<1x24x128xi32, #tpu.memory_space<hbm>> -> memref<24x128xi32, #tpu.memory_space<hbm>>
        %dma_wait3A_158 = arith.constant 16 : i32
        %dma_wait3A_159 = arith.constant 0 : i32
        %dma_wait3A_160 = tpu.memref_slice %arg7[%dma_wait3A_158, %dma_wait3A_159] : memref<40x128xi32, #tpu.memory_space<vmem>> -> memref<24x128xi32, #tpu.memory_space<vmem>>
        %dma_wait3A_161 = arith.constant 0 : i32
        %dma_wait3A_162 = arith.constant 0 : i32
        %dma_wait3A_163 = tpu.memref_slice %arg4[%run_scoped3A_135, %dma_wait3A_161, %dma_wait3A_162] : memref<2x64x128xi32, #tpu.memory_space<hbm>> -> memref<1x24x128xi32, #tpu.memory_space<hbm>>
        %dma_wait3A_164 = tpu.memref_squeeze %dma_wait3A_163 : memref<1x24x128xi32, #tpu.memory_space<hbm>> -> memref<24x128xi32, #tpu.memory_space<hbm>>
        tpu.wait_dma2 semaphore(%run_scoped3A_136 : memref<!tpu.dma_semaphore, #tpu.memory_space<semaphore_mem>>) src(%dma_wait3A_164 : memref<24x128xi32, #tpu.memory_space<hbm>>) dst(%dma_wait3A_160 : memref<24x128xi32, #tpu.memory_space<vmem>>)
        tpu.yield
      }) : () -> ()
    } else {
    }
    %mul3A_51 = arith.constant 640 : i32
    %mul3A_52 = arith.muli %arg1, %mul3A_51 : i32
    %add3A_53 = arith.constant 0 : i32
    %add3A_54 = arith.addi %mul3A_52, %add3A_53 : i32
    %dma_wait3A = arith.constant 0 : i32
    %dma_wait3A_55 = tpu.memref_slice %arg12[%add3A_54, %dma_wait3A] : memref<10240x128xf32, #tpu.memory_space<vmem_shared>> -> memref<128x128xf32, #tpu.memory_space<vmem_shared>>
    %dma_wait3A_56 = arith.constant 0 : i32
    %dma_wait3A_57 = tpu.memref_slice %arg12[%add3A_54, %dma_wait3A_56] : memref<10240x128xf32, #tpu.memory_space<vmem_shared>> -> memref<128x128xf32, #tpu.memory_space<vmem_shared>>
    tpu.wait_dma2 semaphore(%arg11 : memref<!tpu.dma_semaphore, #tpu.memory_space<semaphore_mem>>) src(%arg9 : memref<128x128xf32, #tpu.memory_space<vmem>>) dst(%dma_wait3A_57 : memref<128x128xf32, #tpu.memory_space<vmem_shared>>)
    %mul3A_58 = arith.constant 640 : i32
    %mul3A_59 = arith.muli %arg1, %mul3A_58 : i32
    %add3A_60 = arith.constant 128 : i32
    %add3A_61 = arith.addi %mul3A_59, %add3A_60 : i32
    %dma_wait3A_62 = arith.constant 0 : i32
    %dma_wait3A_63 = tpu.memref_slice %arg12[%add3A_61, %dma_wait3A_62] : memref<10240x128xf32, #tpu.memory_space<vmem_shared>> -> memref<128x128xf32, #tpu.memory_space<vmem_shared>>
    %dma_wait3A_64 = arith.constant 0 : i32
    %dma_wait3A_65 = tpu.memref_slice %arg12[%add3A_61, %dma_wait3A_64] : memref<10240x128xf32, #tpu.memory_space<vmem_shared>> -> memref<128x128xf32, #tpu.memory_space<vmem_shared>>
    tpu.wait_dma2 semaphore(%arg11 : memref<!tpu.dma_semaphore, #tpu.memory_space<semaphore_mem>>) src(%arg9 : memref<128x128xf32, #tpu.memory_space<vmem>>) dst(%dma_wait3A_65 : memref<128x128xf32, #tpu.memory_space<vmem_shared>>)
    %mul3A_66 = arith.constant 640 : i32
    %mul3A_67 = arith.muli %arg1, %mul3A_66 : i32
    %add3A_68 = arith.constant 256 : i32
    %add3A_69 = arith.addi %mul3A_67, %add3A_68 : i32
    %dma_wait3A_70 = arith.constant 0 : i32
    %dma_wait3A_71 = tpu.memref_slice %arg12[%add3A_69, %dma_wait3A_70] : memref<10240x128xf32, #tpu.memory_space<vmem_shared>> -> memref<128x128xf32, #tpu.memory_space<vmem_shared>>
    %dma_wait3A_72 = arith.constant 0 : i32
    %dma_wait3A_73 = tpu.memref_slice %arg12[%add3A_69, %dma_wait3A_72] : memref<10240x128xf32, #tpu.memory_space<vmem_shared>> -> memref<128x128xf32, #tpu.memory_space<vmem_shared>>
    tpu.wait_dma2 semaphore(%arg11 : memref<!tpu.dma_semaphore, #tpu.memory_space<semaphore_mem>>) src(%arg9 : memref<128x128xf32, #tpu.memory_space<vmem>>) dst(%dma_wait3A_73 : memref<128x128xf32, #tpu.memory_space<vmem_shared>>)
    %mul3A_74 = arith.constant 640 : i32
    %mul3A_75 = arith.muli %arg1, %mul3A_74 : i32
    %add3A_76 = arith.constant 384 : i32
    %add3A_77 = arith.addi %mul3A_75, %add3A_76 : i32
    %dma_wait3A_78 = arith.constant 0 : i32
    %dma_wait3A_79 = tpu.memref_slice %arg12[%add3A_77, %dma_wait3A_78] : memref<10240x128xf32, #tpu.memory_space<vmem_shared>> -> memref<128x128xf32, #tpu.memory_space<vmem_shared>>
    %dma_wait3A_80 = arith.constant 0 : i32
    %dma_wait3A_81 = tpu.memref_slice %arg12[%add3A_77, %dma_wait3A_80] : memref<10240x128xf32, #tpu.memory_space<vmem_shared>> -> memref<128x128xf32, #tpu.memory_space<vmem_shared>>
    tpu.wait_dma2 semaphore(%arg11 : memref<!tpu.dma_semaphore, #tpu.memory_space<semaphore_mem>>) src(%arg9 : memref<128x128xf32, #tpu.memory_space<vmem>>) dst(%dma_wait3A_81 : memref<128x128xf32, #tpu.memory_space<vmem_shared>>)
    %mul3A_82 = arith.constant 640 : i32
    %mul3A_83 = arith.muli %arg1, %mul3A_82 : i32
    %add3A_84 = arith.constant 512 : i32
    %add3A_85 = arith.addi %mul3A_83, %add3A_84 : i32
    %dma_wait3A_86 = arith.constant 0 : i32
    %dma_wait3A_87 = tpu.memref_slice %arg12[%add3A_85, %dma_wait3A_86] : memref<10240x128xf32, #tpu.memory_space<vmem_shared>> -> memref<128x128xf32, #tpu.memory_space<vmem_shared>>
    %dma_wait3A_88 = arith.constant 0 : i32
    %dma_wait3A_89 = tpu.memref_slice %arg12[%add3A_85, %dma_wait3A_88] : memref<10240x128xf32, #tpu.memory_space<vmem_shared>> -> memref<128x128xf32, #tpu.memory_space<vmem_shared>>
    tpu.wait_dma2 semaphore(%arg11 : memref<!tpu.dma_semaphore, #tpu.memory_space<semaphore_mem>>) src(%arg9 : memref<128x128xf32, #tpu.memory_space<vmem>>) dst(%dma_wait3A_89 : memref<128x128xf32, #tpu.memory_space<vmem_shared>>)
    %barrier3A = arith.constant 0 : index
    tpu.barrier barrier_id(%barrier3A)
    %jit3A = arith.constant 20 : i32
    %jit3A_90 = arith.constant 40 : i32
    %select_n3A = arith.select %eq3A_45, %jit3A, %jit3A_90 : i32
    %dma_start3A_91 = arith.constant 0 : i32
    %dma_start3A_92 = arith.constant 0 : i32
    %dma_start3A_93 = tpu.memref_slice %arg6[%dma_start3A_91, %dma_start3A_92] : memref<40x128xi32, #tpu.memory_space<vmem>> -> memref<1x128xi32, #tpu.memory_space<vmem>>
    %dma_start3A_94 = tpu.memref_squeeze %dma_start3A_93 : memref<1x128xi32, #tpu.memory_space<vmem>> -> memref<128xi32, #tpu.memory_space<vmem>>
    %dma_start3A_95 = arith.constant 0 : i32
    %dma_start3A_96 = arith.constant 0 : i32
    %dma_start3A_97 = tpu.memref_slice %arg2[%dma_start3A_95, %dma_start3A_96] : memref<10240x128xf32, #tpu.memory_space<hbm>> -> memref<10240x128xf32, #tpu.memory_space<hbm>>
    tpu.enqueue_indirect_dma source(%dma_start3A_97 : memref<10240x128xf32, #tpu.memory_space<hbm>>) target(%arg8 : memref<128x128xf32, #tpu.memory_space<vmem>>) offsets(%dma_start3A_94 : memref<128xi32, #tpu.memory_space<vmem>>) semaphore(%arg10 : memref<!tpu.dma_semaphore, #tpu.memory_space<semaphore_mem>>)
    %scan3A_98 = arith.constant 0 : i32
    %scan3A_99 = arith.constant 0 : i32
    %scan3A_100 = arith.constant 20 : i32
    %scan3A_101 = arith.addi %scan3A_99, %scan3A_100 : i32
    %scan3A_102 = arith.constant 1 : i32
    scf.for %scan3A_133 = %scan3A_99 to %scan3A_101 step %scan3A_102  : i32 {
      %mul3A_134 = arith.constant 2 : i32
      %mul3A_135 = arith.muli %scan3A_133, %mul3A_134 : i32
      %add3A_136 = arith.constant 1 : i32
      %add3A_137 = arith.addi %mul3A_135, %add3A_136 : i32
      %dma_start3A_138 = arith.constant 0 : i32
      %dma_start3A_139 = tpu.memref_slice %arg6[%add3A_137, %dma_start3A_138] : memref<40x128xi32, #tpu.memory_space<vmem>> -> memref<1x128xi32, #tpu.memory_space<vmem>>
      %dma_start3A_140 = tpu.memref_squeeze %dma_start3A_139 : memref<1x128xi32, #tpu.memory_space<vmem>> -> memref<128xi32, #tpu.memory_space<vmem>>
      %dma_start3A_141 = arith.constant 0 : i32
      %dma_start3A_142 = arith.constant 0 : i32
      %dma_start3A_143 = tpu.memref_slice %arg2[%dma_start3A_141, %dma_start3A_142] : memref<10240x128xf32, #tpu.memory_space<hbm>> -> memref<10240x128xf32, #tpu.memory_space<hbm>>
      tpu.enqueue_indirect_dma source(%dma_start3A_143 : memref<10240x128xf32, #tpu.memory_space<hbm>>) target(%arg9 : memref<128x128xf32, #tpu.memory_space<vmem>>) offsets(%dma_start3A_140 : memref<128xi32, #tpu.memory_space<vmem>>) semaphore(%arg11 : memref<!tpu.dma_semaphore, #tpu.memory_space<semaphore_mem>>)
      %dma_wait3A_144 = arith.constant 0 : i32
      %dma_wait3A_145 = tpu.memref_slice %arg6[%mul3A_135, %dma_wait3A_144] : memref<40x128xi32, #tpu.memory_space<vmem>> -> memref<1x128xi32, #tpu.memory_space<vmem>>
      %dma_wait3A_146 = tpu.memref_squeeze %dma_wait3A_145 : memref<1x128xi32, #tpu.memory_space<vmem>> -> memref<128xi32, #tpu.memory_space<vmem>>
      %dma_wait3A_147 = arith.constant 0 : i32
      %dma_wait3A_148 = arith.constant 0 : i32
      %dma_wait3A_149 = tpu.memref_slice %arg2[%dma_wait3A_147, %dma_wait3A_148] : memref<10240x128xf32, #tpu.memory_space<hbm>> -> memref<10240x128xf32, #tpu.memory_space<hbm>>
      tpu.wait_indirect_dma semaphore(%arg10 : memref<!tpu.dma_semaphore, #tpu.memory_space<semaphore_mem>>) src(%dma_wait3A_149 : memref<10240x128xf32, #tpu.memory_space<hbm>>) dst(%arg8 : memref<128x128xf32, #tpu.memory_space<vmem>>)
      "tpu.region"() ({
        %run_scoped3A = tpu.sem_alloc : memref<!tpu.dma_semaphore, #tpu.memory_space<semaphore_mem>>
        %dma_start3A_164 = arith.constant 0 : i32
        %dma_start3A_165 = tpu.memref_slice %arg7[%mul3A_135, %dma_start3A_164] : memref<40x128xi32, #tpu.memory_space<vmem>> -> memref<1x128xi32, #tpu.memory_space<vmem>>
        %dma_start3A_166 = tpu.memref_squeeze %dma_start3A_165 : memref<1x128xi32, #tpu.memory_space<vmem>> -> memref<128xi32, #tpu.memory_space<vmem>>
        %dma_start3A_167 = arith.constant 0 : i32
        %dma_start3A_168 = arith.constant 0 : i32
        %dma_start3A_169 = tpu.memref_slice %arg12[%dma_start3A_167, %dma_start3A_168] : memref<10240x128xf32, #tpu.memory_space<vmem_shared>> -> memref<10240x128xf32, #tpu.memory_space<vmem_shared>>
        tpu.enqueue_indirect_dma source(%arg8 : memref<128x128xf32, #tpu.memory_space<vmem>>) target(%dma_start3A_169 : memref<10240x128xf32, #tpu.memory_space<vmem_shared>>) offsets(%dma_start3A_166 : memref<128xi32, #tpu.memory_space<vmem>>) semaphore(%run_scoped3A : memref<!tpu.dma_semaphore, #tpu.memory_space<semaphore_mem>>) {add = true}
        %dma_wait3A_170 = arith.constant 0 : i32
        %dma_wait3A_171 = tpu.memref_slice %arg7[%mul3A_135, %dma_wait3A_170] : memref<40x128xi32, #tpu.memory_space<vmem>> -> memref<1x128xi32, #tpu.memory_space<vmem>>
        %dma_wait3A_172 = tpu.memref_squeeze %dma_wait3A_171 : memref<1x128xi32, #tpu.memory_space<vmem>> -> memref<128xi32, #tpu.memory_space<vmem>>
        %dma_wait3A_173 = arith.constant 0 : i32
        %dma_wait3A_174 = arith.constant 0 : i32
        %dma_wait3A_175 = tpu.memref_slice %arg12[%dma_wait3A_173, %dma_wait3A_174] : memref<10240x128xf32, #tpu.memory_space<vmem_shared>> -> memref<10240x128xf32, #tpu.memory_space<vmem_shared>>
        tpu.wait_indirect_dma semaphore(%run_scoped3A : memref<!tpu.dma_semaphore, #tpu.memory_space<semaphore_mem>>) src(%arg8 : memref<128x128xf32, #tpu.memory_space<vmem>>) dst(%dma_wait3A_175 : memref<10240x128xf32, #tpu.memory_space<vmem_shared>>)
        tpu.yield
      }) : () -> ()
      %add3A_150 = arith.constant 2 : i32
      %add3A_151 = arith.addi %mul3A_135, %add3A_150 : i32
      %lt3A = arith.constant 40 : i32
      %lt3A_152 = arith.cmpi slt, %add3A_151, %lt3A : i32
      %convert_element_type3A_153 = arith.extui %lt3A_152 : i1 to i32
      %cond3A_154 = arith.constant 0 : i32
      %cond3A_155 = arith.cmpi ne, %convert_element_type3A_153, %cond3A_154 : i32
      scf.if %cond3A_155 {
        %add3A_164 = arith.constant 2 : i32
        %add3A_165 = arith.addi %mul3A_135, %add3A_164 : i32
        %dma_start3A_166 = arith.constant 0 : i32
        %dma_start3A_167 = tpu.memref_slice %arg6[%add3A_165, %dma_start3A_166] : memref<40x128xi32, #tpu.memory_space<vmem>> -> memref<1x128xi32, #tpu.memory_space<vmem>>
        %dma_start3A_168 = tpu.memref_squeeze %dma_start3A_167 : memref<1x128xi32, #tpu.memory_space<vmem>> -> memref<128xi32, #tpu.memory_space<vmem>>
        %dma_start3A_169 = arith.constant 0 : i32
        %dma_start3A_170 = arith.constant 0 : i32
        %dma_start3A_171 = tpu.memref_slice %arg2[%dma_start3A_169, %dma_start3A_170] : memref<10240x128xf32, #tpu.memory_space<hbm>> -> memref<10240x128xf32, #tpu.memory_space<hbm>>
        tpu.enqueue_indirect_dma source(%dma_start3A_171 : memref<10240x128xf32, #tpu.memory_space<hbm>>) target(%arg8 : memref<128x128xf32, #tpu.memory_space<vmem>>) offsets(%dma_start3A_168 : memref<128xi32, #tpu.memory_space<vmem>>) semaphore(%arg10 : memref<!tpu.dma_semaphore, #tpu.memory_space<semaphore_mem>>)
      } else {
      }
      %add3A_156 = arith.constant 1 : i32
      %add3A_157 = arith.addi %mul3A_135, %add3A_156 : i32
      %dma_wait3A_158 = arith.constant 0 : i32
      %dma_wait3A_159 = tpu.memref_slice %arg6[%add3A_157, %dma_wait3A_158] : memref<40x128xi32, #tpu.memory_space<vmem>> -> memref<1x128xi32, #tpu.memory_space<vmem>>
      %dma_wait3A_160 = tpu.memref_squeeze %dma_wait3A_159 : memref<1x128xi32, #tpu.memory_space<vmem>> -> memref<128xi32, #tpu.memory_space<vmem>>
      %dma_wait3A_161 = arith.constant 0 : i32
      %dma_wait3A_162 = arith.constant 0 : i32
      %dma_wait3A_163 = tpu.memref_slice %arg2[%dma_wait3A_161, %dma_wait3A_162] : memref<10240x128xf32, #tpu.memory_space<hbm>> -> memref<10240x128xf32, #tpu.memory_space<hbm>>
      tpu.wait_indirect_dma semaphore(%arg11 : memref<!tpu.dma_semaphore, #tpu.memory_space<semaphore_mem>>) src(%dma_wait3A_163 : memref<10240x128xf32, #tpu.memory_space<hbm>>) dst(%arg9 : memref<128x128xf32, #tpu.memory_space<vmem>>)
      "tpu.region"() ({
        %run_scoped3A = tpu.sem_alloc : memref<!tpu.dma_semaphore, #tpu.memory_space<semaphore_mem>>
        %dma_start3A_164 = arith.constant 0 : i32
        %dma_start3A_165 = tpu.memref_slice %arg7[%add3A_157, %dma_start3A_164] : memref<40x128xi32, #tpu.memory_space<vmem>> -> memref<1x128xi32, #tpu.memory_space<vmem>>
        %dma_start3A_166 = tpu.memref_squeeze %dma_start3A_165 : memref<1x128xi32, #tpu.memory_space<vmem>> -> memref<128xi32, #tpu.memory_space<vmem>>
        %dma_start3A_167 = arith.constant 0 : i32
        %dma_start3A_168 = arith.constant 0 : i32
        %dma_start3A_169 = tpu.memref_slice %arg12[%dma_start3A_167, %dma_start3A_168] : memref<10240x128xf32, #tpu.memory_space<vmem_shared>> -> memref<10240x128xf32, #tpu.memory_space<vmem_shared>>
        tpu.enqueue_indirect_dma source(%arg9 : memref<128x128xf32, #tpu.memory_space<vmem>>) target(%dma_start3A_169 : memref<10240x128xf32, #tpu.memory_space<vmem_shared>>) offsets(%dma_start3A_166 : memref<128xi32, #tpu.memory_space<vmem>>) semaphore(%run_scoped3A : memref<!tpu.dma_semaphore, #tpu.memory_space<semaphore_mem>>) {add = true}
        %dma_wait3A_170 = arith.constant 0 : i32
        %dma_wait3A_171 = tpu.memref_slice %arg7[%add3A_157, %dma_wait3A_170] : memref<40x128xi32, #tpu.memory_space<vmem>> -> memref<1x128xi32, #tpu.memory_space<vmem>>
        %dma_wait3A_172 = tpu.memref_squeeze %dma_wait3A_171 : memref<1x128xi32, #tpu.memory_space<vmem>> -> memref<128xi32, #tpu.memory_space<vmem>>
        %dma_wait3A_173 = arith.constant 0 : i32
        %dma_wait3A_174 = arith.constant 0 : i32
        %dma_wait3A_175 = tpu.memref_slice %arg12[%dma_wait3A_173, %dma_wait3A_174] : memref<10240x128xf32, #tpu.memory_space<vmem_shared>> -> memref<10240x128xf32, #tpu.memory_space<vmem_shared>>
        tpu.wait_indirect_dma semaphore(%run_scoped3A : memref<!tpu.dma_semaphore, #tpu.memory_space<semaphore_mem>>) src(%arg9 : memref<128x128xf32, #tpu.memory_space<vmem>>) dst(%dma_wait3A_175 : memref<10240x128xf32, #tpu.memory_space<vmem_shared>>)
        tpu.yield
      }) : () -> ()
    }
    %scan3A_103 = arith.constant 20 : i32
    %not3A_104 = arith.constant true
    %not3A_105 = arith.xori %eq3A_45, %not3A_104 : i1
    %convert_element_type3A_106 = arith.extui %not3A_105 : i1 to i32
    %cond3A_107 = arith.constant 0 : i32
    %cond3A_108 = arith.cmpi ne, %convert_element_type3A_106, %cond3A_107 : i32
    scf.if %cond3A_108 {
      %mul3A_133 = arith.constant 80 : i32
      %mul3A_134 = arith.muli %add3A, %mul3A_133 : i32
      %add3A_135 = arith.constant 40 : i32
      %add3A_136 = arith.addi %mul3A_134, %add3A_135 : i32
      %run_scoped3A = arith.constant 0 : i32
      "tpu.region"() ({
        %run_scoped3A_142 = tpu.sem_alloc : memref<!tpu.dma_semaphore, #tpu.memory_space<semaphore_mem>>
        %dma_start3A_143 = arith.constant 0 : i32
        %dma_start3A_144 = tpu.memref_slice %arg3[%run_scoped3A, %add3A_136, %dma_start3A_143] : memref<2x2500x128xi32, #tpu.memory_space<hbm>> -> memref<1x40x128xi32, #tpu.memory_space<hbm>>
        %dma_start3A_145 = tpu.memref_squeeze %dma_start3A_144 : memref<1x40x128xi32, #tpu.memory_space<hbm>> -> memref<40x128xi32, #tpu.memory_space<hbm>>
        %dma_start3A_146 = arith.constant 0 : i32
        %dma_start3A_147 = tpu.memref_slice %arg3[%run_scoped3A, %add3A_136, %dma_start3A_146] : memref<2x2500x128xi32, #tpu.memory_space<hbm>> -> memref<1x40x128xi32, #tpu.memory_space<hbm>>
        %dma_start3A_148 = tpu.memref_squeeze %dma_start3A_147 : memref<1x40x128xi32, #tpu.memory_space<hbm>> -> memref<40x128xi32, #tpu.memory_space<hbm>>
        tpu.enqueue_dma source(%dma_start3A_148 : memref<40x128xi32, #tpu.memory_space<hbm>>) target(%arg6 : memref<40x128xi32, #tpu.memory_space<vmem>>) target_semaphore(%run_scoped3A_142 : memref<!tpu.dma_semaphore, #tpu.memory_space<semaphore_mem>>)
        %dma_wait3A_149 = arith.constant 0 : i32
        %dma_wait3A_150 = tpu.memref_slice %arg3[%run_scoped3A, %add3A_136, %dma_wait3A_149] : memref<2x2500x128xi32, #tpu.memory_space<hbm>> -> memref<1x40x128xi32, #tpu.memory_space<hbm>>
        %dma_wait3A_151 = tpu.memref_squeeze %dma_wait3A_150 : memref<1x40x128xi32, #tpu.memory_space<hbm>> -> memref<40x128xi32, #tpu.memory_space<hbm>>
        %dma_wait3A_152 = arith.constant 0 : i32
        %dma_wait3A_153 = tpu.memref_slice %arg3[%run_scoped3A, %add3A_136, %dma_wait3A_152] : memref<2x2500x128xi32, #tpu.memory_space<hbm>> -> memref<1x40x128xi32, #tpu.memory_space<hbm>>
        %dma_wait3A_154 = tpu.memref_squeeze %dma_wait3A_153 : memref<1x40x128xi32, #tpu.memory_space<hbm>> -> memref<40x128xi32, #tpu.memory_space<hbm>>
        tpu.wait_dma2 semaphore(%run_scoped3A_142 : memref<!tpu.dma_semaphore, #tpu.memory_space<semaphore_mem>>) src(%dma_wait3A_154 : memref<40x128xi32, #tpu.memory_space<hbm>>) dst(%arg6 : memref<40x128xi32, #tpu.memory_space<vmem>>)
        tpu.yield
      }) : () -> ()
      %mul3A_137 = arith.constant 80 : i32
      %mul3A_138 = arith.muli %add3A, %mul3A_137 : i32
      %add3A_139 = arith.constant 40 : i32
      %add3A_140 = arith.addi %mul3A_138, %add3A_139 : i32
      %run_scoped3A_141 = arith.constant 1 : i32
      "tpu.region"() ({
        %run_scoped3A_142 = tpu.sem_alloc : memref<!tpu.dma_semaphore, #tpu.memory_space<semaphore_mem>>
        %dma_start3A_143 = arith.constant 0 : i32
        %dma_start3A_144 = tpu.memref_slice %arg3[%run_scoped3A_141, %add3A_140, %dma_start3A_143] : memref<2x2500x128xi32, #tpu.memory_space<hbm>> -> memref<1x40x128xi32, #tpu.memory_space<hbm>>
        %dma_start3A_145 = tpu.memref_squeeze %dma_start3A_144 : memref<1x40x128xi32, #tpu.memory_space<hbm>> -> memref<40x128xi32, #tpu.memory_space<hbm>>
        %dma_start3A_146 = arith.constant 0 : i32
        %dma_start3A_147 = tpu.memref_slice %arg3[%run_scoped3A_141, %add3A_140, %dma_start3A_146] : memref<2x2500x128xi32, #tpu.memory_space<hbm>> -> memref<1x40x128xi32, #tpu.memory_space<hbm>>
        %dma_start3A_148 = tpu.memref_squeeze %dma_start3A_147 : memref<1x40x128xi32, #tpu.memory_space<hbm>> -> memref<40x128xi32, #tpu.memory_space<hbm>>
        tpu.enqueue_dma source(%dma_start3A_148 : memref<40x128xi32, #tpu.memory_space<hbm>>) target(%arg7 : memref<40x128xi32, #tpu.memory_space<vmem>>) target_semaphore(%run_scoped3A_142 : memref<!tpu.dma_semaphore, #tpu.memory_space<semaphore_mem>>)
        %dma_wait3A_149 = arith.constant 0 : i32
        %dma_wait3A_150 = tpu.memref_slice %arg3[%run_scoped3A_141, %add3A_140, %dma_wait3A_149] : memref<2x2500x128xi32, #tpu.memory_space<hbm>> -> memref<1x40x128xi32, #tpu.memory_space<hbm>>
        %dma_wait3A_151 = tpu.memref_squeeze %dma_wait3A_150 : memref<1x40x128xi32, #tpu.memory_space<hbm>> -> memref<40x128xi32, #tpu.memory_space<hbm>>
        %dma_wait3A_152 = arith.constant 0 : i32
        %dma_wait3A_153 = tpu.memref_slice %arg3[%run_scoped3A_141, %add3A_140, %dma_wait3A_152] : memref<2x2500x128xi32, #tpu.memory_space<hbm>> -> memref<1x40x128xi32, #tpu.memory_space<hbm>>
        %dma_wait3A_154 = tpu.memref_squeeze %dma_wait3A_153 : memref<1x40x128xi32, #tpu.memory_space<hbm>> -> memref<40x128xi32, #tpu.memory_space<hbm>>
        tpu.wait_dma2 semaphore(%run_scoped3A_142 : memref<!tpu.dma_semaphore, #tpu.memory_space<semaphore_mem>>) src(%dma_wait3A_154 : memref<40x128xi32, #tpu.memory_space<hbm>>) dst(%arg7 : memref<40x128xi32, #tpu.memory_space<vmem>>)
        tpu.yield
      }) : () -> ()
    } else {
    }
    %convert_element_type3A_109 = arith.extui %eq3A_45 : i1 to i32
    %cond3A_110 = arith.constant 0 : i32
    %cond3A_111 = arith.cmpi ne, %convert_element_type3A_109, %cond3A_110 : i32
    scf.if %cond3A_111 {
      %run_scoped3A = arith.constant 0 : i32
      "tpu.region"() ({
        %run_scoped3A_134 = tpu.sem_alloc : memref<!tpu.dma_semaphore, #tpu.memory_space<semaphore_mem>>
        %dma_start3A_135 = arith.constant 24 : i32
        %dma_start3A_136 = arith.constant 0 : i32
        %dma_start3A_137 = tpu.memref_slice %arg4[%run_scoped3A, %dma_start3A_135, %dma_start3A_136] : memref<2x64x128xi32, #tpu.memory_space<hbm>> -> memref<1x40x128xi32, #tpu.memory_space<hbm>>
        %dma_start3A_138 = tpu.memref_squeeze %dma_start3A_137 : memref<1x40x128xi32, #tpu.memory_space<hbm>> -> memref<40x128xi32, #tpu.memory_space<hbm>>
        %dma_start3A_139 = arith.constant 24 : i32
        %dma_start3A_140 = arith.constant 0 : i32
        %dma_start3A_141 = tpu.memref_slice %arg4[%run_scoped3A, %dma_start3A_139, %dma_start3A_140] : memref<2x64x128xi32, #tpu.memory_space<hbm>> -> memref<1x40x128xi32, #tpu.memory_space<hbm>>
        %dma_start3A_142 = tpu.memref_squeeze %dma_start3A_141 : memref<1x40x128xi32, #tpu.memory_space<hbm>> -> memref<40x128xi32, #tpu.memory_space<hbm>>
        tpu.enqueue_dma source(%dma_start3A_142 : memref<40x128xi32, #tpu.memory_space<hbm>>) target(%arg6 : memref<40x128xi32, #tpu.memory_space<vmem>>) target_semaphore(%run_scoped3A_134 : memref<!tpu.dma_semaphore, #tpu.memory_space<semaphore_mem>>)
        %dma_wait3A_143 = arith.constant 24 : i32
        %dma_wait3A_144 = arith.constant 0 : i32
        %dma_wait3A_145 = tpu.memref_slice %arg4[%run_scoped3A, %dma_wait3A_143, %dma_wait3A_144] : memref<2x64x128xi32, #tpu.memory_space<hbm>> -> memref<1x40x128xi32, #tpu.memory_space<hbm>>
        %dma_wait3A_146 = tpu.memref_squeeze %dma_wait3A_145 : memref<1x40x128xi32, #tpu.memory_space<hbm>> -> memref<40x128xi32, #tpu.memory_space<hbm>>
        %dma_wait3A_147 = arith.constant 24 : i32
        %dma_wait3A_148 = arith.constant 0 : i32
        %dma_wait3A_149 = tpu.memref_slice %arg4[%run_scoped3A, %dma_wait3A_147, %dma_wait3A_148] : memref<2x64x128xi32, #tpu.memory_space<hbm>> -> memref<1x40x128xi32, #tpu.memory_space<hbm>>
        %dma_wait3A_150 = tpu.memref_squeeze %dma_wait3A_149 : memref<1x40x128xi32, #tpu.memory_space<hbm>> -> memref<40x128xi32, #tpu.memory_space<hbm>>
        tpu.wait_dma2 semaphore(%run_scoped3A_134 : memref<!tpu.dma_semaphore, #tpu.memory_space<semaphore_mem>>) src(%dma_wait3A_150 : memref<40x128xi32, #tpu.memory_space<hbm>>) dst(%arg6 : memref<40x128xi32, #tpu.memory_space<vmem>>)
        tpu.yield
      }) : () -> ()
      %run_scoped3A_133 = arith.constant 1 : i32
      "tpu.region"() ({
        %run_scoped3A_134 = tpu.sem_alloc : memref<!tpu.dma_semaphore, #tpu.memory_space<semaphore_mem>>
        %dma_start3A_135 = arith.constant 24 : i32
        %dma_start3A_136 = arith.constant 0 : i32
        %dma_start3A_137 = tpu.memref_slice %arg4[%run_scoped3A_133, %dma_start3A_135, %dma_start3A_136] : memref<2x64x128xi32, #tpu.memory_space<hbm>> -> memref<1x40x128xi32, #tpu.memory_space<hbm>>
        %dma_start3A_138 = tpu.memref_squeeze %dma_start3A_137 : memref<1x40x128xi32, #tpu.memory_space<hbm>> -> memref<40x128xi32, #tpu.memory_space<hbm>>
        %dma_start3A_139 = arith.constant 24 : i32
        %dma_start3A_140 = arith.constant 0 : i32
        %dma_start3A_141 = tpu.memref_slice %arg4[%run_scoped3A_133, %dma_start3A_139, %dma_start3A_140] : memref<2x64x128xi32, #tpu.memory_space<hbm>> -> memref<1x40x128xi32, #tpu.memory_space<hbm>>
        %dma_start3A_142 = tpu.memref_squeeze %dma_start3A_141 : memref<1x40x128xi32, #tpu.memory_space<hbm>> -> memref<40x128xi32, #tpu.memory_space<hbm>>
        tpu.enqueue_dma source(%dma_start3A_142 : memref<40x128xi32, #tpu.memory_space<hbm>>) target(%arg7 : memref<40x128xi32, #tpu.memory_space<vmem>>) target_semaphore(%run_scoped3A_134 : memref<!tpu.dma_semaphore, #tpu.memory_space<semaphore_mem>>)
        %dma_wait3A_143 = arith.constant 24 : i32
        %dma_wait3A_144 = arith.constant 0 : i32
        %dma_wait3A_145 = tpu.memref_slice %arg4[%run_scoped3A_133, %dma_wait3A_143, %dma_wait3A_144] : memref<2x64x128xi32, #tpu.memory_space<hbm>> -> memref<1x40x128xi32, #tpu.memory_space<hbm>>
        %dma_wait3A_146 = tpu.memref_squeeze %dma_wait3A_145 : memref<1x40x128xi32, #tpu.memory_space<hbm>> -> memref<40x128xi32, #tpu.memory_space<hbm>>
        %dma_wait3A_147 = arith.constant 24 : i32
        %dma_wait3A_148 = arith.constant 0 : i32
        %dma_wait3A_149 = tpu.memref_slice %arg4[%run_scoped3A_133, %dma_wait3A_147, %dma_wait3A_148] : memref<2x64x128xi32, #tpu.memory_space<hbm>> -> memref<1x40x128xi32, #tpu.memory_space<hbm>>
        %dma_wait3A_150 = tpu.memref_squeeze %dma_wait3A_149 : memref<1x40x128xi32, #tpu.memory_space<hbm>> -> memref<40x128xi32, #tpu.memory_space<hbm>>
        tpu.wait_dma2 semaphore(%run_scoped3A_134 : memref<!tpu.dma_semaphore, #tpu.memory_space<semaphore_mem>>) src(%dma_wait3A_150 : memref<40x128xi32, #tpu.memory_space<hbm>>) dst(%arg7 : memref<40x128xi32, #tpu.memory_space<vmem>>)
        tpu.yield
      }) : () -> ()
    } else {
    }
    %jit3A_112 = arith.constant 0 : i32
    %jit3A_113 = arith.constant 40 : i32
    %select_n3A_114 = arith.select %eq3A_45, %jit3A_112, %jit3A_113 : i32
    %dma_start3A_115 = arith.constant 0 : i32
    %dma_start3A_116 = arith.constant 0 : i32
    %dma_start3A_117 = tpu.memref_slice %arg6[%dma_start3A_115, %dma_start3A_116] : memref<40x128xi32, #tpu.memory_space<vmem>> -> memref<1x128xi32, #tpu.memory_space<vmem>>
    %dma_start3A_118 = tpu.memref_squeeze %dma_start3A_117 : memref<1x128xi32, #tpu.memory_space<vmem>> -> memref<128xi32, #tpu.memory_space<vmem>>
    %dma_start3A_119 = arith.constant 0 : i32
    %dma_start3A_120 = arith.constant 0 : i32
    %dma_start3A_121 = tpu.memref_slice %arg2[%dma_start3A_119, %dma_start3A_120] : memref<10240x128xf32, #tpu.memory_space<hbm>> -> memref<10240x128xf32, #tpu.memory_space<hbm>>
    tpu.enqueue_indirect_dma source(%dma_start3A_121 : memref<10240x128xf32, #tpu.memory_space<hbm>>) target(%arg8 : memref<128x128xf32, #tpu.memory_space<vmem>>) offsets(%dma_start3A_118 : memref<128xi32, #tpu.memory_space<vmem>>) semaphore(%arg10 : memref<!tpu.dma_semaphore, #tpu.memory_space<semaphore_mem>>)
    %scan3A_122 = arith.constant 0 : i32
    %scan3A_123 = arith.constant 0 : i32
    %scan3A_124 = arith.constant 20 : i32
    %scan3A_125 = arith.addi %scan3A_123, %scan3A_124 : i32
    %scan3A_126 = arith.constant 1 : i32
    scf.for %scan3A_133 = %scan3A_123 to %scan3A_125 step %scan3A_126  : i32 {
      %mul3A_134 = arith.constant 2 : i32
      %mul3A_135 = arith.muli %scan3A_133, %mul3A_134 : i32
      %add3A_136 = arith.constant 1 : i32
      %add3A_137 = arith.addi %mul3A_135, %add3A_136 : i32
      %dma_start3A_138 = arith.constant 0 : i32
      %dma_start3A_139 = tpu.memref_slice %arg6[%add3A_137, %dma_start3A_138] : memref<40x128xi32, #tpu.memory_space<vmem>> -> memref<1x128xi32, #tpu.memory_space<vmem>>
      %dma_start3A_140 = tpu.memref_squeeze %dma_start3A_139 : memref<1x128xi32, #tpu.memory_space<vmem>> -> memref<128xi32, #tpu.memory_space<vmem>>
      %dma_start3A_141 = arith.constant 0 : i32
      %dma_start3A_142 = arith.constant 0 : i32
      %dma_start3A_143 = tpu.memref_slice %arg2[%dma_start3A_141, %dma_start3A_142] : memref<10240x128xf32, #tpu.memory_space<hbm>> -> memref<10240x128xf32, #tpu.memory_space<hbm>>
      tpu.enqueue_indirect_dma source(%dma_start3A_143 : memref<10240x128xf32, #tpu.memory_space<hbm>>) target(%arg9 : memref<128x128xf32, #tpu.memory_space<vmem>>) offsets(%dma_start3A_140 : memref<128xi32, #tpu.memory_space<vmem>>) semaphore(%arg11 : memref<!tpu.dma_semaphore, #tpu.memory_space<semaphore_mem>>)
      %dma_wait3A_144 = arith.constant 0 : i32
      %dma_wait3A_145 = tpu.memref_slice %arg6[%mul3A_135, %dma_wait3A_144] : memref<40x128xi32, #tpu.memory_space<vmem>> -> memref<1x128xi32, #tpu.memory_space<vmem>>
      %dma_wait3A_146 = tpu.memref_squeeze %dma_wait3A_145 : memref<1x128xi32, #tpu.memory_space<vmem>> -> memref<128xi32, #tpu.memory_space<vmem>>
      %dma_wait3A_147 = arith.constant 0 : i32
      %dma_wait3A_148 = arith.constant 0 : i32
      %dma_wait3A_149 = tpu.memref_slice %arg2[%dma_wait3A_147, %dma_wait3A_148] : memref<10240x128xf32, #tpu.memory_space<hbm>> -> memref<10240x128xf32, #tpu.memory_space<hbm>>
      tpu.wait_indirect_dma semaphore(%arg10 : memref<!tpu.dma_semaphore, #tpu.memory_space<semaphore_mem>>) src(%dma_wait3A_149 : memref<10240x128xf32, #tpu.memory_space<hbm>>) dst(%arg8 : memref<128x128xf32, #tpu.memory_space<vmem>>)
      "tpu.region"() ({
        %run_scoped3A = tpu.sem_alloc : memref<!tpu.dma_semaphore, #tpu.memory_space<semaphore_mem>>
        %dma_start3A_164 = arith.constant 0 : i32
        %dma_start3A_165 = tpu.memref_slice %arg7[%mul3A_135, %dma_start3A_164] : memref<40x128xi32, #tpu.memory_space<vmem>> -> memref<1x128xi32, #tpu.memory_space<vmem>>
        %dma_start3A_166 = tpu.memref_squeeze %dma_start3A_165 : memref<1x128xi32, #tpu.memory_space<vmem>> -> memref<128xi32, #tpu.memory_space<vmem>>
        %dma_start3A_167 = arith.constant 0 : i32
        %dma_start3A_168 = arith.constant 0 : i32
        %dma_start3A_169 = tpu.memref_slice %arg12[%dma_start3A_167, %dma_start3A_168] : memref<10240x128xf32, #tpu.memory_space<vmem_shared>> -> memref<10240x128xf32, #tpu.memory_space<vmem_shared>>
        tpu.enqueue_indirect_dma source(%arg8 : memref<128x128xf32, #tpu.memory_space<vmem>>) target(%dma_start3A_169 : memref<10240x128xf32, #tpu.memory_space<vmem_shared>>) offsets(%dma_start3A_166 : memref<128xi32, #tpu.memory_space<vmem>>) semaphore(%run_scoped3A : memref<!tpu.dma_semaphore, #tpu.memory_space<semaphore_mem>>) {add = true}
        %dma_wait3A_170 = arith.constant 0 : i32
        %dma_wait3A_171 = tpu.memref_slice %arg7[%mul3A_135, %dma_wait3A_170] : memref<40x128xi32, #tpu.memory_space<vmem>> -> memref<1x128xi32, #tpu.memory_space<vmem>>
        %dma_wait3A_172 = tpu.memref_squeeze %dma_wait3A_171 : memref<1x128xi32, #tpu.memory_space<vmem>> -> memref<128xi32, #tpu.memory_space<vmem>>
        %dma_wait3A_173 = arith.constant 0 : i32
        %dma_wait3A_174 = arith.constant 0 : i32
        %dma_wait3A_175 = tpu.memref_slice %arg12[%dma_wait3A_173, %dma_wait3A_174] : memref<10240x128xf32, #tpu.memory_space<vmem_shared>> -> memref<10240x128xf32, #tpu.memory_space<vmem_shared>>
        tpu.wait_indirect_dma semaphore(%run_scoped3A : memref<!tpu.dma_semaphore, #tpu.memory_space<semaphore_mem>>) src(%arg8 : memref<128x128xf32, #tpu.memory_space<vmem>>) dst(%dma_wait3A_175 : memref<10240x128xf32, #tpu.memory_space<vmem_shared>>)
        tpu.yield
      }) : () -> ()
      %add3A_150 = arith.constant 2 : i32
      %add3A_151 = arith.addi %mul3A_135, %add3A_150 : i32
      %lt3A = arith.constant 40 : i32
      %lt3A_152 = arith.cmpi slt, %add3A_151, %lt3A : i32
      %convert_element_type3A_153 = arith.extui %lt3A_152 : i1 to i32
      %cond3A_154 = arith.constant 0 : i32
      %cond3A_155 = arith.cmpi ne, %convert_element_type3A_153, %cond3A_154 : i32
      scf.if %cond3A_155 {
        %add3A_164 = arith.constant 2 : i32
        %add3A_165 = arith.addi %mul3A_135, %add3A_164 : i32
        %dma_start3A_166 = arith.constant 0 : i32
        %dma_start3A_167 = tpu.memref_slice %arg6[%add3A_165, %dma_start3A_166] : memref<40x128xi32, #tpu.memory_space<vmem>> -> memref<1x128xi32, #tpu.memory_space<vmem>>
        %dma_start3A_168 = tpu.memref_squeeze %dma_start3A_167 : memref<1x128xi32, #tpu.memory_space<vmem>> -> memref<128xi32, #tpu.memory_space<vmem>>
        %dma_start3A_169 = arith.constant 0 : i32
        %dma_start3A_170 = arith.constant 0 : i32
        %dma_start3A_171 = tpu.memref_slice %arg2[%dma_start3A_169, %dma_start3A_170] : memref<10240x128xf32, #tpu.memory_space<hbm>> -> memref<10240x128xf32, #tpu.memory_space<hbm>>
        tpu.enqueue_indirect_dma source(%dma_start3A_171 : memref<10240x128xf32, #tpu.memory_space<hbm>>) target(%arg8 : memref<128x128xf32, #tpu.memory_space<vmem>>) offsets(%dma_start3A_168 : memref<128xi32, #tpu.memory_space<vmem>>) semaphore(%arg10 : memref<!tpu.dma_semaphore, #tpu.memory_space<semaphore_mem>>)
      } else {
      }
      %add3A_156 = arith.constant 1 : i32
      %add3A_157 = arith.addi %mul3A_135, %add3A_156 : i32
      %dma_wait3A_158 = arith.constant 0 : i32
      %dma_wait3A_159 = tpu.memref_slice %arg6[%add3A_157, %dma_wait3A_158] : memref<40x128xi32, #tpu.memory_space<vmem>> -> memref<1x128xi32, #tpu.memory_space<vmem>>
      %dma_wait3A_160 = tpu.memref_squeeze %dma_wait3A_159 : memref<1x128xi32, #tpu.memory_space<vmem>> -> memref<128xi32, #tpu.memory_space<vmem>>
      %dma_wait3A_161 = arith.constant 0 : i32
      %dma_wait3A_162 = arith.constant 0 : i32
      %dma_wait3A_163 = tpu.memref_slice %arg2[%dma_wait3A_161, %dma_wait3A_162] : memref<10240x128xf32, #tpu.memory_space<hbm>> -> memref<10240x128xf32, #tpu.memory_space<hbm>>
      tpu.wait_indirect_dma semaphore(%arg11 : memref<!tpu.dma_semaphore, #tpu.memory_space<semaphore_mem>>) src(%dma_wait3A_163 : memref<10240x128xf32, #tpu.memory_space<hbm>>) dst(%arg9 : memref<128x128xf32, #tpu.memory_space<vmem>>)
      "tpu.region"() ({
        %run_scoped3A = tpu.sem_alloc : memref<!tpu.dma_semaphore, #tpu.memory_space<semaphore_mem>>
        %dma_start3A_164 = arith.constant 0 : i32
        %dma_start3A_165 = tpu.memref_slice %arg7[%add3A_157, %dma_start3A_164] : memref<40x128xi32, #tpu.memory_space<vmem>> -> memref<1x128xi32, #tpu.memory_space<vmem>>
        %dma_start3A_166 = tpu.memref_squeeze %dma_start3A_165 : memref<1x128xi32, #tpu.memory_space<vmem>> -> memref<128xi32, #tpu.memory_space<vmem>>
        %dma_start3A_167 = arith.constant 0 : i32
        %dma_start3A_168 = arith.constant 0 : i32
        %dma_start3A_169 = tpu.memref_slice %arg12[%dma_start3A_167, %dma_start3A_168] : memref<10240x128xf32, #tpu.memory_space<vmem_shared>> -> memref<10240x128xf32, #tpu.memory_space<vmem_shared>>
        tpu.enqueue_indirect_dma source(%arg9 : memref<128x128xf32, #tpu.memory_space<vmem>>) target(%dma_start3A_169 : memref<10240x128xf32, #tpu.memory_space<vmem_shared>>) offsets(%dma_start3A_166 : memref<128xi32, #tpu.memory_space<vmem>>) semaphore(%run_scoped3A : memref<!tpu.dma_semaphore, #tpu.memory_space<semaphore_mem>>) {add = true}
        %dma_wait3A_170 = arith.constant 0 : i32
        %dma_wait3A_171 = tpu.memref_slice %arg7[%add3A_157, %dma_wait3A_170] : memref<40x128xi32, #tpu.memory_space<vmem>> -> memref<1x128xi32, #tpu.memory_space<vmem>>
        %dma_wait3A_172 = tpu.memref_squeeze %dma_wait3A_171 : memref<1x128xi32, #tpu.memory_space<vmem>> -> memref<128xi32, #tpu.memory_space<vmem>>
        %dma_wait3A_173 = arith.constant 0 : i32
        %dma_wait3A_174 = arith.constant 0 : i32
        %dma_wait3A_175 = tpu.memref_slice %arg12[%dma_wait3A_173, %dma_wait3A_174] : memref<10240x128xf32, #tpu.memory_space<vmem_shared>> -> memref<10240x128xf32, #tpu.memory_space<vmem_shared>>
        tpu.wait_indirect_dma semaphore(%run_scoped3A : memref<!tpu.dma_semaphore, #tpu.memory_space<semaphore_mem>>) src(%arg9 : memref<128x128xf32, #tpu.memory_space<vmem>>) dst(%dma_wait3A_175 : memref<10240x128xf32, #tpu.memory_space<vmem_shared>>)
        tpu.yield
      }) : () -> ()
    }
    %scan3A_127 = arith.constant 20 : i32
    %barrier3A_128 = arith.constant 0 : index
    tpu.barrier barrier_id(%barrier3A_128)
    %mul3A_129 = arith.constant 640 : i32
    %mul3A_130 = arith.muli %arg1, %mul3A_129 : i32
    %mul3A_131 = arith.constant 640 : i32
    %mul3A_132 = arith.muli %arg1, %mul3A_131 : i32
    "tpu.region"() ({
      %run_scoped3A = tpu.sem_alloc : memref<!tpu.dma_semaphore, #tpu.memory_space<semaphore_mem>>
      %dma_start3A_133 = arith.constant 0 : i32
      %dma_start3A_134 = tpu.memref_slice %arg5[%arg0, %mul3A_132, %dma_start3A_133] : memref<2x10240x128xf32, #tpu.memory_space<hbm>> -> memref<1x640x128xf32, #tpu.memory_space<hbm>>
      %dma_start3A_135 = tpu.memref_squeeze %dma_start3A_134 : memref<1x640x128xf32, #tpu.memory_space<hbm>> -> memref<640x128xf32, #tpu.memory_space<hbm>>
      %dma_start3A_136 = arith.constant 0 : i32
      %dma_start3A_137 = tpu.memref_slice %arg12[%mul3A_130, %dma_start3A_136] : memref<10240x128xf32, #tpu.memory_space<vmem_shared>> -> memref<640x128xf32, #tpu.memory_space<vmem_shared>>
      tpu.enqueue_dma source(%dma_start3A_137 : memref<640x128xf32, #tpu.memory_space<vmem_shared>>) target(%dma_start3A_135 : memref<640x128xf32, #tpu.memory_space<hbm>>) target_semaphore(%run_scoped3A : memref<!tpu.dma_semaphore, #tpu.memory_space<semaphore_mem>>)
      %dma_wait3A_138 = arith.constant 0 : i32
      %dma_wait3A_139 = tpu.memref_slice %arg5[%arg0, %mul3A_132, %dma_wait3A_138] : memref<2x10240x128xf32, #tpu.memory_space<hbm>> -> memref<1x640x128xf32, #tpu.memory_space<hbm>>
      %dma_wait3A_140 = tpu.memref_squeeze %dma_wait3A_139 : memref<1x640x128xf32, #tpu.memory_space<hbm>> -> memref<640x128xf32, #tpu.memory_space<hbm>>
      %dma_wait3A_141 = arith.constant 0 : i32
      %dma_wait3A_142 = tpu.memref_slice %arg12[%mul3A_130, %dma_wait3A_141] : memref<10240x128xf32, #tpu.memory_space<vmem_shared>> -> memref<640x128xf32, #tpu.memory_space<vmem_shared>>
      tpu.wait_dma2 semaphore(%run_scoped3A : memref<!tpu.dma_semaphore, #tpu.memory_space<semaphore_mem>>) src(%dma_wait3A_142 : memref<640x128xf32, #tpu.memory_space<vmem_shared>>) dst(%dma_wait3A_140 : memref<640x128xf32, #tpu.memory_space<hbm>>)
      tpu.yield
    }) : () -> ()
    return
  }
}

#map = affine_map<(d0, d1) -> (0, 0, 0)>
#map1 = affine_map<(d0, d1) -> (0)>
module attributes {stable_mosaic.version = 14 : i64} {
  func.func @_count_body(%arg0: i32, %arg1: i32, %arg2: memref<2x2500x128xi32, #tpu.memory_space<hbm>>, %arg3: memref<2x64x128xi32, #tpu.memory_space<hbm>>, %arg4: memref<128xf32, #tpu.memory_space<hbm>>, %arg5: memref<640xf32, #tpu.memory_space<hbm>>, %arg6: memref<10240xf32, #tpu.memory_space<hbm>>, %arg7: memref<10240xf32, #tpu.memory_space<hbm>>, %arg8: memref<80x128xi32, #tpu.memory_space<vmem>>, %arg9: memref<128xf32, #tpu.memory_space<vmem>>, %arg10: memref<!tpu.dma_semaphore, #tpu.memory_space<semaphore_mem>>, %arg11: memref<10240xf32, #tpu.memory_space<vmem_shared>>) attributes {dimension_semantics = [#tpu.dimension_semantics<core_parallel>, #tpu.dimension_semantics<subcore_parallel>], iteration_bounds = array<i64: 2, 16>, scalar_prefetch = 0 : i64, scratch_operands = 4 : i64, tpu.core_type = #tpu.core_type<sc_vector_subcore>, window_params = [{transform_indices = #map}, {transform_indices = #map}, {transform_indices = #map1}, {transform_indices = #map1}, {transform_indices = #map1}, {transform_indices = #map1}]} {
    %mul3A = arith.constant 16 : i32
    %mul3A_0 = arith.muli %arg0, %mul3A : i32
    %add3A = arith.addi %mul3A_0, %arg1 : i32
    %mul3A_1 = arith.constant 640 : i32
    %mul3A_2 = arith.muli %arg1, %mul3A_1 : i32
    "tpu.region"() ({
      %run_scoped3A = tpu.sem_alloc : memref<!tpu.dma_semaphore, #tpu.memory_space<semaphore_mem>>
      %dma_start3A = tpu.memref_slice %arg11[%mul3A_2] : memref<10240xf32, #tpu.memory_space<vmem_shared>> -> memref<640xf32, #tpu.memory_space<vmem_shared>>
      tpu.enqueue_dma source(%arg5 : memref<640xf32, #tpu.memory_space<hbm>>) target(%dma_start3A : memref<640xf32, #tpu.memory_space<vmem_shared>>) target_semaphore(%run_scoped3A : memref<!tpu.dma_semaphore, #tpu.memory_space<semaphore_mem>>)
      %dma_wait3A = tpu.memref_slice %arg11[%mul3A_2] : memref<10240xf32, #tpu.memory_space<vmem_shared>> -> memref<640xf32, #tpu.memory_space<vmem_shared>>
      tpu.wait_dma2 semaphore(%run_scoped3A : memref<!tpu.dma_semaphore, #tpu.memory_space<semaphore_mem>>) src(%arg5 : memref<640xf32, #tpu.memory_space<hbm>>) dst(%dma_wait3A : memref<640xf32, #tpu.memory_space<vmem_shared>>)
      tpu.yield
    }) : () -> ()
    "tpu.region"() ({
      %run_scoped3A = tpu.sem_alloc : memref<!tpu.dma_semaphore, #tpu.memory_space<semaphore_mem>>
      tpu.enqueue_dma source(%arg4 : memref<128xf32, #tpu.memory_space<hbm>>) target(%arg9 : memref<128xf32, #tpu.memory_space<vmem>>) target_semaphore(%run_scoped3A : memref<!tpu.dma_semaphore, #tpu.memory_space<semaphore_mem>>)
      tpu.wait_dma2 semaphore(%run_scoped3A : memref<!tpu.dma_semaphore, #tpu.memory_space<semaphore_mem>>) src(%arg4 : memref<128xf32, #tpu.memory_space<hbm>>) dst(%arg9 : memref<128xf32, #tpu.memory_space<vmem>>)
      tpu.yield
    }) : () -> ()
    %lt3A = arith.constant 31 : i32
    %lt3A_3 = arith.cmpi slt, %add3A, %lt3A : i32
    %convert_element_type3A = arith.extui %lt3A_3 : i1 to i32
    %cond3A = arith.constant 0 : i32
    %cond3A_4 = arith.cmpi ne, %convert_element_type3A, %cond3A : i32
    scf.if %cond3A_4 {
      %mul3A_25 = arith.constant 80 : i32
      %mul3A_26 = arith.muli %add3A, %mul3A_25 : i32
      %run_scoped3A = arith.constant 1 : i32
      "tpu.region"() ({
        %run_scoped3A_27 = tpu.sem_alloc : memref<!tpu.dma_semaphore, #tpu.memory_space<semaphore_mem>>
        %dma_start3A = arith.constant 0 : i32
        %dma_start3A_28 = tpu.memref_slice %arg2[%run_scoped3A, %mul3A_26, %dma_start3A] : memref<2x2500x128xi32, #tpu.memory_space<hbm>> -> memref<1x80x128xi32, #tpu.memory_space<hbm>>
        %dma_start3A_29 = tpu.memref_squeeze %dma_start3A_28 : memref<1x80x128xi32, #tpu.memory_space<hbm>> -> memref<80x128xi32, #tpu.memory_space<hbm>>
        %dma_start3A_30 = arith.constant 0 : i32
        %dma_start3A_31 = tpu.memref_slice %arg2[%run_scoped3A, %mul3A_26, %dma_start3A_30] : memref<2x2500x128xi32, #tpu.memory_space<hbm>> -> memref<1x80x128xi32, #tpu.memory_space<hbm>>
        %dma_start3A_32 = tpu.memref_squeeze %dma_start3A_31 : memref<1x80x128xi32, #tpu.memory_space<hbm>> -> memref<80x128xi32, #tpu.memory_space<hbm>>
        tpu.enqueue_dma source(%dma_start3A_32 : memref<80x128xi32, #tpu.memory_space<hbm>>) target(%arg8 : memref<80x128xi32, #tpu.memory_space<vmem>>) target_semaphore(%run_scoped3A_27 : memref<!tpu.dma_semaphore, #tpu.memory_space<semaphore_mem>>)
        %dma_wait3A = arith.constant 0 : i32
        %dma_wait3A_33 = tpu.memref_slice %arg2[%run_scoped3A, %mul3A_26, %dma_wait3A] : memref<2x2500x128xi32, #tpu.memory_space<hbm>> -> memref<1x80x128xi32, #tpu.memory_space<hbm>>
        %dma_wait3A_34 = tpu.memref_squeeze %dma_wait3A_33 : memref<1x80x128xi32, #tpu.memory_space<hbm>> -> memref<80x128xi32, #tpu.memory_space<hbm>>
        %dma_wait3A_35 = arith.constant 0 : i32
        %dma_wait3A_36 = tpu.memref_slice %arg2[%run_scoped3A, %mul3A_26, %dma_wait3A_35] : memref<2x2500x128xi32, #tpu.memory_space<hbm>> -> memref<1x80x128xi32, #tpu.memory_space<hbm>>
        %dma_wait3A_37 = tpu.memref_squeeze %dma_wait3A_36 : memref<1x80x128xi32, #tpu.memory_space<hbm>> -> memref<80x128xi32, #tpu.memory_space<hbm>>
        tpu.wait_dma2 semaphore(%run_scoped3A_27 : memref<!tpu.dma_semaphore, #tpu.memory_space<semaphore_mem>>) src(%dma_wait3A_37 : memref<80x128xi32, #tpu.memory_space<hbm>>) dst(%arg8 : memref<80x128xi32, #tpu.memory_space<vmem>>)
        tpu.yield
      }) : () -> ()
    } else {
    }
    %eq3A = arith.constant 31 : i32
    %eq3A_5 = arith.cmpi eq, %add3A, %eq3A : i32
    %convert_element_type3A_6 = arith.extui %eq3A_5 : i1 to i32
    %cond3A_7 = arith.constant 0 : i32
    %cond3A_8 = arith.cmpi ne, %convert_element_type3A_6, %cond3A_7 : i32
    scf.if %cond3A_8 {
      %run_scoped3A = arith.constant 1 : i32
      "tpu.region"() ({
        %run_scoped3A_26 = tpu.sem_alloc : memref<!tpu.dma_semaphore, #tpu.memory_space<semaphore_mem>>
        %dma_start3A = arith.constant 0 : i32
        %dma_start3A_27 = arith.constant 0 : i32
        %dma_start3A_28 = tpu.memref_slice %arg8[%dma_start3A, %dma_start3A_27] : memref<80x128xi32, #tpu.memory_space<vmem>> -> memref<16x128xi32, #tpu.memory_space<vmem>>
        %dma_start3A_29 = arith.constant 2480 : i32
        %dma_start3A_30 = arith.constant 0 : i32
        %dma_start3A_31 = tpu.memref_slice %arg2[%run_scoped3A, %dma_start3A_29, %dma_start3A_30] : memref<2x2500x128xi32, #tpu.memory_space<hbm>> -> memref<1x16x128xi32, #tpu.memory_space<hbm>>
        %dma_start3A_32 = tpu.memref_squeeze %dma_start3A_31 : memref<1x16x128xi32, #tpu.memory_space<hbm>> -> memref<16x128xi32, #tpu.memory_space<hbm>>
        %dma_start3A_33 = arith.constant 0 : i32
        %dma_start3A_34 = arith.constant 0 : i32
        %dma_start3A_35 = tpu.memref_slice %arg8[%dma_start3A_33, %dma_start3A_34] : memref<80x128xi32, #tpu.memory_space<vmem>> -> memref<16x128xi32, #tpu.memory_space<vmem>>
        %dma_start3A_36 = arith.constant 2480 : i32
        %dma_start3A_37 = arith.constant 0 : i32
        %dma_start3A_38 = tpu.memref_slice %arg2[%run_scoped3A, %dma_start3A_36, %dma_start3A_37] : memref<2x2500x128xi32, #tpu.memory_space<hbm>> -> memref<1x16x128xi32, #tpu.memory_space<hbm>>
        %dma_start3A_39 = tpu.memref_squeeze %dma_start3A_38 : memref<1x16x128xi32, #tpu.memory_space<hbm>> -> memref<16x128xi32, #tpu.memory_space<hbm>>
        tpu.enqueue_dma source(%dma_start3A_39 : memref<16x128xi32, #tpu.memory_space<hbm>>) target(%dma_start3A_35 : memref<16x128xi32, #tpu.memory_space<vmem>>) target_semaphore(%run_scoped3A_26 : memref<!tpu.dma_semaphore, #tpu.memory_space<semaphore_mem>>)
        %dma_wait3A = arith.constant 0 : i32
        %dma_wait3A_40 = arith.constant 0 : i32
        %dma_wait3A_41 = tpu.memref_slice %arg8[%dma_wait3A, %dma_wait3A_40] : memref<80x128xi32, #tpu.memory_space<vmem>> -> memref<16x128xi32, #tpu.memory_space<vmem>>
        %dma_wait3A_42 = arith.constant 2480 : i32
        %dma_wait3A_43 = arith.constant 0 : i32
        %dma_wait3A_44 = tpu.memref_slice %arg2[%run_scoped3A, %dma_wait3A_42, %dma_wait3A_43] : memref<2x2500x128xi32, #tpu.memory_space<hbm>> -> memref<1x16x128xi32, #tpu.memory_space<hbm>>
        %dma_wait3A_45 = tpu.memref_squeeze %dma_wait3A_44 : memref<1x16x128xi32, #tpu.memory_space<hbm>> -> memref<16x128xi32, #tpu.memory_space<hbm>>
        %dma_wait3A_46 = arith.constant 0 : i32
        %dma_wait3A_47 = arith.constant 0 : i32
        %dma_wait3A_48 = tpu.memref_slice %arg8[%dma_wait3A_46, %dma_wait3A_47] : memref<80x128xi32, #tpu.memory_space<vmem>> -> memref<16x128xi32, #tpu.memory_space<vmem>>
        %dma_wait3A_49 = arith.constant 2480 : i32
        %dma_wait3A_50 = arith.constant 0 : i32
        %dma_wait3A_51 = tpu.memref_slice %arg2[%run_scoped3A, %dma_wait3A_49, %dma_wait3A_50] : memref<2x2500x128xi32, #tpu.memory_space<hbm>> -> memref<1x16x128xi32, #tpu.memory_space<hbm>>
        %dma_wait3A_52 = tpu.memref_squeeze %dma_wait3A_51 : memref<1x16x128xi32, #tpu.memory_space<hbm>> -> memref<16x128xi32, #tpu.memory_space<hbm>>
        tpu.wait_dma2 semaphore(%run_scoped3A_26 : memref<!tpu.dma_semaphore, #tpu.memory_space<semaphore_mem>>) src(%dma_wait3A_52 : memref<16x128xi32, #tpu.memory_space<hbm>>) dst(%dma_wait3A_48 : memref<16x128xi32, #tpu.memory_space<vmem>>)
        tpu.yield
      }) : () -> ()
      %run_scoped3A_25 = arith.constant 1 : i32
      "tpu.region"() ({
        %run_scoped3A_26 = tpu.sem_alloc : memref<!tpu.dma_semaphore, #tpu.memory_space<semaphore_mem>>
        %dma_start3A = arith.constant 16 : i32
        %dma_start3A_27 = arith.constant 0 : i32
        %dma_start3A_28 = tpu.memref_slice %arg8[%dma_start3A, %dma_start3A_27] : memref<80x128xi32, #tpu.memory_space<vmem>> -> memref<64x128xi32, #tpu.memory_space<vmem>>
        %dma_start3A_29 = arith.constant 0 : i32
        %dma_start3A_30 = arith.constant 0 : i32
        %dma_start3A_31 = tpu.memref_slice %arg3[%run_scoped3A_25, %dma_start3A_29, %dma_start3A_30] : memref<2x64x128xi32, #tpu.memory_space<hbm>> -> memref<1x64x128xi32, #tpu.memory_space<hbm>>
        %dma_start3A_32 = tpu.memref_squeeze %dma_start3A_31 : memref<1x64x128xi32, #tpu.memory_space<hbm>> -> memref<64x128xi32, #tpu.memory_space<hbm>>
        %dma_start3A_33 = arith.constant 16 : i32
        %dma_start3A_34 = arith.constant 0 : i32
        %dma_start3A_35 = tpu.memref_slice %arg8[%dma_start3A_33, %dma_start3A_34] : memref<80x128xi32, #tpu.memory_space<vmem>> -> memref<64x128xi32, #tpu.memory_space<vmem>>
        %dma_start3A_36 = arith.constant 0 : i32
        %dma_start3A_37 = arith.constant 0 : i32
        %dma_start3A_38 = tpu.memref_slice %arg3[%run_scoped3A_25, %dma_start3A_36, %dma_start3A_37] : memref<2x64x128xi32, #tpu.memory_space<hbm>> -> memref<1x64x128xi32, #tpu.memory_space<hbm>>
        %dma_start3A_39 = tpu.memref_squeeze %dma_start3A_38 : memref<1x64x128xi32, #tpu.memory_space<hbm>> -> memref<64x128xi32, #tpu.memory_space<hbm>>
        tpu.enqueue_dma source(%dma_start3A_39 : memref<64x128xi32, #tpu.memory_space<hbm>>) target(%dma_start3A_35 : memref<64x128xi32, #tpu.memory_space<vmem>>) target_semaphore(%run_scoped3A_26 : memref<!tpu.dma_semaphore, #tpu.memory_space<semaphore_mem>>)
        %dma_wait3A = arith.constant 16 : i32
        %dma_wait3A_40 = arith.constant 0 : i32
        %dma_wait3A_41 = tpu.memref_slice %arg8[%dma_wait3A, %dma_wait3A_40] : memref<80x128xi32, #tpu.memory_space<vmem>> -> memref<64x128xi32, #tpu.memory_space<vmem>>
        %dma_wait3A_42 = arith.constant 0 : i32
        %dma_wait3A_43 = arith.constant 0 : i32
        %dma_wait3A_44 = tpu.memref_slice %arg3[%run_scoped3A_25, %dma_wait3A_42, %dma_wait3A_43] : memref<2x64x128xi32, #tpu.memory_space<hbm>> -> memref<1x64x128xi32, #tpu.memory_space<hbm>>
        %dma_wait3A_45 = tpu.memref_squeeze %dma_wait3A_44 : memref<1x64x128xi32, #tpu.memory_space<hbm>> -> memref<64x128xi32, #tpu.memory_space<hbm>>
        %dma_wait3A_46 = arith.constant 16 : i32
        %dma_wait3A_47 = arith.constant 0 : i32
        %dma_wait3A_48 = tpu.memref_slice %arg8[%dma_wait3A_46, %dma_wait3A_47] : memref<80x128xi32, #tpu.memory_space<vmem>> -> memref<64x128xi32, #tpu.memory_space<vmem>>
        %dma_wait3A_49 = arith.constant 0 : i32
        %dma_wait3A_50 = arith.constant 0 : i32
        %dma_wait3A_51 = tpu.memref_slice %arg3[%run_scoped3A_25, %dma_wait3A_49, %dma_wait3A_50] : memref<2x64x128xi32, #tpu.memory_space<hbm>> -> memref<1x64x128xi32, #tpu.memory_space<hbm>>
        %dma_wait3A_52 = tpu.memref_squeeze %dma_wait3A_51 : memref<1x64x128xi32, #tpu.memory_space<hbm>> -> memref<64x128xi32, #tpu.memory_space<hbm>>
        tpu.wait_dma2 semaphore(%run_scoped3A_26 : memref<!tpu.dma_semaphore, #tpu.memory_space<semaphore_mem>>) src(%dma_wait3A_52 : memref<64x128xi32, #tpu.memory_space<hbm>>) dst(%dma_wait3A_48 : memref<64x128xi32, #tpu.memory_space<vmem>>)
        tpu.yield
      }) : () -> ()
    } else {
    }
    %barrier3A = arith.constant 0 : index
    tpu.barrier barrier_id(%barrier3A)
    %scan3A = arith.constant 0 : i32
    %scan3A_9 = arith.constant 0 : i32
    %scan3A_10 = arith.constant 5 : i32
    %scan3A_11 = arith.addi %scan3A_9, %scan3A_10 : i32
    %scan3A_12 = arith.constant 1 : i32
    scf.for %scan3A_25 = %scan3A_9 to %scan3A_11 step %scan3A_12  : i32 {
      %mul3A_26 = arith.constant 16 : i32
      %mul3A_27 = arith.muli %scan3A_25, %mul3A_26 : i32
      %add3A_28 = arith.constant 0 : i32
      %add3A_29 = arith.addi %mul3A_27, %add3A_28 : i32
      %dma_start3A = arith.constant 0 : i32
      %dma_start3A_30 = tpu.memref_slice %arg8[%add3A_29, %dma_start3A] : memref<80x128xi32, #tpu.memory_space<vmem>> -> memref<1x128xi32, #tpu.memory_space<vmem>>
      %dma_start3A_31 = tpu.memref_squeeze %dma_start3A_30 : memref<1x128xi32, #tpu.memory_space<vmem>> -> memref<128xi32, #tpu.memory_space<vmem>>
      %dma_start3A_32 = arith.constant 0 : i32
      %dma_start3A_33 = tpu.memref_slice %arg11[%dma_start3A_32] : memref<10240xf32, #tpu.memory_space<vmem_shared>> -> memref<10240xf32, #tpu.memory_space<vmem_shared>>
      tpu.enqueue_indirect_dma source(%arg9 : memref<128xf32, #tpu.memory_space<vmem>>) target(%dma_start3A_33 : memref<10240xf32, #tpu.memory_space<vmem_shared>>) offsets(%dma_start3A_31 : memref<128xi32, #tpu.memory_space<vmem>>) semaphore(%arg10 : memref<!tpu.dma_semaphore, #tpu.memory_space<semaphore_mem>>) {add = true}
      %mul3A_34 = arith.constant 16 : i32
      %mul3A_35 = arith.muli %scan3A_25, %mul3A_34 : i32
      %add3A_36 = arith.constant 1 : i32
      %add3A_37 = arith.addi %mul3A_35, %add3A_36 : i32
      %dma_start3A_38 = arith.constant 0 : i32
      %dma_start3A_39 = tpu.memref_slice %arg8[%add3A_37, %dma_start3A_38] : memref<80x128xi32, #tpu.memory_space<vmem>> -> memref<1x128xi32, #tpu.memory_space<vmem>>
      %dma_start3A_40 = tpu.memref_squeeze %dma_start3A_39 : memref<1x128xi32, #tpu.memory_space<vmem>> -> memref<128xi32, #tpu.memory_space<vmem>>
      %dma_start3A_41 = arith.constant 0 : i32
      %dma_start3A_42 = tpu.memref_slice %arg11[%dma_start3A_41] : memref<10240xf32, #tpu.memory_space<vmem_shared>> -> memref<10240xf32, #tpu.memory_space<vmem_shared>>
      tpu.enqueue_indirect_dma source(%arg9 : memref<128xf32, #tpu.memory_space<vmem>>) target(%dma_start3A_42 : memref<10240xf32, #tpu.memory_space<vmem_shared>>) offsets(%dma_start3A_40 : memref<128xi32, #tpu.memory_space<vmem>>) semaphore(%arg10 : memref<!tpu.dma_semaphore, #tpu.memory_space<semaphore_mem>>) {add = true}
      %mul3A_43 = arith.constant 16 : i32
      %mul3A_44 = arith.muli %scan3A_25, %mul3A_43 : i32
      %add3A_45 = arith.constant 2 : i32
      %add3A_46 = arith.addi %mul3A_44, %add3A_45 : i32
      %dma_start3A_47 = arith.constant 0 : i32
      %dma_start3A_48 = tpu.memref_slice %arg8[%add3A_46, %dma_start3A_47] : memref<80x128xi32, #tpu.memory_space<vmem>> -> memref<1x128xi32, #tpu.memory_space<vmem>>
      %dma_start3A_49 = tpu.memref_squeeze %dma_start3A_48 : memref<1x128xi32, #tpu.memory_space<vmem>> -> memref<128xi32, #tpu.memory_space<vmem>>
      %dma_start3A_50 = arith.constant 0 : i32
      %dma_start3A_51 = tpu.memref_slice %arg11[%dma_start3A_50] : memref<10240xf32, #tpu.memory_space<vmem_shared>> -> memref<10240xf32, #tpu.memory_space<vmem_shared>>
      tpu.enqueue_indirect_dma source(%arg9 : memref<128xf32, #tpu.memory_space<vmem>>) target(%dma_start3A_51 : memref<10240xf32, #tpu.memory_space<vmem_shared>>) offsets(%dma_start3A_49 : memref<128xi32, #tpu.memory_space<vmem>>) semaphore(%arg10 : memref<!tpu.dma_semaphore, #tpu.memory_space<semaphore_mem>>) {add = true}
      %mul3A_52 = arith.constant 16 : i32
      %mul3A_53 = arith.muli %scan3A_25, %mul3A_52 : i32
      %add3A_54 = arith.constant 3 : i32
      %add3A_55 = arith.addi %mul3A_53, %add3A_54 : i32
      %dma_start3A_56 = arith.constant 0 : i32
      %dma_start3A_57 = tpu.memref_slice %arg8[%add3A_55, %dma_start3A_56] : memref<80x128xi32, #tpu.memory_space<vmem>> -> memref<1x128xi32, #tpu.memory_space<vmem>>
      %dma_start3A_58 = tpu.memref_squeeze %dma_start3A_57 : memref<1x128xi32, #tpu.memory_space<vmem>> -> memref<128xi32, #tpu.memory_space<vmem>>
      %dma_start3A_59 = arith.constant 0 : i32
      %dma_start3A_60 = tpu.memref_slice %arg11[%dma_start3A_59] : memref<10240xf32, #tpu.memory_space<vmem_shared>> -> memref<10240xf32, #tpu.memory_space<vmem_shared>>
      tpu.enqueue_indirect_dma source(%arg9 : memref<128xf32, #tpu.memory_space<vmem>>) target(%dma_start3A_60 : memref<10240xf32, #tpu.memory_space<vmem_shared>>) offsets(%dma_start3A_58 : memref<128xi32, #tpu.memory_space<vmem>>) semaphore(%arg10 : memref<!tpu.dma_semaphore, #tpu.memory_space<semaphore_mem>>) {add = true}
      %mul3A_61 = arith.constant 16 : i32
      %mul3A_62 = arith.muli %scan3A_25, %mul3A_61 : i32
      %add3A_63 = arith.constant 4 : i32
      %add3A_64 = arith.addi %mul3A_62, %add3A_63 : i32
      %dma_start3A_65 = arith.constant 0 : i32
      %dma_start3A_66 = tpu.memref_slice %arg8[%add3A_64, %dma_start3A_65] : memref<80x128xi32, #tpu.memory_space<vmem>> -> memref<1x128xi32, #tpu.memory_space<vmem>>
      %dma_start3A_67 = tpu.memref_squeeze %dma_start3A_66 : memref<1x128xi32, #tpu.memory_space<vmem>> -> memref<128xi32, #tpu.memory_space<vmem>>
      %dma_start3A_68 = arith.constant 0 : i32
      %dma_start3A_69 = tpu.memref_slice %arg11[%dma_start3A_68] : memref<10240xf32, #tpu.memory_space<vmem_shared>> -> memref<10240xf32, #tpu.memory_space<vmem_shared>>
      tpu.enqueue_indirect_dma source(%arg9 : memref<128xf32, #tpu.memory_space<vmem>>) target(%dma_start3A_69 : memref<10240xf32, #tpu.memory_space<vmem_shared>>) offsets(%dma_start3A_67 : memref<128xi32, #tpu.memory_space<vmem>>) semaphore(%arg10 : memref<!tpu.dma_semaphore, #tpu.memory_space<semaphore_mem>>) {add = true}
      %mul3A_70 = arith.constant 16 : i32
      %mul3A_71 = arith.muli %scan3A_25, %mul3A_70 : i32
      %add3A_72 = arith.constant 5 : i32
      %add3A_73 = arith.addi %mul3A_71, %add3A_72 : i32
      %dma_start3A_74 = arith.constant 0 : i32
      %dma_start3A_75 = tpu.memref_slice %arg8[%add3A_73, %dma_start3A_74] : memref<80x128xi32, #tpu.memory_space<vmem>> -> memref<1x128xi32, #tpu.memory_space<vmem>>
      %dma_start3A_76 = tpu.memref_squeeze %dma_start3A_75 : memref<1x128xi32, #tpu.memory_space<vmem>> -> memref<128xi32, #tpu.memory_space<vmem>>
      %dma_start3A_77 = arith.constant 0 : i32
      %dma_start3A_78 = tpu.memref_slice %arg11[%dma_start3A_77] : memref<10240xf32, #tpu.memory_space<vmem_shared>> -> memref<10240xf32, #tpu.memory_space<vmem_shared>>
      tpu.enqueue_indirect_dma source(%arg9 : memref<128xf32, #tpu.memory_space<vmem>>) target(%dma_start3A_78 : memref<10240xf32, #tpu.memory_space<vmem_shared>>) offsets(%dma_start3A_76 : memref<128xi32, #tpu.memory_space<vmem>>) semaphore(%arg10 : memref<!tpu.dma_semaphore, #tpu.memory_space<semaphore_mem>>) {add = true}
      %mul3A_79 = arith.constant 16 : i32
      %mul3A_80 = arith.muli %scan3A_25, %mul3A_79 : i32
      %add3A_81 = arith.constant 6 : i32
      %add3A_82 = arith.addi %mul3A_80, %add3A_81 : i32
      %dma_start3A_83 = arith.constant 0 : i32
      %dma_start3A_84 = tpu.memref_slice %arg8[%add3A_82, %dma_start3A_83] : memref<80x128xi32, #tpu.memory_space<vmem>> -> memref<1x128xi32, #tpu.memory_space<vmem>>
      %dma_start3A_85 = tpu.memref_squeeze %dma_start3A_84 : memref<1x128xi32, #tpu.memory_space<vmem>> -> memref<128xi32, #tpu.memory_space<vmem>>
      %dma_start3A_86 = arith.constant 0 : i32
      %dma_start3A_87 = tpu.memref_slice %arg11[%dma_start3A_86] : memref<10240xf32, #tpu.memory_space<vmem_shared>> -> memref<10240xf32, #tpu.memory_space<vmem_shared>>
      tpu.enqueue_indirect_dma source(%arg9 : memref<128xf32, #tpu.memory_space<vmem>>) target(%dma_start3A_87 : memref<10240xf32, #tpu.memory_space<vmem_shared>>) offsets(%dma_start3A_85 : memref<128xi32, #tpu.memory_space<vmem>>) semaphore(%arg10 : memref<!tpu.dma_semaphore, #tpu.memory_space<semaphore_mem>>) {add = true}
      %mul3A_88 = arith.constant 16 : i32
      %mul3A_89 = arith.muli %scan3A_25, %mul3A_88 : i32
      %add3A_90 = arith.constant 7 : i32
      %add3A_91 = arith.addi %mul3A_89, %add3A_90 : i32
      %dma_start3A_92 = arith.constant 0 : i32
      %dma_start3A_93 = tpu.memref_slice %arg8[%add3A_91, %dma_start3A_92] : memref<80x128xi32, #tpu.memory_space<vmem>> -> memref<1x128xi32, #tpu.memory_space<vmem>>
      %dma_start3A_94 = tpu.memref_squeeze %dma_start3A_93 : memref<1x128xi32, #tpu.memory_space<vmem>> -> memref<128xi32, #tpu.memory_space<vmem>>
      %dma_start3A_95 = arith.constant 0 : i32
      %dma_start3A_96 = tpu.memref_slice %arg11[%dma_start3A_95] : memref<10240xf32, #tpu.memory_space<vmem_shared>> -> memref<10240xf32, #tpu.memory_space<vmem_shared>>
      tpu.enqueue_indirect_dma source(%arg9 : memref<128xf32, #tpu.memory_space<vmem>>) target(%dma_start3A_96 : memref<10240xf32, #tpu.memory_space<vmem_shared>>) offsets(%dma_start3A_94 : memref<128xi32, #tpu.memory_space<vmem>>) semaphore(%arg10 : memref<!tpu.dma_semaphore, #tpu.memory_space<semaphore_mem>>) {add = true}
      %mul3A_97 = arith.constant 16 : i32
      %mul3A_98 = arith.muli %scan3A_25, %mul3A_97 : i32
      %add3A_99 = arith.constant 8 : i32
      %add3A_100 = arith.addi %mul3A_98, %add3A_99 : i32
      %dma_start3A_101 = arith.constant 0 : i32
      %dma_start3A_102 = tpu.memref_slice %arg8[%add3A_100, %dma_start3A_101] : memref<80x128xi32, #tpu.memory_space<vmem>> -> memref<1x128xi32, #tpu.memory_space<vmem>>
      %dma_start3A_103 = tpu.memref_squeeze %dma_start3A_102 : memref<1x128xi32, #tpu.memory_space<vmem>> -> memref<128xi32, #tpu.memory_space<vmem>>
      %dma_start3A_104 = arith.constant 0 : i32
      %dma_start3A_105 = tpu.memref_slice %arg11[%dma_start3A_104] : memref<10240xf32, #tpu.memory_space<vmem_shared>> -> memref<10240xf32, #tpu.memory_space<vmem_shared>>
      tpu.enqueue_indirect_dma source(%arg9 : memref<128xf32, #tpu.memory_space<vmem>>) target(%dma_start3A_105 : memref<10240xf32, #tpu.memory_space<vmem_shared>>) offsets(%dma_start3A_103 : memref<128xi32, #tpu.memory_space<vmem>>) semaphore(%arg10 : memref<!tpu.dma_semaphore, #tpu.memory_space<semaphore_mem>>) {add = true}
      %mul3A_106 = arith.constant 16 : i32
      %mul3A_107 = arith.muli %scan3A_25, %mul3A_106 : i32
      %add3A_108 = arith.constant 9 : i32
      %add3A_109 = arith.addi %mul3A_107, %add3A_108 : i32
      %dma_start3A_110 = arith.constant 0 : i32
      %dma_start3A_111 = tpu.memref_slice %arg8[%add3A_109, %dma_start3A_110] : memref<80x128xi32, #tpu.memory_space<vmem>> -> memref<1x128xi32, #tpu.memory_space<vmem>>
      %dma_start3A_112 = tpu.memref_squeeze %dma_start3A_111 : memref<1x128xi32, #tpu.memory_space<vmem>> -> memref<128xi32, #tpu.memory_space<vmem>>
      %dma_start3A_113 = arith.constant 0 : i32
      %dma_start3A_114 = tpu.memref_slice %arg11[%dma_start3A_113] : memref<10240xf32, #tpu.memory_space<vmem_shared>> -> memref<10240xf32, #tpu.memory_space<vmem_shared>>
      tpu.enqueue_indirect_dma source(%arg9 : memref<128xf32, #tpu.memory_space<vmem>>) target(%dma_start3A_114 : memref<10240xf32, #tpu.memory_space<vmem_shared>>) offsets(%dma_start3A_112 : memref<128xi32, #tpu.memory_space<vmem>>) semaphore(%arg10 : memref<!tpu.dma_semaphore, #tpu.memory_space<semaphore_mem>>) {add = true}
      %mul3A_115 = arith.constant 16 : i32
      %mul3A_116 = arith.muli %scan3A_25, %mul3A_115 : i32
      %add3A_117 = arith.constant 10 : i32
      %add3A_118 = arith.addi %mul3A_116, %add3A_117 : i32
      %dma_start3A_119 = arith.constant 0 : i32
      %dma_start3A_120 = tpu.memref_slice %arg8[%add3A_118, %dma_start3A_119] : memref<80x128xi32, #tpu.memory_space<vmem>> -> memref<1x128xi32, #tpu.memory_space<vmem>>
      %dma_start3A_121 = tpu.memref_squeeze %dma_start3A_120 : memref<1x128xi32, #tpu.memory_space<vmem>> -> memref<128xi32, #tpu.memory_space<vmem>>
      %dma_start3A_122 = arith.constant 0 : i32
      %dma_start3A_123 = tpu.memref_slice %arg11[%dma_start3A_122] : memref<10240xf32, #tpu.memory_space<vmem_shared>> -> memref<10240xf32, #tpu.memory_space<vmem_shared>>
      tpu.enqueue_indirect_dma source(%arg9 : memref<128xf32, #tpu.memory_space<vmem>>) target(%dma_start3A_123 : memref<10240xf32, #tpu.memory_space<vmem_shared>>) offsets(%dma_start3A_121 : memref<128xi32, #tpu.memory_space<vmem>>) semaphore(%arg10 : memref<!tpu.dma_semaphore, #tpu.memory_space<semaphore_mem>>) {add = true}
      %mul3A_124 = arith.constant 16 : i32
      %mul3A_125 = arith.muli %scan3A_25, %mul3A_124 : i32
      %add3A_126 = arith.constant 11 : i32
      %add3A_127 = arith.addi %mul3A_125, %add3A_126 : i32
      %dma_start3A_128 = arith.constant 0 : i32
      %dma_start3A_129 = tpu.memref_slice %arg8[%add3A_127, %dma_start3A_128] : memref<80x128xi32, #tpu.memory_space<vmem>> -> memref<1x128xi32, #tpu.memory_space<vmem>>
      %dma_start3A_130 = tpu.memref_squeeze %dma_start3A_129 : memref<1x128xi32, #tpu.memory_space<vmem>> -> memref<128xi32, #tpu.memory_space<vmem>>
      %dma_start3A_131 = arith.constant 0 : i32
      %dma_start3A_132 = tpu.memref_slice %arg11[%dma_start3A_131] : memref<10240xf32, #tpu.memory_space<vmem_shared>> -> memref<10240xf32, #tpu.memory_space<vmem_shared>>
      tpu.enqueue_indirect_dma source(%arg9 : memref<128xf32, #tpu.memory_space<vmem>>) target(%dma_start3A_132 : memref<10240xf32, #tpu.memory_space<vmem_shared>>) offsets(%dma_start3A_130 : memref<128xi32, #tpu.memory_space<vmem>>) semaphore(%arg10 : memref<!tpu.dma_semaphore, #tpu.memory_space<semaphore_mem>>) {add = true}
      %mul3A_133 = arith.constant 16 : i32
      %mul3A_134 = arith.muli %scan3A_25, %mul3A_133 : i32
      %add3A_135 = arith.constant 12 : i32
      %add3A_136 = arith.addi %mul3A_134, %add3A_135 : i32
      %dma_start3A_137 = arith.constant 0 : i32
      %dma_start3A_138 = tpu.memref_slice %arg8[%add3A_136, %dma_start3A_137] : memref<80x128xi32, #tpu.memory_space<vmem>> -> memref<1x128xi32, #tpu.memory_space<vmem>>
      %dma_start3A_139 = tpu.memref_squeeze %dma_start3A_138 : memref<1x128xi32, #tpu.memory_space<vmem>> -> memref<128xi32, #tpu.memory_space<vmem>>
      %dma_start3A_140 = arith.constant 0 : i32
      %dma_start3A_141 = tpu.memref_slice %arg11[%dma_start3A_140] : memref<10240xf32, #tpu.memory_space<vmem_shared>> -> memref<10240xf32, #tpu.memory_space<vmem_shared>>
      tpu.enqueue_indirect_dma source(%arg9 : memref<128xf32, #tpu.memory_space<vmem>>) target(%dma_start3A_141 : memref<10240xf32, #tpu.memory_space<vmem_shared>>) offsets(%dma_start3A_139 : memref<128xi32, #tpu.memory_space<vmem>>) semaphore(%arg10 : memref<!tpu.dma_semaphore, #tpu.memory_space<semaphore_mem>>) {add = true}
      %mul3A_142 = arith.constant 16 : i32
      %mul3A_143 = arith.muli %scan3A_25, %mul3A_142 : i32
      %add3A_144 = arith.constant 13 : i32
      %add3A_145 = arith.addi %mul3A_143, %add3A_144 : i32
      %dma_start3A_146 = arith.constant 0 : i32
      %dma_start3A_147 = tpu.memref_slice %arg8[%add3A_145, %dma_start3A_146] : memref<80x128xi32, #tpu.memory_space<vmem>> -> memref<1x128xi32, #tpu.memory_space<vmem>>
      %dma_start3A_148 = tpu.memref_squeeze %dma_start3A_147 : memref<1x128xi32, #tpu.memory_space<vmem>> -> memref<128xi32, #tpu.memory_space<vmem>>
      %dma_start3A_149 = arith.constant 0 : i32
      %dma_start3A_150 = tpu.memref_slice %arg11[%dma_start3A_149] : memref<10240xf32, #tpu.memory_space<vmem_shared>> -> memref<10240xf32, #tpu.memory_space<vmem_shared>>
      tpu.enqueue_indirect_dma source(%arg9 : memref<128xf32, #tpu.memory_space<vmem>>) target(%dma_start3A_150 : memref<10240xf32, #tpu.memory_space<vmem_shared>>) offsets(%dma_start3A_148 : memref<128xi32, #tpu.memory_space<vmem>>) semaphore(%arg10 : memref<!tpu.dma_semaphore, #tpu.memory_space<semaphore_mem>>) {add = true}
      %mul3A_151 = arith.constant 16 : i32
      %mul3A_152 = arith.muli %scan3A_25, %mul3A_151 : i32
      %add3A_153 = arith.constant 14 : i32
      %add3A_154 = arith.addi %mul3A_152, %add3A_153 : i32
      %dma_start3A_155 = arith.constant 0 : i32
      %dma_start3A_156 = tpu.memref_slice %arg8[%add3A_154, %dma_start3A_155] : memref<80x128xi32, #tpu.memory_space<vmem>> -> memref<1x128xi32, #tpu.memory_space<vmem>>
      %dma_start3A_157 = tpu.memref_squeeze %dma_start3A_156 : memref<1x128xi32, #tpu.memory_space<vmem>> -> memref<128xi32, #tpu.memory_space<vmem>>
      %dma_start3A_158 = arith.constant 0 : i32
      %dma_start3A_159 = tpu.memref_slice %arg11[%dma_start3A_158] : memref<10240xf32, #tpu.memory_space<vmem_shared>> -> memref<10240xf32, #tpu.memory_space<vmem_shared>>
      tpu.enqueue_indirect_dma source(%arg9 : memref<128xf32, #tpu.memory_space<vmem>>) target(%dma_start3A_159 : memref<10240xf32, #tpu.memory_space<vmem_shared>>) offsets(%dma_start3A_157 : memref<128xi32, #tpu.memory_space<vmem>>) semaphore(%arg10 : memref<!tpu.dma_semaphore, #tpu.memory_space<semaphore_mem>>) {add = true}
      %mul3A_160 = arith.constant 16 : i32
      %mul3A_161 = arith.muli %scan3A_25, %mul3A_160 : i32
      %add3A_162 = arith.constant 15 : i32
      %add3A_163 = arith.addi %mul3A_161, %add3A_162 : i32
      %dma_start3A_164 = arith.constant 0 : i32
      %dma_start3A_165 = tpu.memref_slice %arg8[%add3A_163, %dma_start3A_164] : memref<80x128xi32, #tpu.memory_space<vmem>> -> memref<1x128xi32, #tpu.memory_space<vmem>>
      %dma_start3A_166 = tpu.memref_squeeze %dma_start3A_165 : memref<1x128xi32, #tpu.memory_space<vmem>> -> memref<128xi32, #tpu.memory_space<vmem>>
      %dma_start3A_167 = arith.constant 0 : i32
      %dma_start3A_168 = tpu.memref_slice %arg11[%dma_start3A_167] : memref<10240xf32, #tpu.memory_space<vmem_shared>> -> memref<10240xf32, #tpu.memory_space<vmem_shared>>
      tpu.enqueue_indirect_dma source(%arg9 : memref<128xf32, #tpu.memory_space<vmem>>) target(%dma_start3A_168 : memref<10240xf32, #tpu.memory_space<vmem_shared>>) offsets(%dma_start3A_166 : memref<128xi32, #tpu.memory_space<vmem>>) semaphore(%arg10 : memref<!tpu.dma_semaphore, #tpu.memory_space<semaphore_mem>>) {add = true}
      %mul3A_169 = arith.constant 16 : i32
      %mul3A_170 = arith.muli %scan3A_25, %mul3A_169 : i32
      %add3A_171 = arith.constant 0 : i32
      %add3A_172 = arith.addi %mul3A_170, %add3A_171 : i32
      %dma_wait3A = arith.constant 0 : i32
      %dma_wait3A_173 = tpu.memref_slice %arg8[%add3A_172, %dma_wait3A] : memref<80x128xi32, #tpu.memory_space<vmem>> -> memref<1x128xi32, #tpu.memory_space<vmem>>
      %dma_wait3A_174 = tpu.memref_squeeze %dma_wait3A_173 : memref<1x128xi32, #tpu.memory_space<vmem>> -> memref<128xi32, #tpu.memory_space<vmem>>
      %dma_wait3A_175 = arith.constant 0 : i32
      %dma_wait3A_176 = tpu.memref_slice %arg11[%dma_wait3A_175] : memref<10240xf32, #tpu.memory_space<vmem_shared>> -> memref<10240xf32, #tpu.memory_space<vmem_shared>>
      tpu.wait_indirect_dma semaphore(%arg10 : memref<!tpu.dma_semaphore, #tpu.memory_space<semaphore_mem>>) src(%arg9 : memref<128xf32, #tpu.memory_space<vmem>>) dst(%dma_wait3A_176 : memref<10240xf32, #tpu.memory_space<vmem_shared>>)
      %mul3A_177 = arith.constant 16 : i32
      %mul3A_178 = arith.muli %scan3A_25, %mul3A_177 : i32
      %add3A_179 = arith.constant 1 : i32
      %add3A_180 = arith.addi %mul3A_178, %add3A_179 : i32
      %dma_wait3A_181 = arith.constant 0 : i32
      %dma_wait3A_182 = tpu.memref_slice %arg8[%add3A_180, %dma_wait3A_181] : memref<80x128xi32, #tpu.memory_space<vmem>> -> memref<1x128xi32, #tpu.memory_space<vmem>>
      %dma_wait3A_183 = tpu.memref_squeeze %dma_wait3A_182 : memref<1x128xi32, #tpu.memory_space<vmem>> -> memref<128xi32, #tpu.memory_space<vmem>>
      %dma_wait3A_184 = arith.constant 0 : i32
      %dma_wait3A_185 = tpu.memref_slice %arg11[%dma_wait3A_184] : memref<10240xf32, #tpu.memory_space<vmem_shared>> -> memref<10240xf32, #tpu.memory_space<vmem_shared>>
      tpu.wait_indirect_dma semaphore(%arg10 : memref<!tpu.dma_semaphore, #tpu.memory_space<semaphore_mem>>) src(%arg9 : memref<128xf32, #tpu.memory_space<vmem>>) dst(%dma_wait3A_185 : memref<10240xf32, #tpu.memory_space<vmem_shared>>)
      %mul3A_186 = arith.constant 16 : i32
      %mul3A_187 = arith.muli %scan3A_25, %mul3A_186 : i32
      %add3A_188 = arith.constant 2 : i32
      %add3A_189 = arith.addi %mul3A_187, %add3A_188 : i32
      %dma_wait3A_190 = arith.constant 0 : i32
      %dma_wait3A_191 = tpu.memref_slice %arg8[%add3A_189, %dma_wait3A_190] : memref<80x128xi32, #tpu.memory_space<vmem>> -> memref<1x128xi32, #tpu.memory_space<vmem>>
      %dma_wait3A_192 = tpu.memref_squeeze %dma_wait3A_191 : memref<1x128xi32, #tpu.memory_space<vmem>> -> memref<128xi32, #tpu.memory_space<vmem>>
      %dma_wait3A_193 = arith.constant 0 : i32
      %dma_wait3A_194 = tpu.memref_slice %arg11[%dma_wait3A_193] : memref<10240xf32, #tpu.memory_space<vmem_shared>> -> memref<10240xf32, #tpu.memory_space<vmem_shared>>
      tpu.wait_indirect_dma semaphore(%arg10 : memref<!tpu.dma_semaphore, #tpu.memory_space<semaphore_mem>>) src(%arg9 : memref<128xf32, #tpu.memory_space<vmem>>) dst(%dma_wait3A_194 : memref<10240xf32, #tpu.memory_space<vmem_shared>>)
      %mul3A_195 = arith.constant 16 : i32
      %mul3A_196 = arith.muli %scan3A_25, %mul3A_195 : i32
      %add3A_197 = arith.constant 3 : i32
      %add3A_198 = arith.addi %mul3A_196, %add3A_197 : i32
      %dma_wait3A_199 = arith.constant 0 : i32
      %dma_wait3A_200 = tpu.memref_slice %arg8[%add3A_198, %dma_wait3A_199] : memref<80x128xi32, #tpu.memory_space<vmem>> -> memref<1x128xi32, #tpu.memory_space<vmem>>
      %dma_wait3A_201 = tpu.memref_squeeze %dma_wait3A_200 : memref<1x128xi32, #tpu.memory_space<vmem>> -> memref<128xi32, #tpu.memory_space<vmem>>
      %dma_wait3A_202 = arith.constant 0 : i32
      %dma_wait3A_203 = tpu.memref_slice %arg11[%dma_wait3A_202] : memref<10240xf32, #tpu.memory_space<vmem_shared>> -> memref<10240xf32, #tpu.memory_space<vmem_shared>>
      tpu.wait_indirect_dma semaphore(%arg10 : memref<!tpu.dma_semaphore, #tpu.memory_space<semaphore_mem>>) src(%arg9 : memref<128xf32, #tpu.memory_space<vmem>>) dst(%dma_wait3A_203 : memref<10240xf32, #tpu.memory_space<vmem_shared>>)
      %mul3A_204 = arith.constant 16 : i32
      %mul3A_205 = arith.muli %scan3A_25, %mul3A_204 : i32
      %add3A_206 = arith.constant 4 : i32
      %add3A_207 = arith.addi %mul3A_205, %add3A_206 : i32
      %dma_wait3A_208 = arith.constant 0 : i32
      %dma_wait3A_209 = tpu.memref_slice %arg8[%add3A_207, %dma_wait3A_208] : memref<80x128xi32, #tpu.memory_space<vmem>> -> memref<1x128xi32, #tpu.memory_space<vmem>>
      %dma_wait3A_210 = tpu.memref_squeeze %dma_wait3A_209 : memref<1x128xi32, #tpu.memory_space<vmem>> -> memref<128xi32, #tpu.memory_space<vmem>>
      %dma_wait3A_211 = arith.constant 0 : i32
      %dma_wait3A_212 = tpu.memref_slice %arg11[%dma_wait3A_211] : memref<10240xf32, #tpu.memory_space<vmem_shared>> -> memref<10240xf32, #tpu.memory_space<vmem_shared>>
      tpu.wait_indirect_dma semaphore(%arg10 : memref<!tpu.dma_semaphore, #tpu.memory_space<semaphore_mem>>) src(%arg9 : memref<128xf32, #tpu.memory_space<vmem>>) dst(%dma_wait3A_212 : memref<10240xf32, #tpu.memory_space<vmem_shared>>)
      %mul3A_213 = arith.constant 16 : i32
      %mul3A_214 = arith.muli %scan3A_25, %mul3A_213 : i32
      %add3A_215 = arith.constant 5 : i32
      %add3A_216 = arith.addi %mul3A_214, %add3A_215 : i32
      %dma_wait3A_217 = arith.constant 0 : i32
      %dma_wait3A_218 = tpu.memref_slice %arg8[%add3A_216, %dma_wait3A_217] : memref<80x128xi32, #tpu.memory_space<vmem>> -> memref<1x128xi32, #tpu.memory_space<vmem>>
      %dma_wait3A_219 = tpu.memref_squeeze %dma_wait3A_218 : memref<1x128xi32, #tpu.memory_space<vmem>> -> memref<128xi32, #tpu.memory_space<vmem>>
      %dma_wait3A_220 = arith.constant 0 : i32
      %dma_wait3A_221 = tpu.memref_slice %arg11[%dma_wait3A_220] : memref<10240xf32, #tpu.memory_space<vmem_shared>> -> memref<10240xf32, #tpu.memory_space<vmem_shared>>
      tpu.wait_indirect_dma semaphore(%arg10 : memref<!tpu.dma_semaphore, #tpu.memory_space<semaphore_mem>>) src(%arg9 : memref<128xf32, #tpu.memory_space<vmem>>) dst(%dma_wait3A_221 : memref<10240xf32, #tpu.memory_space<vmem_shared>>)
      %mul3A_222 = arith.constant 16 : i32
      %mul3A_223 = arith.muli %scan3A_25, %mul3A_222 : i32
      %add3A_224 = arith.constant 6 : i32
      %add3A_225 = arith.addi %mul3A_223, %add3A_224 : i32
      %dma_wait3A_226 = arith.constant 0 : i32
      %dma_wait3A_227 = tpu.memref_slice %arg8[%add3A_225, %dma_wait3A_226] : memref<80x128xi32, #tpu.memory_space<vmem>> -> memref<1x128xi32, #tpu.memory_space<vmem>>
      %dma_wait3A_228 = tpu.memref_squeeze %dma_wait3A_227 : memref<1x128xi32, #tpu.memory_space<vmem>> -> memref<128xi32, #tpu.memory_space<vmem>>
      %dma_wait3A_229 = arith.constant 0 : i32
      %dma_wait3A_230 = tpu.memref_slice %arg11[%dma_wait3A_229] : memref<10240xf32, #tpu.memory_space<vmem_shared>> -> memref<10240xf32, #tpu.memory_space<vmem_shared>>
      tpu.wait_indirect_dma semaphore(%arg10 : memref<!tpu.dma_semaphore, #tpu.memory_space<semaphore_mem>>) src(%arg9 : memref<128xf32, #tpu.memory_space<vmem>>) dst(%dma_wait3A_230 : memref<10240xf32, #tpu.memory_space<vmem_shared>>)
      %mul3A_231 = arith.constant 16 : i32
      %mul3A_232 = arith.muli %scan3A_25, %mul3A_231 : i32
      %add3A_233 = arith.constant 7 : i32
      %add3A_234 = arith.addi %mul3A_232, %add3A_233 : i32
      %dma_wait3A_235 = arith.constant 0 : i32
      %dma_wait3A_236 = tpu.memref_slice %arg8[%add3A_234, %dma_wait3A_235] : memref<80x128xi32, #tpu.memory_space<vmem>> -> memref<1x128xi32, #tpu.memory_space<vmem>>
      %dma_wait3A_237 = tpu.memref_squeeze %dma_wait3A_236 : memref<1x128xi32, #tpu.memory_space<vmem>> -> memref<128xi32, #tpu.memory_space<vmem>>
      %dma_wait3A_238 = arith.constant 0 : i32
      %dma_wait3A_239 = tpu.memref_slice %arg11[%dma_wait3A_238] : memref<10240xf32, #tpu.memory_space<vmem_shared>> -> memref<10240xf32, #tpu.memory_space<vmem_shared>>
      tpu.wait_indirect_dma semaphore(%arg10 : memref<!tpu.dma_semaphore, #tpu.memory_space<semaphore_mem>>) src(%arg9 : memref<128xf32, #tpu.memory_space<vmem>>) dst(%dma_wait3A_239 : memref<10240xf32, #tpu.memory_space<vmem_shared>>)
      %mul3A_240 = arith.constant 16 : i32
      %mul3A_241 = arith.muli %scan3A_25, %mul3A_240 : i32
      %add3A_242 = arith.constant 8 : i32
      %add3A_243 = arith.addi %mul3A_241, %add3A_242 : i32
      %dma_wait3A_244 = arith.constant 0 : i32
      %dma_wait3A_245 = tpu.memref_slice %arg8[%add3A_243, %dma_wait3A_244] : memref<80x128xi32, #tpu.memory_space<vmem>> -> memref<1x128xi32, #tpu.memory_space<vmem>>
      %dma_wait3A_246 = tpu.memref_squeeze %dma_wait3A_245 : memref<1x128xi32, #tpu.memory_space<vmem>> -> memref<128xi32, #tpu.memory_space<vmem>>
      %dma_wait3A_247 = arith.constant 0 : i32
      %dma_wait3A_248 = tpu.memref_slice %arg11[%dma_wait3A_247] : memref<10240xf32, #tpu.memory_space<vmem_shared>> -> memref<10240xf32, #tpu.memory_space<vmem_shared>>
      tpu.wait_indirect_dma semaphore(%arg10 : memref<!tpu.dma_semaphore, #tpu.memory_space<semaphore_mem>>) src(%arg9 : memref<128xf32, #tpu.memory_space<vmem>>) dst(%dma_wait3A_248 : memref<10240xf32, #tpu.memory_space<vmem_shared>>)
      %mul3A_249 = arith.constant 16 : i32
      %mul3A_250 = arith.muli %scan3A_25, %mul3A_249 : i32
      %add3A_251 = arith.constant 9 : i32
      %add3A_252 = arith.addi %mul3A_250, %add3A_251 : i32
      %dma_wait3A_253 = arith.constant 0 : i32
      %dma_wait3A_254 = tpu.memref_slice %arg8[%add3A_252, %dma_wait3A_253] : memref<80x128xi32, #tpu.memory_space<vmem>> -> memref<1x128xi32, #tpu.memory_space<vmem>>
      %dma_wait3A_255 = tpu.memref_squeeze %dma_wait3A_254 : memref<1x128xi32, #tpu.memory_space<vmem>> -> memref<128xi32, #tpu.memory_space<vmem>>
      %dma_wait3A_256 = arith.constant 0 : i32
      %dma_wait3A_257 = tpu.memref_slice %arg11[%dma_wait3A_256] : memref<10240xf32, #tpu.memory_space<vmem_shared>> -> memref<10240xf32, #tpu.memory_space<vmem_shared>>
      tpu.wait_indirect_dma semaphore(%arg10 : memref<!tpu.dma_semaphore, #tpu.memory_space<semaphore_mem>>) src(%arg9 : memref<128xf32, #tpu.memory_space<vmem>>) dst(%dma_wait3A_257 : memref<10240xf32, #tpu.memory_space<vmem_shared>>)
      %mul3A_258 = arith.constant 16 : i32
      %mul3A_259 = arith.muli %scan3A_25, %mul3A_258 : i32
      %add3A_260 = arith.constant 10 : i32
      %add3A_261 = arith.addi %mul3A_259, %add3A_260 : i32
      %dma_wait3A_262 = arith.constant 0 : i32
      %dma_wait3A_263 = tpu.memref_slice %arg8[%add3A_261, %dma_wait3A_262] : memref<80x128xi32, #tpu.memory_space<vmem>> -> memref<1x128xi32, #tpu.memory_space<vmem>>
      %dma_wait3A_264 = tpu.memref_squeeze %dma_wait3A_263 : memref<1x128xi32, #tpu.memory_space<vmem>> -> memref<128xi32, #tpu.memory_space<vmem>>
      %dma_wait3A_265 = arith.constant 0 : i32
      %dma_wait3A_266 = tpu.memref_slice %arg11[%dma_wait3A_265] : memref<10240xf32, #tpu.memory_space<vmem_shared>> -> memref<10240xf32, #tpu.memory_space<vmem_shared>>
      tpu.wait_indirect_dma semaphore(%arg10 : memref<!tpu.dma_semaphore, #tpu.memory_space<semaphore_mem>>) src(%arg9 : memref<128xf32, #tpu.memory_space<vmem>>) dst(%dma_wait3A_266 : memref<10240xf32, #tpu.memory_space<vmem_shared>>)
      %mul3A_267 = arith.constant 16 : i32
      %mul3A_268 = arith.muli %scan3A_25, %mul3A_267 : i32
      %add3A_269 = arith.constant 11 : i32
      %add3A_270 = arith.addi %mul3A_268, %add3A_269 : i32
      %dma_wait3A_271 = arith.constant 0 : i32
      %dma_wait3A_272 = tpu.memref_slice %arg8[%add3A_270, %dma_wait3A_271] : memref<80x128xi32, #tpu.memory_space<vmem>> -> memref<1x128xi32, #tpu.memory_space<vmem>>
      %dma_wait3A_273 = tpu.memref_squeeze %dma_wait3A_272 : memref<1x128xi32, #tpu.memory_space<vmem>> -> memref<128xi32, #tpu.memory_space<vmem>>
      %dma_wait3A_274 = arith.constant 0 : i32
      %dma_wait3A_275 = tpu.memref_slice %arg11[%dma_wait3A_274] : memref<10240xf32, #tpu.memory_space<vmem_shared>> -> memref<10240xf32, #tpu.memory_space<vmem_shared>>
      tpu.wait_indirect_dma semaphore(%arg10 : memref<!tpu.dma_semaphore, #tpu.memory_space<semaphore_mem>>) src(%arg9 : memref<128xf32, #tpu.memory_space<vmem>>) dst(%dma_wait3A_275 : memref<10240xf32, #tpu.memory_space<vmem_shared>>)
      %mul3A_276 = arith.constant 16 : i32
      %mul3A_277 = arith.muli %scan3A_25, %mul3A_276 : i32
      %add3A_278 = arith.constant 12 : i32
      %add3A_279 = arith.addi %mul3A_277, %add3A_278 : i32
      %dma_wait3A_280 = arith.constant 0 : i32
      %dma_wait3A_281 = tpu.memref_slice %arg8[%add3A_279, %dma_wait3A_280] : memref<80x128xi32, #tpu.memory_space<vmem>> -> memref<1x128xi32, #tpu.memory_space<vmem>>
      %dma_wait3A_282 = tpu.memref_squeeze %dma_wait3A_281 : memref<1x128xi32, #tpu.memory_space<vmem>> -> memref<128xi32, #tpu.memory_space<vmem>>
      %dma_wait3A_283 = arith.constant 0 : i32
      %dma_wait3A_284 = tpu.memref_slice %arg11[%dma_wait3A_283] : memref<10240xf32, #tpu.memory_space<vmem_shared>> -> memref<10240xf32, #tpu.memory_space<vmem_shared>>
      tpu.wait_indirect_dma semaphore(%arg10 : memref<!tpu.dma_semaphore, #tpu.memory_space<semaphore_mem>>) src(%arg9 : memref<128xf32, #tpu.memory_space<vmem>>) dst(%dma_wait3A_284 : memref<10240xf32, #tpu.memory_space<vmem_shared>>)
      %mul3A_285 = arith.constant 16 : i32
      %mul3A_286 = arith.muli %scan3A_25, %mul3A_285 : i32
      %add3A_287 = arith.constant 13 : i32
      %add3A_288 = arith.addi %mul3A_286, %add3A_287 : i32
      %dma_wait3A_289 = arith.constant 0 : i32
      %dma_wait3A_290 = tpu.memref_slice %arg8[%add3A_288, %dma_wait3A_289] : memref<80x128xi32, #tpu.memory_space<vmem>> -> memref<1x128xi32, #tpu.memory_space<vmem>>
      %dma_wait3A_291 = tpu.memref_squeeze %dma_wait3A_290 : memref<1x128xi32, #tpu.memory_space<vmem>> -> memref<128xi32, #tpu.memory_space<vmem>>
      %dma_wait3A_292 = arith.constant 0 : i32
      %dma_wait3A_293 = tpu.memref_slice %arg11[%dma_wait3A_292] : memref<10240xf32, #tpu.memory_space<vmem_shared>> -> memref<10240xf32, #tpu.memory_space<vmem_shared>>
      tpu.wait_indirect_dma semaphore(%arg10 : memref<!tpu.dma_semaphore, #tpu.memory_space<semaphore_mem>>) src(%arg9 : memref<128xf32, #tpu.memory_space<vmem>>) dst(%dma_wait3A_293 : memref<10240xf32, #tpu.memory_space<vmem_shared>>)
      %mul3A_294 = arith.constant 16 : i32
      %mul3A_295 = arith.muli %scan3A_25, %mul3A_294 : i32
      %add3A_296 = arith.constant 14 : i32
      %add3A_297 = arith.addi %mul3A_295, %add3A_296 : i32
      %dma_wait3A_298 = arith.constant 0 : i32
      %dma_wait3A_299 = tpu.memref_slice %arg8[%add3A_297, %dma_wait3A_298] : memref<80x128xi32, #tpu.memory_space<vmem>> -> memref<1x128xi32, #tpu.memory_space<vmem>>
      %dma_wait3A_300 = tpu.memref_squeeze %dma_wait3A_299 : memref<1x128xi32, #tpu.memory_space<vmem>> -> memref<128xi32, #tpu.memory_space<vmem>>
      %dma_wait3A_301 = arith.constant 0 : i32
      %dma_wait3A_302 = tpu.memref_slice %arg11[%dma_wait3A_301] : memref<10240xf32, #tpu.memory_space<vmem_shared>> -> memref<10240xf32, #tpu.memory_space<vmem_shared>>
      tpu.wait_indirect_dma semaphore(%arg10 : memref<!tpu.dma_semaphore, #tpu.memory_space<semaphore_mem>>) src(%arg9 : memref<128xf32, #tpu.memory_space<vmem>>) dst(%dma_wait3A_302 : memref<10240xf32, #tpu.memory_space<vmem_shared>>)
      %mul3A_303 = arith.constant 16 : i32
      %mul3A_304 = arith.muli %scan3A_25, %mul3A_303 : i32
      %add3A_305 = arith.constant 15 : i32
      %add3A_306 = arith.addi %mul3A_304, %add3A_305 : i32
      %dma_wait3A_307 = arith.constant 0 : i32
      %dma_wait3A_308 = tpu.memref_slice %arg8[%add3A_306, %dma_wait3A_307] : memref<80x128xi32, #tpu.memory_space<vmem>> -> memref<1x128xi32, #tpu.memory_space<vmem>>
      %dma_wait3A_309 = tpu.memref_squeeze %dma_wait3A_308 : memref<1x128xi32, #tpu.memory_space<vmem>> -> memref<128xi32, #tpu.memory_space<vmem>>
      %dma_wait3A_310 = arith.constant 0 : i32
      %dma_wait3A_311 = tpu.memref_slice %arg11[%dma_wait3A_310] : memref<10240xf32, #tpu.memory_space<vmem_shared>> -> memref<10240xf32, #tpu.memory_space<vmem_shared>>
      tpu.wait_indirect_dma semaphore(%arg10 : memref<!tpu.dma_semaphore, #tpu.memory_space<semaphore_mem>>) src(%arg9 : memref<128xf32, #tpu.memory_space<vmem>>) dst(%dma_wait3A_311 : memref<10240xf32, #tpu.memory_space<vmem_shared>>)
    }
    %scan3A_13 = arith.constant 5 : i32
    %barrier3A_14 = arith.constant 0 : index
    tpu.barrier barrier_id(%barrier3A_14)
    %eq3A_15 = arith.constant 0 : i32
    %eq3A_16 = arith.cmpi eq, %arg0, %eq3A_15 : i32
    %convert_element_type3A_17 = arith.extui %eq3A_16 : i1 to i32
    %cond3A_18 = arith.constant 0 : i32
    %cond3A_19 = arith.cmpi ne, %convert_element_type3A_17, %cond3A_18 : i32
    scf.if %cond3A_19 {
      %mul3A_25 = arith.constant 640 : i32
      %mul3A_26 = arith.muli %arg1, %mul3A_25 : i32
      %mul3A_27 = arith.constant 640 : i32
      %mul3A_28 = arith.muli %arg1, %mul3A_27 : i32
      "tpu.region"() ({
        %run_scoped3A = tpu.sem_alloc : memref<!tpu.dma_semaphore, #tpu.memory_space<semaphore_mem>>
        %dma_start3A = tpu.memref_slice %arg6[%mul3A_28] : memref<10240xf32, #tpu.memory_space<hbm>> -> memref<640xf32, #tpu.memory_space<hbm>>
        %dma_start3A_29 = tpu.memref_slice %arg11[%mul3A_26] : memref<10240xf32, #tpu.memory_space<vmem_shared>> -> memref<640xf32, #tpu.memory_space<vmem_shared>>
        tpu.enqueue_dma source(%dma_start3A_29 : memref<640xf32, #tpu.memory_space<vmem_shared>>) target(%dma_start3A : memref<640xf32, #tpu.memory_space<hbm>>) target_semaphore(%run_scoped3A : memref<!tpu.dma_semaphore, #tpu.memory_space<semaphore_mem>>)
        %dma_wait3A = tpu.memref_slice %arg6[%mul3A_28] : memref<10240xf32, #tpu.memory_space<hbm>> -> memref<640xf32, #tpu.memory_space<hbm>>
        %dma_wait3A_30 = tpu.memref_slice %arg11[%mul3A_26] : memref<10240xf32, #tpu.memory_space<vmem_shared>> -> memref<640xf32, #tpu.memory_space<vmem_shared>>
        tpu.wait_dma2 semaphore(%run_scoped3A : memref<!tpu.dma_semaphore, #tpu.memory_space<semaphore_mem>>) src(%dma_wait3A_30 : memref<640xf32, #tpu.memory_space<vmem_shared>>) dst(%dma_wait3A : memref<640xf32, #tpu.memory_space<hbm>>)
        tpu.yield
      }) : () -> ()
    } else {
    }
    %eq3A_20 = arith.constant 1 : i32
    %eq3A_21 = arith.cmpi eq, %arg0, %eq3A_20 : i32
    %convert_element_type3A_22 = arith.extui %eq3A_21 : i1 to i32
    %cond3A_23 = arith.constant 0 : i32
    %cond3A_24 = arith.cmpi ne, %convert_element_type3A_22, %cond3A_23 : i32
    scf.if %cond3A_24 {
      %mul3A_25 = arith.constant 640 : i32
      %mul3A_26 = arith.muli %arg1, %mul3A_25 : i32
      %mul3A_27 = arith.constant 640 : i32
      %mul3A_28 = arith.muli %arg1, %mul3A_27 : i32
      "tpu.region"() ({
        %run_scoped3A = tpu.sem_alloc : memref<!tpu.dma_semaphore, #tpu.memory_space<semaphore_mem>>
        %dma_start3A = tpu.memref_slice %arg7[%mul3A_28] : memref<10240xf32, #tpu.memory_space<hbm>> -> memref<640xf32, #tpu.memory_space<hbm>>
        %dma_start3A_29 = tpu.memref_slice %arg11[%mul3A_26] : memref<10240xf32, #tpu.memory_space<vmem_shared>> -> memref<640xf32, #tpu.memory_space<vmem_shared>>
        tpu.enqueue_dma source(%dma_start3A_29 : memref<640xf32, #tpu.memory_space<vmem_shared>>) target(%dma_start3A : memref<640xf32, #tpu.memory_space<hbm>>) target_semaphore(%run_scoped3A : memref<!tpu.dma_semaphore, #tpu.memory_space<semaphore_mem>>)
        %dma_wait3A = tpu.memref_slice %arg7[%mul3A_28] : memref<10240xf32, #tpu.memory_space<hbm>> -> memref<640xf32, #tpu.memory_space<hbm>>
        %dma_wait3A_30 = tpu.memref_slice %arg11[%mul3A_26] : memref<10240xf32, #tpu.memory_space<vmem_shared>> -> memref<640xf32, #tpu.memory_space<vmem_shared>>
        tpu.wait_dma2 semaphore(%run_scoped3A : memref<!tpu.dma_semaphore, #tpu.memory_space<semaphore_mem>>) src(%dma_wait3A_30 : memref<640xf32, #tpu.memory_space<vmem_shared>>) dst(%dma_wait3A : memref<640xf32, #tpu.memory_space<hbm>>)
        tpu.yield
      }) : () -> ()
    } else {
    }
    return
  }
}

#map = affine_map<(d0, d1) -> (0, 0)>
#map1 = affine_map<(d0, d1) -> (0, 0, 0)>
#map2 = affine_map<(d0, d1) -> (0)>
module attributes {stable_mosaic.version = 14 : i64} {
  func.func @_scatter_body(%arg0: i32, %arg1: i32, %arg2: memref<10240x128xf32, #tpu.memory_space<hbm>>, %arg3: memref<2x2500x128xi32, #tpu.memory_space<hbm>>, %arg4: memref<2x64x128xi32, #tpu.memory_space<hbm>>, %arg5: memref<10240xf32, #tpu.memory_space<hbm>>, %arg6: memref<640xf32, #tpu.memory_space<hbm>>, %arg7: memref<2x10240x128xf32, #tpu.memory_space<hbm>>, %arg8: memref<10240xf32, #tpu.memory_space<hbm>>, %arg9: memref<10240xf32, #tpu.memory_space<hbm>>, %arg10: memref<40x128xi32, #tpu.memory_space<vmem>>, %arg11: memref<40x128xi32, #tpu.memory_space<vmem>>, %arg12: memref<128x128xf32, #tpu.memory_space<vmem>>, %arg13: memref<128x128xf32, #tpu.memory_space<vmem>>, %arg14: memref<!tpu.dma_semaphore, #tpu.memory_space<semaphore_mem>>, %arg15: memref<!tpu.dma_semaphore, #tpu.memory_space<semaphore_mem>>, %arg16: memref<128xf32, #tpu.memory_space<vmem>>, %arg17: memref<128xf32, #tpu.memory_space<vmem>>, %arg18: memref<!tpu.dma_semaphore, #tpu.memory_space<semaphore_mem>>, %arg19: memref<!tpu.dma_semaphore, #tpu.memory_space<semaphore_mem>>, %arg20: memref<!tpu.dma_semaphore, #tpu.memory_space<semaphore_mem>>, %arg21: memref<10240x128xf32, #tpu.memory_space<vmem_shared>>, %arg22: memref<10240xf32, #tpu.memory_space<vmem_shared>>) attributes {dimension_semantics = [#tpu.dimension_semantics<core_parallel>, #tpu.dimension_semantics<subcore_parallel>], iteration_bounds = array<i64: 2, 16>, scalar_prefetch = 0 : i64, scratch_operands = 13 : i64, tpu.core_type = #tpu.core_type<sc_vector_subcore>, window_params = [{transform_indices = #map}, {transform_indices = #map1}, {transform_indices = #map1}, {transform_indices = #map2}, {transform_indices = #map2}, {transform_indices = #map1}, {transform_indices = #map2}, {transform_indices = #map2}]} {
    %mul3A = arith.constant 16 : i32
    %mul3A_0 = arith.muli %arg0, %mul3A : i32
    %add3A = arith.addi %mul3A_0, %arg1 : i32
    %scan3A = arith.constant 0 : i32
    %scan3A_1 = arith.constant 0 : i32
    %scan3A_2 = arith.constant 128 : i32
    %scan3A_3 = arith.addi %scan3A_1, %scan3A_2 : i32
    %scan3A_4 = arith.constant 1 : i32
    scf.for %scan3A_154 = %scan3A_1 to %scan3A_3 step %scan3A_4  : i32 {
      %broadcast_in_dim3A = arith.constant 0.000000e+00 : f32
      %broadcast_in_dim3A_155 = vector.broadcast %broadcast_in_dim3A : f32 to vector<16xf32>
      %swap3A = arith.index_cast %scan3A_154 : i32 to index
      %swap3A_156 = arith.constant 0 : index
      %swap3A_157 = tpu.vector_load %arg13[%swap3A, %swap3A_156] {strides = array<i32>} : memref<128x128xf32, #tpu.memory_space<vmem>>, vector<16xf32>,
      tpu.vector_store %arg13[%swap3A, %swap3A_156], %broadcast_in_dim3A_155 {strides = array<i32>} : memref<128x128xf32, #tpu.memory_space<vmem>>, vector<16xf32>,
      %broadcast_in_dim3A_158 = arith.constant 0.000000e+00 : f32
      %broadcast_in_dim3A_159 = vector.broadcast %broadcast_in_dim3A_158 : f32 to vector<16xf32>
      %swap3A_160 = arith.index_cast %scan3A_154 : i32 to index
      %swap3A_161 = arith.constant 16 : index
      %swap3A_162 = tpu.vector_load %arg13[%swap3A_160, %swap3A_161] {strides = array<i32>} : memref<128x128xf32, #tpu.memory_space<vmem>>, vector<16xf32>,
      tpu.vector_store %arg13[%swap3A_160, %swap3A_161], %broadcast_in_dim3A_159 {strides = array<i32>} : memref<128x128xf32, #tpu.memory_space<vmem>>, vector<16xf32>,
      %broadcast_in_dim3A_163 = arith.constant 0.000000e+00 : f32
      %broadcast_in_dim3A_164 = vector.broadcast %broadcast_in_dim3A_163 : f32 to vector<16xf32>
      %swap3A_165 = arith.index_cast %scan3A_154 : i32 to index
      %swap3A_166 = arith.constant 32 : index
      %swap3A_167 = tpu.vector_load %arg13[%swap3A_165, %swap3A_166] {strides = array<i32>} : memref<128x128xf32, #tpu.memory_space<vmem>>, vector<16xf32>,
      tpu.vector_store %arg13[%swap3A_165, %swap3A_166], %broadcast_in_dim3A_164 {strides = array<i32>} : memref<128x128xf32, #tpu.memory_space<vmem>>, vector<16xf32>,
      %broadcast_in_dim3A_168 = arith.constant 0.000000e+00 : f32
      %broadcast_in_dim3A_169 = vector.broadcast %broadcast_in_dim3A_168 : f32 to vector<16xf32>
      %swap3A_170 = arith.index_cast %scan3A_154 : i32 to index
      %swap3A_171 = arith.constant 48 : index
      %swap3A_172 = tpu.vector_load %arg13[%swap3A_170, %swap3A_171] {strides = array<i32>} : memref<128x128xf32, #tpu.memory_space<vmem>>, vector<16xf32>,
      tpu.vector_store %arg13[%swap3A_170, %swap3A_171], %broadcast_in_dim3A_169 {strides = array<i32>} : memref<128x128xf32, #tpu.memory_space<vmem>>, vector<16xf32>,
      %broadcast_in_dim3A_173 = arith.constant 0.000000e+00 : f32
      %broadcast_in_dim3A_174 = vector.broadcast %broadcast_in_dim3A_173 : f32 to vector<16xf32>
      %swap3A_175 = arith.index_cast %scan3A_154 : i32 to index
      %swap3A_176 = arith.constant 64 : index
      %swap3A_177 = tpu.vector_load %arg13[%swap3A_175, %swap3A_176] {strides = array<i32>} : memref<128x128xf32, #tpu.memory_space<vmem>>, vector<16xf32>,
      tpu.vector_store %arg13[%swap3A_175, %swap3A_176], %broadcast_in_dim3A_174 {strides = array<i32>} : memref<128x128xf32, #tpu.memory_space<vmem>>, vector<16xf32>,
      %broadcast_in_dim3A_178 = arith.constant 0.000000e+00 : f32
      %broadcast_in_dim3A_179 = vector.broadcast %broadcast_in_dim3A_178 : f32 to vector<16xf32>
      %swap3A_180 = arith.index_cast %scan3A_154 : i32 to index
      %swap3A_181 = arith.constant 80 : index
      %swap3A_182 = tpu.vector_load %arg13[%swap3A_180, %swap3A_181] {strides = array<i32>} : memref<128x128xf32, #tpu.memory_space<vmem>>, vector<16xf32>,
      tpu.vector_store %arg13[%swap3A_180, %swap3A_181], %broadcast_in_dim3A_179 {strides = array<i32>} : memref<128x128xf32, #tpu.memory_space<vmem>>, vector<16xf32>,
      %broadcast_in_dim3A_183 = arith.constant 0.000000e+00 : f32
      %broadcast_in_dim3A_184 = vector.broadcast %broadcast_in_dim3A_183 : f32 to vector<16xf32>
      %swap3A_185 = arith.index_cast %scan3A_154 : i32 to index
      %swap3A_186 = arith.constant 96 : index
      %swap3A_187 = tpu.vector_load %arg13[%swap3A_185, %swap3A_186] {strides = array<i32>} : memref<128x128xf32, #tpu.memory_space<vmem>>, vector<16xf32>,
      tpu.vector_store %arg13[%swap3A_185, %swap3A_186], %broadcast_in_dim3A_184 {strides = array<i32>} : memref<128x128xf32, #tpu.memory_space<vmem>>, vector<16xf32>,
      %broadcast_in_dim3A_188 = arith.constant 0.000000e+00 : f32
      %broadcast_in_dim3A_189 = vector.broadcast %broadcast_in_dim3A_188 : f32 to vector<16xf32>
      %swap3A_190 = arith.index_cast %scan3A_154 : i32 to index
      %swap3A_191 = arith.constant 112 : index
      %swap3A_192 = tpu.vector_load %arg13[%swap3A_190, %swap3A_191] {strides = array<i32>} : memref<128x128xf32, #tpu.memory_space<vmem>>, vector<16xf32>,
      tpu.vector_store %arg13[%swap3A_190, %swap3A_191], %broadcast_in_dim3A_189 {strides = array<i32>} : memref<128x128xf32, #tpu.memory_space<vmem>>, vector<16xf32>,
    }
    %scan3A_5 = arith.constant 128 : i32
    %mul3A_6 = arith.constant 640 : i32
    %mul3A_7 = arith.muli %arg1, %mul3A_6 : i32
    %add3A_8 = arith.constant 0 : i32
    %add3A_9 = arith.addi %mul3A_7, %add3A_8 : i32
    %dma_start3A = arith.constant 0 : i32
    %dma_start3A_10 = tpu.memref_slice %arg21[%add3A_9, %dma_start3A] : memref<10240x128xf32, #tpu.memory_space<vmem_shared>> -> memref<128x128xf32, #tpu.memory_space<vmem_shared>>
    %dma_start3A_11 = arith.constant 0 : i32
    %dma_start3A_12 = tpu.memref_slice %arg21[%add3A_9, %dma_start3A_11] : memref<10240x128xf32, #tpu.memory_space<vmem_shared>> -> memref<128x128xf32, #tpu.memory_space<vmem_shared>>
    tpu.enqueue_dma source(%arg13 : memref<128x128xf32, #tpu.memory_space<vmem>>) target(%dma_start3A_12 : memref<128x128xf32, #tpu.memory_space<vmem_shared>>) target_semaphore(%arg15 : memref<!tpu.dma_semaphore, #tpu.memory_space<semaphore_mem>>)
    %mul3A_13 = arith.constant 640 : i32
    %mul3A_14 = arith.muli %arg1, %mul3A_13 : i32
    %add3A_15 = arith.constant 128 : i32
    %add3A_16 = arith.addi %mul3A_14, %add3A_15 : i32
    %dma_start3A_17 = arith.constant 0 : i32
    %dma_start3A_18 = tpu.memref_slice %arg21[%add3A_16, %dma_start3A_17] : memref<10240x128xf32, #tpu.memory_space<vmem_shared>> -> memref<128x128xf32, #tpu.memory_space<vmem_shared>>
    %dma_start3A_19 = arith.constant 0 : i32
    %dma_start3A_20 = tpu.memref_slice %arg21[%add3A_16, %dma_start3A_19] : memref<10240x128xf32, #tpu.memory_space<vmem_shared>> -> memref<128x128xf32, #tpu.memory_space<vmem_shared>>
    tpu.enqueue_dma source(%arg13 : memref<128x128xf32, #tpu.memory_space<vmem>>) target(%dma_start3A_20 : memref<128x128xf32, #tpu.memory_space<vmem_shared>>) target_semaphore(%arg15 : memref<!tpu.dma_semaphore, #tpu.memory_space<semaphore_mem>>)
    %mul3A_21 = arith.constant 640 : i32
    %mul3A_22 = arith.muli %arg1, %mul3A_21 : i32
    %add3A_23 = arith.constant 256 : i32
    %add3A_24 = arith.addi %mul3A_22, %add3A_23 : i32
    %dma_start3A_25 = arith.constant 0 : i32
    %dma_start3A_26 = tpu.memref_slice %arg21[%add3A_24, %dma_start3A_25] : memref<10240x128xf32, #tpu.memory_space<vmem_shared>> -> memref<128x128xf32, #tpu.memory_space<vmem_shared>>
    %dma_start3A_27 = arith.constant 0 : i32
    %dma_start3A_28 = tpu.memref_slice %arg21[%add3A_24, %dma_start3A_27] : memref<10240x128xf32, #tpu.memory_space<vmem_shared>> -> memref<128x128xf32, #tpu.memory_space<vmem_shared>>
    tpu.enqueue_dma source(%arg13 : memref<128x128xf32, #tpu.memory_space<vmem>>) target(%dma_start3A_28 : memref<128x128xf32, #tpu.memory_space<vmem_shared>>) target_semaphore(%arg15 : memref<!tpu.dma_semaphore, #tpu.memory_space<semaphore_mem>>)
    %mul3A_29 = arith.constant 640 : i32
    %mul3A_30 = arith.muli %arg1, %mul3A_29 : i32
    %add3A_31 = arith.constant 384 : i32
    %add3A_32 = arith.addi %mul3A_30, %add3A_31 : i32
    %dma_start3A_33 = arith.constant 0 : i32
    %dma_start3A_34 = tpu.memref_slice %arg21[%add3A_32, %dma_start3A_33] : memref<10240x128xf32, #tpu.memory_space<vmem_shared>> -> memref<128x128xf32, #tpu.memory_space<vmem_shared>>
    %dma_start3A_35 = arith.constant 0 : i32
    %dma_start3A_36 = tpu.memref_slice %arg21[%add3A_32, %dma_start3A_35] : memref<10240x128xf32, #tpu.memory_space<vmem_shared>> -> memref<128x128xf32, #tpu.memory_space<vmem_shared>>
    tpu.enqueue_dma source(%arg13 : memref<128x128xf32, #tpu.memory_space<vmem>>) target(%dma_start3A_36 : memref<128x128xf32, #tpu.memory_space<vmem_shared>>) target_semaphore(%arg15 : memref<!tpu.dma_semaphore, #tpu.memory_space<semaphore_mem>>)
    %mul3A_37 = arith.constant 640 : i32
    %mul3A_38 = arith.muli %arg1, %mul3A_37 : i32
    %add3A_39 = arith.constant 512 : i32
    %add3A_40 = arith.addi %mul3A_38, %add3A_39 : i32
    %dma_start3A_41 = arith.constant 0 : i32
    %dma_start3A_42 = tpu.memref_slice %arg21[%add3A_40, %dma_start3A_41] : memref<10240x128xf32, #tpu.memory_space<vmem_shared>> -> memref<128x128xf32, #tpu.memory_space<vmem_shared>>
    %dma_start3A_43 = arith.constant 0 : i32
    %dma_start3A_44 = tpu.memref_slice %arg21[%add3A_40, %dma_start3A_43] : memref<10240x128xf32, #tpu.memory_space<vmem_shared>> -> memref<128x128xf32, #tpu.memory_space<vmem_shared>>
    tpu.enqueue_dma source(%arg13 : memref<128x128xf32, #tpu.memory_space<vmem>>) target(%dma_start3A_44 : memref<128x128xf32, #tpu.memory_space<vmem_shared>>) target_semaphore(%arg15 : memref<!tpu.dma_semaphore, #tpu.memory_space<semaphore_mem>>)
    %mul3A_45 = arith.constant 640 : i32
    %mul3A_46 = arith.muli %arg1, %mul3A_45 : i32
    "tpu.region"() ({
      %run_scoped3A = tpu.sem_alloc : memref<!tpu.dma_semaphore, #tpu.memory_space<semaphore_mem>>
      %dma_start3A_154 = tpu.memref_slice %arg22[%mul3A_46] : memref<10240xf32, #tpu.memory_space<vmem_shared>> -> memref<640xf32, #tpu.memory_space<vmem_shared>>
      tpu.enqueue_dma source(%arg6 : memref<640xf32, #tpu.memory_space<hbm>>) target(%dma_start3A_154 : memref<640xf32, #tpu.memory_space<vmem_shared>>) target_semaphore(%run_scoped3A : memref<!tpu.dma_semaphore, #tpu.memory_space<semaphore_mem>>)
      %dma_wait3A_155 = tpu.memref_slice %arg22[%mul3A_46] : memref<10240xf32, #tpu.memory_space<vmem_shared>> -> memref<640xf32, #tpu.memory_space<vmem_shared>>
      tpu.wait_dma2 semaphore(%run_scoped3A : memref<!tpu.dma_semaphore, #tpu.memory_space<semaphore_mem>>) src(%arg6 : memref<640xf32, #tpu.memory_space<hbm>>) dst(%dma_wait3A_155 : memref<640xf32, #tpu.memory_space<vmem_shared>>)
      tpu.yield
    }) : () -> ()
    %eq3A = arith.constant 31 : i32
    %eq3A_47 = arith.cmpi eq, %add3A, %eq3A : i32
    %not3A = arith.constant true
    %not3A_48 = arith.xori %eq3A_47, %not3A : i1
    %convert_element_type3A = arith.extui %not3A_48 : i1 to i32
    %cond3A = arith.constant 0 : i32
    %cond3A_49 = arith.cmpi ne, %convert_element_type3A, %cond3A : i32
    scf.if %cond3A_49 {
      %mul3A_154 = arith.constant 80 : i32
      %mul3A_155 = arith.muli %add3A, %mul3A_154 : i32
      %run_scoped3A = arith.constant 0 : i32
      "tpu.region"() ({
        %run_scoped3A_159 = tpu.sem_alloc : memref<!tpu.dma_semaphore, #tpu.memory_space<semaphore_mem>>
        %dma_start3A_160 = arith.constant 0 : i32
        %dma_start3A_161 = tpu.memref_slice %arg3[%run_scoped3A, %mul3A_155, %dma_start3A_160] : memref<2x2500x128xi32, #tpu.memory_space<hbm>> -> memref<1x40x128xi32, #tpu.memory_space<hbm>>
        %dma_start3A_162 = tpu.memref_squeeze %dma_start3A_161 : memref<1x40x128xi32, #tpu.memory_space<hbm>> -> memref<40x128xi32, #tpu.memory_space<hbm>>
        %dma_start3A_163 = arith.constant 0 : i32
        %dma_start3A_164 = tpu.memref_slice %arg3[%run_scoped3A, %mul3A_155, %dma_start3A_163] : memref<2x2500x128xi32, #tpu.memory_space<hbm>> -> memref<1x40x128xi32, #tpu.memory_space<hbm>>
        %dma_start3A_165 = tpu.memref_squeeze %dma_start3A_164 : memref<1x40x128xi32, #tpu.memory_space<hbm>> -> memref<40x128xi32, #tpu.memory_space<hbm>>
        tpu.enqueue_dma source(%dma_start3A_165 : memref<40x128xi32, #tpu.memory_space<hbm>>) target(%arg10 : memref<40x128xi32, #tpu.memory_space<vmem>>) target_semaphore(%run_scoped3A_159 : memref<!tpu.dma_semaphore, #tpu.memory_space<semaphore_mem>>)
        %dma_wait3A_166 = arith.constant 0 : i32
        %dma_wait3A_167 = tpu.memref_slice %arg3[%run_scoped3A, %mul3A_155, %dma_wait3A_166] : memref<2x2500x128xi32, #tpu.memory_space<hbm>> -> memref<1x40x128xi32, #tpu.memory_space<hbm>>
        %dma_wait3A_168 = tpu.memref_squeeze %dma_wait3A_167 : memref<1x40x128xi32, #tpu.memory_space<hbm>> -> memref<40x128xi32, #tpu.memory_space<hbm>>
        %dma_wait3A_169 = arith.constant 0 : i32
        %dma_wait3A_170 = tpu.memref_slice %arg3[%run_scoped3A, %mul3A_155, %dma_wait3A_169] : memref<2x2500x128xi32, #tpu.memory_space<hbm>> -> memref<1x40x128xi32, #tpu.memory_space<hbm>>
        %dma_wait3A_171 = tpu.memref_squeeze %dma_wait3A_170 : memref<1x40x128xi32, #tpu.memory_space<hbm>> -> memref<40x128xi32, #tpu.memory_space<hbm>>
        tpu.wait_dma2 semaphore(%run_scoped3A_159 : memref<!tpu.dma_semaphore, #tpu.memory_space<semaphore_mem>>) src(%dma_wait3A_171 : memref<40x128xi32, #tpu.memory_space<hbm>>) dst(%arg10 : memref<40x128xi32, #tpu.memory_space<vmem>>)
        tpu.yield
      }) : () -> ()
      %mul3A_156 = arith.constant 80 : i32
      %mul3A_157 = arith.muli %add3A, %mul3A_156 : i32
      %run_scoped3A_158 = arith.constant 1 : i32
      "tpu.region"() ({
        %run_scoped3A_159 = tpu.sem_alloc : memref<!tpu.dma_semaphore, #tpu.memory_space<semaphore_mem>>
        %dma_start3A_160 = arith.constant 0 : i32
        %dma_start3A_161 = tpu.memref_slice %arg3[%run_scoped3A_158, %mul3A_157, %dma_start3A_160] : memref<2x2500x128xi32, #tpu.memory_space<hbm>> -> memref<1x40x128xi32, #tpu.memory_space<hbm>>
        %dma_start3A_162 = tpu.memref_squeeze %dma_start3A_161 : memref<1x40x128xi32, #tpu.memory_space<hbm>> -> memref<40x128xi32, #tpu.memory_space<hbm>>
        %dma_start3A_163 = arith.constant 0 : i32
        %dma_start3A_164 = tpu.memref_slice %arg3[%run_scoped3A_158, %mul3A_157, %dma_start3A_163] : memref<2x2500x128xi32, #tpu.memory_space<hbm>> -> memref<1x40x128xi32, #tpu.memory_space<hbm>>
        %dma_start3A_165 = tpu.memref_squeeze %dma_start3A_164 : memref<1x40x128xi32, #tpu.memory_space<hbm>> -> memref<40x128xi32, #tpu.memory_space<hbm>>
        tpu.enqueue_dma source(%dma_start3A_165 : memref<40x128xi32, #tpu.memory_space<hbm>>) target(%arg11 : memref<40x128xi32, #tpu.memory_space<vmem>>) target_semaphore(%run_scoped3A_159 : memref<!tpu.dma_semaphore, #tpu.memory_space<semaphore_mem>>)
        %dma_wait3A_166 = arith.constant 0 : i32
        %dma_wait3A_167 = tpu.memref_slice %arg3[%run_scoped3A_158, %mul3A_157, %dma_wait3A_166] : memref<2x2500x128xi32, #tpu.memory_space<hbm>> -> memref<1x40x128xi32, #tpu.memory_space<hbm>>
        %dma_wait3A_168 = tpu.memref_squeeze %dma_wait3A_167 : memref<1x40x128xi32, #tpu.memory_space<hbm>> -> memref<40x128xi32, #tpu.memory_space<hbm>>
        %dma_wait3A_169 = arith.constant 0 : i32
        %dma_wait3A_170 = tpu.memref_slice %arg3[%run_scoped3A_158, %mul3A_157, %dma_wait3A_169] : memref<2x2500x128xi32, #tpu.memory_space<hbm>> -> memref<1x40x128xi32, #tpu.memory_space<hbm>>
        %dma_wait3A_171 = tpu.memref_squeeze %dma_wait3A_170 : memref<1x40x128xi32, #tpu.memory_space<hbm>> -> memref<40x128xi32, #tpu.memory_space<hbm>>
        tpu.wait_dma2 semaphore(%run_scoped3A_159 : memref<!tpu.dma_semaphore, #tpu.memory_space<semaphore_mem>>) src(%dma_wait3A_171 : memref<40x128xi32, #tpu.memory_space<hbm>>) dst(%arg11 : memref<40x128xi32, #tpu.memory_space<vmem>>)
        tpu.yield
      }) : () -> ()
    } else {
    }
    %convert_element_type3A_50 = arith.extui %eq3A_47 : i1 to i32
    %cond3A_51 = arith.constant 0 : i32
    %cond3A_52 = arith.cmpi ne, %convert_element_type3A_50, %cond3A_51 : i32
    scf.if %cond3A_52 {
      %run_scoped3A = arith.constant 0 : i32
      "tpu.region"() ({
        %run_scoped3A_157 = tpu.sem_alloc : memref<!tpu.dma_semaphore, #tpu.memory_space<semaphore_mem>>
        %dma_start3A_158 = arith.constant 0 : i32
        %dma_start3A_159 = arith.constant 0 : i32
        %dma_start3A_160 = tpu.memref_slice %arg10[%dma_start3A_158, %dma_start3A_159] : memref<40x128xi32, #tpu.memory_space<vmem>> -> memref<16x128xi32, #tpu.memory_space<vmem>>
        %dma_start3A_161 = arith.constant 2480 : i32
        %dma_start3A_162 = arith.constant 0 : i32
        %dma_start3A_163 = tpu.memref_slice %arg3[%run_scoped3A, %dma_start3A_161, %dma_start3A_162] : memref<2x2500x128xi32, #tpu.memory_space<hbm>> -> memref<1x16x128xi32, #tpu.memory_space<hbm>>
        %dma_start3A_164 = tpu.memref_squeeze %dma_start3A_163 : memref<1x16x128xi32, #tpu.memory_space<hbm>> -> memref<16x128xi32, #tpu.memory_space<hbm>>
        %dma_start3A_165 = arith.constant 0 : i32
        %dma_start3A_166 = arith.constant 0 : i32
        %dma_start3A_167 = tpu.memref_slice %arg10[%dma_start3A_165, %dma_start3A_166] : memref<40x128xi32, #tpu.memory_space<vmem>> -> memref<16x128xi32, #tpu.memory_space<vmem>>
        %dma_start3A_168 = arith.constant 2480 : i32
        %dma_start3A_169 = arith.constant 0 : i32
        %dma_start3A_170 = tpu.memref_slice %arg3[%run_scoped3A, %dma_start3A_168, %dma_start3A_169] : memref<2x2500x128xi32, #tpu.memory_space<hbm>> -> memref<1x16x128xi32, #tpu.memory_space<hbm>>
        %dma_start3A_171 = tpu.memref_squeeze %dma_start3A_170 : memref<1x16x128xi32, #tpu.memory_space<hbm>> -> memref<16x128xi32, #tpu.memory_space<hbm>>
        tpu.enqueue_dma source(%dma_start3A_171 : memref<16x128xi32, #tpu.memory_space<hbm>>) target(%dma_start3A_167 : memref<16x128xi32, #tpu.memory_space<vmem>>) target_semaphore(%run_scoped3A_157 : memref<!tpu.dma_semaphore, #tpu.memory_space<semaphore_mem>>)
        %dma_wait3A_172 = arith.constant 0 : i32
        %dma_wait3A_173 = arith.constant 0 : i32
        %dma_wait3A_174 = tpu.memref_slice %arg10[%dma_wait3A_172, %dma_wait3A_173] : memref<40x128xi32, #tpu.memory_space<vmem>> -> memref<16x128xi32, #tpu.memory_space<vmem>>
        %dma_wait3A_175 = arith.constant 2480 : i32
        %dma_wait3A_176 = arith.constant 0 : i32
        %dma_wait3A_177 = tpu.memref_slice %arg3[%run_scoped3A, %dma_wait3A_175, %dma_wait3A_176] : memref<2x2500x128xi32, #tpu.memory_space<hbm>> -> memref<1x16x128xi32, #tpu.memory_space<hbm>>
        %dma_wait3A_178 = tpu.memref_squeeze %dma_wait3A_177 : memref<1x16x128xi32, #tpu.memory_space<hbm>> -> memref<16x128xi32, #tpu.memory_space<hbm>>
        %dma_wait3A_179 = arith.constant 0 : i32
        %dma_wait3A_180 = arith.constant 0 : i32
        %dma_wait3A_181 = tpu.memref_slice %arg10[%dma_wait3A_179, %dma_wait3A_180] : memref<40x128xi32, #tpu.memory_space<vmem>> -> memref<16x128xi32, #tpu.memory_space<vmem>>
        %dma_wait3A_182 = arith.constant 2480 : i32
        %dma_wait3A_183 = arith.constant 0 : i32
        %dma_wait3A_184 = tpu.memref_slice %arg3[%run_scoped3A, %dma_wait3A_182, %dma_wait3A_183] : memref<2x2500x128xi32, #tpu.memory_space<hbm>> -> memref<1x16x128xi32, #tpu.memory_space<hbm>>
        %dma_wait3A_185 = tpu.memref_squeeze %dma_wait3A_184 : memref<1x16x128xi32, #tpu.memory_space<hbm>> -> memref<16x128xi32, #tpu.memory_space<hbm>>
        tpu.wait_dma2 semaphore(%run_scoped3A_157 : memref<!tpu.dma_semaphore, #tpu.memory_space<semaphore_mem>>) src(%dma_wait3A_185 : memref<16x128xi32, #tpu.memory_space<hbm>>) dst(%dma_wait3A_181 : memref<16x128xi32, #tpu.memory_space<vmem>>)
        tpu.yield
      }) : () -> ()
      %run_scoped3A_154 = arith.constant 1 : i32
      "tpu.region"() ({
        %run_scoped3A_157 = tpu.sem_alloc : memref<!tpu.dma_semaphore, #tpu.memory_space<semaphore_mem>>
        %dma_start3A_158 = arith.constant 0 : i32
        %dma_start3A_159 = arith.constant 0 : i32
        %dma_start3A_160 = tpu.memref_slice %arg11[%dma_start3A_158, %dma_start3A_159] : memref<40x128xi32, #tpu.memory_space<vmem>> -> memref<16x128xi32, #tpu.memory_space<vmem>>
        %dma_start3A_161 = arith.constant 2480 : i32
        %dma_start3A_162 = arith.constant 0 : i32
        %dma_start3A_163 = tpu.memref_slice %arg3[%run_scoped3A_154, %dma_start3A_161, %dma_start3A_162] : memref<2x2500x128xi32, #tpu.memory_space<hbm>> -> memref<1x16x128xi32, #tpu.memory_space<hbm>>
        %dma_start3A_164 = tpu.memref_squeeze %dma_start3A_163 : memref<1x16x128xi32, #tpu.memory_space<hbm>> -> memref<16x128xi32, #tpu.memory_space<hbm>>
        %dma_start3A_165 = arith.constant 0 : i32
        %dma_start3A_166 = arith.constant 0 : i32
        %dma_start3A_167 = tpu.memref_slice %arg11[%dma_start3A_165, %dma_start3A_166] : memref<40x128xi32, #tpu.memory_space<vmem>> -> memref<16x128xi32, #tpu.memory_space<vmem>>
        %dma_start3A_168 = arith.constant 2480 : i32
        %dma_start3A_169 = arith.constant 0 : i32
        %dma_start3A_170 = tpu.memref_slice %arg3[%run_scoped3A_154, %dma_start3A_168, %dma_start3A_169] : memref<2x2500x128xi32, #tpu.memory_space<hbm>> -> memref<1x16x128xi32, #tpu.memory_space<hbm>>
        %dma_start3A_171 = tpu.memref_squeeze %dma_start3A_170 : memref<1x16x128xi32, #tpu.memory_space<hbm>> -> memref<16x128xi32, #tpu.memory_space<hbm>>
        tpu.enqueue_dma source(%dma_start3A_171 : memref<16x128xi32, #tpu.memory_space<hbm>>) target(%dma_start3A_167 : memref<16x128xi32, #tpu.memory_space<vmem>>) target_semaphore(%run_scoped3A_157 : memref<!tpu.dma_semaphore, #tpu.memory_space<semaphore_mem>>)
        %dma_wait3A_172 = arith.constant 0 : i32
        %dma_wait3A_173 = arith.constant 0 : i32
        %dma_wait3A_174 = tpu.memref_slice %arg11[%dma_wait3A_172, %dma_wait3A_173] : memref<40x128xi32, #tpu.memory_space<vmem>> -> memref<16x128xi32, #tpu.memory_space<vmem>>
        %dma_wait3A_175 = arith.constant 2480 : i32
        %dma_wait3A_176 = arith.constant 0 : i32
        %dma_wait3A_177 = tpu.memref_slice %arg3[%run_scoped3A_154, %dma_wait3A_175, %dma_wait3A_176] : memref<2x2500x128xi32, #tpu.memory_space<hbm>> -> memref<1x16x128xi32, #tpu.memory_space<hbm>>
        %dma_wait3A_178 = tpu.memref_squeeze %dma_wait3A_177 : memref<1x16x128xi32, #tpu.memory_space<hbm>> -> memref<16x128xi32, #tpu.memory_space<hbm>>
        %dma_wait3A_179 = arith.constant 0 : i32
        %dma_wait3A_180 = arith.constant 0 : i32
        %dma_wait3A_181 = tpu.memref_slice %arg11[%dma_wait3A_179, %dma_wait3A_180] : memref<40x128xi32, #tpu.memory_space<vmem>> -> memref<16x128xi32, #tpu.memory_space<vmem>>
        %dma_wait3A_182 = arith.constant 2480 : i32
        %dma_wait3A_183 = arith.constant 0 : i32
        %dma_wait3A_184 = tpu.memref_slice %arg3[%run_scoped3A_154, %dma_wait3A_182, %dma_wait3A_183] : memref<2x2500x128xi32, #tpu.memory_space<hbm>> -> memref<1x16x128xi32, #tpu.memory_space<hbm>>
        %dma_wait3A_185 = tpu.memref_squeeze %dma_wait3A_184 : memref<1x16x128xi32, #tpu.memory_space<hbm>> -> memref<16x128xi32, #tpu.memory_space<hbm>>
        tpu.wait_dma2 semaphore(%run_scoped3A_157 : memref<!tpu.dma_semaphore, #tpu.memory_space<semaphore_mem>>) src(%dma_wait3A_185 : memref<16x128xi32, #tpu.memory_space<hbm>>) dst(%dma_wait3A_181 : memref<16x128xi32, #tpu.memory_space<vmem>>)
        tpu.yield
      }) : () -> ()
      %run_scoped3A_155 = arith.constant 0 : i32
      "tpu.region"() ({
        %run_scoped3A_157 = tpu.sem_alloc : memref<!tpu.dma_semaphore, #tpu.memory_space<semaphore_mem>>
        %dma_start3A_158 = arith.constant 16 : i32
        %dma_start3A_159 = arith.constant 0 : i32
        %dma_start3A_160 = tpu.memref_slice %arg10[%dma_start3A_158, %dma_start3A_159] : memref<40x128xi32, #tpu.memory_space<vmem>> -> memref<24x128xi32, #tpu.memory_space<vmem>>
        %dma_start3A_161 = arith.constant 0 : i32
        %dma_start3A_162 = arith.constant 0 : i32
        %dma_start3A_163 = tpu.memref_slice %arg4[%run_scoped3A_155, %dma_start3A_161, %dma_start3A_162] : memref<2x64x128xi32, #tpu.memory_space<hbm>> -> memref<1x24x128xi32, #tpu.memory_space<hbm>>
        %dma_start3A_164 = tpu.memref_squeeze %dma_start3A_163 : memref<1x24x128xi32, #tpu.memory_space<hbm>> -> memref<24x128xi32, #tpu.memory_space<hbm>>
        %dma_start3A_165 = arith.constant 16 : i32
        %dma_start3A_166 = arith.constant 0 : i32
        %dma_start3A_167 = tpu.memref_slice %arg10[%dma_start3A_165, %dma_start3A_166] : memref<40x128xi32, #tpu.memory_space<vmem>> -> memref<24x128xi32, #tpu.memory_space<vmem>>
        %dma_start3A_168 = arith.constant 0 : i32
        %dma_start3A_169 = arith.constant 0 : i32
        %dma_start3A_170 = tpu.memref_slice %arg4[%run_scoped3A_155, %dma_start3A_168, %dma_start3A_169] : memref<2x64x128xi32, #tpu.memory_space<hbm>> -> memref<1x24x128xi32, #tpu.memory_space<hbm>>
        %dma_start3A_171 = tpu.memref_squeeze %dma_start3A_170 : memref<1x24x128xi32, #tpu.memory_space<hbm>> -> memref<24x128xi32, #tpu.memory_space<hbm>>
        tpu.enqueue_dma source(%dma_start3A_171 : memref<24x128xi32, #tpu.memory_space<hbm>>) target(%dma_start3A_167 : memref<24x128xi32, #tpu.memory_space<vmem>>) target_semaphore(%run_scoped3A_157 : memref<!tpu.dma_semaphore, #tpu.memory_space<semaphore_mem>>)
        %dma_wait3A_172 = arith.constant 16 : i32
        %dma_wait3A_173 = arith.constant 0 : i32
        %dma_wait3A_174 = tpu.memref_slice %arg10[%dma_wait3A_172, %dma_wait3A_173] : memref<40x128xi32, #tpu.memory_space<vmem>> -> memref<24x128xi32, #tpu.memory_space<vmem>>
        %dma_wait3A_175 = arith.constant 0 : i32
        %dma_wait3A_176 = arith.constant 0 : i32
        %dma_wait3A_177 = tpu.memref_slice %arg4[%run_scoped3A_155, %dma_wait3A_175, %dma_wait3A_176] : memref<2x64x128xi32, #tpu.memory_space<hbm>> -> memref<1x24x128xi32, #tpu.memory_space<hbm>>
        %dma_wait3A_178 = tpu.memref_squeeze %dma_wait3A_177 : memref<1x24x128xi32, #tpu.memory_space<hbm>> -> memref<24x128xi32, #tpu.memory_space<hbm>>
        %dma_wait3A_179 = arith.constant 16 : i32
        %dma_wait3A_180 = arith.constant 0 : i32
        %dma_wait3A_181 = tpu.memref_slice %arg10[%dma_wait3A_179, %dma_wait3A_180] : memref<40x128xi32, #tpu.memory_space<vmem>> -> memref<24x128xi32, #tpu.memory_space<vmem>>
        %dma_wait3A_182 = arith.constant 0 : i32
        %dma_wait3A_183 = arith.constant 0 : i32
        %dma_wait3A_184 = tpu.memref_slice %arg4[%run_scoped3A_155, %dma_wait3A_182, %dma_wait3A_183] : memref<2x64x128xi32, #tpu.memory_space<hbm>> -> memref<1x24x128xi32, #tpu.memory_space<hbm>>
        %dma_wait3A_185 = tpu.memref_squeeze %dma_wait3A_184 : memref<1x24x128xi32, #tpu.memory_space<hbm>> -> memref<24x128xi32, #tpu.memory_space<hbm>>
        tpu.wait_dma2 semaphore(%run_scoped3A_157 : memref<!tpu.dma_semaphore, #tpu.memory_space<semaphore_mem>>) src(%dma_wait3A_185 : memref<24x128xi32, #tpu.memory_space<hbm>>) dst(%dma_wait3A_181 : memref<24x128xi32, #tpu.memory_space<vmem>>)
        tpu.yield
      }) : () -> ()
      %run_scoped3A_156 = arith.constant 1 : i32
      "tpu.region"() ({
        %run_scoped3A_157 = tpu.sem_alloc : memref<!tpu.dma_semaphore, #tpu.memory_space<semaphore_mem>>
        %dma_start3A_158 = arith.constant 16 : i32
        %dma_start3A_159 = arith.constant 0 : i32
        %dma_start3A_160 = tpu.memref_slice %arg11[%dma_start3A_158, %dma_start3A_159] : memref<40x128xi32, #tpu.memory_space<vmem>> -> memref<24x128xi32, #tpu.memory_space<vmem>>
        %dma_start3A_161 = arith.constant 0 : i32
        %dma_start3A_162 = arith.constant 0 : i32
        %dma_start3A_163 = tpu.memref_slice %arg4[%run_scoped3A_156, %dma_start3A_161, %dma_start3A_162] : memref<2x64x128xi32, #tpu.memory_space<hbm>> -> memref<1x24x128xi32, #tpu.memory_space<hbm>>
        %dma_start3A_164 = tpu.memref_squeeze %dma_start3A_163 : memref<1x24x128xi32, #tpu.memory_space<hbm>> -> memref<24x128xi32, #tpu.memory_space<hbm>>
        %dma_start3A_165 = arith.constant 16 : i32
        %dma_start3A_166 = arith.constant 0 : i32
        %dma_start3A_167 = tpu.memref_slice %arg11[%dma_start3A_165, %dma_start3A_166] : memref<40x128xi32, #tpu.memory_space<vmem>> -> memref<24x128xi32, #tpu.memory_space<vmem>>
        %dma_start3A_168 = arith.constant 0 : i32
        %dma_start3A_169 = arith.constant 0 : i32
        %dma_start3A_170 = tpu.memref_slice %arg4[%run_scoped3A_156, %dma_start3A_168, %dma_start3A_169] : memref<2x64x128xi32, #tpu.memory_space<hbm>> -> memref<1x24x128xi32, #tpu.memory_space<hbm>>
        %dma_start3A_171 = tpu.memref_squeeze %dma_start3A_170 : memref<1x24x128xi32, #tpu.memory_space<hbm>> -> memref<24x128xi32, #tpu.memory_space<hbm>>
        tpu.enqueue_dma source(%dma_start3A_171 : memref<24x128xi32, #tpu.memory_space<hbm>>) target(%dma_start3A_167 : memref<24x128xi32, #tpu.memory_space<vmem>>) target_semaphore(%run_scoped3A_157 : memref<!tpu.dma_semaphore, #tpu.memory_space<semaphore_mem>>)
        %dma_wait3A_172 = arith.constant 16 : i32
        %dma_wait3A_173 = arith.constant 0 : i32
        %dma_wait3A_174 = tpu.memref_slice %arg11[%dma_wait3A_172, %dma_wait3A_173] : memref<40x128xi32, #tpu.memory_space<vmem>> -> memref<24x128xi32, #tpu.memory_space<vmem>>
        %dma_wait3A_175 = arith.constant 0 : i32
        %dma_wait3A_176 = arith.constant 0 : i32
        %dma_wait3A_177 = tpu.memref_slice %arg4[%run_scoped3A_156, %dma_wait3A_175, %dma_wait3A_176] : memref<2x64x128xi32, #tpu.memory_space<hbm>> -> memref<1x24x128xi32, #tpu.memory_space<hbm>>
        %dma_wait3A_178 = tpu.memref_squeeze %dma_wait3A_177 : memref<1x24x128xi32, #tpu.memory_space<hbm>> -> memref<24x128xi32, #tpu.memory_space<hbm>>
        %dma_wait3A_179 = arith.constant 16 : i32
        %dma_wait3A_180 = arith.constant 0 : i32
        %dma_wait3A_181 = tpu.memref_slice %arg11[%dma_wait3A_179, %dma_wait3A_180] : memref<40x128xi32, #tpu.memory_space<vmem>> -> memref<24x128xi32, #tpu.memory_space<vmem>>
        %dma_wait3A_182 = arith.constant 0 : i32
        %dma_wait3A_183 = arith.constant 0 : i32
        %dma_wait3A_184 = tpu.memref_slice %arg4[%run_scoped3A_156, %dma_wait3A_182, %dma_wait3A_183] : memref<2x64x128xi32, #tpu.memory_space<hbm>> -> memref<1x24x128xi32, #tpu.memory_space<hbm>>
        %dma_wait3A_185 = tpu.memref_squeeze %dma_wait3A_184 : memref<1x24x128xi32, #tpu.memory_space<hbm>> -> memref<24x128xi32, #tpu.memory_space<hbm>>
        tpu.wait_dma2 semaphore(%run_scoped3A_157 : memref<!tpu.dma_semaphore, #tpu.memory_space<semaphore_mem>>) src(%dma_wait3A_185 : memref<24x128xi32, #tpu.memory_space<hbm>>) dst(%dma_wait3A_181 : memref<24x128xi32, #tpu.memory_space<vmem>>)
        tpu.yield
      }) : () -> ()
    } else {
    }
    %mul3A_53 = arith.constant 640 : i32
    %mul3A_54 = arith.muli %arg1, %mul3A_53 : i32
    %add3A_55 = arith.constant 0 : i32
    %add3A_56 = arith.addi %mul3A_54, %add3A_55 : i32
    %dma_wait3A = arith.constant 0 : i32
    %dma_wait3A_57 = tpu.memref_slice %arg21[%add3A_56, %dma_wait3A] : memref<10240x128xf32, #tpu.memory_space<vmem_shared>> -> memref<128x128xf32, #tpu.memory_space<vmem_shared>>
    %dma_wait3A_58 = arith.constant 0 : i32
    %dma_wait3A_59 = tpu.memref_slice %arg21[%add3A_56, %dma_wait3A_58] : memref<10240x128xf32, #tpu.memory_space<vmem_shared>> -> memref<128x128xf32, #tpu.memory_space<vmem_shared>>
    tpu.wait_dma2 semaphore(%arg15 : memref<!tpu.dma_semaphore, #tpu.memory_space<semaphore_mem>>) src(%arg13 : memref<128x128xf32, #tpu.memory_space<vmem>>) dst(%dma_wait3A_59 : memref<128x128xf32, #tpu.memory_space<vmem_shared>>)
    %mul3A_60 = arith.constant 640 : i32
    %mul3A_61 = arith.muli %arg1, %mul3A_60 : i32
    %add3A_62 = arith.constant 128 : i32
    %add3A_63 = arith.addi %mul3A_61, %add3A_62 : i32
    %dma_wait3A_64 = arith.constant 0 : i32
    %dma_wait3A_65 = tpu.memref_slice %arg21[%add3A_63, %dma_wait3A_64] : memref<10240x128xf32, #tpu.memory_space<vmem_shared>> -> memref<128x128xf32, #tpu.memory_space<vmem_shared>>
    %dma_wait3A_66 = arith.constant 0 : i32
    %dma_wait3A_67 = tpu.memref_slice %arg21[%add3A_63, %dma_wait3A_66] : memref<10240x128xf32, #tpu.memory_space<vmem_shared>> -> memref<128x128xf32, #tpu.memory_space<vmem_shared>>
    tpu.wait_dma2 semaphore(%arg15 : memref<!tpu.dma_semaphore, #tpu.memory_space<semaphore_mem>>) src(%arg13 : memref<128x128xf32, #tpu.memory_space<vmem>>) dst(%dma_wait3A_67 : memref<128x128xf32, #tpu.memory_space<vmem_shared>>)
    %mul3A_68 = arith.constant 640 : i32
    %mul3A_69 = arith.muli %arg1, %mul3A_68 : i32
    %add3A_70 = arith.constant 256 : i32
    %add3A_71 = arith.addi %mul3A_69, %add3A_70 : i32
    %dma_wait3A_72 = arith.constant 0 : i32
    %dma_wait3A_73 = tpu.memref_slice %arg21[%add3A_71, %dma_wait3A_72] : memref<10240x128xf32, #tpu.memory_space<vmem_shared>> -> memref<128x128xf32, #tpu.memory_space<vmem_shared>>
    %dma_wait3A_74 = arith.constant 0 : i32
    %dma_wait3A_75 = tpu.memref_slice %arg21[%add3A_71, %dma_wait3A_74] : memref<10240x128xf32, #tpu.memory_space<vmem_shared>> -> memref<128x128xf32, #tpu.memory_space<vmem_shared>>
    tpu.wait_dma2 semaphore(%arg15 : memref<!tpu.dma_semaphore, #tpu.memory_space<semaphore_mem>>) src(%arg13 : memref<128x128xf32, #tpu.memory_space<vmem>>) dst(%dma_wait3A_75 : memref<128x128xf32, #tpu.memory_space<vmem_shared>>)
    %mul3A_76 = arith.constant 640 : i32
    %mul3A_77 = arith.muli %arg1, %mul3A_76 : i32
    %add3A_78 = arith.constant 384 : i32
    %add3A_79 = arith.addi %mul3A_77, %add3A_78 : i32
    %dma_wait3A_80 = arith.constant 0 : i32
    %dma_wait3A_81 = tpu.memref_slice %arg21[%add3A_79, %dma_wait3A_80] : memref<10240x128xf32, #tpu.memory_space<vmem_shared>> -> memref<128x128xf32, #tpu.memory_space<vmem_shared>>
    %dma_wait3A_82 = arith.constant 0 : i32
    %dma_wait3A_83 = tpu.memref_slice %arg21[%add3A_79, %dma_wait3A_82] : memref<10240x128xf32, #tpu.memory_space<vmem_shared>> -> memref<128x128xf32, #tpu.memory_space<vmem_shared>>
    tpu.wait_dma2 semaphore(%arg15 : memref<!tpu.dma_semaphore, #tpu.memory_space<semaphore_mem>>) src(%arg13 : memref<128x128xf32, #tpu.memory_space<vmem>>) dst(%dma_wait3A_83 : memref<128x128xf32, #tpu.memory_space<vmem_shared>>)
    %mul3A_84 = arith.constant 640 : i32
    %mul3A_85 = arith.muli %arg1, %mul3A_84 : i32
    %add3A_86 = arith.constant 512 : i32
    %add3A_87 = arith.addi %mul3A_85, %add3A_86 : i32
    %dma_wait3A_88 = arith.constant 0 : i32
    %dma_wait3A_89 = tpu.memref_slice %arg21[%add3A_87, %dma_wait3A_88] : memref<10240x128xf32, #tpu.memory_space<vmem_shared>> -> memref<128x128xf32, #tpu.memory_space<vmem_shared>>
    %dma_wait3A_90 = arith.constant 0 : i32
    %dma_wait3A_91 = tpu.memref_slice %arg21[%add3A_87, %dma_wait3A_90] : memref<10240x128xf32, #tpu.memory_space<vmem_shared>> -> memref<128x128xf32, #tpu.memory_space<vmem_shared>>
    tpu.wait_dma2 semaphore(%arg15 : memref<!tpu.dma_semaphore, #tpu.memory_space<semaphore_mem>>) src(%arg13 : memref<128x128xf32, #tpu.memory_space<vmem>>) dst(%dma_wait3A_91 : memref<128x128xf32, #tpu.memory_space<vmem_shared>>)
    %barrier3A = arith.constant 0 : index
    tpu.barrier barrier_id(%barrier3A)
    %jit3A = arith.constant 20 : i32
    %jit3A_92 = arith.constant 40 : i32
    %select_n3A = arith.select %eq3A_47, %jit3A, %jit3A_92 : i32
    %dma_start3A_93 = arith.constant 0 : i32
    %dma_start3A_94 = arith.constant 0 : i32
    %dma_start3A_95 = tpu.memref_slice %arg10[%dma_start3A_93, %dma_start3A_94] : memref<40x128xi32, #tpu.memory_space<vmem>> -> memref<1x128xi32, #tpu.memory_space<vmem>>
    %dma_start3A_96 = tpu.memref_squeeze %dma_start3A_95 : memref<1x128xi32, #tpu.memory_space<vmem>> -> memref<128xi32, #tpu.memory_space<vmem>>
    %dma_start3A_97 = arith.constant 0 : i32
    %dma_start3A_98 = arith.constant 0 : i32
    %dma_start3A_99 = tpu.memref_slice %arg2[%dma_start3A_97, %dma_start3A_98] : memref<10240x128xf32, #tpu.memory_space<hbm>> -> memref<10240x128xf32, #tpu.memory_space<hbm>>
    tpu.enqueue_indirect_dma source(%dma_start3A_99 : memref<10240x128xf32, #tpu.memory_space<hbm>>) target(%arg12 : memref<128x128xf32, #tpu.memory_space<vmem>>) offsets(%dma_start3A_96 : memref<128xi32, #tpu.memory_space<vmem>>) semaphore(%arg14 : memref<!tpu.dma_semaphore, #tpu.memory_space<semaphore_mem>>)
    %gt3A = arith.constant 0 : i32
    %gt3A_100 = arith.cmpi sgt, %select_n3A, %gt3A : i32
    %convert_element_type3A_101 = arith.extui %gt3A_100 : i1 to i32
    %cond3A_102 = arith.constant 0 : i32
    %cond3A_103 = arith.cmpi ne, %convert_element_type3A_101, %cond3A_102 : i32
    scf.if %cond3A_103 {
      %dma_start3A_154 = arith.constant 0 : i32
      %dma_start3A_155 = arith.constant 0 : i32
      %dma_start3A_156 = tpu.memref_slice %arg11[%dma_start3A_154, %dma_start3A_155] : memref<40x128xi32, #tpu.memory_space<vmem>> -> memref<1x128xi32, #tpu.memory_space<vmem>>
      %dma_start3A_157 = tpu.memref_squeeze %dma_start3A_156 : memref<1x128xi32, #tpu.memory_space<vmem>> -> memref<128xi32, #tpu.memory_space<vmem>>
      %dma_start3A_158 = arith.constant 0 : i32
      %dma_start3A_159 = tpu.memref_slice %arg5[%dma_start3A_158] : memref<10240xf32, #tpu.memory_space<hbm>> -> memref<10240xf32, #tpu.memory_space<hbm>>
      tpu.enqueue_indirect_dma source(%dma_start3A_159 : memref<10240xf32, #tpu.memory_space<hbm>>) target(%arg16 : memref<128xf32, #tpu.memory_space<vmem>>) offsets(%dma_start3A_157 : memref<128xi32, #tpu.memory_space<vmem>>) semaphore(%arg18 : memref<!tpu.dma_semaphore, #tpu.memory_space<semaphore_mem>>)
    } else {
    }
    %scan3A_104 = arith.constant 0 : i32
    %scan3A_105 = arith.constant 0 : i32
    %scan3A_106 = arith.constant 20 : i32
    %scan3A_107 = arith.addi %scan3A_105, %scan3A_106 : i32
    %scan3A_108 = arith.constant 1 : i32
    scf.for %scan3A_154 = %scan3A_105 to %scan3A_107 step %scan3A_108  : i32 {
      %mul3A_155 = arith.constant 2 : i32
      %mul3A_156 = arith.muli %scan3A_154, %mul3A_155 : i32
      %add3A_157 = arith.constant 1 : i32
      %add3A_158 = arith.addi %mul3A_156, %add3A_157 : i32
      %dma_start3A_159 = arith.constant 0 : i32
      %dma_start3A_160 = tpu.memref_slice %arg10[%add3A_158, %dma_start3A_159] : memref<40x128xi32, #tpu.memory_space<vmem>> -> memref<1x128xi32, #tpu.memory_space<vmem>>
      %dma_start3A_161 = tpu.memref_squeeze %dma_start3A_160 : memref<1x128xi32, #tpu.memory_space<vmem>> -> memref<128xi32, #tpu.memory_space<vmem>>
      %dma_start3A_162 = arith.constant 0 : i32
      %dma_start3A_163 = arith.constant 0 : i32
      %dma_start3A_164 = tpu.memref_slice %arg2[%dma_start3A_162, %dma_start3A_163] : memref<10240x128xf32, #tpu.memory_space<hbm>> -> memref<10240x128xf32, #tpu.memory_space<hbm>>
      tpu.enqueue_indirect_dma source(%dma_start3A_164 : memref<10240x128xf32, #tpu.memory_space<hbm>>) target(%arg13 : memref<128x128xf32, #tpu.memory_space<vmem>>) offsets(%dma_start3A_161 : memref<128xi32, #tpu.memory_space<vmem>>) semaphore(%arg15 : memref<!tpu.dma_semaphore, #tpu.memory_space<semaphore_mem>>)
      %lt3A = arith.cmpi slt, %add3A_158, %select_n3A : i32
      %convert_element_type3A_165 = arith.extui %lt3A : i1 to i32
      %cond3A_166 = arith.constant 0 : i32
      %cond3A_167 = arith.cmpi ne, %convert_element_type3A_165, %cond3A_166 : i32
      scf.if %cond3A_167 {
        %dma_start3A_205 = arith.constant 0 : i32
        %dma_start3A_206 = tpu.memref_slice %arg11[%add3A_158, %dma_start3A_205] : memref<40x128xi32, #tpu.memory_space<vmem>> -> memref<1x128xi32, #tpu.memory_space<vmem>>
        %dma_start3A_207 = tpu.memref_squeeze %dma_start3A_206 : memref<1x128xi32, #tpu.memory_space<vmem>> -> memref<128xi32, #tpu.memory_space<vmem>>
        %dma_start3A_208 = arith.constant 0 : i32
        %dma_start3A_209 = tpu.memref_slice %arg5[%dma_start3A_208] : memref<10240xf32, #tpu.memory_space<hbm>> -> memref<10240xf32, #tpu.memory_space<hbm>>
        tpu.enqueue_indirect_dma source(%dma_start3A_209 : memref<10240xf32, #tpu.memory_space<hbm>>) target(%arg17 : memref<128xf32, #tpu.memory_space<vmem>>) offsets(%dma_start3A_207 : memref<128xi32, #tpu.memory_space<vmem>>) semaphore(%arg19 : memref<!tpu.dma_semaphore, #tpu.memory_space<semaphore_mem>>)
      } else {
      }
      %dma_wait3A_168 = arith.constant 0 : i32
      %dma_wait3A_169 = tpu.memref_slice %arg10[%mul3A_156, %dma_wait3A_168] : memref<40x128xi32, #tpu.memory_space<vmem>> -> memref<1x128xi32, #tpu.memory_space<vmem>>
      %dma_wait3A_170 = tpu.memref_squeeze %dma_wait3A_169 : memref<1x128xi32, #tpu.memory_space<vmem>> -> memref<128xi32, #tpu.memory_space<vmem>>
      %dma_wait3A_171 = arith.constant 0 : i32
      %dma_wait3A_172 = arith.constant 0 : i32
      %dma_wait3A_173 = tpu.memref_slice %arg2[%dma_wait3A_171, %dma_wait3A_172] : memref<10240x128xf32, #tpu.memory_space<hbm>> -> memref<10240x128xf32, #tpu.memory_space<hbm>>
      tpu.wait_indirect_dma semaphore(%arg14 : memref<!tpu.dma_semaphore, #tpu.memory_space<semaphore_mem>>) src(%dma_wait3A_173 : memref<10240x128xf32, #tpu.memory_space<hbm>>) dst(%arg12 : memref<128x128xf32, #tpu.memory_space<vmem>>)
      %lt3A_174 = arith.cmpi slt, %mul3A_156, %select_n3A : i32
      %convert_element_type3A_175 = arith.extui %lt3A_174 : i1 to i32
      %cond3A_176 = arith.constant 0 : i32
      %cond3A_177 = arith.cmpi ne, %convert_element_type3A_175, %cond3A_176 : i32
      scf.if %cond3A_177 {
        %dma_wait3A_205 = arith.constant 0 : i32
        %dma_wait3A_206 = tpu.memref_slice %arg11[%mul3A_156, %dma_wait3A_205] : memref<40x128xi32, #tpu.memory_space<vmem>> -> memref<1x128xi32, #tpu.memory_space<vmem>>
        %dma_wait3A_207 = tpu.memref_squeeze %dma_wait3A_206 : memref<1x128xi32, #tpu.memory_space<vmem>> -> memref<128xi32, #tpu.memory_space<vmem>>
        %dma_wait3A_208 = arith.constant 0 : i32
        %dma_wait3A_209 = tpu.memref_slice %arg5[%dma_wait3A_208] : memref<10240xf32, #tpu.memory_space<hbm>> -> memref<10240xf32, #tpu.memory_space<hbm>>
        tpu.wait_indirect_dma semaphore(%arg18 : memref<!tpu.dma_semaphore, #tpu.memory_space<semaphore_mem>>) src(%dma_wait3A_209 : memref<10240xf32, #tpu.memory_space<hbm>>) dst(%arg16 : memref<128xf32, #tpu.memory_space<vmem>>)
        %dma_start3A_210 = arith.constant 0 : i32
        %dma_start3A_211 = tpu.memref_slice %arg10[%mul3A_156, %dma_start3A_210] : memref<40x128xi32, #tpu.memory_space<vmem>> -> memref<1x128xi32, #tpu.memory_space<vmem>>
        %dma_start3A_212 = tpu.memref_squeeze %dma_start3A_211 : memref<1x128xi32, #tpu.memory_space<vmem>> -> memref<128xi32, #tpu.memory_space<vmem>>
        %dma_start3A_213 = arith.constant 0 : i32
        %dma_start3A_214 = tpu.memref_slice %arg22[%dma_start3A_213] : memref<10240xf32, #tpu.memory_space<vmem_shared>> -> memref<10240xf32, #tpu.memory_space<vmem_shared>>
        tpu.enqueue_indirect_dma source(%arg16 : memref<128xf32, #tpu.memory_space<vmem>>) target(%dma_start3A_214 : memref<10240xf32, #tpu.memory_space<vmem_shared>>) offsets(%dma_start3A_212 : memref<128xi32, #tpu.memory_space<vmem>>) semaphore(%arg20 : memref<!tpu.dma_semaphore, #tpu.memory_space<semaphore_mem>>) {add = true}
      } else {
      }
      "tpu.region"() ({
        %run_scoped3A = tpu.sem_alloc : memref<!tpu.dma_semaphore, #tpu.memory_space<semaphore_mem>>
        %dma_start3A_205 = arith.constant 0 : i32
        %dma_start3A_206 = tpu.memref_slice %arg11[%mul3A_156, %dma_start3A_205] : memref<40x128xi32, #tpu.memory_space<vmem>> -> memref<1x128xi32, #tpu.memory_space<vmem>>
        %dma_start3A_207 = tpu.memref_squeeze %dma_start3A_206 : memref<1x128xi32, #tpu.memory_space<vmem>> -> memref<128xi32, #tpu.memory_space<vmem>>
        %dma_start3A_208 = arith.constant 0 : i32
        %dma_start3A_209 = arith.constant 0 : i32
        %dma_start3A_210 = tpu.memref_slice %arg21[%dma_start3A_208, %dma_start3A_209] : memref<10240x128xf32, #tpu.memory_space<vmem_shared>> -> memref<10240x128xf32, #tpu.memory_space<vmem_shared>>
        tpu.enqueue_indirect_dma source(%arg12 : memref<128x128xf32, #tpu.memory_space<vmem>>) target(%dma_start3A_210 : memref<10240x128xf32, #tpu.memory_space<vmem_shared>>) offsets(%dma_start3A_207 : memref<128xi32, #tpu.memory_space<vmem>>) semaphore(%run_scoped3A : memref<!tpu.dma_semaphore, #tpu.memory_space<semaphore_mem>>) {add = true}
        %dma_wait3A_211 = arith.constant 0 : i32
        %dma_wait3A_212 = tpu.memref_slice %arg11[%mul3A_156, %dma_wait3A_211] : memref<40x128xi32, #tpu.memory_space<vmem>> -> memref<1x128xi32, #tpu.memory_space<vmem>>
        %dma_wait3A_213 = tpu.memref_squeeze %dma_wait3A_212 : memref<1x128xi32, #tpu.memory_space<vmem>> -> memref<128xi32, #tpu.memory_space<vmem>>
        %dma_wait3A_214 = arith.constant 0 : i32
        %dma_wait3A_215 = arith.constant 0 : i32
        %dma_wait3A_216 = tpu.memref_slice %arg21[%dma_wait3A_214, %dma_wait3A_215] : memref<10240x128xf32, #tpu.memory_space<vmem_shared>> -> memref<10240x128xf32, #tpu.memory_space<vmem_shared>>
        tpu.wait_indirect_dma semaphore(%run_scoped3A : memref<!tpu.dma_semaphore, #tpu.memory_space<semaphore_mem>>) src(%arg12 : memref<128x128xf32, #tpu.memory_space<vmem>>) dst(%dma_wait3A_216 : memref<10240x128xf32, #tpu.memory_space<vmem_shared>>)
        tpu.yield
      }) : () -> ()
      %lt3A_178 = arith.cmpi slt, %mul3A_156, %select_n3A : i32
      %convert_element_type3A_179 = arith.extui %lt3A_178 : i1 to i32
      %cond3A_180 = arith.constant 0 : i32
      %cond3A_181 = arith.cmpi ne, %convert_element_type3A_179, %cond3A_180 : i32
      scf.if %cond3A_181 {
        %dma_wait3A_205 = arith.constant 0 : i32
        %dma_wait3A_206 = tpu.memref_slice %arg10[%mul3A_156, %dma_wait3A_205] : memref<40x128xi32, #tpu.memory_space<vmem>> -> memref<1x128xi32, #tpu.memory_space<vmem>>
        %dma_wait3A_207 = tpu.memref_squeeze %dma_wait3A_206 : memref<1x128xi32, #tpu.memory_space<vmem>> -> memref<128xi32, #tpu.memory_space<vmem>>
        %dma_wait3A_208 = arith.constant 0 : i32
        %dma_wait3A_209 = tpu.memref_slice %arg22[%dma_wait3A_208] : memref<10240xf32, #tpu.memory_space<vmem_shared>> -> memref<10240xf32, #tpu.memory_space<vmem_shared>>
        tpu.wait_indirect_dma semaphore(%arg20 : memref<!tpu.dma_semaphore, #tpu.memory_space<semaphore_mem>>) src(%arg16 : memref<128xf32, #tpu.memory_space<vmem>>) dst(%dma_wait3A_209 : memref<10240xf32, #tpu.memory_space<vmem_shared>>)
      } else {
      }
      %add3A_182 = arith.constant 2 : i32
      %add3A_183 = arith.addi %mul3A_156, %add3A_182 : i32
      %lt3A_184 = arith.constant 40 : i32
      %lt3A_185 = arith.cmpi slt, %add3A_183, %lt3A_184 : i32
      %convert_element_type3A_186 = arith.extui %lt3A_185 : i1 to i32
      %cond3A_187 = arith.constant 0 : i32
      %cond3A_188 = arith.cmpi ne, %convert_element_type3A_186, %cond3A_187 : i32
      scf.if %cond3A_188 {
        %add3A_205 = arith.constant 2 : i32
        %add3A_206 = arith.addi %mul3A_156, %add3A_205 : i32
        %dma_start3A_207 = arith.constant 0 : i32
        %dma_start3A_208 = tpu.memref_slice %arg10[%add3A_206, %dma_start3A_207] : memref<40x128xi32, #tpu.memory_space<vmem>> -> memref<1x128xi32, #tpu.memory_space<vmem>>
        %dma_start3A_209 = tpu.memref_squeeze %dma_start3A_208 : memref<1x128xi32, #tpu.memory_space<vmem>> -> memref<128xi32, #tpu.memory_space<vmem>>
        %dma_start3A_210 = arith.constant 0 : i32
        %dma_start3A_211 = arith.constant 0 : i32
        %dma_start3A_212 = tpu.memref_slice %arg2[%dma_start3A_210, %dma_start3A_211] : memref<10240x128xf32, #tpu.memory_space<hbm>> -> memref<10240x128xf32, #tpu.memory_space<hbm>>
        tpu.enqueue_indirect_dma source(%dma_start3A_212 : memref<10240x128xf32, #tpu.memory_space<hbm>>) target(%arg12 : memref<128x128xf32, #tpu.memory_space<vmem>>) offsets(%dma_start3A_209 : memref<128xi32, #tpu.memory_space<vmem>>) semaphore(%arg14 : memref<!tpu.dma_semaphore, #tpu.memory_space<semaphore_mem>>)
        %lt3A_213 = arith.cmpi slt, %add3A_206, %select_n3A : i32
        %convert_element_type3A_214 = arith.extui %lt3A_213 : i1 to i32
        %cond3A_215 = arith.constant 0 : i32
        %cond3A_216 = arith.cmpi ne, %convert_element_type3A_214, %cond3A_215 : i32
        scf.if %cond3A_216 {
          %dma_start3A_217 = arith.constant 0 : i32
          %dma_start3A_218 = tpu.memref_slice %arg11[%add3A_206, %dma_start3A_217] : memref<40x128xi32, #tpu.memory_space<vmem>> -> memref<1x128xi32, #tpu.memory_space<vmem>>
          %dma_start3A_219 = tpu.memref_squeeze %dma_start3A_218 : memref<1x128xi32, #tpu.memory_space<vmem>> -> memref<128xi32, #tpu.memory_space<vmem>>
          %dma_start3A_220 = arith.constant 0 : i32
          %dma_start3A_221 = tpu.memref_slice %arg5[%dma_start3A_220] : memref<10240xf32, #tpu.memory_space<hbm>> -> memref<10240xf32, #tpu.memory_space<hbm>>
          tpu.enqueue_indirect_dma source(%dma_start3A_221 : memref<10240xf32, #tpu.memory_space<hbm>>) target(%arg16 : memref<128xf32, #tpu.memory_space<vmem>>) offsets(%dma_start3A_219 : memref<128xi32, #tpu.memory_space<vmem>>) semaphore(%arg18 : memref<!tpu.dma_semaphore, #tpu.memory_space<semaphore_mem>>)
        } else {
        }
      } else {
      }
      %add3A_189 = arith.constant 1 : i32
      %add3A_190 = arith.addi %mul3A_156, %add3A_189 : i32
      %dma_wait3A_191 = arith.constant 0 : i32
      %dma_wait3A_192 = tpu.memref_slice %arg10[%add3A_190, %dma_wait3A_191] : memref<40x128xi32, #tpu.memory_space<vmem>> -> memref<1x128xi32, #tpu.memory_space<vmem>>
      %dma_wait3A_193 = tpu.memref_squeeze %dma_wait3A_192 : memref<1x128xi32, #tpu.memory_space<vmem>> -> memref<128xi32, #tpu.memory_space<vmem>>
      %dma_wait3A_194 = arith.constant 0 : i32
      %dma_wait3A_195 = arith.constant 0 : i32
      %dma_wait3A_196 = tpu.memref_slice %arg2[%dma_wait3A_194, %dma_wait3A_195] : memref<10240x128xf32, #tpu.memory_space<hbm>> -> memref<10240x128xf32, #tpu.memory_space<hbm>>
      tpu.wait_indirect_dma semaphore(%arg15 : memref<!tpu.dma_semaphore, #tpu.memory_space<semaphore_mem>>) src(%dma_wait3A_196 : memref<10240x128xf32, #tpu.memory_space<hbm>>) dst(%arg13 : memref<128x128xf32, #tpu.memory_space<vmem>>)
      %lt3A_197 = arith.cmpi slt, %add3A_190, %select_n3A : i32
      %convert_element_type3A_198 = arith.extui %lt3A_197 : i1 to i32
      %cond3A_199 = arith.constant 0 : i32
      %cond3A_200 = arith.cmpi ne, %convert_element_type3A_198, %cond3A_199 : i32
      scf.if %cond3A_200 {
        %dma_wait3A_205 = arith.constant 0 : i32
        %dma_wait3A_206 = tpu.memref_slice %arg11[%add3A_190, %dma_wait3A_205] : memref<40x128xi32, #tpu.memory_space<vmem>> -> memref<1x128xi32, #tpu.memory_space<vmem>>
        %dma_wait3A_207 = tpu.memref_squeeze %dma_wait3A_206 : memref<1x128xi32, #tpu.memory_space<vmem>> -> memref<128xi32, #tpu.memory_space<vmem>>
        %dma_wait3A_208 = arith.constant 0 : i32
        %dma_wait3A_209 = tpu.memref_slice %arg5[%dma_wait3A_208] : memref<10240xf32, #tpu.memory_space<hbm>> -> memref<10240xf32, #tpu.memory_space<hbm>>
        tpu.wait_indirect_dma semaphore(%arg19 : memref<!tpu.dma_semaphore, #tpu.memory_space<semaphore_mem>>) src(%dma_wait3A_209 : memref<10240xf32, #tpu.memory_space<hbm>>) dst(%arg17 : memref<128xf32, #tpu.memory_space<vmem>>)
        %dma_start3A_210 = arith.constant 0 : i32
        %dma_start3A_211 = tpu.memref_slice %arg10[%add3A_190, %dma_start3A_210] : memref<40x128xi32, #tpu.memory_space<vmem>> -> memref<1x128xi32, #tpu.memory_space<vmem>>
        %dma_start3A_212 = tpu.memref_squeeze %dma_start3A_211 : memref<1x128xi32, #tpu.memory_space<vmem>> -> memref<128xi32, #tpu.memory_space<vmem>>
        %dma_start3A_213 = arith.constant 0 : i32
        %dma_start3A_214 = tpu.memref_slice %arg22[%dma_start3A_213] : memref<10240xf32, #tpu.memory_space<vmem_shared>> -> memref<10240xf32, #tpu.memory_space<vmem_shared>>
        tpu.enqueue_indirect_dma source(%arg17 : memref<128xf32, #tpu.memory_space<vmem>>) target(%dma_start3A_214 : memref<10240xf32, #tpu.memory_space<vmem_shared>>) offsets(%dma_start3A_212 : memref<128xi32, #tpu.memory_space<vmem>>) semaphore(%arg20 : memref<!tpu.dma_semaphore, #tpu.memory_space<semaphore_mem>>) {add = true}
      } else {
      }
      "tpu.region"() ({
        %run_scoped3A = tpu.sem_alloc : memref<!tpu.dma_semaphore, #tpu.memory_space<semaphore_mem>>
        %dma_start3A_205 = arith.constant 0 : i32
        %dma_start3A_206 = tpu.memref_slice %arg11[%add3A_190, %dma_start3A_205] : memref<40x128xi32, #tpu.memory_space<vmem>> -> memref<1x128xi32, #tpu.memory_space<vmem>>
        %dma_start3A_207 = tpu.memref_squeeze %dma_start3A_206 : memref<1x128xi32, #tpu.memory_space<vmem>> -> memref<128xi32, #tpu.memory_space<vmem>>
        %dma_start3A_208 = arith.constant 0 : i32
        %dma_start3A_209 = arith.constant 0 : i32
        %dma_start3A_210 = tpu.memref_slice %arg21[%dma_start3A_208, %dma_start3A_209] : memref<10240x128xf32, #tpu.memory_space<vmem_shared>> -> memref<10240x128xf32, #tpu.memory_space<vmem_shared>>
        tpu.enqueue_indirect_dma source(%arg13 : memref<128x128xf32, #tpu.memory_space<vmem>>) target(%dma_start3A_210 : memref<10240x128xf32, #tpu.memory_space<vmem_shared>>) offsets(%dma_start3A_207 : memref<128xi32, #tpu.memory_space<vmem>>) semaphore(%run_scoped3A : memref<!tpu.dma_semaphore, #tpu.memory_space<semaphore_mem>>) {add = true}
        %dma_wait3A_211 = arith.constant 0 : i32
        %dma_wait3A_212 = tpu.memref_slice %arg11[%add3A_190, %dma_wait3A_211] : memref<40x128xi32, #tpu.memory_space<vmem>> -> memref<1x128xi32, #tpu.memory_space<vmem>>
        %dma_wait3A_213 = tpu.memref_squeeze %dma_wait3A_212 : memref<1x128xi32, #tpu.memory_space<vmem>> -> memref<128xi32, #tpu.memory_space<vmem>>
        %dma_wait3A_214 = arith.constant 0 : i32
        %dma_wait3A_215 = arith.constant 0 : i32
        %dma_wait3A_216 = tpu.memref_slice %arg21[%dma_wait3A_214, %dma_wait3A_215] : memref<10240x128xf32, #tpu.memory_space<vmem_shared>> -> memref<10240x128xf32, #tpu.memory_space<vmem_shared>>
        tpu.wait_indirect_dma semaphore(%run_scoped3A : memref<!tpu.dma_semaphore, #tpu.memory_space<semaphore_mem>>) src(%arg13 : memref<128x128xf32, #tpu.memory_space<vmem>>) dst(%dma_wait3A_216 : memref<10240x128xf32, #tpu.memory_space<vmem_shared>>)
        tpu.yield
      }) : () -> ()
      %lt3A_201 = arith.cmpi slt, %add3A_190, %select_n3A : i32
      %convert_element_type3A_202 = arith.extui %lt3A_201 : i1 to i32
      %cond3A_203 = arith.constant 0 : i32
      %cond3A_204 = arith.cmpi ne, %convert_element_type3A_202, %cond3A_203 : i32
      scf.if %cond3A_204 {
        %dma_wait3A_205 = arith.constant 0 : i32
        %dma_wait3A_206 = tpu.memref_slice %arg10[%add3A_190, %dma_wait3A_205] : memref<40x128xi32, #tpu.memory_space<vmem>> -> memref<1x128xi32, #tpu.memory_space<vmem>>
        %dma_wait3A_207 = tpu.memref_squeeze %dma_wait3A_206 : memref<1x128xi32, #tpu.memory_space<vmem>> -> memref<128xi32, #tpu.memory_space<vmem>>
        %dma_wait3A_208 = arith.constant 0 : i32
        %dma_wait3A_209 = tpu.memref_slice %arg22[%dma_wait3A_208] : memref<10240xf32, #tpu.memory_space<vmem_shared>> -> memref<10240xf32, #tpu.memory_space<vmem_shared>>
        tpu.wait_indirect_dma semaphore(%arg20 : memref<!tpu.dma_semaphore, #tpu.memory_space<semaphore_mem>>) src(%arg17 : memref<128xf32, #tpu.memory_space<vmem>>) dst(%dma_wait3A_209 : memref<10240xf32, #tpu.memory_space<vmem_shared>>)
      } else {
      }
    }
    %scan3A_109 = arith.constant 20 : i32
    %not3A_110 = arith.constant true
    %not3A_111 = arith.xori %eq3A_47, %not3A_110 : i1
    %convert_element_type3A_112 = arith.extui %not3A_111 : i1 to i32
    %cond3A_113 = arith.constant 0 : i32
    %cond3A_114 = arith.cmpi ne, %convert_element_type3A_112, %cond3A_113 : i32
    scf.if %cond3A_114 {
      %mul3A_154 = arith.constant 80 : i32
      %mul3A_155 = arith.muli %add3A, %mul3A_154 : i32
      %add3A_156 = arith.constant 40 : i32
      %add3A_157 = arith.addi %mul3A_155, %add3A_156 : i32
      %run_scoped3A = arith.constant 0 : i32
      "tpu.region"() ({
        %run_scoped3A_163 = tpu.sem_alloc : memref<!tpu.dma_semaphore, #tpu.memory_space<semaphore_mem>>
        %dma_start3A_164 = arith.constant 0 : i32
        %dma_start3A_165 = tpu.memref_slice %arg3[%run_scoped3A, %add3A_157, %dma_start3A_164] : memref<2x2500x128xi32, #tpu.memory_space<hbm>> -> memref<1x40x128xi32, #tpu.memory_space<hbm>>
        %dma_start3A_166 = tpu.memref_squeeze %dma_start3A_165 : memref<1x40x128xi32, #tpu.memory_space<hbm>> -> memref<40x128xi32, #tpu.memory_space<hbm>>
        %dma_start3A_167 = arith.constant 0 : i32
        %dma_start3A_168 = tpu.memref_slice %arg3[%run_scoped3A, %add3A_157, %dma_start3A_167] : memref<2x2500x128xi32, #tpu.memory_space<hbm>> -> memref<1x40x128xi32, #tpu.memory_space<hbm>>
        %dma_start3A_169 = tpu.memref_squeeze %dma_start3A_168 : memref<1x40x128xi32, #tpu.memory_space<hbm>> -> memref<40x128xi32, #tpu.memory_space<hbm>>
        tpu.enqueue_dma source(%dma_start3A_169 : memref<40x128xi32, #tpu.memory_space<hbm>>) target(%arg10 : memref<40x128xi32, #tpu.memory_space<vmem>>) target_semaphore(%run_scoped3A_163 : memref<!tpu.dma_semaphore, #tpu.memory_space<semaphore_mem>>)
        %dma_wait3A_170 = arith.constant 0 : i32
        %dma_wait3A_171 = tpu.memref_slice %arg3[%run_scoped3A, %add3A_157, %dma_wait3A_170] : memref<2x2500x128xi32, #tpu.memory_space<hbm>> -> memref<1x40x128xi32, #tpu.memory_space<hbm>>
        %dma_wait3A_172 = tpu.memref_squeeze %dma_wait3A_171 : memref<1x40x128xi32, #tpu.memory_space<hbm>> -> memref<40x128xi32, #tpu.memory_space<hbm>>
        %dma_wait3A_173 = arith.constant 0 : i32
        %dma_wait3A_174 = tpu.memref_slice %arg3[%run_scoped3A, %add3A_157, %dma_wait3A_173] : memref<2x2500x128xi32, #tpu.memory_space<hbm>> -> memref<1x40x128xi32, #tpu.memory_space<hbm>>
        %dma_wait3A_175 = tpu.memref_squeeze %dma_wait3A_174 : memref<1x40x128xi32, #tpu.memory_space<hbm>> -> memref<40x128xi32, #tpu.memory_space<hbm>>
        tpu.wait_dma2 semaphore(%run_scoped3A_163 : memref<!tpu.dma_semaphore, #tpu.memory_space<semaphore_mem>>) src(%dma_wait3A_175 : memref<40x128xi32, #tpu.memory_space<hbm>>) dst(%arg10 : memref<40x128xi32, #tpu.memory_space<vmem>>)
        tpu.yield
      }) : () -> ()
      %mul3A_158 = arith.constant 80 : i32
      %mul3A_159 = arith.muli %add3A, %mul3A_158 : i32
      %add3A_160 = arith.constant 40 : i32
      %add3A_161 = arith.addi %mul3A_159, %add3A_160 : i32
      %run_scoped3A_162 = arith.constant 1 : i32
      "tpu.region"() ({
        %run_scoped3A_163 = tpu.sem_alloc : memref<!tpu.dma_semaphore, #tpu.memory_space<semaphore_mem>>
        %dma_start3A_164 = arith.constant 0 : i32
        %dma_start3A_165 = tpu.memref_slice %arg3[%run_scoped3A_162, %add3A_161, %dma_start3A_164] : memref<2x2500x128xi32, #tpu.memory_space<hbm>> -> memref<1x40x128xi32, #tpu.memory_space<hbm>>
        %dma_start3A_166 = tpu.memref_squeeze %dma_start3A_165 : memref<1x40x128xi32, #tpu.memory_space<hbm>> -> memref<40x128xi32, #tpu.memory_space<hbm>>
        %dma_start3A_167 = arith.constant 0 : i32
        %dma_start3A_168 = tpu.memref_slice %arg3[%run_scoped3A_162, %add3A_161, %dma_start3A_167] : memref<2x2500x128xi32, #tpu.memory_space<hbm>> -> memref<1x40x128xi32, #tpu.memory_space<hbm>>
        %dma_start3A_169 = tpu.memref_squeeze %dma_start3A_168 : memref<1x40x128xi32, #tpu.memory_space<hbm>> -> memref<40x128xi32, #tpu.memory_space<hbm>>
        tpu.enqueue_dma source(%dma_start3A_169 : memref<40x128xi32, #tpu.memory_space<hbm>>) target(%arg11 : memref<40x128xi32, #tpu.memory_space<vmem>>) target_semaphore(%run_scoped3A_163 : memref<!tpu.dma_semaphore, #tpu.memory_space<semaphore_mem>>)
        %dma_wait3A_170 = arith.constant 0 : i32
        %dma_wait3A_171 = tpu.memref_slice %arg3[%run_scoped3A_162, %add3A_161, %dma_wait3A_170] : memref<2x2500x128xi32, #tpu.memory_space<hbm>> -> memref<1x40x128xi32, #tpu.memory_space<hbm>>
        %dma_wait3A_172 = tpu.memref_squeeze %dma_wait3A_171 : memref<1x40x128xi32, #tpu.memory_space<hbm>> -> memref<40x128xi32, #tpu.memory_space<hbm>>
        %dma_wait3A_173 = arith.constant 0 : i32
        %dma_wait3A_174 = tpu.memref_slice %arg3[%run_scoped3A_162, %add3A_161, %dma_wait3A_173] : memref<2x2500x128xi32, #tpu.memory_space<hbm>> -> memref<1x40x128xi32, #tpu.memory_space<hbm>>
        %dma_wait3A_175 = tpu.memref_squeeze %dma_wait3A_174 : memref<1x40x128xi32, #tpu.memory_space<hbm>> -> memref<40x128xi32, #tpu.memory_space<hbm>>
        tpu.wait_dma2 semaphore(%run_scoped3A_163 : memref<!tpu.dma_semaphore, #tpu.memory_space<semaphore_mem>>) src(%dma_wait3A_175 : memref<40x128xi32, #tpu.memory_space<hbm>>) dst(%arg11 : memref<40x128xi32, #tpu.memory_space<vmem>>)
        tpu.yield
      }) : () -> ()
    } else {
    }
    %convert_element_type3A_115 = arith.extui %eq3A_47 : i1 to i32
    %cond3A_116 = arith.constant 0 : i32
    %cond3A_117 = arith.cmpi ne, %convert_element_type3A_115, %cond3A_116 : i32
    scf.if %cond3A_117 {
      %run_scoped3A = arith.constant 0 : i32
      "tpu.region"() ({
        %run_scoped3A_155 = tpu.sem_alloc : memref<!tpu.dma_semaphore, #tpu.memory_space<semaphore_mem>>
        %dma_start3A_156 = arith.constant 24 : i32
        %dma_start3A_157 = arith.constant 0 : i32
        %dma_start3A_158 = tpu.memref_slice %arg4[%run_scoped3A, %dma_start3A_156, %dma_start3A_157] : memref<2x64x128xi32, #tpu.memory_space<hbm>> -> memref<1x40x128xi32, #tpu.memory_space<hbm>>
        %dma_start3A_159 = tpu.memref_squeeze %dma_start3A_158 : memref<1x40x128xi32, #tpu.memory_space<hbm>> -> memref<40x128xi32, #tpu.memory_space<hbm>>
        %dma_start3A_160 = arith.constant 24 : i32
        %dma_start3A_161 = arith.constant 0 : i32
        %dma_start3A_162 = tpu.memref_slice %arg4[%run_scoped3A, %dma_start3A_160, %dma_start3A_161] : memref<2x64x128xi32, #tpu.memory_space<hbm>> -> memref<1x40x128xi32, #tpu.memory_space<hbm>>
        %dma_start3A_163 = tpu.memref_squeeze %dma_start3A_162 : memref<1x40x128xi32, #tpu.memory_space<hbm>> -> memref<40x128xi32, #tpu.memory_space<hbm>>
        tpu.enqueue_dma source(%dma_start3A_163 : memref<40x128xi32, #tpu.memory_space<hbm>>) target(%arg10 : memref<40x128xi32, #tpu.memory_space<vmem>>) target_semaphore(%run_scoped3A_155 : memref<!tpu.dma_semaphore, #tpu.memory_space<semaphore_mem>>)
        %dma_wait3A_164 = arith.constant 24 : i32
        %dma_wait3A_165 = arith.constant 0 : i32
        %dma_wait3A_166 = tpu.memref_slice %arg4[%run_scoped3A, %dma_wait3A_164, %dma_wait3A_165] : memref<2x64x128xi32, #tpu.memory_space<hbm>> -> memref<1x40x128xi32, #tpu.memory_space<hbm>>
        %dma_wait3A_167 = tpu.memref_squeeze %dma_wait3A_166 : memref<1x40x128xi32, #tpu.memory_space<hbm>> -> memref<40x128xi32, #tpu.memory_space<hbm>>
        %dma_wait3A_168 = arith.constant 24 : i32
        %dma_wait3A_169 = arith.constant 0 : i32
        %dma_wait3A_170 = tpu.memref_slice %arg4[%run_scoped3A, %dma_wait3A_168, %dma_wait3A_169] : memref<2x64x128xi32, #tpu.memory_space<hbm>> -> memref<1x40x128xi32, #tpu.memory_space<hbm>>
        %dma_wait3A_171 = tpu.memref_squeeze %dma_wait3A_170 : memref<1x40x128xi32, #tpu.memory_space<hbm>> -> memref<40x128xi32, #tpu.memory_space<hbm>>
        tpu.wait_dma2 semaphore(%run_scoped3A_155 : memref<!tpu.dma_semaphore, #tpu.memory_space<semaphore_mem>>) src(%dma_wait3A_171 : memref<40x128xi32, #tpu.memory_space<hbm>>) dst(%arg10 : memref<40x128xi32, #tpu.memory_space<vmem>>)
        tpu.yield
      }) : () -> ()
      %run_scoped3A_154 = arith.constant 1 : i32
      "tpu.region"() ({
        %run_scoped3A_155 = tpu.sem_alloc : memref<!tpu.dma_semaphore, #tpu.memory_space<semaphore_mem>>
        %dma_start3A_156 = arith.constant 24 : i32
        %dma_start3A_157 = arith.constant 0 : i32
        %dma_start3A_158 = tpu.memref_slice %arg4[%run_scoped3A_154, %dma_start3A_156, %dma_start3A_157] : memref<2x64x128xi32, #tpu.memory_space<hbm>> -> memref<1x40x128xi32, #tpu.memory_space<hbm>>
        %dma_start3A_159 = tpu.memref_squeeze %dma_start3A_158 : memref<1x40x128xi32, #tpu.memory_space<hbm>> -> memref<40x128xi32, #tpu.memory_space<hbm>>
        %dma_start3A_160 = arith.constant 24 : i32
        %dma_start3A_161 = arith.constant 0 : i32
        %dma_start3A_162 = tpu.memref_slice %arg4[%run_scoped3A_154, %dma_start3A_160, %dma_start3A_161] : memref<2x64x128xi32, #tpu.memory_space<hbm>> -> memref<1x40x128xi32, #tpu.memory_space<hbm>>
        %dma_start3A_163 = tpu.memref_squeeze %dma_start3A_162 : memref<1x40x128xi32, #tpu.memory_space<hbm>> -> memref<40x128xi32, #tpu.memory_space<hbm>>
        tpu.enqueue_dma source(%dma_start3A_163 : memref<40x128xi32, #tpu.memory_space<hbm>>) target(%arg11 : memref<40x128xi32, #tpu.memory_space<vmem>>) target_semaphore(%run_scoped3A_155 : memref<!tpu.dma_semaphore, #tpu.memory_space<semaphore_mem>>)
        %dma_wait3A_164 = arith.constant 24 : i32
        %dma_wait3A_165 = arith.constant 0 : i32
        %dma_wait3A_166 = tpu.memref_slice %arg4[%run_scoped3A_154, %dma_wait3A_164, %dma_wait3A_165] : memref<2x64x128xi32, #tpu.memory_space<hbm>> -> memref<1x40x128xi32, #tpu.memory_space<hbm>>
        %dma_wait3A_167 = tpu.memref_squeeze %dma_wait3A_166 : memref<1x40x128xi32, #tpu.memory_space<hbm>> -> memref<40x128xi32, #tpu.memory_space<hbm>>
        %dma_wait3A_168 = arith.constant 24 : i32
        %dma_wait3A_169 = arith.constant 0 : i32
        %dma_wait3A_170 = tpu.memref_slice %arg4[%run_scoped3A_154, %dma_wait3A_168, %dma_wait3A_169] : memref<2x64x128xi32, #tpu.memory_space<hbm>> -> memref<1x40x128xi32, #tpu.memory_space<hbm>>
        %dma_wait3A_171 = tpu.memref_squeeze %dma_wait3A_170 : memref<1x40x128xi32, #tpu.memory_space<hbm>> -> memref<40x128xi32, #tpu.memory_space<hbm>>
        tpu.wait_dma2 semaphore(%run_scoped3A_155 : memref<!tpu.dma_semaphore, #tpu.memory_space<semaphore_mem>>) src(%dma_wait3A_171 : memref<40x128xi32, #tpu.memory_space<hbm>>) dst(%arg11 : memref<40x128xi32, #tpu.memory_space<vmem>>)
        tpu.yield
      }) : () -> ()
    } else {
    }
    %jit3A_118 = arith.constant 0 : i32
    %jit3A_119 = arith.constant 40 : i32
    %select_n3A_120 = arith.select %eq3A_47, %jit3A_118, %jit3A_119 : i32
    %dma_start3A_121 = arith.constant 0 : i32
    %dma_start3A_122 = arith.constant 0 : i32
    %dma_start3A_123 = tpu.memref_slice %arg10[%dma_start3A_121, %dma_start3A_122] : memref<40x128xi32, #tpu.memory_space<vmem>> -> memref<1x128xi32, #tpu.memory_space<vmem>>
    %dma_start3A_124 = tpu.memref_squeeze %dma_start3A_123 : memref<1x128xi32, #tpu.memory_space<vmem>> -> memref<128xi32, #tpu.memory_space<vmem>>
    %dma_start3A_125 = arith.constant 0 : i32
    %dma_start3A_126 = arith.constant 0 : i32
    %dma_start3A_127 = tpu.memref_slice %arg2[%dma_start3A_125, %dma_start3A_126] : memref<10240x128xf32, #tpu.memory_space<hbm>> -> memref<10240x128xf32, #tpu.memory_space<hbm>>
    tpu.enqueue_indirect_dma source(%dma_start3A_127 : memref<10240x128xf32, #tpu.memory_space<hbm>>) target(%arg12 : memref<128x128xf32, #tpu.memory_space<vmem>>) offsets(%dma_start3A_124 : memref<128xi32, #tpu.memory_space<vmem>>) semaphore(%arg14 : memref<!tpu.dma_semaphore, #tpu.memory_space<semaphore_mem>>)
    %gt3A_128 = arith.constant 0 : i32
    %gt3A_129 = arith.cmpi sgt, %select_n3A_120, %gt3A_128 : i32
    %convert_element_type3A_130 = arith.extui %gt3A_129 : i1 to i32
    %cond3A_131 = arith.constant 0 : i32
    %cond3A_132 = arith.cmpi ne, %convert_element_type3A_130, %cond3A_131 : i32
    scf.if %cond3A_132 {
      %dma_start3A_154 = arith.constant 0 : i32
      %dma_start3A_155 = arith.constant 0 : i32
      %dma_start3A_156 = tpu.memref_slice %arg11[%dma_start3A_154, %dma_start3A_155] : memref<40x128xi32, #tpu.memory_space<vmem>> -> memref<1x128xi32, #tpu.memory_space<vmem>>
      %dma_start3A_157 = tpu.memref_squeeze %dma_start3A_156 : memref<1x128xi32, #tpu.memory_space<vmem>> -> memref<128xi32, #tpu.memory_space<vmem>>
      %dma_start3A_158 = arith.constant 0 : i32
      %dma_start3A_159 = tpu.memref_slice %arg5[%dma_start3A_158] : memref<10240xf32, #tpu.memory_space<hbm>> -> memref<10240xf32, #tpu.memory_space<hbm>>
      tpu.enqueue_indirect_dma source(%dma_start3A_159 : memref<10240xf32, #tpu.memory_space<hbm>>) target(%arg16 : memref<128xf32, #tpu.memory_space<vmem>>) offsets(%dma_start3A_157 : memref<128xi32, #tpu.memory_space<vmem>>) semaphore(%arg18 : memref<!tpu.dma_semaphore, #tpu.memory_space<semaphore_mem>>)
    } else {
    }
    %scan3A_133 = arith.constant 0 : i32
    %scan3A_134 = arith.constant 0 : i32
    %scan3A_135 = arith.constant 20 : i32
    %scan3A_136 = arith.addi %scan3A_134, %scan3A_135 : i32
    %scan3A_137 = arith.constant 1 : i32
    scf.for %scan3A_154 = %scan3A_134 to %scan3A_136 step %scan3A_137  : i32 {
      %mul3A_155 = arith.constant 2 : i32
      %mul3A_156 = arith.muli %scan3A_154, %mul3A_155 : i32
      %add3A_157 = arith.constant 1 : i32
      %add3A_158 = arith.addi %mul3A_156, %add3A_157 : i32
      %dma_start3A_159 = arith.constant 0 : i32
      %dma_start3A_160 = tpu.memref_slice %arg10[%add3A_158, %dma_start3A_159] : memref<40x128xi32, #tpu.memory_space<vmem>> -> memref<1x128xi32, #tpu.memory_space<vmem>>
      %dma_start3A_161 = tpu.memref_squeeze %dma_start3A_160 : memref<1x128xi32, #tpu.memory_space<vmem>> -> memref<128xi32, #tpu.memory_space<vmem>>
      %dma_start3A_162 = arith.constant 0 : i32
      %dma_start3A_163 = arith.constant 0 : i32
      %dma_start3A_164 = tpu.memref_slice %arg2[%dma_start3A_162, %dma_start3A_163] : memref<10240x128xf32, #tpu.memory_space<hbm>> -> memref<10240x128xf32, #tpu.memory_space<hbm>>
      tpu.enqueue_indirect_dma source(%dma_start3A_164 : memref<10240x128xf32, #tpu.memory_space<hbm>>) target(%arg13 : memref<128x128xf32, #tpu.memory_space<vmem>>) offsets(%dma_start3A_161 : memref<128xi32, #tpu.memory_space<vmem>>) semaphore(%arg15 : memref<!tpu.dma_semaphore, #tpu.memory_space<semaphore_mem>>)
      %lt3A = arith.cmpi slt, %add3A_158, %select_n3A_120 : i32
      %convert_element_type3A_165 = arith.extui %lt3A : i1 to i32
      %cond3A_166 = arith.constant 0 : i32
      %cond3A_167 = arith.cmpi ne, %convert_element_type3A_165, %cond3A_166 : i32
      scf.if %cond3A_167 {
        %dma_start3A_205 = arith.constant 0 : i32
        %dma_start3A_206 = tpu.memref_slice %arg11[%add3A_158, %dma_start3A_205] : memref<40x128xi32, #tpu.memory_space<vmem>> -> memref<1x128xi32, #tpu.memory_space<vmem>>
        %dma_start3A_207 = tpu.memref_squeeze %dma_start3A_206 : memref<1x128xi32, #tpu.memory_space<vmem>> -> memref<128xi32, #tpu.memory_space<vmem>>
        %dma_start3A_208 = arith.constant 0 : i32
        %dma_start3A_209 = tpu.memref_slice %arg5[%dma_start3A_208] : memref<10240xf32, #tpu.memory_space<hbm>> -> memref<10240xf32, #tpu.memory_space<hbm>>
        tpu.enqueue_indirect_dma source(%dma_start3A_209 : memref<10240xf32, #tpu.memory_space<hbm>>) target(%arg17 : memref<128xf32, #tpu.memory_space<vmem>>) offsets(%dma_start3A_207 : memref<128xi32, #tpu.memory_space<vmem>>) semaphore(%arg19 : memref<!tpu.dma_semaphore, #tpu.memory_space<semaphore_mem>>)
      } else {
      }
      %dma_wait3A_168 = arith.constant 0 : i32
      %dma_wait3A_169 = tpu.memref_slice %arg10[%mul3A_156, %dma_wait3A_168] : memref<40x128xi32, #tpu.memory_space<vmem>> -> memref<1x128xi32, #tpu.memory_space<vmem>>
      %dma_wait3A_170 = tpu.memref_squeeze %dma_wait3A_169 : memref<1x128xi32, #tpu.memory_space<vmem>> -> memref<128xi32, #tpu.memory_space<vmem>>
      %dma_wait3A_171 = arith.constant 0 : i32
      %dma_wait3A_172 = arith.constant 0 : i32
      %dma_wait3A_173 = tpu.memref_slice %arg2[%dma_wait3A_171, %dma_wait3A_172] : memref<10240x128xf32, #tpu.memory_space<hbm>> -> memref<10240x128xf32, #tpu.memory_space<hbm>>
      tpu.wait_indirect_dma semaphore(%arg14 : memref<!tpu.dma_semaphore, #tpu.memory_space<semaphore_mem>>) src(%dma_wait3A_173 : memref<10240x128xf32, #tpu.memory_space<hbm>>) dst(%arg12 : memref<128x128xf32, #tpu.memory_space<vmem>>)
      %lt3A_174 = arith.cmpi slt, %mul3A_156, %select_n3A_120 : i32
      %convert_element_type3A_175 = arith.extui %lt3A_174 : i1 to i32
      %cond3A_176 = arith.constant 0 : i32
      %cond3A_177 = arith.cmpi ne, %convert_element_type3A_175, %cond3A_176 : i32
      scf.if %cond3A_177 {
        %dma_wait3A_205 = arith.constant 0 : i32
        %dma_wait3A_206 = tpu.memref_slice %arg11[%mul3A_156, %dma_wait3A_205] : memref<40x128xi32, #tpu.memory_space<vmem>> -> memref<1x128xi32, #tpu.memory_space<vmem>>
        %dma_wait3A_207 = tpu.memref_squeeze %dma_wait3A_206 : memref<1x128xi32, #tpu.memory_space<vmem>> -> memref<128xi32, #tpu.memory_space<vmem>>
        %dma_wait3A_208 = arith.constant 0 : i32
        %dma_wait3A_209 = tpu.memref_slice %arg5[%dma_wait3A_208] : memref<10240xf32, #tpu.memory_space<hbm>> -> memref<10240xf32, #tpu.memory_space<hbm>>
        tpu.wait_indirect_dma semaphore(%arg18 : memref<!tpu.dma_semaphore, #tpu.memory_space<semaphore_mem>>) src(%dma_wait3A_209 : memref<10240xf32, #tpu.memory_space<hbm>>) dst(%arg16 : memref<128xf32, #tpu.memory_space<vmem>>)
        %dma_start3A_210 = arith.constant 0 : i32
        %dma_start3A_211 = tpu.memref_slice %arg10[%mul3A_156, %dma_start3A_210] : memref<40x128xi32, #tpu.memory_space<vmem>> -> memref<1x128xi32, #tpu.memory_space<vmem>>
        %dma_start3A_212 = tpu.memref_squeeze %dma_start3A_211 : memref<1x128xi32, #tpu.memory_space<vmem>> -> memref<128xi32, #tpu.memory_space<vmem>>
        %dma_start3A_213 = arith.constant 0 : i32
        %dma_start3A_214 = tpu.memref_slice %arg22[%dma_start3A_213] : memref<10240xf32, #tpu.memory_space<vmem_shared>> -> memref<10240xf32, #tpu.memory_space<vmem_shared>>
        tpu.enqueue_indirect_dma source(%arg16 : memref<128xf32, #tpu.memory_space<vmem>>) target(%dma_start3A_214 : memref<10240xf32, #tpu.memory_space<vmem_shared>>) offsets(%dma_start3A_212 : memref<128xi32, #tpu.memory_space<vmem>>) semaphore(%arg20 : memref<!tpu.dma_semaphore, #tpu.memory_space<semaphore_mem>>) {add = true}
      } else {
      }
      "tpu.region"() ({
        %run_scoped3A = tpu.sem_alloc : memref<!tpu.dma_semaphore, #tpu.memory_space<semaphore_mem>>
        %dma_start3A_205 = arith.constant 0 : i32
        %dma_start3A_206 = tpu.memref_slice %arg11[%mul3A_156, %dma_start3A_205] : memref<40x128xi32, #tpu.memory_space<vmem>> -> memref<1x128xi32, #tpu.memory_space<vmem>>
        %dma_start3A_207 = tpu.memref_squeeze %dma_start3A_206 : memref<1x128xi32, #tpu.memory_space<vmem>> -> memref<128xi32, #tpu.memory_space<vmem>>
        %dma_start3A_208 = arith.constant 0 : i32
        %dma_start3A_209 = arith.constant 0 : i32
        %dma_start3A_210 = tpu.memref_slice %arg21[%dma_start3A_208, %dma_start3A_209] : memref<10240x128xf32, #tpu.memory_space<vmem_shared>> -> memref<10240x128xf32, #tpu.memory_space<vmem_shared>>
        tpu.enqueue_indirect_dma source(%arg12 : memref<128x128xf32, #tpu.memory_space<vmem>>) target(%dma_start3A_210 : memref<10240x128xf32, #tpu.memory_space<vmem_shared>>) offsets(%dma_start3A_207 : memref<128xi32, #tpu.memory_space<vmem>>) semaphore(%run_scoped3A : memref<!tpu.dma_semaphore, #tpu.memory_space<semaphore_mem>>) {add = true}
        %dma_wait3A_211 = arith.constant 0 : i32
        %dma_wait3A_212 = tpu.memref_slice %arg11[%mul3A_156, %dma_wait3A_211] : memref<40x128xi32, #tpu.memory_space<vmem>> -> memref<1x128xi32, #tpu.memory_space<vmem>>
        %dma_wait3A_213 = tpu.memref_squeeze %dma_wait3A_212 : memref<1x128xi32, #tpu.memory_space<vmem>> -> memref<128xi32, #tpu.memory_space<vmem>>
        %dma_wait3A_214 = arith.constant 0 : i32
        %dma_wait3A_215 = arith.constant 0 : i32
        %dma_wait3A_216 = tpu.memref_slice %arg21[%dma_wait3A_214, %dma_wait3A_215] : memref<10240x128xf32, #tpu.memory_space<vmem_shared>> -> memref<10240x128xf32, #tpu.memory_space<vmem_shared>>
        tpu.wait_indirect_dma semaphore(%run_scoped3A : memref<!tpu.dma_semaphore, #tpu.memory_space<semaphore_mem>>) src(%arg12 : memref<128x128xf32, #tpu.memory_space<vmem>>) dst(%dma_wait3A_216 : memref<10240x128xf32, #tpu.memory_space<vmem_shared>>)
        tpu.yield
      }) : () -> ()
      %lt3A_178 = arith.cmpi slt, %mul3A_156, %select_n3A_120 : i32
      %convert_element_type3A_179 = arith.extui %lt3A_178 : i1 to i32
      %cond3A_180 = arith.constant 0 : i32
      %cond3A_181 = arith.cmpi ne, %convert_element_type3A_179, %cond3A_180 : i32
      scf.if %cond3A_181 {
        %dma_wait3A_205 = arith.constant 0 : i32
        %dma_wait3A_206 = tpu.memref_slice %arg10[%mul3A_156, %dma_wait3A_205] : memref<40x128xi32, #tpu.memory_space<vmem>> -> memref<1x128xi32, #tpu.memory_space<vmem>>
        %dma_wait3A_207 = tpu.memref_squeeze %dma_wait3A_206 : memref<1x128xi32, #tpu.memory_space<vmem>> -> memref<128xi32, #tpu.memory_space<vmem>>
        %dma_wait3A_208 = arith.constant 0 : i32
        %dma_wait3A_209 = tpu.memref_slice %arg22[%dma_wait3A_208] : memref<10240xf32, #tpu.memory_space<vmem_shared>> -> memref<10240xf32, #tpu.memory_space<vmem_shared>>
        tpu.wait_indirect_dma semaphore(%arg20 : memref<!tpu.dma_semaphore, #tpu.memory_space<semaphore_mem>>) src(%arg16 : memref<128xf32, #tpu.memory_space<vmem>>) dst(%dma_wait3A_209 : memref<10240xf32, #tpu.memory_space<vmem_shared>>)
      } else {
      }
      %add3A_182 = arith.constant 2 : i32
      %add3A_183 = arith.addi %mul3A_156, %add3A_182 : i32
      %lt3A_184 = arith.constant 40 : i32
      %lt3A_185 = arith.cmpi slt, %add3A_183, %lt3A_184 : i32
      %convert_element_type3A_186 = arith.extui %lt3A_185 : i1 to i32
      %cond3A_187 = arith.constant 0 : i32
      %cond3A_188 = arith.cmpi ne, %convert_element_type3A_186, %cond3A_187 : i32
      scf.if %cond3A_188 {
        %add3A_205 = arith.constant 2 : i32
        %add3A_206 = arith.addi %mul3A_156, %add3A_205 : i32
        %dma_start3A_207 = arith.constant 0 : i32
        %dma_start3A_208 = tpu.memref_slice %arg10[%add3A_206, %dma_start3A_207] : memref<40x128xi32, #tpu.memory_space<vmem>> -> memref<1x128xi32, #tpu.memory_space<vmem>>
        %dma_start3A_209 = tpu.memref_squeeze %dma_start3A_208 : memref<1x128xi32, #tpu.memory_space<vmem>> -> memref<128xi32, #tpu.memory_space<vmem>>
        %dma_start3A_210 = arith.constant 0 : i32
        %dma_start3A_211 = arith.constant 0 : i32
        %dma_start3A_212 = tpu.memref_slice %arg2[%dma_start3A_210, %dma_start3A_211] : memref<10240x128xf32, #tpu.memory_space<hbm>> -> memref<10240x128xf32, #tpu.memory_space<hbm>>
        tpu.enqueue_indirect_dma source(%dma_start3A_212 : memref<10240x128xf32, #tpu.memory_space<hbm>>) target(%arg12 : memref<128x128xf32, #tpu.memory_space<vmem>>) offsets(%dma_start3A_209 : memref<128xi32, #tpu.memory_space<vmem>>) semaphore(%arg14 : memref<!tpu.dma_semaphore, #tpu.memory_space<semaphore_mem>>)
        %lt3A_213 = arith.cmpi slt, %add3A_206, %select_n3A_120 : i32
        %convert_element_type3A_214 = arith.extui %lt3A_213 : i1 to i32
        %cond3A_215 = arith.constant 0 : i32
        %cond3A_216 = arith.cmpi ne, %convert_element_type3A_214, %cond3A_215 : i32
        scf.if %cond3A_216 {
          %dma_start3A_217 = arith.constant 0 : i32
          %dma_start3A_218 = tpu.memref_slice %arg11[%add3A_206, %dma_start3A_217] : memref<40x128xi32, #tpu.memory_space<vmem>> -> memref<1x128xi32, #tpu.memory_space<vmem>>
          %dma_start3A_219 = tpu.memref_squeeze %dma_start3A_218 : memref<1x128xi32, #tpu.memory_space<vmem>> -> memref<128xi32, #tpu.memory_space<vmem>>
          %dma_start3A_220 = arith.constant 0 : i32
          %dma_start3A_221 = tpu.memref_slice %arg5[%dma_start3A_220] : memref<10240xf32, #tpu.memory_space<hbm>> -> memref<10240xf32, #tpu.memory_space<hbm>>
          tpu.enqueue_indirect_dma source(%dma_start3A_221 : memref<10240xf32, #tpu.memory_space<hbm>>) target(%arg16 : memref<128xf32, #tpu.memory_space<vmem>>) offsets(%dma_start3A_219 : memref<128xi32, #tpu.memory_space<vmem>>) semaphore(%arg18 : memref<!tpu.dma_semaphore, #tpu.memory_space<semaphore_mem>>)
        } else {
        }
      } else {
      }
      %add3A_189 = arith.constant 1 : i32
      %add3A_190 = arith.addi %mul3A_156, %add3A_189 : i32
      %dma_wait3A_191 = arith.constant 0 : i32
      %dma_wait3A_192 = tpu.memref_slice %arg10[%add3A_190, %dma_wait3A_191] : memref<40x128xi32, #tpu.memory_space<vmem>> -> memref<1x128xi32, #tpu.memory_space<vmem>>
      %dma_wait3A_193 = tpu.memref_squeeze %dma_wait3A_192 : memref<1x128xi32, #tpu.memory_space<vmem>> -> memref<128xi32, #tpu.memory_space<vmem>>
      %dma_wait3A_194 = arith.constant 0 : i32
      %dma_wait3A_195 = arith.constant 0 : i32
      %dma_wait3A_196 = tpu.memref_slice %arg2[%dma_wait3A_194, %dma_wait3A_195] : memref<10240x128xf32, #tpu.memory_space<hbm>> -> memref<10240x128xf32, #tpu.memory_space<hbm>>
      tpu.wait_indirect_dma semaphore(%arg15 : memref<!tpu.dma_semaphore, #tpu.memory_space<semaphore_mem>>) src(%dma_wait3A_196 : memref<10240x128xf32, #tpu.memory_space<hbm>>) dst(%arg13 : memref<128x128xf32, #tpu.memory_space<vmem>>)
      %lt3A_197 = arith.cmpi slt, %add3A_190, %select_n3A_120 : i32
      %convert_element_type3A_198 = arith.extui %lt3A_197 : i1 to i32
      %cond3A_199 = arith.constant 0 : i32
      %cond3A_200 = arith.cmpi ne, %convert_element_type3A_198, %cond3A_199 : i32
      scf.if %cond3A_200 {
        %dma_wait3A_205 = arith.constant 0 : i32
        %dma_wait3A_206 = tpu.memref_slice %arg11[%add3A_190, %dma_wait3A_205] : memref<40x128xi32, #tpu.memory_space<vmem>> -> memref<1x128xi32, #tpu.memory_space<vmem>>
        %dma_wait3A_207 = tpu.memref_squeeze %dma_wait3A_206 : memref<1x128xi32, #tpu.memory_space<vmem>> -> memref<128xi32, #tpu.memory_space<vmem>>
        %dma_wait3A_208 = arith.constant 0 : i32
        %dma_wait3A_209 = tpu.memref_slice %arg5[%dma_wait3A_208] : memref<10240xf32, #tpu.memory_space<hbm>> -> memref<10240xf32, #tpu.memory_space<hbm>>
        tpu.wait_indirect_dma semaphore(%arg19 : memref<!tpu.dma_semaphore, #tpu.memory_space<semaphore_mem>>) src(%dma_wait3A_209 : memref<10240xf32, #tpu.memory_space<hbm>>) dst(%arg17 : memref<128xf32, #tpu.memory_space<vmem>>)
        %dma_start3A_210 = arith.constant 0 : i32
        %dma_start3A_211 = tpu.memref_slice %arg10[%add3A_190, %dma_start3A_210] : memref<40x128xi32, #tpu.memory_space<vmem>> -> memref<1x128xi32, #tpu.memory_space<vmem>>
        %dma_start3A_212 = tpu.memref_squeeze %dma_start3A_211 : memref<1x128xi32, #tpu.memory_space<vmem>> -> memref<128xi32, #tpu.memory_space<vmem>>
        %dma_start3A_213 = arith.constant 0 : i32
        %dma_start3A_214 = tpu.memref_slice %arg22[%dma_start3A_213] : memref<10240xf32, #tpu.memory_space<vmem_shared>> -> memref<10240xf32, #tpu.memory_space<vmem_shared>>
        tpu.enqueue_indirect_dma source(%arg17 : memref<128xf32, #tpu.memory_space<vmem>>) target(%dma_start3A_214 : memref<10240xf32, #tpu.memory_space<vmem_shared>>) offsets(%dma_start3A_212 : memref<128xi32, #tpu.memory_space<vmem>>) semaphore(%arg20 : memref<!tpu.dma_semaphore, #tpu.memory_space<semaphore_mem>>) {add = true}
      } else {
      }
      "tpu.region"() ({
        %run_scoped3A = tpu.sem_alloc : memref<!tpu.dma_semaphore, #tpu.memory_space<semaphore_mem>>
        %dma_start3A_205 = arith.constant 0 : i32
        %dma_start3A_206 = tpu.memref_slice %arg11[%add3A_190, %dma_start3A_205] : memref<40x128xi32, #tpu.memory_space<vmem>> -> memref<1x128xi32, #tpu.memory_space<vmem>>
        %dma_start3A_207 = tpu.memref_squeeze %dma_start3A_206 : memref<1x128xi32, #tpu.memory_space<vmem>> -> memref<128xi32, #tpu.memory_space<vmem>>
        %dma_start3A_208 = arith.constant 0 : i32
        %dma_start3A_209 = arith.constant 0 : i32
        %dma_start3A_210 = tpu.memref_slice %arg21[%dma_start3A_208, %dma_start3A_209] : memref<10240x128xf32, #tpu.memory_space<vmem_shared>> -> memref<10240x128xf32, #tpu.memory_space<vmem_shared>>
        tpu.enqueue_indirect_dma source(%arg13 : memref<128x128xf32, #tpu.memory_space<vmem>>) target(%dma_start3A_210 : memref<10240x128xf32, #tpu.memory_space<vmem_shared>>) offsets(%dma_start3A_207 : memref<128xi32, #tpu.memory_space<vmem>>) semaphore(%run_scoped3A : memref<!tpu.dma_semaphore, #tpu.memory_space<semaphore_mem>>) {add = true}
        %dma_wait3A_211 = arith.constant 0 : i32
        %dma_wait3A_212 = tpu.memref_slice %arg11[%add3A_190, %dma_wait3A_211] : memref<40x128xi32, #tpu.memory_space<vmem>> -> memref<1x128xi32, #tpu.memory_space<vmem>>
        %dma_wait3A_213 = tpu.memref_squeeze %dma_wait3A_212 : memref<1x128xi32, #tpu.memory_space<vmem>> -> memref<128xi32, #tpu.memory_space<vmem>>
        %dma_wait3A_214 = arith.constant 0 : i32
        %dma_wait3A_215 = arith.constant 0 : i32
        %dma_wait3A_216 = tpu.memref_slice %arg21[%dma_wait3A_214, %dma_wait3A_215] : memref<10240x128xf32, #tpu.memory_space<vmem_shared>> -> memref<10240x128xf32, #tpu.memory_space<vmem_shared>>
        tpu.wait_indirect_dma semaphore(%run_scoped3A : memref<!tpu.dma_semaphore, #tpu.memory_space<semaphore_mem>>) src(%arg13 : memref<128x128xf32, #tpu.memory_space<vmem>>) dst(%dma_wait3A_216 : memref<10240x128xf32, #tpu.memory_space<vmem_shared>>)
        tpu.yield
      }) : () -> ()
      %lt3A_201 = arith.cmpi slt, %add3A_190, %select_n3A_120 : i32
      %convert_element_type3A_202 = arith.extui %lt3A_201 : i1 to i32
      %cond3A_203 = arith.constant 0 : i32
      %cond3A_204 = arith.cmpi ne, %convert_element_type3A_202, %cond3A_203 : i32
      scf.if %cond3A_204 {
        %dma_wait3A_205 = arith.constant 0 : i32
        %dma_wait3A_206 = tpu.memref_slice %arg10[%add3A_190, %dma_wait3A_205] : memref<40x128xi32, #tpu.memory_space<vmem>> -> memref<1x128xi32, #tpu.memory_space<vmem>>
        %dma_wait3A_207 = tpu.memref_squeeze %dma_wait3A_206 : memref<1x128xi32, #tpu.memory_space<vmem>> -> memref<128xi32, #tpu.memory_space<vmem>>
        %dma_wait3A_208 = arith.constant 0 : i32
        %dma_wait3A_209 = tpu.memref_slice %arg22[%dma_wait3A_208] : memref<10240xf32, #tpu.memory_space<vmem_shared>> -> memref<10240xf32, #tpu.memory_space<vmem_shared>>
        tpu.wait_indirect_dma semaphore(%arg20 : memref<!tpu.dma_semaphore, #tpu.memory_space<semaphore_mem>>) src(%arg17 : memref<128xf32, #tpu.memory_space<vmem>>) dst(%dma_wait3A_209 : memref<10240xf32, #tpu.memory_space<vmem_shared>>)
      } else {
      }
    }
    %scan3A_138 = arith.constant 20 : i32
    %barrier3A_139 = arith.constant 0 : index
    tpu.barrier barrier_id(%barrier3A_139)
    %mul3A_140 = arith.constant 640 : i32
    %mul3A_141 = arith.muli %arg1, %mul3A_140 : i32
    %mul3A_142 = arith.constant 640 : i32
    %mul3A_143 = arith.muli %arg1, %mul3A_142 : i32
    "tpu.region"() ({
      %run_scoped3A = tpu.sem_alloc : memref<!tpu.dma_semaphore, #tpu.memory_space<semaphore_mem>>
      %dma_start3A_154 = arith.constant 0 : i32
      %dma_start3A_155 = tpu.memref_slice %arg7[%arg0, %mul3A_143, %dma_start3A_154] : memref<2x10240x128xf32, #tpu.memory_space<hbm>> -> memref<1x640x128xf32, #tpu.memory_space<hbm>>
      %dma_start3A_156 = tpu.memref_squeeze %dma_start3A_155 : memref<1x640x128xf32, #tpu.memory_space<hbm>> -> memref<640x128xf32, #tpu.memory_space<hbm>>
      %dma_start3A_157 = arith.constant 0 : i32
      %dma_start3A_158 = tpu.memref_slice %arg21[%mul3A_141, %dma_start3A_157] : memref<10240x128xf32, #tpu.memory_space<vmem_shared>> -> memref<640x128xf32, #tpu.memory_space<vmem_shared>>
      tpu.enqueue_dma source(%dma_start3A_158 : memref<640x128xf32, #tpu.memory_space<vmem_shared>>) target(%dma_start3A_156 : memref<640x128xf32, #tpu.memory_space<hbm>>) target_semaphore(%run_scoped3A : memref<!tpu.dma_semaphore, #tpu.memory_space<semaphore_mem>>)
      %dma_wait3A_159 = arith.constant 0 : i32
      %dma_wait3A_160 = tpu.memref_slice %arg7[%arg0, %mul3A_143, %dma_wait3A_159] : memref<2x10240x128xf32, #tpu.memory_space<hbm>> -> memref<1x640x128xf32, #tpu.memory_space<hbm>>
      %dma_wait3A_161 = tpu.memref_squeeze %dma_wait3A_160 : memref<1x640x128xf32, #tpu.memory_space<hbm>> -> memref<640x128xf32, #tpu.memory_space<hbm>>
      %dma_wait3A_162 = arith.constant 0 : i32
      %dma_wait3A_163 = tpu.memref_slice %arg21[%mul3A_141, %dma_wait3A_162] : memref<10240x128xf32, #tpu.memory_space<vmem_shared>> -> memref<640x128xf32, #tpu.memory_space<vmem_shared>>
      tpu.wait_dma2 semaphore(%run_scoped3A : memref<!tpu.dma_semaphore, #tpu.memory_space<semaphore_mem>>) src(%dma_wait3A_163 : memref<640x128xf32, #tpu.memory_space<vmem_shared>>) dst(%dma_wait3A_161 : memref<640x128xf32, #tpu.memory_space<hbm>>)
      tpu.yield
    }) : () -> ()
    %eq3A_144 = arith.constant 0 : i32
    %eq3A_145 = arith.cmpi eq, %arg0, %eq3A_144 : i32
    %convert_element_type3A_146 = arith.extui %eq3A_145 : i1 to i32
    %cond3A_147 = arith.constant 0 : i32
    %cond3A_148 = arith.cmpi ne, %convert_element_type3A_146, %cond3A_147 : i32
    scf.if %cond3A_148 {
      %mul3A_154 = arith.constant 640 : i32
      %mul3A_155 = arith.muli %arg1, %mul3A_154 : i32
      %mul3A_156 = arith.constant 640 : i32
      %mul3A_157 = arith.muli %arg1, %mul3A_156 : i32
      "tpu.region"() ({
        %run_scoped3A = tpu.sem_alloc : memref<!tpu.dma_semaphore, #tpu.memory_space<semaphore_mem>>
        %dma_start3A_158 = tpu.memref_slice %arg8[%mul3A_157] : memref<10240xf32, #tpu.memory_space<hbm>> -> memref<640xf32, #tpu.memory_space<hbm>>
        %dma_start3A_159 = tpu.memref_slice %arg22[%mul3A_155] : memref<10240xf32, #tpu.memory_space<vmem_shared>> -> memref<640xf32, #tpu.memory_space<vmem_shared>>
        tpu.enqueue_dma source(%dma_start3A_159 : memref<640xf32, #tpu.memory_space<vmem_shared>>) target(%dma_start3A_158 : memref<640xf32, #tpu.memory_space<hbm>>) target_semaphore(%run_scoped3A : memref<!tpu.dma_semaphore, #tpu.memory_space<semaphore_mem>>)
        %dma_wait3A_160 = tpu.memref_slice %arg8[%mul3A_157] : memref<10240xf32, #tpu.memory_space<hbm>> -> memref<640xf32, #tpu.memory_space<hbm>>
        %dma_wait3A_161 = tpu.memref_slice %arg22[%mul3A_155] : memref<10240xf32, #tpu.memory_space<vmem_shared>> -> memref<640xf32, #tpu.memory_space<vmem_shared>>
        tpu.wait_dma2 semaphore(%run_scoped3A : memref<!tpu.dma_semaphore, #tpu.memory_space<semaphore_mem>>) src(%dma_wait3A_161 : memref<640xf32, #tpu.memory_space<vmem_shared>>) dst(%dma_wait3A_160 : memref<640xf32, #tpu.memory_space<hbm>>)
        tpu.yield
      }) : () -> ()
    } else {
    }
    %eq3A_149 = arith.constant 1 : i32
    %eq3A_150 = arith.cmpi eq, %arg0, %eq3A_149 : i32
    %convert_element_type3A_151 = arith.extui %eq3A_150 : i1 to i32
    %cond3A_152 = arith.constant 0 : i32
    %cond3A_153 = arith.cmpi ne, %convert_element_type3A_151, %cond3A_152 : i32
    scf.if %cond3A_153 {
      %mul3A_154 = arith.constant 640 : i32
      %mul3A_155 = arith.muli %arg1, %mul3A_154 : i32
      %mul3A_156 = arith.constant 640 : i32
      %mul3A_157 = arith.muli %arg1, %mul3A_156 : i32
      "tpu.region"() ({
        %run_scoped3A = tpu.sem_alloc : memref<!tpu.dma_semaphore, #tpu.memory_space<semaphore_mem>>
        %dma_start3A_158 = tpu.memref_slice %arg9[%mul3A_157] : memref<10240xf32, #tpu.memory_space<hbm>> -> memref<640xf32, #tpu.memory_space<hbm>>
        %dma_start3A_159 = tpu.memref_slice %arg22[%mul3A_155] : memref<10240xf32, #tpu.memory_space<vmem_shared>> -> memref<640xf32, #tpu.memory_space<vmem_shared>>
        tpu.enqueue_dma source(%dma_start3A_159 : memref<640xf32, #tpu.memory_space<vmem_shared>>) target(%dma_start3A_158 : memref<640xf32, #tpu.memory_space<hbm>>) target_semaphore(%run_scoped3A : memref<!tpu.dma_semaphore, #tpu.memory_space<semaphore_mem>>)
        %dma_wait3A_160 = tpu.memref_slice %arg9[%mul3A_157] : memref<10240xf32, #tpu.memory_space<hbm>> -> memref<640xf32, #tpu.memory_space<hbm>>
        %dma_wait3A_161 = tpu.memref_slice %arg22[%mul3A_155] : memref<10240xf32, #tpu.memory_space<vmem_shared>> -> memref<640xf32, #tpu.memory_space<vmem_shared>>
        tpu.wait_dma2 semaphore(%run_scoped3A : memref<!tpu.dma_semaphore, #tpu.memory_space<semaphore_mem>>) src(%dma_wait3A_161 : memref<640xf32, #tpu.memory_space<vmem_shared>>) dst(%dma_wait3A_160 : memref<640xf32, #tpu.memory_space<hbm>>)
        tpu.yield
      }) : () -> ()
    } else {
    }
    return
  }
}

module attributes {stable_mosaic.version = 14 : i64} {
  func.func @_mm_body(%arg0: i32, %arg1: memref<1000x128xf32, #tpu.memory_space<vmem>>, %arg2: memref<128x128xf32, #tpu.memory_space<vmem>>, %arg3: memref<1000x128xf32, #tpu.memory_space<vmem>>) attributes {dimension_semantics = [#tpu.dimension_semantics<arbitrary>], iteration_bounds = array<i64: 10>, scalar_prefetch = 0 : i64, scratch_operands = 0 : i64, tpu.core_type = #tpu.core_type<tc>, window_params = [{transform_indices = @transform_0, window_bounds = array<i64: 1000, 128>}, {pipeline_mode = #tpu.pipeline_mode<synchronous>, transform_indices = @transform_1, window_bounds = array<i64: 128, 128>}, {transform_indices = @transform_2, window_bounds = array<i64: 1000, 128>}]} {
    %get3A = arith.constant 0 : index
    %get3A_0 = arith.constant 0 : index
    %get3A_1 = vector.load %arg1[%get3A, %get3A_0] : memref<1000x128xf32, #tpu.memory_space<vmem>>, vector<1000x128xf32>
    %get3A_2 = arith.constant 0 : index
    %get3A_3 = arith.constant 0 : index
    %get3A_4 = vector.load %arg2[%get3A_2, %get3A_3] : memref<128x128xf32, #tpu.memory_space<vmem>>, vector<128x128xf32>
    %dot_general3A = arith.constant dense<0.000000e+00> : vector<1000x128xf32>
    %dot_general3A_5 = tpu.matmul %get3A_1, %get3A_4, %dot_general3A {dimension_numbers = #tpu.dot_dimension_numbers<[1], [0], [0], [1], [0, 0, 1, 1], [], []>, transpose_lhs_hint = false} : vector<1000x128xf32>, vector<128x128xf32>, vector<1000x128xf32> -> vector<1000x128xf32>
    %swap3A = arith.constant 0 : index
    %swap3A_6 = arith.constant 0 : index
    %swap3A_7 = vector.load %arg3[%swap3A, %swap3A_6] : memref<1000x128xf32, #tpu.memory_space<vmem>>, vector<1000x128xf32>
    tpu.vector_store %arg3[%swap3A, %swap3A_6], %dot_general3A_5 {strides = array<i32>} : memref<1000x128xf32, #tpu.memory_space<vmem>>, vector<1000x128xf32>,
    return
  }
  func.func @transform_0(%arg0: i32) -> (i32, i32) {
    %c0_i32 = arith.constant 0 : i32
    %c0_i32_0 = arith.constant 0 : i32
    return %arg0, %c0_i32 : i32, i32
  }
  func.func @transform_1(%arg0: i32) -> (i32, i32) {
    %c0_i32 = arith.constant 0 : i32
    %c0_i32_0 = arith.constant 0 : i32
    %c0_i32_1 = arith.constant 0 : i32
    return %c0_i32, %c0_i32_0 : i32, i32
  }
  func.func @transform_2(%arg0: i32) -> (i32, i32) {
    %c0_i32 = arith.constant 0 : i32
    %c0_i32_0 = arith.constant 0 : i32
    return %arg0, %c0_i32 : i32, i32
  }
}

module attributes {stable_mosaic.version = 14 : i64} {
  func.func @_k2_body(%arg0: i32, %arg1: memref<1024x128xf32, #tpu.memory_space<vmem>>, %arg2: memref<1024xf32, #tpu.memory_space<vmem>>, %arg3: memref<1024xf32, #tpu.memory_space<vmem>>, %arg4: memref<1024x128xf32, #tpu.memory_space<vmem>>, %arg5: memref<1024xf32, #tpu.memory_space<vmem>>, %arg6: memref<1024xf32, #tpu.memory_space<vmem>>) attributes {dimension_semantics = [#tpu.dimension_semantics<arbitrary>], iteration_bounds = array<i64: 10>, scalar_prefetch = 0 : i64, scratch_operands = 0 : i64, tpu.core_type = #tpu.core_type<tc>, window_params = [{transform_indices = @transform_0, window_bounds = array<i64: 1024, 128>}, {transform_indices = @transform_1, window_bounds = array<i64: 1024>}, {transform_indices = @transform_2, window_bounds = array<i64: 1024>}, {transform_indices = @transform_3, window_bounds = array<i64: 1024, 128>}, {transform_indices = @transform_4, window_bounds = array<i64: 1024>}, {transform_indices = @transform_5, window_bounds = array<i64: 1024>}]} {
    %get3A = arith.constant 0 : index
    %get3A_0 = vector.load %arg2[%get3A] : memref<1024xf32, #tpu.memory_space<vmem>>, vector<1024xf32>
    %get3A_1 = arith.constant 0 : index
    %get3A_2 = vector.load %arg3[%get3A_1] : memref<1024xf32, #tpu.memory_space<vmem>>, vector<1024xf32>
    %add3A = arith.addf %get3A_0, %get3A_2 : vector<1024xf32>
    %add3A_3 = arith.constant 1.000000e+00 : f32
    %add3A_4 = vector.broadcast %add3A_3 : f32 to vector<1024xf32>
    %add3A_5 = arith.addf %add3A, %add3A_4 : vector<1024xf32>
    %rsqrt3A = math.rsqrt %add3A_5 : vector<1024xf32>
    %get3A_6 = arith.constant 0 : index
    %get3A_7 = arith.constant 0 : index
    %get3A_8 = vector.load %arg1[%get3A_6, %get3A_7] : memref<1024x128xf32, #tpu.memory_space<vmem>>, vector<1024x128xf32>
    %reshape3A = vector.shape_cast %rsqrt3A : vector<1024xf32> to vector<1024x1xf32>
    %mul3A = vector.broadcast %reshape3A : vector<1024x1xf32> to vector<1024x128xf32>
    %mul3A_9 = arith.mulf %get3A_8, %mul3A : vector<1024x128xf32>
    %swap3A = arith.constant 0 : index
    %swap3A_10 = arith.constant 0 : index
    %swap3A_11 = vector.load %arg4[%swap3A, %swap3A_10] : memref<1024x128xf32, #tpu.memory_space<vmem>>, vector<1024x128xf32>
    tpu.vector_store %arg4[%swap3A, %swap3A_10], %mul3A_9 {strides = array<i32>} : memref<1024x128xf32, #tpu.memory_space<vmem>>, vector<1024x128xf32>,
    %swap3A_12 = arith.constant 0 : index
    %swap3A_13 = vector.load %arg5[%swap3A_12] : memref<1024xf32, #tpu.memory_space<vmem>>, vector<1024xf32>
    tpu.vector_store %arg5[%swap3A_12], %rsqrt3A {strides = array<i32>} : memref<1024xf32, #tpu.memory_space<vmem>>, vector<1024xf32>,
    %max3A = arith.constant 1.000000e+00 : f32
    %max3A_14 = vector.broadcast %max3A : f32 to vector<1024xf32>
    %max3A_15 = arith.maximumf %add3A, %max3A_14 : vector<1024xf32>
    %div3A = arith.constant 1.000000e+00 : f32
    %div3A_16 = vector.broadcast %div3A : f32 to vector<1024xf32>
    %div3A_17 = arith.divf %div3A_16, %max3A_15 : vector<1024xf32>
    %swap3A_18 = arith.constant 0 : index
    %swap3A_19 = vector.load %arg6[%swap3A_18] : memref<1024xf32, #tpu.memory_space<vmem>>, vector<1024xf32>
    tpu.vector_store %arg6[%swap3A_18], %div3A_17 {strides = array<i32>} : memref<1024xf32, #tpu.memory_space<vmem>>, vector<1024xf32>,
    return
  }
  func.func @transform_0(%arg0: i32) -> (i32, i32) {
    %c0_i32 = arith.constant 0 : i32
    %c0_i32_0 = arith.constant 0 : i32
    return %arg0, %c0_i32 : i32, i32
  }
  func.func @transform_1(%arg0: i32) -> i32 {
    %c0_i32 = arith.constant 0 : i32
    return %arg0 : i32
  }
  func.func @transform_2(%arg0: i32) -> i32 {
    %c0_i32 = arith.constant 0 : i32
    return %arg0 : i32
  }
  func.func @transform_3(%arg0: i32) -> (i32, i32) {
    %c0_i32 = arith.constant 0 : i32
    %c0_i32_0 = arith.constant 0 : i32
    return %arg0, %c0_i32 : i32, i32
  }
  func.func @transform_4(%arg0: i32) -> i32 {
    %c0_i32 = arith.constant 0 : i32
    return %arg0 : i32
  }
  func.func @transform_5(%arg0: i32) -> i32 {
    %c0_i32 = arith.constant 0 : i32
    return %arg0 : i32
  }
}

module attributes {stable_mosaic.version = 14 : i64} {
  func.func @_k4_body(%arg0: i32, %arg1: memref<2x1024x128xf32, #tpu.memory_space<vmem>>, %arg2: memref<1024x128xf32, #tpu.memory_space<vmem>>, %arg3: memref<1024xf32, #tpu.memory_space<vmem>>, %arg4: memref<1x128xf32, #tpu.memory_space<vmem>>, %arg5: memref<1024x128xf32, #tpu.memory_space<vmem>>) attributes {dimension_semantics = [#tpu.dimension_semantics<arbitrary>], iteration_bounds = array<i64: 10>, scalar_prefetch = 0 : i64, scratch_operands = 0 : i64, tpu.core_type = #tpu.core_type<tc>, window_params = [{transform_indices = @transform_0, window_bounds = array<i64: 2, 1024, 128>}, {transform_indices = @transform_1, window_bounds = array<i64: 1024, 128>}, {transform_indices = @transform_2, window_bounds = array<i64: 1024>}, {pipeline_mode = #tpu.pipeline_mode<synchronous>, transform_indices = @transform_3, window_bounds = array<i64: 1, 128>}, {transform_indices = @transform_4, window_bounds = array<i64: 1024, 128>}]} {
    %get3A = arith.constant 0 : index
    %get3A_0 = vector.load %arg3[%get3A] : memref<1024xf32, #tpu.memory_space<vmem>>, vector<1024xf32>
    %reshape3A = vector.shape_cast %get3A_0 : vector<1024xf32> to vector<1024x1xf32>
    %get3A_1 = arith.constant 0 : index
    %get3A_2 = arith.constant 0 : index
    %get3A_3 = arith.constant 0 : index
    %get3A_4 = vector.load %arg1[%get3A_1, %get3A_2, %get3A_3] : memref<2x1024x128xf32, #tpu.memory_space<vmem>>, vector<1x1024x128xf32>
    %get3A_5 = vector.shape_cast %get3A_4 : vector<1x1024x128xf32> to vector<1024x128xf32>
    %get3A_6 = arith.constant 1 : index
    %get3A_7 = arith.constant 0 : index
    %get3A_8 = arith.constant 0 : index
    %get3A_9 = vector.load %arg1[%get3A_6, %get3A_7, %get3A_8] : memref<2x1024x128xf32, #tpu.memory_space<vmem>>, vector<1x1024x128xf32>
    %get3A_10 = vector.shape_cast %get3A_9 : vector<1x1024x128xf32> to vector<1024x128xf32>
    %add3A = arith.addf %get3A_5, %get3A_10 : vector<1024x128xf32>
    %get3A_11 = arith.constant 0 : index
    %get3A_12 = arith.constant 0 : index
    %get3A_13 = vector.load %arg2[%get3A_11, %get3A_12] : memref<1024x128xf32, #tpu.memory_space<vmem>>, vector<1024x128xf32>
    %add3A_14 = arith.addf %add3A, %get3A_13 : vector<1024x128xf32>
    %mul3A = vector.broadcast %reshape3A : vector<1024x1xf32> to vector<1024x128xf32>
    %mul3A_15 = arith.mulf %add3A_14, %mul3A : vector<1024x128xf32>
    %get3A_16 = arith.constant 0 : index
    %get3A_17 = arith.constant 0 : index
    %get3A_18 = vector.load %arg4[%get3A_16, %get3A_17] : memref<1x128xf32, #tpu.memory_space<vmem>>, vector<1x128xf32>
    %add3A_19 = vector.broadcast %get3A_18 : vector<1x128xf32> to vector<1024x128xf32>
    %add3A_20 = arith.addf %mul3A_15, %add3A_19 : vector<1024x128xf32>
    %max3A = arith.constant 0.000000e+00 : f32
    %max3A_21 = vector.broadcast %max3A : f32 to vector<1024x128xf32>
    %max3A_22 = arith.maximumf %add3A_20, %max3A_21 : vector<1024x128xf32>
    %swap3A = arith.constant 0 : index
    %swap3A_23 = arith.constant 0 : index
    %swap3A_24 = vector.load %arg5[%swap3A, %swap3A_23] : memref<1024x128xf32, #tpu.memory_space<vmem>>, vector<1024x128xf32>
    tpu.vector_store %arg5[%swap3A, %swap3A_23], %max3A_22 {strides = array<i32>} : memref<1024x128xf32, #tpu.memory_space<vmem>>, vector<1024x128xf32>,
    return
  }
  func.func @transform_0(%arg0: i32) -> (i32, i32, i32) {
    %c0_i32 = arith.constant 0 : i32
    %c0_i32_0 = arith.constant 0 : i32
    %c0_i32_1 = arith.constant 0 : i32
    return %c0_i32, %arg0, %c0_i32_0 : i32, i32, i32
  }
  func.func @transform_1(%arg0: i32) -> (i32, i32) {
    %c0_i32 = arith.constant 0 : i32
    %c0_i32_0 = arith.constant 0 : i32
    return %arg0, %c0_i32 : i32, i32
  }
  func.func @transform_2(%arg0: i32) -> i32 {
    %c0_i32 = arith.constant 0 : i32
    return %arg0 : i32
  }
  func.func @transform_3(%arg0: i32) -> (i32, i32) {
    %c0_i32 = arith.constant 0 : i32
    %c0_i32_0 = arith.constant 0 : i32
    %c0_i32_1 = arith.constant 0 : i32
    return %c0_i32, %c0_i32_0 : i32, i32
  }
  func.func @transform_4(%arg0: i32) -> (i32, i32) {
    %c0_i32 = arith.constant 0 : i32
    %c0_i32_0 = arith.constant 0 : i32
    return %arg0, %c0_i32 : i32, i32
  }
}

module attributes {stable_mosaic.version = 14 : i64} {
  func.func @_mm_body(%arg0: i32, %arg1: memref<1024x128xf32, #tpu.memory_space<vmem>>, %arg2: memref<128x128xf32, #tpu.memory_space<vmem>>, %arg3: memref<1024x128xf32, #tpu.memory_space<vmem>>) attributes {dimension_semantics = [#tpu.dimension_semantics<arbitrary>], iteration_bounds = array<i64: 10>, scalar_prefetch = 0 : i64, scratch_operands = 0 : i64, tpu.core_type = #tpu.core_type<tc>, window_params = [{transform_indices = @transform_0, window_bounds = array<i64: 1024, 128>}, {pipeline_mode = #tpu.pipeline_mode<synchronous>, transform_indices = @transform_1, window_bounds = array<i64: 128, 128>}, {transform_indices = @transform_2, window_bounds = array<i64: 1024, 128>}]} {
    %get3A = arith.constant 0 : index
    %get3A_0 = arith.constant 0 : index
    %get3A_1 = vector.load %arg1[%get3A, %get3A_0] : memref<1024x128xf32, #tpu.memory_space<vmem>>, vector<1024x128xf32>
    %get3A_2 = arith.constant 0 : index
    %get3A_3 = arith.constant 0 : index
    %get3A_4 = vector.load %arg2[%get3A_2, %get3A_3] : memref<128x128xf32, #tpu.memory_space<vmem>>, vector<128x128xf32>
    %dot_general3A = arith.constant dense<0.000000e+00> : vector<1024x128xf32>
    %dot_general3A_5 = tpu.matmul %get3A_1, %get3A_4, %dot_general3A {dimension_numbers = #tpu.dot_dimension_numbers<[1], [0], [0], [1], [0, 0, 1, 1], [], []>, transpose_lhs_hint = false} : vector<1024x128xf32>, vector<128x128xf32>, vector<1024x128xf32> -> vector<1024x128xf32>
    %swap3A = arith.constant 0 : index
    %swap3A_6 = arith.constant 0 : index
    %swap3A_7 = vector.load %arg3[%swap3A, %swap3A_6] : memref<1024x128xf32, #tpu.memory_space<vmem>>, vector<1024x128xf32>
    tpu.vector_store %arg3[%swap3A, %swap3A_6], %dot_general3A_5 {strides = array<i32>} : memref<1024x128xf32, #tpu.memory_space<vmem>>, vector<1024x128xf32>,
    return
  }
  func.func @transform_0(%arg0: i32) -> (i32, i32) {
    %c0_i32 = arith.constant 0 : i32
    %c0_i32_0 = arith.constant 0 : i32
    return %arg0, %c0_i32 : i32, i32
  }
  func.func @transform_1(%arg0: i32) -> (i32, i32) {
    %c0_i32 = arith.constant 0 : i32
    %c0_i32_0 = arith.constant 0 : i32
    %c0_i32_1 = arith.constant 0 : i32
    return %c0_i32, %c0_i32_0 : i32, i32
  }
  func.func @transform_2(%arg0: i32) -> (i32, i32) {
    %c0_i32 = arith.constant 0 : i32
    %c0_i32_0 = arith.constant 0 : i32
    return %arg0, %c0_i32 : i32, i32
  }
}

module attributes {stable_mosaic.version = 14 : i64} {
  func.func @_k6_body(%arg0: i32, %arg1: memref<2x1024x128xf32, #tpu.memory_space<vmem>>, %arg2: memref<1024x128xf32, #tpu.memory_space<vmem>>, %arg3: memref<1024xf32, #tpu.memory_space<vmem>>, %arg4: memref<1024xf32, #tpu.memory_space<vmem>>, %arg5: memref<1024xf32, #tpu.memory_space<vmem>>, %arg6: memref<128x128xf32, #tpu.memory_space<vmem>>, %arg7: memref<1x128xf32, #tpu.memory_space<vmem>>, %arg8: memref<128x128xf32, #tpu.memory_space<vmem>>, %arg9: memref<1x128xf32, #tpu.memory_space<vmem>>, %arg10: memref<128x128xf32, #tpu.memory_space<vmem>>, %arg11: memref<128x200xf32, #tpu.memory_space<vmem>>, %arg12: memref<1x200xf32, #tpu.memory_space<vmem>>, %arg13: memref<1x200xf32, #tpu.memory_space<vmem>>, %arg14: memref<1x200xf32, #tpu.memory_space<vmem>>, %arg15: memref<200x100xf32, #tpu.memory_space<vmem>>, %arg16: memref<1x100xf32, #tpu.memory_space<vmem>>, %arg17: memref<1x100xf32, #tpu.memory_space<vmem>>, %arg18: memref<1x100xf32, #tpu.memory_space<vmem>>, %arg19: memref<100x50xf32, #tpu.memory_space<vmem>>, %arg20: memref<1x50xf32, #tpu.memory_space<vmem>>, %arg21: memref<1x50xf32, #tpu.memory_space<vmem>>, %arg22: memref<1x50xf32, #tpu.memory_space<vmem>>, %arg23: memref<50x10xf32, #tpu.memory_space<vmem>>, %arg24: memref<1x10xf32, #tpu.memory_space<vmem>>, %arg25: memref<1x10xf32, #tpu.memory_space<vmem>>, %arg26: memref<2x128xf32, #tpu.memory_space<vmem>>) attributes {dimension_semantics = [#tpu.dimension_semantics<arbitrary>], iteration_bounds = array<i64: 10>, scalar_prefetch = 0 : i64, scratch_operands = 1 : i64, tpu.core_type = #tpu.core_type<tc>, window_params = [{transform_indices = @transform_0, window_bounds = array<i64: 2, 1024, 128>}, {transform_indices = @transform_1, window_bounds = array<i64: 1024, 128>}, {transform_indices = @transform_2, window_bounds = array<i64: 1024>}, {transform_indices = @transform_3, window_bounds = array<i64: 1024>}, {transform_indices = @transform_4, window_bounds = array<i64: 1024>}, {pipeline_mode = #tpu.pipeline_mode<synchronous>, transform_indices = @transform_5, window_bounds = array<i64: 128, 128>}, {pipeline_mode = #tpu.pipeline_mode<synchronous>, transform_indices = @transform_6, window_bounds = array<i64: 1, 128>}, {pipeline_mode = #tpu.pipeline_mode<synchronous>, transform_indices = @transform_7, window_bounds = array<i64: 128, 128>}, {pipeline_mode = #tpu.pipeline_mode<synchronous>, transform_indices = @transform_8, window_bounds = array<i64: 1, 128>}, {pipeline_mode = #tpu.pipeline_mode<synchronous>, transform_indices = @transform_9, window_bounds = array<i64: 128, 128>}, {pipeline_mode = #tpu.pipeline_mode<synchronous>, transform_indices = @transform_10, window_bounds = array<i64: 128, 200>}, {pipeline_mode = #tpu.pipeline_mode<synchronous>, transform_indices = @transform_11, window_bounds = array<i64: 1, 200>}, {pipeline_mode = #tpu.pipeline_mode<synchronous>, transform_indices = @transform_12, window_bounds = array<i64: 1, 200>}, {pipeline_mode = #tpu.pipeline_mode<synchronous>, transform_indices = @transform_13, window_bounds = array<i64: 1, 200>}, {pipeline_mode = #tpu.pipeline_mode<synchronous>, transform_indices = @transform_14, window_bounds = array<i64: 200, 100>}, {pipeline_mode = #tpu.pipeline_mode<synchronous>, transform_indices = @transform_15, window_bounds = array<i64: 1, 100>}, {pipeline_mode = #tpu.pipeline_mode<synchronous>, transform_indices = @transform_16, window_bounds = array<i64: 1, 100>}, {pipeline_mode = #tpu.pipeline_mode<synchronous>, transform_indices = @transform_17, window_bounds = array<i64: 1, 100>}, {pipeline_mode = #tpu.pipeline_mode<synchronous>, transform_indices = @transform_18, window_bounds = array<i64: 100, 50>}, {pipeline_mode = #tpu.pipeline_mode<synchronous>, transform_indices = @transform_19, window_bounds = array<i64: 1, 50>}, {pipeline_mode = #tpu.pipeline_mode<synchronous>, transform_indices = @transform_20, window_bounds = array<i64: 1, 50>}, {pipeline_mode = #tpu.pipeline_mode<synchronous>, transform_indices = @transform_21, window_bounds = array<i64: 1, 50>}, {pipeline_mode = #tpu.pipeline_mode<synchronous>, transform_indices = @transform_22, window_bounds = array<i64: 50, 10>}, {pipeline_mode = #tpu.pipeline_mode<synchronous>, transform_indices = @transform_23, window_bounds = array<i64: 1, 10>}, {pipeline_mode = #tpu.pipeline_mode<synchronous>, transform_indices = @transform_24, window_bounds = array<i64: 1, 10>}]} {
    %get3A = arith.constant 0 : index
    %get3A_0 = vector.load %arg3[%get3A] : memref<1024xf32, #tpu.memory_space<vmem>>, vector<1024xf32>
    %reshape3A = vector.shape_cast %get3A_0 : vector<1024xf32> to vector<1024x1xf32>
    %get3A_1 = arith.constant 0 : index
    %get3A_2 = arith.constant 0 : index
    %get3A_3 = arith.constant 0 : index
    %get3A_4 = vector.load %arg1[%get3A_1, %get3A_2, %get3A_3] : memref<2x1024x128xf32, #tpu.memory_space<vmem>>, vector<1x1024x128xf32>
    %get3A_5 = vector.shape_cast %get3A_4 : vector<1x1024x128xf32> to vector<1024x128xf32>
    %get3A_6 = arith.constant 1 : index
    %get3A_7 = arith.constant 0 : index
    %get3A_8 = arith.constant 0 : index
    %get3A_9 = vector.load %arg1[%get3A_6, %get3A_7, %get3A_8] : memref<2x1024x128xf32, #tpu.memory_space<vmem>>, vector<1x1024x128xf32>
    %get3A_10 = vector.shape_cast %get3A_9 : vector<1x1024x128xf32> to vector<1024x128xf32>
    %add3A = arith.addf %get3A_5, %get3A_10 : vector<1024x128xf32>
    %mul3A = vector.broadcast %reshape3A : vector<1024x1xf32> to vector<1024x128xf32>
    %mul3A_11 = arith.mulf %add3A, %mul3A : vector<1024x128xf32>
    %get3A_12 = arith.constant 0 : index
    %get3A_13 = arith.constant 0 : index
    %get3A_14 = vector.load %arg6[%get3A_12, %get3A_13] : memref<128x128xf32, #tpu.memory_space<vmem>>, vector<128x128xf32>
    %dot_general3A = arith.constant dense<0.000000e+00> : vector<1024x128xf32>
    %dot_general3A_15 = tpu.matmul %mul3A_11, %get3A_14, %dot_general3A {dimension_numbers = #tpu.dot_dimension_numbers<[1], [0], [0], [1], [0, 0, 1, 1], [], []>, transpose_lhs_hint = false} : vector<1024x128xf32>, vector<128x128xf32>, vector<1024x128xf32> -> vector<1024x128xf32>
    %get3A_16 = arith.constant 0 : index
    %get3A_17 = arith.constant 0 : index
    %get3A_18 = vector.load %arg7[%get3A_16, %get3A_17] : memref<1x128xf32, #tpu.memory_space<vmem>>, vector<1x128xf32>
    %add3A_19 = vector.broadcast %get3A_18 : vector<1x128xf32> to vector<1024x128xf32>
    %add3A_20 = arith.addf %dot_general3A_15, %add3A_19 : vector<1024x128xf32>
    %get3A_21 = arith.constant 0 : index
    %get3A_22 = arith.constant 0 : index
    %get3A_23 = vector.load %arg2[%get3A_21, %get3A_22] : memref<1024x128xf32, #tpu.memory_space<vmem>>, vector<1024x128xf32>
    %add3A_24 = arith.addf %add3A_20, %get3A_23 : vector<1024x128xf32>
    %max3A = arith.constant 0.000000e+00 : f32
    %max3A_25 = vector.broadcast %max3A : f32 to vector<1024x128xf32>
    %max3A_26 = arith.maximumf %add3A_24, %max3A_25 : vector<1024x128xf32>
    %mul3A_27 = arith.constant 1024 : i32
    %mul3A_28 = arith.muli %arg0, %mul3A_27 : i32
    %iota3A = tpu.iota {dimensions = array<i32: 0>} : vector<1024x1xi32>
    %add3A_29 = vector.broadcast %mul3A_28 : i32 to vector<1024x1xi32>
    %add3A_30 = arith.addi %add3A_29, %iota3A : vector<1024x1xi32>
    %lt3A = arith.constant 10000 : i32
    %lt3A_31 = vector.broadcast %lt3A : i32 to vector<1024x1xi32>
    %lt3A_32 = arith.cmpi slt, %add3A_30, %lt3A_31 : vector<1024x1xi32>
    %jit3A = arith.constant 0.000000e+00 : f32
    %broadcast_in_dim3A = vector.shape_cast %lt3A_32 : vector<1024x1xi1> to vector<1024x1xi1>
    %broadcast_in_dim3A_33 = vector.broadcast %broadcast_in_dim3A : vector<1024x1xi1> to vector<1024x128xi1>
    %broadcast_in_dim3A_34 = vector.broadcast %jit3A : f32 to vector<1024x128xf32>
    %select_n3A = arith.select %broadcast_in_dim3A_33, %max3A_26, %broadcast_in_dim3A_34 : vector<1024x128xi1>, vector<1024x128xf32>
    %get3A_35 = arith.constant 0 : index
    %get3A_36 = vector.load %arg4[%get3A_35] : memref<1024xf32, #tpu.memory_space<vmem>>, vector<1024xf32>
    %get3A_37 = arith.constant 0 : index
    %get3A_38 = vector.load %arg5[%get3A_37] : memref<1024xf32, #tpu.memory_space<vmem>>, vector<1024xf32>
    %add3A_39 = arith.addf %get3A_36, %get3A_38 : vector<1024xf32>
    %reshape3A_40 = vector.shape_cast %add3A_39 : vector<1024xf32> to vector<1024x1xf32>
    %reduce_sum3A = arith.constant dense<0.000000e+00> : vector<128xf32>
    %reduce_sum3A_41 = vector.multi_reduction <add>, %select_n3A, %reduce_sum3A [0] : vector<1024x128xf32> to vector<128xf32>
    %broadcast_in_dim3A_42 = vector.shape_cast %reduce_sum3A_41 : vector<128xf32> to vector<1x128xf32>
    %mul3A_43 = vector.broadcast %reshape3A_40 : vector<1024x1xf32> to vector<1024x128xf32>
    %mul3A_44 = arith.mulf %mul3A_43, %select_n3A : vector<1024x128xf32>
    %reduce_sum3A_45 = arith.constant dense<0.000000e+00> : vector<128xf32>
    %reduce_sum3A_46 = vector.multi_reduction <add>, %mul3A_44, %reduce_sum3A_45 [0] : vector<1024x128xf32> to vector<128xf32>
    %broadcast_in_dim3A_47 = vector.shape_cast %reduce_sum3A_46 : vector<128xf32> to vector<1x128xf32>
    %concatenate3A = tpu.concatenate %broadcast_in_dim3A_42, %broadcast_in_dim3A_47 in 0 : vector<1x128xf32>, vector<1x128xf32> -> vector<2x128xf32>
    %eq3A = arith.constant 0 : i32
    %eq3A_48 = arith.cmpi eq, %arg0, %eq3A : i32
    %convert_element_type3A = arith.extui %eq3A_48 : i1 to i32
    %cond3A = arith.constant 0 : i32
    %cond3A_49 = arith.cmpi ne, %convert_element_type3A, %cond3A : i32
    scf.if %cond3A_49 {
      %swap3A = arith.constant 0 : index
      %swap3A_59 = arith.constant 0 : index
      %swap3A_60 = vector.load %arg26[%swap3A, %swap3A_59] : memref<2x128xf32, #tpu.memory_space<vmem>>, vector<2x128xf32>
      tpu.vector_store %arg26[%swap3A, %swap3A_59], %concatenate3A {strides = array<i32>} : memref<2x128xf32, #tpu.memory_space<vmem>>, vector<2x128xf32>,
    } else {
    }
    %gt3A = arith.constant 0 : i32
    %gt3A_50 = arith.cmpi sgt, %arg0, %gt3A : i32
    %convert_element_type3A_51 = arith.extui %gt3A_50 : i1 to i32
    %cond3A_52 = arith.constant 0 : i32
    %cond3A_53 = arith.cmpi ne, %convert_element_type3A_51, %cond3A_52 : i32
    scf.if %cond3A_53 {
      %get3A_59 = arith.constant 0 : index
      %get3A_60 = arith.constant 0 : index
      %get3A_61 = vector.load %arg26[%get3A_59, %get3A_60] : memref<2x128xf32, #tpu.memory_space<vmem>>, vector<2x128xf32>
      %add3A_62 = arith.addf %get3A_61, %concatenate3A : vector<2x128xf32>
      %swap3A = arith.constant 0 : index
      %swap3A_63 = arith.constant 0 : index
      %swap3A_64 = vector.load %arg26[%swap3A, %swap3A_63] : memref<2x128xf32, #tpu.memory_space<vmem>>, vector<2x128xf32>
      tpu.vector_store %arg26[%swap3A, %swap3A_63], %add3A_62 {strides = array<i32>} : memref<2x128xf32, #tpu.memory_space<vmem>>, vector<2x128xf32>,
    } else {
    }
    %eq3A_54 = arith.constant 9 : i32
    %eq3A_55 = arith.cmpi eq, %arg0, %eq3A_54 : i32
    %convert_element_type3A_56 = arith.extui %eq3A_55 : i1 to i32
    %cond3A_57 = arith.constant 0 : i32
    %cond3A_58 = arith.cmpi ne, %convert_element_type3A_56, %cond3A_57 : i32
    scf.if %cond3A_58 {
      %sqrt3A = arith.constant 1.000010e+00 : f32
      %sqrt3A_59 = math.sqrt %sqrt3A : f32
      %div3A = arith.constant 1.000000e+00 : f32
      %div3A_60 = arith.divf %div3A, %sqrt3A_59 : f32
      %get3A_61 = arith.constant 0 : index
      %get3A_62 = arith.constant 0 : index
      %get3A_63 = vector.load %arg26[%get3A_61, %get3A_62] : memref<2x128xf32, #tpu.memory_space<vmem>>, vector<1x128xf32>
      %mul3A_64 = arith.constant 9.99999974E-5 : f32
      %mul3A_65 = vector.broadcast %mul3A_64 : f32 to vector<1x128xf32>
      %mul3A_66 = arith.mulf %get3A_63, %mul3A_65 : vector<1x128xf32>
      %get3A_67 = arith.constant 1 : index
      %get3A_68 = arith.constant 0 : index
      %get3A_69 = vector.load %arg26[%get3A_67, %get3A_68] : memref<2x128xf32, #tpu.memory_space<vmem>>, vector<1x128xf32>
      %mul3A_70 = arith.constant 9.99999974E-5 : f32
      %mul3A_71 = vector.broadcast %mul3A_70 : f32 to vector<1x128xf32>
      %mul3A_72 = arith.mulf %get3A_69, %mul3A_71 : vector<1x128xf32>
      %get3A_73 = arith.constant 0 : index
      %get3A_74 = arith.constant 0 : index
      %get3A_75 = vector.load %arg8[%get3A_73, %get3A_74] : memref<128x128xf32, #tpu.memory_space<vmem>>, vector<128x128xf32>
      %dot_general3A_76 = arith.constant dense<0.000000e+00> : vector<1x128xf32>
      %dot_general3A_77 = tpu.matmul %mul3A_72, %get3A_75, %dot_general3A_76 {dimension_numbers = #tpu.dot_dimension_numbers<[1], [0], [0], [1], [0, 0, 1, 1], [], []>, transpose_lhs_hint = false} : vector<1x128xf32>, vector<128x128xf32>, vector<1x128xf32> -> vector<1x128xf32>
      %get3A_78 = arith.constant 0 : index
      %get3A_79 = arith.constant 0 : index
      %get3A_80 = vector.load %arg9[%get3A_78, %get3A_79] : memref<1x128xf32, #tpu.memory_space<vmem>>, vector<1x128xf32>
      %add3A_81 = arith.addf %dot_general3A_77, %get3A_80 : vector<1x128xf32>
      %get3A_82 = arith.constant 0 : index
      %get3A_83 = arith.constant 0 : index
      %get3A_84 = vector.load %arg10[%get3A_82, %get3A_83] : memref<128x128xf32, #tpu.memory_space<vmem>>, vector<128x128xf32>
      %dot_general3A_85 = arith.constant dense<0.000000e+00> : vector<1x128xf32>
      %dot_general3A_86 = tpu.matmul %mul3A_66, %get3A_84, %dot_general3A_85 {dimension_numbers = #tpu.dot_dimension_numbers<[1], [0], [0], [1], [0, 0, 1, 1], [], []>, transpose_lhs_hint = false} : vector<1x128xf32>, vector<128x128xf32>, vector<1x128xf32> -> vector<1x128xf32>
      %add3A_87 = arith.addf %add3A_81, %dot_general3A_86 : vector<1x128xf32>
      %get3A_88 = arith.constant 0 : index
      %get3A_89 = arith.constant 0 : index
      %get3A_90 = vector.load %arg11[%get3A_88, %get3A_89] : memref<128x200xf32, #tpu.memory_space<vmem>>, vector<128x200xf32>
      %dot_general3A_91 = arith.constant dense<0.000000e+00> : vector<1x200xf32>
      %dot_general3A_92 = tpu.matmul %add3A_87, %get3A_90, %dot_general3A_91 {dimension_numbers = #tpu.dot_dimension_numbers<[1], [0], [0], [1], [0, 0, 1, 1], [], []>, transpose_lhs_hint = false} : vector<1x128xf32>, vector<128x200xf32>, vector<1x200xf32> -> vector<1x200xf32>
      %get3A_93 = arith.constant 0 : index
      %get3A_94 = arith.constant 0 : index
      %get3A_95 = vector.load %arg12[%get3A_93, %get3A_94] : memref<1x200xf32, #tpu.memory_space<vmem>>, vector<1x200xf32>
      %add3A_96 = arith.addf %dot_general3A_92, %get3A_95 : vector<1x200xf32>
      %mul3A_97 = vector.broadcast %div3A_60 : f32 to vector<1x200xf32>
      %mul3A_98 = arith.mulf %add3A_96, %mul3A_97 : vector<1x200xf32>
      %get3A_99 = arith.constant 0 : index
      %get3A_100 = arith.constant 0 : index
      %get3A_101 = vector.load %arg13[%get3A_99, %get3A_100] : memref<1x200xf32, #tpu.memory_space<vmem>>, vector<1x200xf32>
      %mul3A_102 = arith.mulf %mul3A_98, %get3A_101 : vector<1x200xf32>
      %get3A_103 = arith.constant 0 : index
      %get3A_104 = arith.constant 0 : index
      %get3A_105 = vector.load %arg14[%get3A_103, %get3A_104] : memref<1x200xf32, #tpu.memory_space<vmem>>, vector<1x200xf32>
      %add3A_106 = arith.addf %mul3A_102, %get3A_105 : vector<1x200xf32>
      %tanh3A = math.tanh %add3A_106 : vector<1x200xf32>
      %get3A_107 = arith.constant 0 : index
      %get3A_108 = arith.constant 0 : index
      %get3A_109 = vector.load %arg15[%get3A_107, %get3A_108] : memref<200x100xf32, #tpu.memory_space<vmem>>, vector<200x100xf32>
      %dot_general3A_110 = arith.constant dense<0.000000e+00> : vector<1x100xf32>
      %dot_general3A_111 = tpu.matmul %tanh3A, %get3A_109, %dot_general3A_110 {dimension_numbers = #tpu.dot_dimension_numbers<[1], [0], [0], [1], [0, 0, 1, 1], [], []>, transpose_lhs_hint = false} : vector<1x200xf32>, vector<200x100xf32>, vector<1x100xf32> -> vector<1x100xf32>
      %get3A_112 = arith.constant 0 : index
      %get3A_113 = arith.constant 0 : index
      %get3A_114 = vector.load %arg16[%get3A_112, %get3A_113] : memref<1x100xf32, #tpu.memory_space<vmem>>, vector<1x100xf32>
      %add3A_115 = arith.addf %dot_general3A_111, %get3A_114 : vector<1x100xf32>
      %mul3A_116 = vector.broadcast %div3A_60 : f32 to vector<1x100xf32>
      %mul3A_117 = arith.mulf %add3A_115, %mul3A_116 : vector<1x100xf32>
      %get3A_118 = arith.constant 0 : index
      %get3A_119 = arith.constant 0 : index
      %get3A_120 = vector.load %arg17[%get3A_118, %get3A_119] : memref<1x100xf32, #tpu.memory_space<vmem>>, vector<1x100xf32>
      %mul3A_121 = arith.mulf %mul3A_117, %get3A_120 : vector<1x100xf32>
      %get3A_122 = arith.constant 0 : index
      %get3A_123 = arith.constant 0 : index
      %get3A_124 = vector.load %arg18[%get3A_122, %get3A_123] : memref<1x100xf32, #tpu.memory_space<vmem>>, vector<1x100xf32>
      %add3A_125 = arith.addf %mul3A_121, %get3A_124 : vector<1x100xf32>
      %tanh3A_126 = math.tanh %add3A_125 : vector<1x100xf32>
      %get3A_127 = arith.constant 0 : index
      %get3A_128 = arith.constant 0 : index
      %get3A_129 = vector.load %arg19[%get3A_127, %get3A_128] : memref<100x50xf32, #tpu.memory_space<vmem>>, vector<100x50xf32>
      %dot_general3A_130 = arith.constant dense<0.000000e+00> : vector<1x50xf32>
      %dot_general3A_131 = tpu.matmul %tanh3A_126, %get3A_129, %dot_general3A_130 {dimension_numbers = #tpu.dot_dimension_numbers<[1], [0], [0], [1], [0, 0, 1, 1], [], []>, transpose_lhs_hint = false} : vector<1x100xf32>, vector<100x50xf32>, vector<1x50xf32> -> vector<1x50xf32>
      %get3A_132 = arith.constant 0 : index
      %get3A_133 = arith.constant 0 : index
      %get3A_134 = vector.load %arg20[%get3A_132, %get3A_133] : memref<1x50xf32, #tpu.memory_space<vmem>>, vector<1x50xf32>
      %add3A_135 = arith.addf %dot_general3A_131, %get3A_134 : vector<1x50xf32>
      %mul3A_136 = vector.broadcast %div3A_60 : f32 to vector<1x50xf32>
      %mul3A_137 = arith.mulf %add3A_135, %mul3A_136 : vector<1x50xf32>
      %get3A_138 = arith.constant 0 : index
      %get3A_139 = arith.constant 0 : index
      %get3A_140 = vector.load %arg21[%get3A_138, %get3A_139] : memref<1x50xf32, #tpu.memory_space<vmem>>, vector<1x50xf32>
      %mul3A_141 = arith.mulf %mul3A_137, %get3A_140 : vector<1x50xf32>
      %get3A_142 = arith.constant 0 : index
      %get3A_143 = arith.constant 0 : index
      %get3A_144 = vector.load %arg22[%get3A_142, %get3A_143] : memref<1x50xf32, #tpu.memory_space<vmem>>, vector<1x50xf32>
      %add3A_145 = arith.addf %mul3A_141, %get3A_144 : vector<1x50xf32>
      %tanh3A_146 = math.tanh %add3A_145 : vector<1x50xf32>
      %get3A_147 = arith.constant 0 : index
      %get3A_148 = arith.constant 0 : index
      %get3A_149 = vector.load %arg23[%get3A_147, %get3A_148] : memref<50x10xf32, #tpu.memory_space<vmem>>, vector<50x10xf32>
      %dot_general3A_150 = arith.constant dense<0.000000e+00> : vector<1x10xf32>
      %dot_general3A_151 = tpu.matmul %tanh3A_146, %get3A_149, %dot_general3A_150 {dimension_numbers = #tpu.dot_dimension_numbers<[1], [0], [0], [1], [0, 0, 1, 1], [], []>, transpose_lhs_hint = false} : vector<1x50xf32>, vector<50x10xf32>, vector<1x10xf32> -> vector<1x10xf32>
      %get3A_152 = arith.constant 0 : index
      %get3A_153 = arith.constant 0 : index
      %get3A_154 = vector.load %arg24[%get3A_152, %get3A_153] : memref<1x10xf32, #tpu.memory_space<vmem>>, vector<1x10xf32>
      %add3A_155 = arith.addf %dot_general3A_151, %get3A_154 : vector<1x10xf32>
      %reduce_max3A = arith.constant dense<0xFF800000> : vector<1xf32>
      %reduce_max3A_156 = vector.multi_reduction <maximumf>, %add3A_155, %reduce_max3A [1] : vector<1x10xf32> to vector<1xf32>
      %broadcast_in_dim3A_157 = vector.shape_cast %reduce_max3A_156 : vector<1xf32> to vector<1x1xf32>
      %sub3A = vector.broadcast %broadcast_in_dim3A_157 : vector<1x1xf32> to vector<1x10xf32>
      %sub3A_158 = arith.subf %add3A_155, %sub3A : vector<1x10xf32>
      %exp3A = math.exp %sub3A_158 : vector<1x10xf32>
      %reduce_sum3A_159 = arith.constant dense<0.000000e+00> : vector<1xf32>
      %reduce_sum3A_160 = vector.multi_reduction <add>, %exp3A, %reduce_sum3A_159 [1] : vector<1x10xf32> to vector<1xf32>
      %broadcast_in_dim3A_161 = vector.shape_cast %reduce_sum3A_160 : vector<1xf32> to vector<1x1xf32>
      %div3A_162 = vector.broadcast %broadcast_in_dim3A_161 : vector<1x1xf32> to vector<1x10xf32>
      %div3A_163 = arith.divf %exp3A, %div3A_162 : vector<1x10xf32>
      %swap3A = arith.constant 0 : index
      %swap3A_164 = arith.constant 0 : index
      %swap3A_165 = vector.load %arg25[%swap3A, %swap3A_164] : memref<1x10xf32, #tpu.memory_space<vmem>>, vector<1x10xf32>
      tpu.vector_store %arg25[%swap3A, %swap3A_164], %div3A_163 {strides = array<i32>} : memref<1x10xf32, #tpu.memory_space<vmem>>, vector<1x10xf32>,
    } else {
    }
    return
  }
  func.func @transform_0(%arg0: i32) -> (i32, i32, i32) {
    %c0_i32 = arith.constant 0 : i32
    %c0_i32_0 = arith.constant 0 : i32
    %c0_i32_1 = arith.constant 0 : i32
    return %c0_i32, %arg0, %c0_i32_0 : i32, i32, i32
  }
  func.func @transform_1(%arg0: i32) -> (i32, i32) {
    %c0_i32 = arith.constant 0 : i32
    %c0_i32_0 = arith.constant 0 : i32
    return %arg0, %c0_i32 : i32, i32
  }
  func.func @transform_2(%arg0: i32) -> i32 {
    %c0_i32 = arith.constant 0 : i32
    return %arg0 : i32
  }
  func.func @transform_3(%arg0: i32) -> i32 {
    %c0_i32 = arith.constant 0 : i32
    return %arg0 : i32
  }
  func.func @transform_4(%arg0: i32) -> i32 {
    %c0_i32 = arith.constant 0 : i32
    return %arg0 : i32
  }
  func.func @transform_5(%arg0: i32) -> (i32, i32) {
    %c0_i32 = arith.constant 0 : i32
    %c0_i32_0 = arith.constant 0 : i32
    %c0_i32_1 = arith.constant 0 : i32
    return %c0_i32, %c0_i32_0 : i32, i32
  }
  func.func @transform_6(%arg0: i32) -> (i32, i32) {
    %c0_i32 = arith.constant 0 : i32
    %c0_i32_0 = arith.constant 0 : i32
    %c0_i32_1 = arith.constant 0 : i32
    return %c0_i32, %c0_i32_0 : i32, i32
  }
  func.func @transform_7(%arg0: i32) -> (i32, i32) {
    %c0_i32 = arith.constant 0 : i32
    %c0_i32_0 = arith.constant 0 : i32
    %c0_i32_1 = arith.constant 0 : i32
    return %c0_i32, %c0_i32_0 : i32, i32
  }
  func.func @transform_8(%arg0: i32) -> (i32, i32) {
    %c0_i32 = arith.constant 0 : i32
    %c0_i32_0 = arith.constant 0 : i32
    %c0_i32_1 = arith.constant 0 : i32
    return %c0_i32, %c0_i32_0 : i32, i32
  }
  func.func @transform_9(%arg0: i32) -> (i32, i32) {
    %c0_i32 = arith.constant 0 : i32
    %c0_i32_0 = arith.constant 0 : i32
    %c0_i32_1 = arith.constant 0 : i32
    return %c0_i32, %c0_i32_0 : i32, i32
  }
  func.func @transform_10(%arg0: i32) -> (i32, i32) {
    %c0_i32 = arith.constant 0 : i32
    %c0_i32_0 = arith.constant 0 : i32
    %c0_i32_1 = arith.constant 0 : i32
    return %c0_i32, %c0_i32_0 : i32, i32
  }
  func.func @transform_11(%arg0: i32) -> (i32, i32) {
    %c0_i32 = arith.constant 0 : i32
    %c0_i32_0 = arith.constant 0 : i32
    %c0_i32_1 = arith.constant 0 : i32
    return %c0_i32, %c0_i32_0 : i32, i32
  }
  func.func @transform_12(%arg0: i32) -> (i32, i32) {
    %c0_i32 = arith.constant 0 : i32
    %c0_i32_0 = arith.constant 0 : i32
    %c0_i32_1 = arith.constant 0 : i32
    return %c0_i32, %c0_i32_0 : i32, i32
  }
  func.func @transform_13(%arg0: i32) -> (i32, i32) {
    %c0_i32 = arith.constant 0 : i32
    %c0_i32_0 = arith.constant 0 : i32
    %c0_i32_1 = arith.constant 0 : i32
    return %c0_i32, %c0_i32_0 : i32, i32
  }
  func.func @transform_14(%arg0: i32) -> (i32, i32) {
    %c0_i32 = arith.constant 0 : i32
    %c0_i32_0 = arith.constant 0 : i32
    %c0_i32_1 = arith.constant 0 : i32
    return %c0_i32, %c0_i32_0 : i32, i32
  }
  func.func @transform_15(%arg0: i32) -> (i32, i32) {
    %c0_i32 = arith.constant 0 : i32
    %c0_i32_0 = arith.constant 0 : i32
    %c0_i32_1 = arith.constant 0 : i32
    return %c0_i32, %c0_i32_0 : i32, i32
  }
  func.func @transform_16(%arg0: i32) -> (i32, i32) {
    %c0_i32 = arith.constant 0 : i32
    %c0_i32_0 = arith.constant 0 : i32
    %c0_i32_1 = arith.constant 0 : i32
    return %c0_i32, %c0_i32_0 : i32, i32
  }
  func.func @transform_17(%arg0: i32) -> (i32, i32) {
    %c0_i32 = arith.constant 0 : i32
    %c0_i32_0 = arith.constant 0 : i32
    %c0_i32_1 = arith.constant 0 : i32
    return %c0_i32, %c0_i32_0 : i32, i32
  }
  func.func @transform_18(%arg0: i32) -> (i32, i32) {
    %c0_i32 = arith.constant 0 : i32
    %c0_i32_0 = arith.constant 0 : i32
    %c0_i32_1 = arith.constant 0 : i32
    return %c0_i32, %c0_i32_0 : i32, i32
  }
  func.func @transform_19(%arg0: i32) -> (i32, i32) {
    %c0_i32 = arith.constant 0 : i32
    %c0_i32_0 = arith.constant 0 : i32
    %c0_i32_1 = arith.constant 0 : i32
    return %c0_i32, %c0_i32_0 : i32, i32
  }
  func.func @transform_20(%arg0: i32) -> (i32, i32) {
    %c0_i32 = arith.constant 0 : i32
    %c0_i32_0 = arith.constant 0 : i32
    %c0_i32_1 = arith.constant 0 : i32
    return %c0_i32, %c0_i32_0 : i32, i32
  }
  func.func @transform_21(%arg0: i32) -> (i32, i32) {
    %c0_i32 = arith.constant 0 : i32
    %c0_i32_0 = arith.constant 0 : i32
    %c0_i32_1 = arith.constant 0 : i32
    return %c0_i32, %c0_i32_0 : i32, i32
  }
  func.func @transform_22(%arg0: i32) -> (i32, i32) {
    %c0_i32 = arith.constant 0 : i32
    %c0_i32_0 = arith.constant 0 : i32
    %c0_i32_1 = arith.constant 0 : i32
    return %c0_i32, %c0_i32_0 : i32, i32
  }
  func.func @transform_23(%arg0: i32) -> (i32, i32) {
    %c0_i32 = arith.constant 0 : i32
    %c0_i32_0 = arith.constant 0 : i32
    %c0_i32_1 = arith.constant 0 : i32
    return %c0_i32, %c0_i32_0 : i32, i32
  }
  func.func @transform_24(%arg0: i32) -> (i32, i32) {
    %c0_i32 = arith.constant 0 : i32
    %c0_i32_0 = arith.constant 0 : i32
    %c0_i32_1 = arith.constant 0 : i32
    return %c0_i32, %c0_i32_0 : i32, i32
  }
}

</mosaic_0001>

<sc_bundles>
// kernel: kernel.10.cloned.1.call-start
scs
__scs_entry_jumppad:
0x0: {  	(pc) =	sbr.rel $0x88, $3  }
0x1: {  	(tag) =	ssettag $0x0;
	lr =	simm.s32 $0x1  }
0x2: {  	[smem:$0x3F89] =	sst lr;
	_ =	strace $0xD0000000  }
0x3: {  	_ = 	snop  }
0x4: {  	_ = 	snop  }
0x5: {  	_ = 	snop  }
0x6: {  	_ = 	snop  }
0x7: {  	_ = 	snop  }
__scs_overlays_trampoline_lowered:
0x8: {  	[smem:$0x3F98] =	sst s0  }
0x9: {  	[smem:$0x3F99] =	sst s1  }
0xa: {  	[smem:$0x3F9A] =	sst s2  }
0xb: {  	[smem:$0x3F9B] =	sst s3  }
0xc: {  	[smem:$0x3F9C] =	sst s4  }
0xd: {  	[smem:$0x3F9D] =	sst s5  }
0xe: {  	[smem:$0x3F9E] =	sst s6  }
0xf: {  	[smem:$0x3F9F] =	sst s7  }
0x10: {  	[smem:$0x3FA0] =	sst s8  }
0x11: {  	[smem:$0x3FA1] =	sst s9;
	s0 =	simm.s32 @!p0 $0x0  }
0x12: {  	s1 =	sld [smem:$0x3F87];
	s0 =	simm.s32 @p0 $0x1  }
0x13: {  	[smem:$0x3FA2] =	sst s0;
	s0 =	simm.s32 @!p1 $0x0  }
0x14: {  	s2 =	sld [smem:$0x3F86];
	s0 =	simm.s32 @p1 $0x1  }
0x15: {  	[smem:$0x3FA3] =	sst s0;
	s0 =	simm.s32 @!p2 $0x0  }
0x16: {  	s3 =	sld [smem:$0x3FDB];
	s0 =	simm.s32 @p2 $0x1  }
0x17: {  	s4 =	simm.s32 $0x1BF5;
	[smem:$0x3FA5] =	sst s0  }
0x18: {  	s0 =	sld [smem:$0x3F88];
	_ =	swait.ge [sflag:s4], $0x0  }
0x19: {  	s7 =	sld [smem:$0x3F89]  }
0x1a: {  	s8 =	sadd.s32 $0xFFFFE003, lr  }
0x1b: {  	s9 =	sadd.s32 $0xFFFFFEF7, lr;
	s5 =	simm.s32 $0xFFFFFFFF;
	p2 =	slt.u32 s8, $0xFFFFF086  }
0x1c: {  	p1 =	slt.u32 s9, $0xF7A;
	s5 =	simm.s32 @!p2 $0x0  }
0x1d: {  	s5 =	simm.s32 @p1 $0x1;
	p0 =	seq.s32 s7, s2  }
0x1e: {  	s7 =	smul.u32 @!p0 $0xF7A, s2;
	p2 =	seq.s32 @!p0 s5, $0x0  }
0x1f: {  	s9 =	smul.u32 $0xF7A, s1;
	s8 =	simm.s32 @!p0 $0x1BF5;
	p2 =	por !p2, p0  }
0x20: {  	[sflag:s8] =	ssyncset.s32 @!p0 $0xFFFFF086;
	s6 =	sadd.s32 @!p0 s3, s7;
	s7 =	simm.s32 @!p0 $0x108  }
0x21: {  	s3 =	sadd.s32 s3, s9;
	s6 =	sadd.s32 @!p0 $0x88, s6;
	s7 =	simm.s32 @p2 $0x1082  }
0x22: {  	[simem:s7], [sflag:s8] =	dma.local @!p0 [hbm:s6], $0xF7A  }
0x23: {  	s9 =	sor.u32 $0xD0000000, s2;
	s6 =	simm.s32 $0x108;
	_ =	swait.ge @!p0 [sflag:s8], $0x0  }
0x24: {  	s3 =	sadd.s32 $0x88, s3;
	s6 =	simm.s32 @!p1 $0x1082;
	[sflag:s4] =	ssyncset.s32 $0xFFFFF086  }
0x25: {  	[simem:s6], [sflag:s4] =	dma.local [hbm:s3], $0xF7A  }
0x26: {  	[smem:$0x3F89] =	sst s1;
	(tag) =	ssettag s2;
	_ =	strace s9  }
0x27: {  	s1 =	sld [smem:$0x3F99]  }
0x28: {  	s2 =	sld [smem:$0x3F9A]  }
0x29: {  	s4 =	sld [smem:$0x3F9C]  }
0x2a: {  	p0 =	seq.s32 s5, $0x0;
	s5 =	sld [smem:$0x3F9D]  }
0x2b: {  	s6 =	sld [smem:$0x3F9E]  }
0x2c: {  	s7 =	sld [smem:$0x3F9F]  }
0x2d: {  	s3 =	simm.s32 $0x108;
	s8 =	sld [smem:$0x3FA0]  }
0x2e: {  	s3 =	simm.s32 @!p0 $0x1082;
	s9 =	sld [smem:$0x3FA1]  }
0x2f: {  	lr =	sadd.s32 s0, s3;
	s0 =	sld [smem:$0x3F98]  }
0x30: {  	s3 =	sld [smem:$0x3F9B]  }
0x31: {  	[smem:$0x3FA4] =	sst s10  }
0x32: {  	s10 =	sld [smem:$0x3FA2];
	_ =	sdelay $0x3  }
0x33: {  	p0 =	seq.s32 s10, $0x1;
	s10 =	sld [smem:$0x3FA4];
	_ =	sdelay $0x3  }
0x34: {  	[smem:$0x3FA4] =	sst s10  }
0x35: {  	s10 =	sld [smem:$0x3FA3];
	_ =	sdelay $0x3  }
0x36: {  	p1 =	seq.s32 s10, $0x1;
	s10 =	sld [smem:$0x3FA4];
	_ =	sdelay $0x3  }
0x37: {  	[smem:$0x3FA4] =	sst s10  }
0x38: {  	s10 =	sld [smem:$0x3FA5]  }
0x39: {  	_ = 	snop;
	(pc) =	sbr.ind lr, $3  }
0x3a: {  	_ = 	snop  }
0x3b: {  	_ = 	snop  }
0x3c: {  	p2 =	seq.s32 s10, $0x1;
	s10 =	sld [smem:$0x3FA4]  }
0x3d: {  	_ =	shalt  }
0x3e: {  	_ =	shalt  }
0x3f: {  	_ =	shalt  }
0x40: {  	_ =	shalt  }
0x41: {  	_ =	shalt  }
0x42: {  	_ =	shalt  }
0x43: {  	_ =	shalt  }
0x44: {  	_ =	shalt  }
0x45: {  	_ =	shalt  }
0x46: {  	_ =	shalt  }
0x47: {  	_ =	shalt  }
0x48: {  	_ =	shalt  }
0x49: {  	_ =	shalt  }
0x4a: {  	_ =	shalt  }
0x4b: {  	_ =	shalt  }
0x4c: {  	_ =	shalt  }
0x4d: {  	_ =	shalt  }
0x4e: {  	_ =	shalt  }
0x4f: {  	_ =	shalt  }
0x50: {  	_ =	shalt  }
0x51: {  	_ =	shalt  }
0x52: {  	_ =	shalt  }
0x53: {  	_ =	shalt  }
0x54: {  	_ =	shalt  }
0x55: {  	_ =	shalt  }
0x56: {  	_ =	shalt  }
0x57: {  	_ =	shalt  }
0x58: {  	_ =	shalt  }
0x59: {  	_ =	shalt  }
0x5a: {  	_ =	shalt  }
0x5b: {  	_ =	shalt  }
0x5c: {  	_ =	shalt  }
0x5d: {  	_ =	shalt  }
0x5e: {  	_ =	shalt  }
0x5f: {  	_ =	shalt  }
0x60: {  	_ =	shalt  }
0x61: {  	_ =	shalt  }
0x62: {  	_ =	shalt  }
0x63: {  	_ =	shalt  }
0x64: {  	_ =	shalt  }
0x65: {  	_ =	shalt  }
0x66: {  	_ =	shalt  }
0x67: {  	_ =	shalt  }
0x68: {  	_ =	shalt  }
0x69: {  	_ =	shalt  }
0x6a: {  	_ =	shalt  }
0x6b: {  	_ =	shalt  }
0x6c: {  	_ =	shalt  }
0x6d: {  	_ =	shalt  }
0x6e: {  	_ =	shalt  }
0x6f: {  	_ =	shalt  }
0x70: {  	_ =	shalt  }
0x71: {  	_ =	shalt  }
0x72: {  	_ =	shalt  }
0x73: {  	_ =	shalt  }
0x74: {  	_ =	shalt  }
0x75: {  	_ =	shalt  }
0x76: {  	_ =	shalt  }
0x77: {  	_ =	shalt  }
0x78: {  	_ =	shalt  }
0x79: {  	_ =	shalt  }
0x7a: {  	_ =	shalt  }
0x7b: {  	_ =	shalt  }
0x7c: {  	_ =	shalt  }
0x7d: {  	_ =	shalt  }
0x7e: {  	_ =	shalt  }
0x7f: {  	_ =	shalt  }
0x80: {  	_ =	shalt  }
0x81: {  	_ =	shalt  }
0x82: {  	_ =	shalt  }
0x83: {  	_ =	shalt  }
0x84: {  	_ =	shalt  }
0x85: {  	_ =	shalt  }
0x86: {  	_ =	shalt  }
0x87: {  	_ =	shalt  }
.Lfunc_end0:
.L_simem_size_0:
called_computation_lowered:
.L_overlay_start_0:
0x88: {  	s2 =	sld [smem:$0x3FD9]  }
0x89: {  	s3 =	sld [smem:$0x3FFE];
	_ =	sdelay $0x1  }
0x8a: {  	s1 =	srdreg.scid  }
0x8b: {  	s0 =	sand.u32 $0x1, s1  }
0x8c: {  	s17 =	sshll.u32 s0, $0xA;
	s2 =	sadd.s32 s3, s2  }
0x8d: {  	s2 =	sadd.s32 s2, s17  }
0x8e: {  	[smem:$0x3FB0] =	sst s2  }
0x8f: {  	_ = 	snop  }
0x90: {  	s2 =	sld [smem:$0x3FD0];
	(tm) =	ssettm $0x1  }
0x91: {  	s18 =	sld [smem:$0x3FFB];
	_ =	sdelay $0x3  }
0x92: {  	_ =	strace s18  }
0x93: {  	s3 =	sld [smem:$0x3FFC];
	_ =	sdelay $0x3  }
0x94: {  	_ =	strace s3  }
0x95: {  	s3 =	sld [smem:$0x3FFD];
	_ =	sdelay $0x3  }
0x96: {  	_ =	strace s3  }
0x97: {  	_ =	strace $0x8FFFFFFF  }
0x98: {  	s19 =	sld [smem:$0x3FDB];
	_ =	sdelay $0x1  }
0x99: {  	s4 =	simm.s32 $_scs_section_size  }
0x9a: {  	s5 =	simm.s32 $_size__tile_overlayer_lowered;
	s6 =	simm.s32 $_tile_overlayer_lowered  }
0x9b: {  	s22 =	simm.s32 $0x1BFF;
	s21 =	sshll.u32 s6, $0x1;
	s3 =	sadd.s32 s4, s19  }
0x9c: {  	s7 =	simm.s32 $0x0;
	s20 =	sshll.u32 s5, $0x1;
	s5 =	sadd.s32 s21, s3  }
0x9d: {  	[timem:s7], [sflag:s22] =	dma.local [hbm:s5], s20  }
0x9e: {  	_ =	swait.ge [sflag:s22], s20  }
0x9f: {  	s4 =	ssub.s32 $0x0, s20;
	[sflag:s22] =	ssyncset.done $0x0  }
0xa0: {  	[sflag:s22] =	ssyncadd.s32 s4;
	_ =	sdelay $0x1  }
0xa1: {  	s23 =	simm.s32 $0x1B8B  }
0xa2: {  	_ =	swait.ge [sflag:s23], $0x1  }
0xa3: {  	[sflag:s23] =	ssyncset.done $0x0  }
0xa4: {  	s25 =	simm.s32 $0x1B8E;
	s24 =	sld [smem:$0x3FFE];
	[sflag:s23] =	ssyncadd.s32 $0xFFFFFFFF  }
0xa5: {  	s26 =	simm.s32 $execute0_lowered;
	[smem:$0x3FD2] =	sst s25  }
0xa6: {  	s5 =	sshll.u32 s26, $0x1;
	_ =	strace $0x80000046;
	[dreg:$0x1] =	wrdreg $0xFFFFFFFF  }
0xa7: {  	s28 =	simm.s32 $_size_execute0_lowered;
	s3 =	sadd.s32 s3, s5;
	[dreg:$0x0] =	wrdreg $0x0  }
0xa8: {  	s5 =	sshll.u32 s28, $0x1;
	[dreg:$0x2] =	wrdreg s3  }
0xa9: {  	[dreg:$0x3] =	wrdreg s5  }
0xaa: {  	[dreg:$0x4] =	wrdreg $0xC0  }
0xab: {  	_ =	task [dreg:s7], $0x5FFFF  }
0xac: {  	[dreg:$0x1] =	wrdreg $0xFFFFFFFF  }
0xad: {  	[dreg:$0x0] =	wrdreg $0x60  }
0xae: {  	[dreg:$0x2] =	wrdreg s24  }
0xaf: {  	[dreg:$0x3] =	wrdreg s2  }
0xb0: {  	[dreg:$0x4] =	wrdreg $0x28800  }
0xb1: {  	[dreg:$0x5] =	wrdreg $0x9  }
0xb2: {  	_ =	task.clear_ibuf [dreg:s7], $0x6FFFF;
	_ =	strace $0x90000046  }
0xb3: {  	s29 =	simm.s32 $0x9;
	_ =	strace $0x80000048  }
0xb4: {  	_ =	swait.ge [sflag:s29], $0x1  }
0xb5: {  	[sflag:s29] =	ssyncadd.s32 $0xFFFFFFFF  }
0xb6: {  	_ =	strace $0x90000048  }
0xb7: {  	_ =	sfence  }
0xb8: {  	s30 =	sld [smem:$0x0];
	_ =	sdelay $0x2  }
0xb9: {  	s31 =	sshll.u32 s1, $0xD;
	s1 =	sshrl.u32 s1, $0x2  }
0xba: {  	s3 =	sand.u32 $0x4000, s31;
	s1 =	sadd.s32 s1, s30  }
0xbb: {  	s0 =	sor.u32 s3, s0;
	s1 =	sshll.u32 s1, $0x11  }
0xbc: {  	s0 =	sor.u32 s1, s0  }
0xbd: {  	s0 =	sadd.s32 $0x8F2B, s0  }
0xbe: {  	[sflag:s0] =	ssyncadd.remote.s32 $0x1  }
0xbf: {  	_ =	sfence.sel $0xFFFF  }
0xc0: {  	[dreg:$0x0] =	wrdreg $0xFFFFFFFF;
	(pc) =	sbr.abs _section_cstart, $3  }
0xc1: {  	[dreg:$0x1] =	wrdreg $0xFFFFFFFF  }
0xc2: {  	_ =	task.clear_ibuf [dreg:s7], $0x2FFFF;
	_ =	strace $0x9FFFFFFF  }
0xc3: {  	(tm) =	ssettm $0x7FFFFFFF  }
tec
execute0_lowered:
.L_overlay_start_1:
0x0: {  	(tag) =	ssettag $0x1  }
0x1: {  	s10 =	rddreg [dreg:$0x0]  }
0x2: {  	s1 =	rddreg [dreg:$0x1]  }
0x3: {  	s2 =	rddreg [dreg:$0x2];
	s3 =	srdreg.scid  }
0x4: {  	s0 =	rddreg [dreg:$0x3];
	s4 =	simm.s32 $0x0;
	s15 =	simm.s32 $0x1AC00  }
0x5: {  	s16 =	simm.s32 $0x1;
	s17 =	simm.s32 $0x0;
	s7 =	sand.u32 $0x1, s3  }
0x6: {  	[smem:$0x7FF] =	sst s4;
	s3 =	stileid.u32;
	s5 =	sshll.u32 s7, $0x4  }
0x7: {  	s6 =	ssub.s32 $0x2, s7;
	s11 =	smul.u32 $0x280, s3;
	_ =	strace $0x80000047  }
0x8: {  	s30 =	sshll.u32 s3, $0x6;
	p0 =	seq.s32 s7, $0x1;
	s12 =	sor.u32 s3, s5  }
0x9: {  	s8 =	sshrl.u32 s6, $0x1;
	s5 =	sadd.s32 $0x1A400, s10;
	s15 =	simm.s32 @!p0 $0x1A600  }
0xa: {  	s9 =	smul.u32 $0x2800, s12;
	s13 =	ssub.s32 s6, s8;
	s14 =	sadd.s32 s11, s2  }
0xb: {  	s6 =	sor.u32 $0x1C02, s30;
	s11 =	sshrl.u32 s11, $0x3;
	s15 =	sadd.s32 s15, s10  }
0xc: {  	p0 =	seq.s32 s12, $0x1F;
	s11 =	sadd.s32 s15, s11;
	s31 =	sshrl.u32 s9, $0x3  }
0xd: {  	s12 =	sshrl.u32 s14, $0x3;
	s14 =	simm.s32 $0x2800;
	s8 =	sadd.s32 s10, s31  }
0xe: {  	s15 =	simm.s32 $0x80;
	s9 =	sadd.s32 $0x1A000, s10;
	s7 =	sadd.s32 $0xFE80, s8  }
0xf: {  	s8 =	sadd.s32 $0x19980, s10;
	s10 =	smax.u32 s13, $0x1;
	s13 =	simm.s32 $0x2  }
.LBB2_1:
0x10: {  	[spmem:s12], [sflag:s6] =	dma.local [hbm:s5], $0x50  }
0x11: {  	_ =	swait.ge [sflag:s13], $0x50  }
0x12: {  	[sflag:s13] =	ssyncset.done $0x0  }
0x13: {  	[sflag:s13] =	ssyncadd.s32 $0xFFFFFFB0  }
0x14: {  	[tilespmem:s14], [sflag:$0x2] =	stream.linear.gather [hbm4b:s1+s4], $0x80, $0x38;
	[tilespmem:$0x2B00] =	vst v63  }
0x15: {  	_ =	swait.ge [sflag:s13], $0x80  }
0x16: {  	[sflag:s13] =	ssyncset.done $0x0  }
0x17: {  	s18 =	simm.s32 @p0 $0x0;
	s19 =	simm.s32 @p0 $0x2;
	[sflag:s13] =	ssyncadd.s32 $0xFFFFFF80  }
0x18: {  	[tilespmem:s18], [sflag:$0x2] =	stream.linear.gather @p0 [hbm4b:s8+s18], $0x800, $0x38;
	[tilespmem:$0x2B00] =	vst v63  }
0x19: {  	_ =	swait.ge @p0 [sflag:s19], $0x800  }
0x1a: {  	[sflag:s19] =	ssyncset.done @p0 $0x0  }
0x1b: {  	s20 =	simm.s32 @p0 $0x800;
	[sflag:s19] =	ssyncadd.s32 @p0 $0xFFFFF800  }
0x1c: {  	[tilespmem:s20], [sflag:$0x2] =	stream.linear.gather @p0 [hbm4b:s9+s18], $0x2000, $0x38;
	[tilespmem:$0x2B00] =	vst v63  }
0x1d: {  	_ =	swait.ge @p0 [sflag:s19], $0x2000  }
0x1e: {  	[sflag:s19] =	ssyncset.done @p0 $0x0  }
0x1f: {  	s18 =	simm.s32 @!p0 $0x0;
	[sflag:s19] =	ssyncadd.s32 @p0 $0xFFFFE000  }
0x20: {  	[tilespmem:s18], [sflag:$0x2] =	stream.linear.gather @!p0 [hbm4b:s7+s18], $0x2800, $0x38;
	[tilespmem:$0x2B00] =	vst v63  }
0x21: {  	s18 =	simm.s32 @!p0 $0x2  }
0x22: {  	_ =	swait.ge @!p0 [sflag:s18], $0x2800  }
0x23: {  	[sflag:s18] =	ssyncset.done @!p0 $0x0  }
0x24: {  	[sflag:s18] =	ssyncadd.s32 @!p0 $0xFFFFD800  }
0x25: {  	s28 =	simm.s32 $0x0;
	[bflag:$0x0] =	sbarrier.arrive $0xFFFF  }
0x26: {  	[spmem:s2] =	stream.indirect.scatter.add.f32 [tilespmem:s14], [sflag:$0x1], $0x1, s28, s15, $0xb8;
	[tilespmem:$0x2B00] =	vst v63  }
0x27: {  	s29 =	simm.s32 $0x80  }
0x28: {  	[spmem:s2] =	stream.indirect.scatter.add.f32 [tilespmem:s14], [sflag:$0x1], $0x1, s29, s15, $0xb8;
	[tilespmem:$0x2B00] =	vst v63  }
0x29: {  	s30 =	simm.s32 $0x100  }
0x2a: {  	[spmem:s2] =	stream.indirect.scatter.add.f32 [tilespmem:s14], [sflag:$0x1], $0x1, s30, s15, $0xb8;
	[tilespmem:$0x2B00] =	vst v63  }
0x2b: {  	s31 =	simm.s32 $0x180  }
0x2c: {  	[spmem:s2] =	stream.indirect.scatter.add.f32 [tilespmem:s14], [sflag:$0x1], $0x1, s31, s15, $0xb8;
	[tilespmem:$0x2B00] =	vst v63  }
0x2d: {  	s19 =	simm.s32 $0x200  }
0x2e: {  	[spmem:s2] =	stream.indirect.scatter.add.f32 [tilespmem:s14], [sflag:$0x1], $0x1, s19, s15, $0xb8;
	[tilespmem:$0x2B00] =	vst v63  }
0x2f: {  	s20 =	simm.s32 $0x280  }
0x30: {  	[spmem:s2] =	stream.indirect.scatter.add.f32 [tilespmem:s14], [sflag:$0x1], $0x1, s20, s15, $0xb8;
	[tilespmem:$0x2B00] =	vst v63  }
0x31: {  	s21 =	simm.s32 $0x300  }
0x32: {  	[spmem:s2] =	stream.indirect.scatter.add.f32 [tilespmem:s14], [sflag:$0x1], $0x1, s21, s15, $0xb8;
	[tilespmem:$0x2B00] =	vst v63  }
0x33: {  	s22 =	simm.s32 $0x380  }
0x34: {  	[spmem:s2] =	stream.indirect.scatter.add.f32 [tilespmem:s14], [sflag:$0x1], $0x1, s22, s15, $0xb8;
	[tilespmem:$0x2B00] =	vst v63  }
0x35: {  	s23 =	simm.s32 $0x400  }
0x36: {  	[spmem:s2] =	stream.indirect.scatter.add.f32 [tilespmem:s14], [sflag:$0x1], $0x1, s23, s15, $0xb8;
	[tilespmem:$0x2B00] =	vst v63  }
0x37: {  	s24 =	simm.s32 $0x480  }
0x38: {  	[spmem:s2] =	stream.indirect.scatter.add.f32 [tilespmem:s14], [sflag:$0x1], $0x1, s24, s15, $0xb8;
	[tilespmem:$0x2B00] =	vst v63  }
0x39: {  	s25 =	simm.s32 $0x500  }
0x3a: {  	[spmem:s2] =	stream.indirect.scatter.add.f32 [tilespmem:s14], [sflag:$0x1], $0x1, s25, s15, $0xb8;
	[tilespmem:$0x2B00] =	vst v63  }
0x3b: {  	s26 =	simm.s32 $0x580  }
0x3c: {  	[spmem:s2] =	stream.indirect.scatter.add.f32 [tilespmem:s14], [sflag:$0x1], $0x1, s26, s15, $0xb8;
	[tilespmem:$0x2B00] =	vst v63  }
0x3d: {  	s28 =	simm.s32 $0x600  }
0x3e: {  	[spmem:s2] =	stream.indirect.scatter.add.f32 [tilespmem:s14], [sflag:$0x1], $0x1, s28, s15, $0xb8;
	[tilespmem:$0x2B00] =	vst v63  }
0x3f: {  	s29 =	simm.s32 $0x680  }
0x40: {  	[spmem:s2] =	stream.indirect.scatter.add.f32 [tilespmem:s14], [sflag:$0x1], $0x1, s29, s15, $0xb8;
	[tilespmem:$0x2B00] =	vst v63  }
0x41: {  	s30 =	simm.s32 $0x700  }
0x42: {  	[spmem:s2] =	stream.indirect.scatter.add.f32 [tilespmem:s14], [sflag:$0x1], $0x1, s30, s15, $0xb8;
	[tilespmem:$0x2B00] =	vst v63  }
0x43: {  	s31 =	simm.s32 $0x780  }
0x44: {  	[spmem:s2] =	stream.indirect.scatter.add.f32 [tilespmem:s14], [sflag:$0x1], $0x1, s31, s15, $0xb8;
	[tilespmem:$0x2B00] =	vst v63  }
0x45: {  	_ =	swait.ge [sflag:s16], $0x80  }
0x46: {  	[sflag:s16] =	ssyncset.done $0x0  }
0x47: {  	[sflag:s16] =	ssyncadd.s32 $0xFFFFFF80  }
0x48: {  	_ =	swait.ge [sflag:s16], $0x80  }
0x49: {  	[sflag:s16] =	ssyncset.done $0x0  }
0x4a: {  	[sflag:s16] =	ssyncadd.s32 $0xFFFFFF80  }
0x4b: {  	_ =	swait.ge [sflag:s16], $0x80  }
0x4c: {  	[sflag:s16] =	ssyncset.done $0x0  }
0x4d: {  	[sflag:s16] =	ssyncadd.s32 $0xFFFFFF80  }
0x4e: {  	_ =	swait.ge [sflag:s16], $0x80  }
0x4f: {  	[sflag:s16] =	ssyncset.done $0x0  }
0x50: {  	[sflag:s16] =	ssyncadd.s32 $0xFFFFFF80  }
0x51: {  	_ =	swait.ge [sflag:s16], $0x80  }
0x52: {  	[sflag:s16] =	ssyncset.done $0x0  }
0x53: {  	[sflag:s16] =	ssyncadd.s32 $0xFFFFFF80  }
0x54: {  	_ =	swait.ge [sflag:s16], $0x80  }
0x55: {  	[sflag:s16] =	ssyncset.done $0x0  }
0x56: {  	[sflag:s16] =	ssyncadd.s32 $0xFFFFFF80  }
0x57: {  	_ =	swait.ge [sflag:s16], $0x80  }
0x58: {  	[sflag:s16] =	ssyncset.done $0x0  }
0x59: {  	[sflag:s16] =	ssyncadd.s32 $0xFFFFFF80  }
0x5a: {  	_ =	swait.ge [sflag:s16], $0x80  }
0x5b: {  	[sflag:s16] =	ssyncset.done $0x0  }
0x5c: {  	[sflag:s16] =	ssyncadd.s32 $0xFFFFFF80  }
0x5d: {  	_ =	swait.ge [sflag:s16], $0x80  }
0x5e: {  	[sflag:s16] =	ssyncset.done $0x0  }
0x5f: {  	[sflag:s16] =	ssyncadd.s32 $0xFFFFFF80  }
0x60: {  	_ =	swait.ge [sflag:s16], $0x80  }
0x61: {  	[sflag:s16] =	ssyncset.done $0x0  }
0x62: {  	[sflag:s16] =	ssyncadd.s32 $0xFFFFFF80  }
0x63: {  	_ =	swait.ge [sflag:s16], $0x80  }
0x64: {  	[sflag:s16] =	ssyncset.done $0x0  }
0x65: {  	[sflag:s16] =	ssyncadd.s32 $0xFFFFFF80  }
0x66: {  	_ =	swait.ge [sflag:s16], $0x80  }
0x67: {  	[sflag:s16] =	ssyncset.done $0x0  }
0x68: {  	[sflag:s16] =	ssyncadd.s32 $0xFFFFFF80  }
0x69: {  	_ =	swait.ge [sflag:s16], $0x80  }
0x6a: {  	[sflag:s16] =	ssyncset.done $0x0  }
0x6b: {  	[sflag:s16] =	ssyncadd.s32 $0xFFFFFF80  }
0x6c: {  	_ =	swait.ge [sflag:s16], $0x80  }
0x6d: {  	[sflag:s16] =	ssyncset.done $0x0  }
0x6e: {  	[sflag:s16] =	ssyncadd.s32 $0xFFFFFF80  }
0x6f: {  	_ =	swait.ge [sflag:s16], $0x80  }
0x70: {  	[sflag:s16] =	ssyncset.done $0x0  }
0x71: {  	[sflag:s16] =	ssyncadd.s32 $0xFFFFFF80  }
0x72: {  	_ =	swait.ge [sflag:s16], $0x80  }
0x73: {  	s18 =	simm.s32 $0x2000;
	s21 =	simm.s32 $0x4000;
	[sflag:s16] =	ssyncset.done $0x0  }
.LBB2_2:
0x74: {  	s20 =	sshra.s32 s18, $0x2  }
0x75: {  	[sflag:s16] =	ssyncadd.s32 $0xFFFFFF80;
	s18 =	smov.u32 s21;
	s19 =	sadd.s32 $0x2000, s21  }
0x76: {  	[spmem:s2] =	stream.indirect.scatter.add.f32 [tilespmem:s14], [sflag:$0x1], $0x1, s20, s15, $0xb8;
	[tilespmem:$0x2B00] =	vst v63  }
0x77: {  	p1 =	sne.s32 s21, $0x8000;
	s21 =	sadd.s32 $0x80, s20  }
0x78: {  	[spmem:s2] =	stream.indirect.scatter.add.f32 [tilespmem:s14], [sflag:$0x1], $0x1, s21, s15, $0xb8;
	[tilespmem:$0x2B00] =	vst v63  }
0x79: {  	s21 =	sadd.s32 $0x100, s20  }
0x7a: {  	[spmem:s2] =	stream.indirect.scatter.add.f32 [tilespmem:s14], [sflag:$0x1], $0x1, s21, s15, $0xb8;
	[tilespmem:$0x2B00] =	vst v63  }
0x7b: {  	s21 =	sadd.s32 $0x180, s20  }
0x7c: {  	[spmem:s2] =	stream.indirect.scatter.add.f32 [tilespmem:s14], [sflag:$0x1], $0x1, s21, s15, $0xb8;
	[tilespmem:$0x2B00] =	vst v63  }
0x7d: {  	s21 =	sadd.s32 $0x200, s20  }
0x7e: {  	[spmem:s2] =	stream.indirect.scatter.add.f32 [tilespmem:s14], [sflag:$0x1], $0x1, s21, s15, $0xb8;
	[tilespmem:$0x2B00] =	vst v63  }
0x7f: {  	s21 =	sadd.s32 $0x280, s20  }
0x80: {  	[spmem:s2] =	stream.indirect.scatter.add.f32 [tilespmem:s14], [sflag:$0x1], $0x1, s21, s15, $0xb8;
	[tilespmem:$0x2B00] =	vst v63  }
0x81: {  	s21 =	sadd.s32 $0x300, s20  }
0x82: {  	[spmem:s2] =	stream.indirect.scatter.add.f32 [tilespmem:s14], [sflag:$0x1], $0x1, s21, s15, $0xb8;
	[tilespmem:$0x2B00] =	vst v63  }
0x83: {  	s21 =	sadd.s32 $0x380, s20  }
0x84: {  	[spmem:s2] =	stream.indirect.scatter.add.f32 [tilespmem:s14], [sflag:$0x1], $0x1, s21, s15, $0xb8;
	[tilespmem:$0x2B00] =	vst v63  }
0x85: {  	s21 =	sadd.s32 $0x400, s20  }
0x86: {  	[spmem:s2] =	stream.indirect.scatter.add.f32 [tilespmem:s14], [sflag:$0x1], $0x1, s21, s15, $0xb8;
	[tilespmem:$0x2B00] =	vst v63  }
0x87: {  	s21 =	sadd.s32 $0x480, s20  }
0x88: {  	[spmem:s2] =	stream.indirect.scatter.add.f32 [tilespmem:s14], [sflag:$0x1], $0x1, s21, s15, $0xb8;
	[tilespmem:$0x2B00] =	vst v63  }
0x89: {  	s21 =	sadd.s32 $0x500, s20  }
0x8a: {  	[spmem:s2] =	stream.indirect.scatter.add.f32 [tilespmem:s14], [sflag:$0x1], $0x1, s21, s15, $0xb8;
	[tilespmem:$0x2B00] =	vst v63  }
0x8b: {  	s21 =	sadd.s32 $0x580, s20  }
0x8c: {  	[spmem:s2] =	stream.indirect.scatter.add.f32 [tilespmem:s14], [sflag:$0x1], $0x1, s21, s15, $0xb8;
	[tilespmem:$0x2B00] =	vst v63  }
0x8d: {  	s21 =	sadd.s32 $0x600, s20  }
0x8e: {  	[spmem:s2] =	stream.indirect.scatter.add.f32 [tilespmem:s14], [sflag:$0x1], $0x1, s21, s15, $0xb8;
	[tilespmem:$0x2B00] =	vst v63  }
0x8f: {  	s21 =	sadd.s32 $0x680, s20  }
0x90: {  	[spmem:s2] =	stream.indirect.scatter.add.f32 [tilespmem:s14], [sflag:$0x1], $0x1, s21, s15, $0xb8;
	[tilespmem:$0x2B00] =	vst v63  }
0x91: {  	s21 =	sadd.s32 $0x700, s20  }
0x92: {  	[spmem:s2] =	stream.indirect.scatter.add.f32 [tilespmem:s14], [sflag:$0x1], $0x1, s21, s15, $0xb8;
	[tilespmem:$0x2B00] =	vst v63  }
0x93: {  	s20 =	sadd.s32 $0x780, s20  }
0x94: {  	[spmem:s2] =	stream.indirect.scatter.add.f32 [tilespmem:s14], [sflag:$0x1], $0x1, s20, s15, $0xb8;
	[tilespmem:$0x2B00] =	vst v63  }
0x95: {  	_ =	swait.ge [sflag:s16], $0x80  }
0x96: {  	[sflag:s16] =	ssyncset.done $0x0  }
0x97: {  	[sflag:s16] =	ssyncadd.s32 $0xFFFFFF80  }
0x98: {  	_ =	swait.ge [sflag:s16], $0x80  }
0x99: {  	[sflag:s16] =	ssyncset.done $0x0  }
0x9a: {  	[sflag:s16] =	ssyncadd.s32 $0xFFFFFF80  }
0x9b: {  	_ =	swait.ge [sflag:s16], $0x80  }
0x9c: {  	[sflag:s16] =	ssyncset.done $0x0  }
0x9d: {  	[sflag:s16] =	ssyncadd.s32 $0xFFFFFF80  }
0x9e: {  	_ =	swait.ge [sflag:s16], $0x80  }
0x9f: {  	[sflag:s16] =	ssyncset.done $0x0  }
0xa0: {  	[sflag:s16] =	ssyncadd.s32 $0xFFFFFF80  }
0xa1: {  	_ =	swait.ge [sflag:s16], $0x80  }
0xa2: {  	[sflag:s16] =	ssyncset.done $0x0  }
0xa3: {  	[sflag:s16] =	ssyncadd.s32 $0xFFFFFF80  }
0xa4: {  	_ =	swait.ge [sflag:s16], $0x80  }
0xa5: {  	[sflag:s16] =	ssyncset.done $0x0  }
0xa6: {  	[sflag:s16] =	ssyncadd.s32 $0xFFFFFF80  }
0xa7: {  	_ =	swait.ge [sflag:s16], $0x80  }
0xa8: {  	[sflag:s16] =	ssyncset.done $0x0  }
0xa9: {  	[sflag:s16] =	ssyncadd.s32 $0xFFFFFF80  }
0xaa: {  	_ =	swait.ge [sflag:s16], $0x80  }
0xab: {  	[sflag:s16] =	ssyncset.done $0x0  }
0xac: {  	[sflag:s16] =	ssyncadd.s32 $0xFFFFFF80  }
0xad: {  	_ =	swait.ge [sflag:s16], $0x80  }
0xae: {  	[sflag:s16] =	ssyncset.done $0x0  }
0xaf: {  	[sflag:s16] =	ssyncadd.s32 $0xFFFFFF80  }
0xb0: {  	_ =	swait.ge [sflag:s16], $0x80  }
0xb1: {  	[sflag:s16] =	ssyncset.done $0x0  }
0xb2: {  	[sflag:s16] =	ssyncadd.s32 $0xFFFFFF80  }
0xb3: {  	_ =	swait.ge [sflag:s16], $0x80  }
0xb4: {  	[sflag:s16] =	ssyncset.done $0x0  }
0xb5: {  	[sflag:s16] =	ssyncadd.s32 $0xFFFFFF80  }
0xb6: {  	_ =	swait.ge [sflag:s16], $0x80  }
0xb7: {  	[sflag:s16] =	ssyncset.done $0x0  }
0xb8: {  	[sflag:s16] =	ssyncadd.s32 $0xFFFFFF80  }
0xb9: {  	_ =	swait.ge [sflag:s16], $0x80  }
0xba: {  	[sflag:s16] =	ssyncset.done $0x0  }
0xbb: {  	[sflag:s16] =	ssyncadd.s32 $0xFFFFFF80  }
0xbc: {  	_ =	swait.ge [sflag:s16], $0x80  }
0xbd: {  	[sflag:s16] =	ssyncset.done $0x0  }
0xbe: {  	[sflag:s16] =	ssyncadd.s32 $0xFFFFFF80  }
.Ltmp0:
0xbf: {  	_ =	swait.ge [sflag:s16], $0x80;
	(pc) =	sbr.rel @p1 .LBB2_2-.Ltmp0, $4  }
0xc0: {  	[sflag:s16] =	ssyncset.done $0x0  }
0xc1: {  	[sflag:s16] =	ssyncadd.s32 $0xFFFFFF80  }
0xc2: {  	_ =	swait.ge [sflag:s16], $0x80  }
0xc3: {  	s21 =	smov.u32 s19;
	[sflag:s16] =	ssyncset.done $0x0  }
0xc4: {  	s18 =	sshra.s32 s18, $0x2;
	[sflag:s16] =	ssyncadd.s32 $0xFFFFFF80  }
0xc5: {  	[spmem:s2] =	stream.indirect.scatter.add.f32 [tilespmem:s14], [sflag:$0x1], $0x1, s18, s15, $0xb8;
	[tilespmem:$0x2B00] =	vst v63  }
0xc6: {  	s19 =	sadd.s32 $0x80, s18  }
0xc7: {  	[spmem:s2] =	stream.indirect.scatter.add.f32 [tilespmem:s14], [sflag:$0x1], $0x1, s19, s15, $0xb8;
	[tilespmem:$0x2B00] =	vst v63  }
0xc8: {  	s30 =	sadd.s32 $0x100, s18  }
0xc9: {  	[spmem:s2] =	stream.indirect.scatter.add.f32 [tilespmem:s14], [sflag:$0x1], $0x1, s30, s15, $0xb8;
	[tilespmem:$0x2B00] =	vst v63  }
0xca: {  	s31 =	sadd.s32 $0x180, s18  }
0xcb: {  	[spmem:s2] =	stream.indirect.scatter.add.f32 [tilespmem:s14], [sflag:$0x1], $0x1, s31, s15, $0xb8;
	[tilespmem:$0x2B00] =	vst v63  }
0xcc: {  	s20 =	sadd.s32 $0x200, s18  }
0xcd: {  	[spmem:s2] =	stream.indirect.scatter.add.f32 [tilespmem:s14], [sflag:$0x1], $0x1, s20, s15, $0xb8;
	[tilespmem:$0x2B00] =	vst v63  }
0xce: {  	s21 =	sadd.s32 $0x280, s18  }
0xcf: {  	[spmem:s2] =	stream.indirect.scatter.add.f32 [tilespmem:s14], [sflag:$0x1], $0x1, s21, s15, $0xb8;
	[tilespmem:$0x2B00] =	vst v63  }
0xd0: {  	s22 =	sadd.s32 $0x300, s18  }
0xd1: {  	[spmem:s2] =	stream.indirect.scatter.add.f32 [tilespmem:s14], [sflag:$0x1], $0x1, s22, s15, $0xb8;
	[tilespmem:$0x2B00] =	vst v63  }
0xd2: {  	s23 =	sadd.s32 $0x380, s18  }
0xd3: {  	[spmem:s2] =	stream.indirect.scatter.add.f32 [tilespmem:s14], [sflag:$0x1], $0x1, s23, s15, $0xb8;
	[tilespmem:$0x2B00] =	vst v63  }
0xd4: {  	s24 =	sadd.s32 $0x400, s18  }
0xd5: {  	[spmem:s2] =	stream.indirect.scatter.add.f32 [tilespmem:s14], [sflag:$0x1], $0x1, s24, s15, $0xb8;
	[tilespmem:$0x2B00] =	vst v63  }
0xd6: {  	s25 =	sadd.s32 $0x480, s18  }
0xd7: {  	[spmem:s2] =	stream.indirect.scatter.add.f32 [tilespmem:s14], [sflag:$0x1], $0x1, s25, s15, $0xb8;
	[tilespmem:$0x2B00] =	vst v63  }
0xd8: {  	s26 =	sadd.s32 $0x500, s18  }
0xd9: {  	[spmem:s2] =	stream.indirect.scatter.add.f32 [tilespmem:s14], [sflag:$0x1], $0x1, s26, s15, $0xb8;
	[tilespmem:$0x2B00] =	vst v63  }
0xda: {  	s28 =	sadd.s32 $0x580, s18  }
0xdb: {  	[spmem:s2] =	stream.indirect.scatter.add.f32 [tilespmem:s14], [sflag:$0x1], $0x1, s28, s15, $0xb8;
	[tilespmem:$0x2B00] =	vst v63  }
0xdc: {  	s29 =	sadd.s32 $0x600, s18  }
0xdd: {  	[spmem:s2] =	stream.indirect.scatter.add.f32 [tilespmem:s14], [sflag:$0x1], $0x1, s29, s15, $0xb8;
	[tilespmem:$0x2B00] =	vst v63  }
0xde: {  	s30 =	sadd.s32 $0x680, s18  }
0xdf: {  	[spmem:s2] =	stream.indirect.scatter.add.f32 [tilespmem:s14], [sflag:$0x1], $0x1, s30, s15, $0xb8;
	[tilespmem:$0x2B00] =	vst v63  }
0xe0: {  	s31 =	sadd.s32 $0x700, s18  }
0xe1: {  	[spmem:s2] =	stream.indirect.scatter.add.f32 [tilespmem:s14], [sflag:$0x1], $0x1, s31, s15, $0xb8;
	[tilespmem:$0x2B00] =	vst v63  }
0xe2: {  	s18 =	sadd.s32 $0x780, s18  }
0xe3: {  	[spmem:s2] =	stream.indirect.scatter.add.f32 [tilespmem:s14], [sflag:$0x1], $0x1, s18, s15, $0xb8;
	[tilespmem:$0x2B00] =	vst v63  }
0xe4: {  	_ =	swait.ge [sflag:s16], $0x80  }
0xe5: {  	[sflag:s16] =	ssyncset.done $0x0  }
0xe6: {  	[sflag:s16] =	ssyncadd.s32 $0xFFFFFF80  }
0xe7: {  	_ =	swait.ge [sflag:s16], $0x80  }
0xe8: {  	[sflag:s16] =	ssyncset.done $0x0  }
0xe9: {  	[sflag:s16] =	ssyncadd.s32 $0xFFFFFF80  }
0xea: {  	_ =	swait.ge [sflag:s16], $0x80  }
0xeb: {  	[sflag:s16] =	ssyncset.done $0x0  }
0xec: {  	[sflag:s16] =	ssyncadd.s32 $0xFFFFFF80  }
0xed: {  	_ =	swait.ge [sflag:s16], $0x80  }
0xee: {  	[sflag:s16] =	ssyncset.done $0x0  }
0xef: {  	[sflag:s16] =	ssyncadd.s32 $0xFFFFFF80  }
0xf0: {  	_ =	swait.ge [sflag:s16], $0x80  }
0xf1: {  	[sflag:s16] =	ssyncset.done $0x0  }
0xf2: {  	[sflag:s16] =	ssyncadd.s32 $0xFFFFFF80  }
0xf3: {  	_ =	swait.ge [sflag:s16], $0x80  }
0xf4: {  	[sflag:s16] =	ssyncset.done $0x0  }
0xf5: {  	[sflag:s16] =	ssyncadd.s32 $0xFFFFFF80  }
0xf6: {  	_ =	swait.ge [sflag:s16], $0x80  }
0xf7: {  	[sflag:s16] =	ssyncset.done $0x0  }
0xf8: {  	[sflag:s16] =	ssyncadd.s32 $0xFFFFFF80  }
0xf9: {  	_ =	swait.ge [sflag:s16], $0x80  }
0xfa: {  	[sflag:s16] =	ssyncset.done $0x0  }
0xfb: {  	[sflag:s16] =	ssyncadd.s32 $0xFFFFFF80  }
0xfc: {  	_ =	swait.ge [sflag:s16], $0x80  }
0xfd: {  	[sflag:s16] =	ssyncset.done $0x0  }
0xfe: {  	[sflag:s16] =	ssyncadd.s32 $0xFFFFFF80  }
0xff: {  	_ =	swait.ge [sflag:s16], $0x80  }
0x100: {  	[sflag:s16] =	ssyncset.done $0x0  }
0x101: {  	[sflag:s16] =	ssyncadd.s32 $0xFFFFFF80  }
0x102: {  	_ =	swait.ge [sflag:s16], $0x80  }
0x103: {  	[sflag:s16] =	ssyncset.done $0x0  }
0x104: {  	[sflag:s16] =	ssyncadd.s32 $0xFFFFFF80  }
0x105: {  	_ =	swait.ge [sflag:s16], $0x80  }
0x106: {  	[sflag:s16] =	ssyncset.done $0x0  }
0x107: {  	[sflag:s16] =	ssyncadd.s32 $0xFFFFFF80  }
0x108: {  	_ =	swait.ge [sflag:s16], $0x80  }
0x109: {  	[sflag:s16] =	ssyncset.done $0x0  }
0x10a: {  	[sflag:s16] =	ssyncadd.s32 $0xFFFFFF80  }
0x10b: {  	_ =	swait.ge [sflag:s16], $0x80  }
0x10c: {  	[sflag:s16] =	ssyncset.done $0x0  }
0x10d: {  	[sflag:s16] =	ssyncadd.s32 $0xFFFFFF80  }
0x10e: {  	_ =	swait.ge [sflag:s16], $0x80  }
0x10f: {  	[sflag:s16] =	ssyncset.done $0x0  }
0x110: {  	[sflag:s16] =	ssyncadd.s32 $0xFFFFFF80  }
0x111: {  	_ =	swait.ge [sflag:s16], $0x80  }
0x112: {  	s17 =	sadd.s32 $0x1, s17;
	[sflag:s16] =	ssyncset.done $0x0  }
0x113: {  	p1 =	sne.s32 s17, s10;
	[sflag:s16] =	ssyncadd.s32 $0xFFFFFF80  }
.Ltmp1:
0x114: {  	[bflag:$0x0] =	sbarrier.arrive $0xFFFF;
	(pc) =	sbr.rel @p1 .LBB2_1-.Ltmp1, $4  }
0x115: {  	[hbm:s11], [sflag:s6] =	dma.local [spmem:s12], $0x50  }
0x116: {  	_ =	swait.ge [sflag:s13], $0x50  }
0x117: {  	[sflag:s13] =	ssyncset.done $0x0  }
0x118: {  	[sflag:s13] =	ssyncadd.s32 $0xFFFFFFB0  }
0x119: {  	_ =	sfence.sel $0x180000  }
0x11a: {  	[bflag:$0x0] =	sbarrier.arrive $0xFFFF  }
0x11b: {  	p0 =	sne.s32 s3, $0x0;
	_ =	strace $0x90000047  }
0x11c: {  	s0 =	sadd.s32 @!p0 $0x100000, s0;
	[bflag:$0x2] =	sbarrier.arrive $0xFFFF  }
0x11d: {  	[sflag:s0] =	ssyncadd.tile.s32 @!p0 $0x1;
	_ =	shalt  }
.Lfunc_end2:
_tile_overlayer_lowered:
.L_overlay_start_2:
0x11e: {  	(tag) =	ssettag $0x2  }
0x11f: {  	s0 =	rddreg [dreg:$0x0];
	s2 =	stileid.u32  }
0x120: {  	s1 =	rddreg [dreg:$0x1];
	p0 =	sne.s32 s2, $0x0  }
0x121: {  	s3 =	rddreg [dreg:$0x2];
	[bflag:$0x3] =	sbarrier.arrive $0xFFFF;
	s2 =	simm.s32 @!p0 $0x1C02  }
0x122: {  	[timem:s3], [sflag:s2] =	dma.local @!p0 [hbm:s0], s1  }
0x123: {  	s0 =	simm.s32 @!p0 $0x2  }
0x124: {  	_ =	swait.ge @!p0 [sflag:s0], s1  }
0x125: {  	s1 =	ssub.s32 @!p0 $0x0, s1;
	[sflag:s0] =	ssyncset.done @!p0 $0x0  }
0x126: {  	[sflag:s0] =	ssyncadd.s32 @!p0 s1  }
0x127: {  	[bflag:$0x3] =	sbarrier.arrive $0xFFFF  }
0x128: {  	_ =	shalt  }

// kernel: kernel.13.cloned.1.call-start
scs
__scs_entry_jumppad:
0x0: {  	(pc) =	sbr.rel $0x88, $3  }
0x1: {  	(tag) =	ssettag $0x0;
	lr =	simm.s32 $0x1  }
0x2: {  	[smem:$0x3F89] =	sst lr;
	_ =	strace $0xD0000000  }
0x3: {  	_ = 	snop  }
0x4: {  	_ = 	snop  }
0x5: {  	_ = 	snop  }
0x6: {  	_ = 	snop  }
0x7: {  	_ = 	snop  }
__scs_overlays_trampoline_lowered:
0x8: {  	[smem:$0x3F98] =	sst s0  }
0x9: {  	[smem:$0x3F99] =	sst s1  }
0xa: {  	[smem:$0x3F9A] =	sst s2  }
0xb: {  	[smem:$0x3F9B] =	sst s3  }
0xc: {  	[smem:$0x3F9C] =	sst s4  }
0xd: {  	[smem:$0x3F9D] =	sst s5  }
0xe: {  	[smem:$0x3F9E] =	sst s6  }
0xf: {  	[smem:$0x3F9F] =	sst s7  }
0x10: {  	[smem:$0x3FA0] =	sst s8  }
0x11: {  	[smem:$0x3FA1] =	sst s9;
	s0 =	simm.s32 @!p0 $0x0  }
0x12: {  	s1 =	sld [smem:$0x3F87];
	s0 =	simm.s32 @p0 $0x1  }
0x13: {  	[smem:$0x3FA2] =	sst s0;
	s0 =	simm.s32 @!p1 $0x0  }
0x14: {  	s2 =	sld [smem:$0x3F86];
	s0 =	simm.s32 @p1 $0x1  }
0x15: {  	[smem:$0x3FA3] =	sst s0;
	s0 =	simm.s32 @!p2 $0x0  }
0x16: {  	s3 =	sld [smem:$0x3FDB];
	s0 =	simm.s32 @p2 $0x1  }
0x17: {  	s4 =	simm.s32 $0x1BF5;
	[smem:$0x3FA5] =	sst s0  }
0x18: {  	s0 =	sld [smem:$0x3F88];
	_ =	swait.ge [sflag:s4], $0x0  }
0x19: {  	s7 =	sld [smem:$0x3F89]  }
0x1a: {  	s8 =	sadd.s32 $0xFFFFE003, lr  }
0x1b: {  	s9 =	sadd.s32 $0xFFFFFEF7, lr;
	s5 =	simm.s32 $0xFFFFFFFF;
	p2 =	slt.u32 s8, $0xFFFFF086  }
0x1c: {  	p1 =	slt.u32 s9, $0xF7A;
	s5 =	simm.s32 @!p2 $0x0  }
0x1d: {  	s5 =	simm.s32 @p1 $0x1;
	p0 =	seq.s32 s7, s2  }
0x1e: {  	s7 =	smul.u32 @!p0 $0xF7A, s2;
	p2 =	seq.s32 @!p0 s5, $0x0  }
0x1f: {  	s9 =	smul.u32 $0xF7A, s1;
	s8 =	simm.s32 @!p0 $0x1BF5;
	p2 =	por !p2, p0  }
0x20: {  	[sflag:s8] =	ssyncset.s32 @!p0 $0xFFFFF086;
	s6 =	sadd.s32 @!p0 s3, s7;
	s7 =	simm.s32 @!p0 $0x108  }
0x21: {  	s3 =	sadd.s32 s3, s9;
	s6 =	sadd.s32 @!p0 $0x88, s6;
	s7 =	simm.s32 @p2 $0x1082  }
0x22: {  	[simem:s7], [sflag:s8] =	dma.local @!p0 [hbm:s6], $0xF7A  }
0x23: {  	s9 =	sor.u32 $0xD0000000, s2;
	s6 =	simm.s32 $0x108;
	_ =	swait.ge @!p0 [sflag:s8], $0x0  }
0x24: {  	s3 =	sadd.s32 $0x88, s3;
	s6 =	simm.s32 @!p1 $0x1082;
	[sflag:s4] =	ssyncset.s32 $0xFFFFF086  }
0x25: {  	[simem:s6], [sflag:s4] =	dma.local [hbm:s3], $0xF7A  }
0x26: {  	[smem:$0x3F89] =	sst s1;
	(tag) =	ssettag s2;
	_ =	strace s9  }
0x27: {  	s1 =	sld [smem:$0x3F99]  }
0x28: {  	s2 =	sld [smem:$0x3F9A]  }
0x29: {  	s4 =	sld [smem:$0x3F9C]  }
0x2a: {  	p0 =	seq.s32 s5, $0x0;
	s5 =	sld [smem:$0x3F9D]  }
0x2b: {  	s6 =	sld [smem:$0x3F9E]  }
0x2c: {  	s7 =	sld [smem:$0x3F9F]  }
0x2d: {  	s3 =	simm.s32 $0x108;
	s8 =	sld [smem:$0x3FA0]  }
0x2e: {  	s3 =	simm.s32 @!p0 $0x1082;
	s9 =	sld [smem:$0x3FA1]  }
0x2f: {  	lr =	sadd.s32 s0, s3;
	s0 =	sld [smem:$0x3F98]  }
0x30: {  	s3 =	sld [smem:$0x3F9B]  }
0x31: {  	[smem:$0x3FA4] =	sst s10  }
0x32: {  	s10 =	sld [smem:$0x3FA2];
	_ =	sdelay $0x3  }
0x33: {  	p0 =	seq.s32 s10, $0x1;
	s10 =	sld [smem:$0x3FA4];
	_ =	sdelay $0x3  }
0x34: {  	[smem:$0x3FA4] =	sst s10  }
0x35: {  	s10 =	sld [smem:$0x3FA3];
	_ =	sdelay $0x3  }
0x36: {  	p1 =	seq.s32 s10, $0x1;
	s10 =	sld [smem:$0x3FA4];
	_ =	sdelay $0x3  }
0x37: {  	[smem:$0x3FA4] =	sst s10  }
0x38: {  	s10 =	sld [smem:$0x3FA5]  }
0x39: {  	_ = 	snop;
	(pc) =	sbr.ind lr, $3  }
0x3a: {  	_ = 	snop  }
0x3b: {  	_ = 	snop  }
0x3c: {  	p2 =	seq.s32 s10, $0x1;
	s10 =	sld [smem:$0x3FA4]  }
0x3d: {  	_ =	shalt  }
0x3e: {  	_ =	shalt  }
0x3f: {  	_ =	shalt  }
0x40: {  	_ =	shalt  }
0x41: {  	_ =	shalt  }
0x42: {  	_ =	shalt  }
0x43: {  	_ =	shalt  }
0x44: {  	_ =	shalt  }
0x45: {  	_ =	shalt  }
0x46: {  	_ =	shalt  }
0x47: {  	_ =	shalt  }
0x48: {  	_ =	shalt  }
0x49: {  	_ =	shalt  }
0x4a: {  	_ =	shalt  }
0x4b: {  	_ =	shalt  }
0x4c: {  	_ =	shalt  }
0x4d: {  	_ =	shalt  }
0x4e: {  	_ =	shalt  }
0x4f: {  	_ =	shalt  }
0x50: {  	_ =	shalt  }
0x51: {  	_ =	shalt  }
0x52: {  	_ =	shalt  }
0x53: {  	_ =	shalt  }
0x54: {  	_ =	shalt  }
0x55: {  	_ =	shalt  }
0x56: {  	_ =	shalt  }
0x57: {  	_ =	shalt  }
0x58: {  	_ =	shalt  }
0x59: {  	_ =	shalt  }
0x5a: {  	_ =	shalt  }
0x5b: {  	_ =	shalt  }
0x5c: {  	_ =	shalt  }
0x5d: {  	_ =	shalt  }
0x5e: {  	_ =	shalt  }
0x5f: {  	_ =	shalt  }
0x60: {  	_ =	shalt  }
0x61: {  	_ =	shalt  }
0x62: {  	_ =	shalt  }
0x63: {  	_ =	shalt  }
0x64: {  	_ =	shalt  }
0x65: {  	_ =	shalt  }
0x66: {  	_ =	shalt  }
0x67: {  	_ =	shalt  }
0x68: {  	_ =	shalt  }
0x69: {  	_ =	shalt  }
0x6a: {  	_ =	shalt  }
0x6b: {  	_ =	shalt  }
0x6c: {  	_ =	shalt  }
0x6d: {  	_ =	shalt  }
0x6e: {  	_ =	shalt  }
0x6f: {  	_ =	shalt  }
0x70: {  	_ =	shalt  }
0x71: {  	_ =	shalt  }
0x72: {  	_ =	shalt  }
0x73: {  	_ =	shalt  }
0x74: {  	_ =	shalt  }
0x75: {  	_ =	shalt  }
0x76: {  	_ =	shalt  }
0x77: {  	_ =	shalt  }
0x78: {  	_ =	shalt  }
0x79: {  	_ =	shalt  }
0x7a: {  	_ =	shalt  }
0x7b: {  	_ =	shalt  }
0x7c: {  	_ =	shalt  }
0x7d: {  	_ =	shalt  }
0x7e: {  	_ =	shalt  }
0x7f: {  	_ =	shalt  }
0x80: {  	_ =	shalt  }
0x81: {  	_ =	shalt  }
0x82: {  	_ =	shalt  }
0x83: {  	_ =	shalt  }
0x84: {  	_ =	shalt  }
0x85: {  	_ =	shalt  }
0x86: {  	_ =	shalt  }
0x87: {  	_ =	shalt  }
.Lfunc_end0:
.L_simem_size_0:
called_computation.1_lowered:
.L_overlay_start_0:
0x88: {  	s2 =	sld [smem:$0x3FD9]  }
0x89: {  	s3 =	sld [smem:$0x3FFE];
	_ =	sdelay $0x1  }
0x8a: {  	s1 =	srdreg.scid  }
0x8b: {  	s0 =	sand.u32 $0x1, s1  }
0x8c: {  	s16 =	sshll.u32 s0, $0xA;
	s2 =	sadd.s32 s3, s2  }
0x8d: {  	s2 =	sadd.s32 s2, s16  }
0x8e: {  	[smem:$0x3FB0] =	sst s2  }
0x8f: {  	_ = 	snop  }
0x90: {  	(tm) =	ssettm $0x1  }
0x91: {  	s17 =	sld [smem:$0x3FFB];
	_ =	sdelay $0x3  }
0x92: {  	_ =	strace s17  }
0x93: {  	s2 =	sld [smem:$0x3FFC];
	_ =	sdelay $0x3  }
0x94: {  	_ =	strace s2  }
0x95: {  	s2 =	sld [smem:$0x3FFD];
	_ =	sdelay $0x3  }
0x96: {  	_ =	strace s2  }
0x97: {  	_ =	strace $0x8FFFFFFF  }
0x98: {  	s18 =	sld [smem:$0x3FDB];
	_ =	sdelay $0x1  }
0x99: {  	s19 =	simm.s32 $_scs_section_size  }
0x9a: {  	s4 =	simm.s32 $_size__tile_overlayer_lowered;
	s5 =	simm.s32 $_tile_overlayer_lowered  }
0x9b: {  	s22 =	simm.s32 $0x1BFF;
	s21 =	sshll.u32 s5, $0x1;
	s2 =	sadd.s32 s19, s18  }
0x9c: {  	s6 =	simm.s32 $0x0;
	s20 =	sshll.u32 s4, $0x1;
	s4 =	sadd.s32 s21, s2  }
0x9d: {  	[timem:s6], [sflag:s22] =	dma.local [hbm:s4], s20  }
0x9e: {  	_ =	swait.ge [sflag:s22], s20  }
0x9f: {  	s3 =	ssub.s32 $0x0, s20;
	[sflag:s22] =	ssyncset.done $0x0  }
0xa0: {  	[sflag:s22] =	ssyncadd.s32 s3;
	_ =	sdelay $0x1  }
0xa1: {  	s23 =	simm.s32 $0x1B8B  }
0xa2: {  	_ =	swait.ge [sflag:s23], $0x1  }
0xa3: {  	[sflag:s23] =	ssyncset.done $0x0  }
0xa4: {  	s25 =	simm.s32 $0x1B8E;
	s24 =	sld [smem:$0x3FFE];
	[sflag:s23] =	ssyncadd.s32 $0xFFFFFFFF  }
0xa5: {  	s26 =	simm.s32 $execute0_lowered;
	[smem:$0x3FD2] =	sst s25  }
0xa6: {  	s4 =	sshll.u32 s26, $0x1;
	_ =	strace $0x80000049;
	[dreg:$0x1] =	wrdreg $0xFFFFFFFF  }
0xa7: {  	s28 =	simm.s32 $_size_execute0_lowered;
	s2 =	sadd.s32 s2, s4;
	[dreg:$0x0] =	wrdreg $0x0  }
0xa8: {  	s4 =	sshll.u32 s28, $0x1;
	[dreg:$0x2] =	wrdreg s2  }
0xa9: {  	[dreg:$0x3] =	wrdreg s4  }
0xaa: {  	[dreg:$0x4] =	wrdreg $0xC0  }
0xab: {  	_ =	task [dreg:s6], $0x5FFFF  }
0xac: {  	[dreg:$0x1] =	wrdreg $0xFFFFFFFF  }
0xad: {  	[dreg:$0x0] =	wrdreg $0x60  }
0xae: {  	[dreg:$0x2] =	wrdreg s24  }
0xaf: {  	[dreg:$0x3] =	wrdreg $0xA9000  }
0xb0: {  	[dreg:$0x4] =	wrdreg $0x1E9000  }
0xb1: {  	[dreg:$0x5] =	wrdreg $0x9  }
0xb2: {  	_ =	task.clear_ibuf [dreg:s6], $0x6FFFF;
	_ =	strace $0x90000049  }
0xb3: {  	s29 =	simm.s32 $0x9;
	_ =	strace $0x8000004B  }
0xb4: {  	_ =	swait.ge [sflag:s29], $0x1  }
0xb5: {  	[sflag:s29] =	ssyncadd.s32 $0xFFFFFFFF  }
0xb6: {  	_ =	strace $0x9000004B  }
0xb7: {  	_ =	sfence  }
0xb8: {  	s30 =	sld [smem:$0x0];
	_ =	sdelay $0x2  }
0xb9: {  	s31 =	sshll.u32 s1, $0xD;
	s1 =	sshrl.u32 s1, $0x2  }
0xba: {  	s3 =	sand.u32 $0x4000, s31;
	s1 =	sadd.s32 s1, s30  }
0xbb: {  	s0 =	sor.u32 s3, s0;
	s1 =	sshll.u32 s1, $0x11  }
0xbc: {  	s0 =	sor.u32 s1, s0  }
0xbd: {  	s0 =	sadd.s32 $0x8F2B, s0  }
0xbe: {  	[sflag:s0] =	ssyncadd.remote.s32 $0x1  }
0xbf: {  	_ =	sfence.sel $0xFFFF  }
0xc0: {  	[dreg:$0x0] =	wrdreg $0xFFFFFFFF;
	(pc) =	sbr.abs _section_cstart, $3  }
0xc1: {  	[dreg:$0x1] =	wrdreg $0xFFFFFFFF  }
0xc2: {  	_ =	task.clear_ibuf [dreg:s6], $0x2FFFF;
	_ =	strace $0x9FFFFFFF  }
0xc3: {  	(tm) =	ssettm $0x7FFFFFFF  }
tec
execute0_lowered:
.L_overlay_start_1:
0x0: {  	(tag) =	ssettag $0x1  }
0x1: {  	s0 =	srdreg.scid;
	s1 =	rddreg [dreg:$0x0]  }
0x2: {  	s13 =	stileid.u32;
	s2 =	rddreg [dreg:$0x1];
	s4 =	simm.s32 $0x0  }
0x3: {  	s29 =	simm.s32 $0x6800;
	s30 =	simm.s32 $0x6;
	s9 =	smul.u32 $0x14000, s13  }
0x4: {  	s0 =	sand.u32 $0x1, s0;
	[smem:$0x7FF] =	sst s4;
	s19 =	smul.u32 $0x50000, s13  }
0x5: {  	s10 =	sadd.s32 $0x19C00, s1;
	s11 =	sadd.s32 $0x1A400, s1;
	s14 =	smul.u32 $0x280, s13  }
0x6: {  	s23 =	sshll.u32 s13, $0x6;
	s16 =	sadd.s32 $0xFD00, s1;
	s17 =	sadd.s32 $0x19980, s1  }
0x7: {  	s3 =	sshll.u32 s0, $0x4;
	s7 =	smul.u32 $0x140000, s0;
	s12 =	ssub.s32 $0x2, s0  }
0x8: {  	p0 =	seq.s32 s0, $0x1;
	s6 =	sor.u32 s13, s3;
	s3 =	rddreg [dreg:$0x2]  }
0x9: {  	s0 =	simm.s32 $0x93200;
	_ =	strace $0x8000004A;
	[dreg:$0x4] =	wrdreg s10  }
0xa: {  	[dreg:$0x5] =	wrdreg s11;
	s20 =	sshrl.u32 s19, $0x2;
	s21 =	sshrl.u32 s12, $0x1  }
0xb: {  	s13 =	sor.u32 $0x1C06, s23;
	[dreg:$0xb] =	wrdreg s16;
	s0 =	simm.s32 @!p0 $0x92C00  }
0xc: {  	[dreg:$0xc] =	wrdreg s17;
	s18 =	sshrl.u32 s14, $0x3;
	s19 =	sadd.s32 $0x1A000, s1  }
0xd: {  	s23 =	sadd.s32 $0x1A180, s1;
	s5 =	smul.u32 $0x2800, s6;
	s9 =	sadd.s32 s9, s7  }
0xe: {  	s10 =	ssub.s32 s12, s21;
	s25 =	sadd.s32 s14, s3;
	[dreg:$0xd] =	wrdreg s19  }
0xf: {  	s0 =	sadd.s32 s0, s1;
	[dreg:$0x12] =	wrdreg s23;
	s9 =	sshrl.u32 s9, $0x3  }
0x10: {  	[dreg:$0x8] =	wrdreg s25;
	s0 =	sadd.s32 s0, s18;
	s25 =	smax.u32 s10, $0x1  }
0x11: {  	s11 =	sadd.s32 s9, s1;
	s9 =	sadd.s32 s20, s2;
	[dreg:$0xe] =	wrdreg s0  }
0x12: {  	s8 =	sshrl.u32 s5, $0x3;
	[dreg:$0x14] =	wrdreg s25;
	s22 =	sadd.s32 $0x4000, s9  }
0x13: {  	s8 =	sadd.s32 s8, s1;
	s24 =	sadd.s32 $0x8000, s9;
	[dreg:$0x6] =	wrdreg s22  }
0x14: {  	s31 =	simm.s32 $0x2;
	[dreg:$0x7] =	wrdreg s24;
	s26 =	sadd.s32 $0x6200, s8  }
0x15: {  	s7 =	sadd.s32 $0x42600, s1;
	s15 =	sadd.s32 $0xFE80, s8;
	[dreg:$0x9] =	wrdreg s26  }
0x16: {  	p0 =	seq.s32 s6, $0x1F;
	s20 =	sadd.s32 $0x6480, s8;
	[dreg:$0xa] =	wrdreg s15  }
0x17: {  	p1 =	sne.s32 s6, $0x1F;
	s21 =	sadd.s32 $0x10100, s8;
	[dreg:$0xf] =	wrdreg s20  }
0x18: {  	s6 =	simm.s32 $0x1;
	s22 =	sadd.s32 $0x19D80, s1;
	[dreg:$0x10] =	wrdreg s21  }
0x19: {  	s5 =	sadd.s32 $0x1A600, s1;
	s24 =	sadd.s32 $0x42C00, s11;
	[dreg:$0x11] =	wrdreg s22  }
0x1a: {  	s0 =	simm.s32 $0x2800;
	[dreg:$0x13] =	wrdreg s24;
	s26 =	sadd.s32 $0xC000, s9  }
0x1b: {  	v0 =	vimm.f32 $0.0e+00;
	s28 =	sadd.s32 $0x10000, s9;
	s1 =	simm.s32 $0x80;
	[dreg:$0x15] =	wrdreg s26  }
.LBB2_1:
0x1c: {  	s10 =	simm.s32 $0x0;
	s11 =	simm.s32 $0x200  }
.LBB2_2:
0x1d: {  	p2 =	sne.s32 s11, $0xFE00;
	[tilespmem:s10+$0x6870] =	vst v0  }
0x1e: {  	[tilespmem:s10+$0x6800] =	vst v0  }
0x1f: {  	[tilespmem:s10+$0x6810] =	vst v0  }
.Ltmp0:
0x20: {  	[tilespmem:s10+$0x6820] =	vst v0;
	(pc) =	sbr.rel @p2 .LBB2_2-.Ltmp0, $4  }
0x21: {  	[tilespmem:s10+$0x6830] =	vst v0  }
0x22: {  	[tilespmem:s10+$0x6840] =	vst v0  }
0x23: {  	[tilespmem:s10+$0x6850] =	vst v0  }
0x24: {  	[tilespmem:s10+$0x6860] =	vst v0;
	s10 =	sshra.s32 s11, $0x2;
	s11 =	sadd.s32 $0x200, s11  }
0x25: {  	[tilespmem:s10+$0x6870] =	vst v0  }
0x26: {  	[tilespmem:s10+$0x6800] =	vst v0  }
0x27: {  	[tilespmem:s10+$0x6810] =	vst v0  }
0x28: {  	[tilespmem:s10+$0x6820] =	vst v0  }
0x29: {  	[tilespmem:s10+$0x6830] =	vst v0  }
0x2a: {  	[tilespmem:s10+$0x6840] =	vst v0  }
0x2b: {  	[tilespmem:s10+$0x6850] =	vst v0  }
0x2c: {  	[tilespmem:s10+$0x6860] =	vst v0;
	s8 =	rddreg [dreg:$0x6]  }
0x2d: {  	[spmem:s9] =	stream.linear.scatter [tilespmem:s29], [sflag:$0x2], $0x4000, $0x38;
	[tilespmem:$0x1EB80] =	vst v63  }
0x2e: {  	s19 =	rddreg [dreg:$0x7]  }
0x2f: {  	[spmem:s8] =	stream.linear.scatter [tilespmem:s29], [sflag:$0x2], $0x4000, $0x38;
	[tilespmem:$0x1EB80] =	vst v63  }
0x30: {  	s20 =	rddreg [dreg:$0x15]  }
0x31: {  	[spmem:s19] =	stream.linear.scatter [tilespmem:s29], [sflag:$0x2], $0x4000, $0x38;
	[tilespmem:$0x1EB80] =	vst v63  }
0x32: {  	s21 =	rddreg [dreg:$0x8]  }
0x33: {  	[spmem:s20] =	stream.linear.scatter [tilespmem:s29], [sflag:$0x2], $0x4000, $0x38;
	[tilespmem:$0x1EB80] =	vst v63  }
0x34: {  	s22 =	rddreg [dreg:$0x5];
	s10 =	sshrl.u32 s21, $0x3  }
0x35: {  	[spmem:s28] =	stream.linear.scatter [tilespmem:s29], [sflag:$0x2], $0x4000, $0x38;
	[tilespmem:$0x1EB80] =	vst v63  }
0x36: {  	[spmem:s10], [sflag:s13] =	dma.local [hbm:s22], $0x50  }
0x37: {  	_ =	swait.ge [sflag:s30], $0x50  }
0x38: {  	s11 =	simm.s32 @p0 $0x0;
	[sflag:s30] =	ssyncset.done $0x0  }
0x39: {  	s12 =	simm.s32 @p0 $0x6;
	s8 =	rddreg [dreg:$0xb];
	[sflag:s30] =	ssyncadd.s32 $0xFFFFFFB0  }
0x3a: {  	[tilespmem:s11], [sflag:$0x6] =	stream.linear.gather @p0 [hbm4b:s8+s11], $0x800, $0x38;
	[tilespmem:$0x1EB80] =	vst v63  }
0x3b: {  	_ =	swait.ge @p0 [sflag:s12], $0x800  }
0x3c: {  	[sflag:s12] =	ssyncset.done @p0 $0x0  }
0x3d: {  	s14 =	simm.s32 @p0 $0x1400;
	s8 =	rddreg [dreg:$0xc];
	[sflag:s12] =	ssyncadd.s32 @p0 $0xFFFFF800  }
0x3e: {  	[tilespmem:s14], [sflag:$0x6] =	stream.linear.gather @p0 [hbm4b:s8+s11], $0x800, $0x38;
	[tilespmem:$0x1EB80] =	vst v63  }
0x3f: {  	_ =	swait.ge @p0 [sflag:s12], $0x800  }
0x40: {  	[sflag:s12] =	ssyncset.done @p0 $0x0  }
0x41: {  	s14 =	simm.s32 @p0 $0x800;
	s8 =	rddreg [dreg:$0x4];
	[sflag:s12] =	ssyncadd.s32 @p0 $0xFFFFF800  }
0x42: {  	[tilespmem:s14], [sflag:$0x6] =	stream.linear.gather @p0 [hbm4b:s8+s11], $0xC00, $0x38;
	[tilespmem:$0x1EB80] =	vst v63  }
0x43: {  	_ =	swait.ge @p0 [sflag:s12], $0xC00  }
0x44: {  	[sflag:s12] =	ssyncset.done @p0 $0x0  }
0x45: {  	s14 =	simm.s32 @p0 $0x1C00;
	s8 =	rddreg [dreg:$0xd];
	[sflag:s12] =	ssyncadd.s32 @p0 $0xFFFFF400  }
0x46: {  	[tilespmem:s14], [sflag:$0x6] =	stream.linear.gather @p0 [hbm4b:s8+s11], $0xC00, $0x38;
	[tilespmem:$0x1EB80] =	vst v63  }
0x47: {  	_ =	swait.ge @p0 [sflag:s12], $0xC00  }
0x48: {  	s11 =	simm.s32 @!p0 $0x0;
	[sflag:s12] =	ssyncset.done @p0 $0x0  }
0x49: {  	s8 =	rddreg [dreg:$0x9];
	[sflag:s12] =	ssyncadd.s32 @p0 $0xFFFFF400;
	s12 =	simm.s32 @!p0 $0x6  }
0x4a: {  	[tilespmem:s11], [sflag:$0x6] =	stream.linear.gather @!p0 [hbm4b:s8+s11], $0x1400, $0x38;
	[tilespmem:$0x1EB80] =	vst v63  }
0x4b: {  	_ =	swait.ge @!p0 [sflag:s12], $0x1400  }
0x4c: {  	[sflag:s12] =	ssyncset.done @!p0 $0x0  }
0x4d: {  	s14 =	simm.s32 @!p0 $0x1400;
	s8 =	rddreg [dreg:$0xa];
	[sflag:s12] =	ssyncadd.s32 @!p0 $0xFFFFEC00  }
0x4e: {  	[tilespmem:s14], [sflag:$0x6] =	stream.linear.gather @!p0 [hbm4b:s8+s11], $0x1400, $0x38;
	[tilespmem:$0x1EB80] =	vst v63  }
0x4f: {  	_ =	swait.ge @!p0 [sflag:s12], $0x1400  }
0x50: {  	[sflag:s12] =	ssyncset.done @!p0 $0x0  }
0x51: {  	[sflag:s12] =	ssyncadd.s32 @!p0 $0xFFFFEC00  }
0x52: {  	_ =	swait.ge [sflag:s31], $0x4000  }
0x53: {  	[sflag:s31] =	ssyncset.done $0x0  }
0x54: {  	[sflag:s31] =	ssyncadd.s32 $0xFFFFC000  }
0x55: {  	_ =	swait.ge [sflag:s31], $0x4000  }
0x56: {  	[sflag:s31] =	ssyncset.done $0x0  }
0x57: {  	[sflag:s31] =	ssyncadd.s32 $0xFFFFC000  }
0x58: {  	_ =	swait.ge [sflag:s31], $0x4000  }
0x59: {  	[sflag:s31] =	ssyncset.done $0x0  }
0x5a: {  	[sflag:s31] =	ssyncadd.s32 $0xFFFFC000  }
0x5b: {  	_ =	swait.ge [sflag:s31], $0x4000  }
0x5c: {  	[sflag:s31] =	ssyncset.done $0x0  }
0x5d: {  	[sflag:s31] =	ssyncadd.s32 $0xFFFFC000  }
0x5e: {  	_ =	swait.ge [sflag:s31], $0x4000  }
0x5f: {  	[sflag:s31] =	ssyncset.done $0x0  }
0x60: {  	[sflag:s31] =	ssyncadd.s32 $0xFFFFC000  }
0x61: {  	s23 =	simm.s32 $0x0;
	s11 =	simm.s32 @!p0 $0x28;
	[bflag:$0x0] =	sbarrier.arrive $0xFFFF  }
0x62: {  	[tilespmem:s0], [sflag:$0x1] =	stream.indirect.gather [hbm4b:s5+s1], $0x80, s23, s1, $0xb8;
	[tilespmem:$0x1EB80] =	vst v63  }
0x63: {  	s24 =	simm.s32 $0x1400;
	s25 =	simm.s32 $0xA800;
	s11 =	simm.s32 @p0 $0x14  }
0x64: {  	[tilespmem:s25], [sflag:$0x3] =	stream.indirect.gather [hbm4b:s7+s1], $0x1, s24, s1, $0xb8;
	[tilespmem:$0x1EB80] =	vst v63  }
0x65: {  	p2 =	sle.u32 s11, $0x1;
	s12 =	simm.s32 $0x80  }
0x66: {  	[tilespmem:s29], [sflag:$0x2] =	stream.indirect.gather [hbm4b:s5+s1], $0x80, s12, s1, $0xb8;
	[tilespmem:$0x1EB80] =	vst v63  }
0x67: {  	s14 =	simm.s32 @!p2 $0x80;
	s15 =	simm.s32 @!p2 $0xA880;
	s16 =	simm.s32 @!p2 $0x1480  }
0x68: {  	[tilespmem:s15], [sflag:$0x4] =	stream.indirect.gather @!p2 [hbm4b:s7+s14], $0x1, s16, s14, $0xb8;
	[tilespmem:$0x1EB80] =	vst v63  }
0x69: {  	p3 =	sle.u32 s11, $0x0;
	_ =	swait.ge [sflag:s6], $0x4000  }
0x6a: {  	s17 =	simm.s32 @p3 $0x1400;
	[sflag:s6] =	ssyncset.done $0x0  }
0x6b: {  	s18 =	simm.s32 @p3 $0x80;
	s19 =	simm.s32 @p3 $0x2800;
	[sflag:s6] =	ssyncadd.s32 $0xFFFFC000  }
0x6c: {  	[spmem:s2] =	stream.indirect.scatter.add.f32 @p3 [tilespmem:s19], [sflag:$0x6], $0x80, s17, s18, $0xb8;
	[tilespmem:$0x1EB80] =	vst v63  }
0x6d: {  	s17 =	simm.s32 @p3 $0x6  }
0x6e: {  	_ =	swait.ge @p3 [sflag:s17], $0x4000  }
0x6f: {  	[sflag:s17] =	ssyncset.done @p3 $0x0  }
0x70: {  	s18 =	simm.s32 @!p3 $0x3;
	[sflag:s17] =	ssyncadd.s32 @p3 $0xFFFFC000  }
0x71: {  	_ =	swait.ge @!p3 [sflag:s18], $0x80  }
0x72: {  	s19 =	simm.s32 @!p3 $0x0;
	[sflag:s18] =	ssyncset.done @!p3 $0x0  }
0x73: {  	s17 =	simm.s32 @!p3 $0xA800;
	[sflag:s18] =	ssyncadd.s32 @!p3 $0xFFFFFF80;
	s18 =	simm.s32 @!p3 $0x80  }
0x74: {  	[spmem:s3] =	stream.indirect.scatter.add.f32 @!p3 [tilespmem:s17], [sflag:$0x5], $0x1, s19, s18, $0xb8;
	[tilespmem:$0x1EB80] =	vst v63  }
0x75: {  	s17 =	simm.s32 @!p3 $0x1400;
	s19 =	simm.s32 @!p3 $0x2800  }
0x76: {  	[spmem:s2] =	stream.indirect.scatter.add.f32 @!p3 [tilespmem:s19], [sflag:$0x6], $0x80, s17, s18, $0xb8;
	[tilespmem:$0x1EB80] =	vst v63  }
0x77: {  	s17 =	simm.s32 @!p3 $0x6  }
0x78: {  	_ =	swait.ge @!p3 [sflag:s17], $0x4000  }
0x79: {  	[sflag:s17] =	ssyncset.done @!p3 $0x0  }
0x7a: {  	s18 =	simm.s32 @!p3 $0x5;
	[sflag:s17] =	ssyncadd.s32 @!p3 $0xFFFFC000  }
0x7b: {  	_ =	swait.ge @!p3 [sflag:s18], $0x80  }
0x7c: {  	[sflag:s18] =	ssyncset.done @!p3 $0x0  }
0x7d: {  	s26 =	simm.s32 $0x100;
	p4 =	sle.u32 s11, $0x2;
	[sflag:s18] =	ssyncadd.s32 @!p3 $0xFFFFFF80  }
0x7e: {  	[tilespmem:s0], [sflag:$0x1] =	stream.indirect.gather [hbm4b:s5+s1], $0x80, s26, s1, $0xb8;
	[tilespmem:$0x1EB80] =	vst v63  }
0x7f: {  	s19 =	simm.s32 @!p4 $0x80;
	s17 =	simm.s32 @!p4 $0xA800;
	s18 =	simm.s32 @!p4 $0x1500  }
0x80: {  	[tilespmem:s17], [sflag:$0x3] =	stream.indirect.gather @!p4 [hbm4b:s7+s19], $0x1, s18, s19, $0xb8;
	[tilespmem:$0x1EB80] =	vst v63  }
0x81: {  	_ =	swait.ge [sflag:s31], $0x4000  }
0x82: {  	s17 =	simm.s32 @p2 $0x1480;
	[sflag:s31] =	ssyncset.done $0x0  }
0x83: {  	s18 =	simm.s32 @p2 $0x80;
	s19 =	simm.s32 @p2 $0x6800;
	[sflag:s31] =	ssyncadd.s32 $0xFFFFC000  }
0x84: {  	[spmem:s2] =	stream.indirect.scatter.add.f32 @p2 [tilespmem:s19], [sflag:$0x6], $0x80, s17, s18, $0xb8;
	[tilespmem:$0x1EB80] =	vst v63  }
0x85: {  	s17 =	simm.s32 @p2 $0x6  }
0x86: {  	_ =	swait.ge @p2 [sflag:s17], $0x4000  }
0x87: {  	[sflag:s17] =	ssyncset.done @p2 $0x0  }
0x88: {  	[sflag:s17] =	ssyncadd.s32 @p2 $0xFFFFC000;
	s17 =	simm.s32 @!p2 $0x4  }
0x89: {  	_ =	swait.ge @!p2 [sflag:s17], $0x80  }
0x8a: {  	[sflag:s17] =	ssyncset.done @!p2 $0x0  }
0x8b: {  	[sflag:s17] =	ssyncadd.s32 @!p2 $0xFFFFFF80  }
0x8c: {  	[spmem:s3] =	stream.indirect.scatter.add.f32 @!p2 [tilespmem:s15], [sflag:$0x5], $0x1, s12, s14, $0xb8;
	[tilespmem:$0x1EB80] =	vst v63  }
0x8d: {  	s12 =	simm.s32 @!p2 $0x6800;
	s15 =	simm.s32 @!p2 $0x6  }
0x8e: {  	[spmem:s2] =	stream.indirect.scatter.add.f32 @!p2 [tilespmem:s12], [sflag:$0x6], $0x80, s16, s14, $0xb8;
	[tilespmem:$0x1EB80] =	vst v63  }
0x8f: {  	_ =	swait.ge @!p2 [sflag:s15], $0x4000  }
0x90: {  	[sflag:s15] =	ssyncset.done @!p2 $0x0  }
0x91: {  	s17 =	simm.s32 @!p2 $0x5;
	s12 =	simm.s32 $0x400;
	[sflag:s15] =	ssyncadd.s32 @!p2 $0xFFFFC000  }
0x92: {  	s14 =	simm.s32 $0x2;
	s15 =	simm.s32 $0x800;
	_ =	swait.ge @!p2 [sflag:s17], $0x80  }
.LBB2_4:
0x93: {  	s18 =	sadd.s32 $0x1, s14;
	s20 =	sshra.s32 s12, $0x2;
	[sflag:s17] =	ssyncset.done @!p2 $0x0  }
0x94: {  	s16 =	sadd.s32 $0x80, s20;
	[sflag:s17] =	ssyncadd.s32 @!p2 $0xFFFFFF80;
	p2 =	sge.u32 s18, s11  }
0x95: {  	[tilespmem:s29], [sflag:$0x2] =	stream.indirect.gather [hbm4b:s5+s1], $0x80, s16, s1, $0xb8;
	[tilespmem:$0x1EB80] =	vst v63  }
0x96: {  	s18 =	sshra.s32 @!p2 s12, $0x2;
	s17 =	simm.s32 @!p2 $0x80;
	s19 =	simm.s32 @!p2 $0xA880  }
0x97: {  	p5 =	sge.u32 s14, s11;
	s21 =	sshra.s32 @p2 s12, $0x2;
	s18 =	sadd.s32 @!p2 $0x1480, s18  }
0x98: {  	[tilespmem:s19], [sflag:$0x4] =	stream.indirect.gather @!p2 [hbm4b:s7+s17], $0x1, s18, s17, $0xb8;
	[tilespmem:$0x1EB80] =	vst v63  }
0x99: {  	s23 =	sshra.s32 @p5 s12, $0x2;
	s22 =	sadd.s32 @p2 $0x1480, s21;
	_ =	swait.ge [sflag:s6], $0x4000  }
0x9a: {  	s21 =	sadd.s32 @p5 $0x1400, s23;
	s23 =	simm.s32 @p5 $0x80;
	[sflag:s6] =	ssyncset.done $0x0  }
0x9b: {  	s8 =	simm.s32 @p5 $0x2800;
	s24 =	simm.s32 @p5 $0x6;
	[sflag:s6] =	ssyncadd.s32 $0xFFFFC000  }
0x9c: {  	[spmem:s2] =	stream.indirect.scatter.add.f32 @p5 [tilespmem:s8], [sflag:$0x6], $0x80, s21, s23, $0xb8;
	[tilespmem:$0x1EB80] =	vst v63  }
0x9d: {  	s8 =	smov.u32 s15;
	s15 =	sadd.s32 $0x400, s15;
	_ =	swait.ge @p5 [sflag:s24], $0x4000  }
0x9e: {  	s21 =	simm.s32 @!p5 $0x3;
	p4 =	sne.s32 s15, $0x4C00;
	[sflag:s24] =	ssyncset.done @p5 $0x0  }
0x9f: {  	[sflag:s24] =	ssyncadd.s32 @p5 $0xFFFFC000  }
0xa0: {  	s23 =	simm.s32 @!p5 $0xA800;
	_ =	swait.ge @!p5 [sflag:s21], $0x80  }
0xa1: {  	s25 =	simm.s32 @!p5 $0x80;
	s24 =	sshra.s32 @!p5 s12, $0x2;
	[sflag:s21] =	ssyncset.done @!p5 $0x0  }
0xa2: {  	s26 =	simm.s32 @!p5 $0x2800;
	[sflag:s21] =	ssyncadd.s32 @!p5 $0xFFFFFF80;
	s21 =	sadd.s32 @!p5 $0x1400, s24  }
0xa3: {  	[spmem:s3] =	stream.indirect.scatter.add.f32 @!p5 [tilespmem:s23], [sflag:$0x5], $0x1, s24, s25, $0xb8;
	[tilespmem:$0x1EB80] =	vst v63  }
0xa4: {  	s23 =	simm.s32 @!p5 $0x6  }
0xa5: {  	[spmem:s2] =	stream.indirect.scatter.add.f32 @!p5 [tilespmem:s26], [sflag:$0x6], $0x80, s21, s25, $0xb8;
	[tilespmem:$0x1EB80] =	vst v63  }
0xa6: {  	_ =	swait.ge @!p5 [sflag:s23], $0x4000  }
0xa7: {  	s21 =	simm.s32 @!p5 $0x5;
	[sflag:s23] =	ssyncset.done @!p5 $0x0  }
0xa8: {  	[sflag:s23] =	ssyncadd.s32 @!p5 $0xFFFFC000  }
0xa9: {  	s14 =	sadd.s32 $0x2, s14;
	_ =	swait.ge @!p5 [sflag:s21], $0x80  }
0xaa: {  	p3 =	sge.u32 s14, s11;
	s23 =	sadd.s32 $0x100, s20;
	[sflag:s21] =	ssyncset.done @!p5 $0x0  }
0xab: {  	s12 =	sshra.s32 @!p3 s12, $0x2;
	s20 =	simm.s32 @!p3 $0xA800;
	[sflag:s21] =	ssyncadd.s32 @!p5 $0xFFFFFF80  }
0xac: {  	[tilespmem:s0], [sflag:$0x1] =	stream.indirect.gather [hbm4b:s5+s1], $0x80, s23, s1, $0xb8;
	[tilespmem:$0x1EB80] =	vst v63  }
0xad: {  	s21 =	simm.s32 @!p3 $0x80;
	s23 =	sadd.s32 @!p3 $0x1500, s12;
	s12 =	smov.u32 s8  }
0xae: {  	[tilespmem:s20], [sflag:$0x3] =	stream.indirect.gather @!p3 [hbm4b:s7+s21], $0x1, s23, s21, $0xb8;
	[tilespmem:$0x1EB80] =	vst v63  }
0xaf: {  	_ =	swait.ge [sflag:s31], $0x4000  }
0xb0: {  	s8 =	simm.s32 @p2 $0x80;
	s23 =	simm.s32 @p2 $0x6800;
	[sflag:s31] =	ssyncset.done $0x0  }
0xb1: {  	s24 =	simm.s32 @p2 $0x6;
	[sflag:s31] =	ssyncadd.s32 $0xFFFFC000  }
0xb2: {  	[spmem:s2] =	stream.indirect.scatter.add.f32 @p2 [tilespmem:s23], [sflag:$0x6], $0x80, s22, s8, $0xb8;
	[tilespmem:$0x1EB80] =	vst v63  }
0xb3: {  	_ =	swait.ge @p2 [sflag:s24], $0x4000  }
0xb4: {  	s8 =	simm.s32 @!p2 $0x4;
	[sflag:s24] =	ssyncset.done @p2 $0x0  }
0xb5: {  	[sflag:s24] =	ssyncadd.s32 @p2 $0xFFFFC000  }
0xb6: {  	_ =	swait.ge @!p2 [sflag:s8], $0x80  }
0xb7: {  	[sflag:s8] =	ssyncset.done @!p2 $0x0  }
0xb8: {  	[sflag:s8] =	ssyncadd.s32 @!p2 $0xFFFFFF80;
	s8 =	simm.s32 @!p2 $0x6800  }
0xb9: {  	[spmem:s3] =	stream.indirect.scatter.add.f32 @!p2 [tilespmem:s19], [sflag:$0x5], $0x1, s16, s17, $0xb8;
	[tilespmem:$0x1EB80] =	vst v63  }
0xba: {  	s16 =	simm.s32 @!p2 $0x6  }
0xbb: {  	[spmem:s2] =	stream.indirect.scatter.add.f32 @!p2 [tilespmem:s8], [sflag:$0x6], $0x80, s18, s17, $0xb8;
	[tilespmem:$0x1EB80] =	vst v63  }
.Ltmp1:
0xbc: {  	_ = 	snop;
	(pc) =	sbr.rel @p4 .LBB2_4-.Ltmp1, $4  }
0xbd: {  	_ =	swait.ge @!p2 [sflag:s16], $0x4000  }
0xbe: {  	s17 =	simm.s32 @!p2 $0x5;
	[sflag:s16] =	ssyncset.done @!p2 $0x0  }
0xbf: {  	[sflag:s16] =	ssyncadd.s32 @!p2 $0xFFFFC000  }
0xc0: {  	_ =	swait.ge @!p2 [sflag:s17], $0x80  }
0xc1: {  	s8 =	sadd.s32 $0x1, s14;
	s16 =	sshra.s32 s12, $0x2;
	[sflag:s17] =	ssyncset.done @!p2 $0x0  }
0xc2: {  	s15 =	sadd.s32 $0x80, s16;
	p4 =	sge.u32 s8, s11;
	[sflag:s17] =	ssyncadd.s32 @!p2 $0xFFFFFF80  }
0xc3: {  	[tilespmem:s29], [sflag:$0x2] =	stream.indirect.gather [hbm4b:s5+s1], $0x80, s15, s1, $0xb8;
	[tilespmem:$0x1EB80] =	vst v63  }
0xc4: {  	s8 =	sshra.s32 @!p4 s12, $0x2  }
0xc5: {  	s17 =	simm.s32 @!p4 $0x80;
	s18 =	simm.s32 @!p4 $0xA880;
	s8 =	sadd.s32 @!p4 $0x1480, s8  }
0xc6: {  	[tilespmem:s18], [sflag:$0x4] =	stream.indirect.gather @!p4 [hbm4b:s7+s17], $0x1, s8, s17, $0xb8;
	[tilespmem:$0x1EB80] =	vst v63  }
0xc7: {  	_ =	swait.ge [sflag:s6], $0x4000  }
0xc8: {  	s19 =	sshra.s32 @p3 s12, $0x2;
	s22 =	simm.s32 @p3 $0x80;
	[sflag:s6] =	ssyncset.done $0x0  }
0xc9: {  	s23 =	simm.s32 @p3 $0x2800;
	s19 =	sadd.s32 @p3 $0x1400, s19;
	[sflag:s6] =	ssyncadd.s32 $0xFFFFC000  }
0xca: {  	[spmem:s2] =	stream.indirect.scatter.add.f32 @p3 [tilespmem:s23], [sflag:$0x6], $0x80, s19, s22, $0xb8;
	[tilespmem:$0x1EB80] =	vst v63  }
0xcb: {  	s19 =	simm.s32 @p3 $0x6  }
0xcc: {  	_ =	swait.ge @p3 [sflag:s19], $0x4000  }
0xcd: {  	[sflag:s19] =	ssyncset.done @p3 $0x0  }
0xce: {  	[sflag:s19] =	ssyncadd.s32 @p3 $0xFFFFC000;
	s19 =	simm.s32 @!p3 $0x3  }
0xcf: {  	_ =	swait.ge @!p3 [sflag:s19], $0x80  }
0xd0: {  	[sflag:s19] =	ssyncset.done @!p3 $0x0  }
0xd1: {  	[sflag:s19] =	ssyncadd.s32 @!p3 $0xFFFFFF80;
	s19 =	sshra.s32 @!p3 s12, $0x2  }
0xd2: {  	[spmem:s3] =	stream.indirect.scatter.add.f32 @!p3 [tilespmem:s20], [sflag:$0x5], $0x1, s19, s21, $0xb8;
	[tilespmem:$0x1EB80] =	vst v63  }
0xd3: {  	s19 =	sadd.s32 @!p3 $0x1400, s19;
	s20 =	simm.s32 @!p3 $0x2800  }
0xd4: {  	[spmem:s2] =	stream.indirect.scatter.add.f32 @!p3 [tilespmem:s20], [sflag:$0x6], $0x80, s19, s21, $0xb8;
	[tilespmem:$0x1EB80] =	vst v63  }
0xd5: {  	s19 =	simm.s32 @!p3 $0x6  }
0xd6: {  	_ =	swait.ge @!p3 [sflag:s19], $0x4000  }
0xd7: {  	[sflag:s19] =	ssyncset.done @!p3 $0x0  }
0xd8: {  	[sflag:s19] =	ssyncadd.s32 @!p3 $0xFFFFC000;
	s19 =	simm.s32 @!p3 $0x5  }
0xd9: {  	s23 =	sadd.s32 $0x2, s14;
	_ =	swait.ge @!p3 [sflag:s19], $0x80  }
0xda: {  	p2 =	sge.u32 s23, s11;
	[sflag:s19] =	ssyncset.done @!p3 $0x0  }
0xdb: {  	s24 =	sadd.s32 $0x100, s16;
	s14 =	sshra.s32 @!p2 s12, $0x2;
	[sflag:s19] =	ssyncadd.s32 @!p3 $0xFFFFFF80  }
0xdc: {  	[tilespmem:s0], [sflag:$0x1] =	stream.indirect.gather [hbm4b:s5+s1], $0x80, s24, s1, $0xb8;
	[tilespmem:$0x1EB80] =	vst v63  }
0xdd: {  	s11 =	simm.s32 @!p2 $0xA800;
	s16 =	simm.s32 @!p2 $0x80;
	s14 =	sadd.s32 @!p2 $0x1500, s14  }
0xde: {  	[tilespmem:s11], [sflag:$0x3] =	stream.indirect.gather @!p2 [hbm4b:s7+s16], $0x1, s14, s16, $0xb8;
	[tilespmem:$0x1EB80] =	vst v63  }
0xdf: {  	s11 =	sshra.s32 @p4 s12, $0x2;
	_ =	swait.ge [sflag:s31], $0x4000  }
0xe0: {  	s12 =	simm.s32 @p4 $0x80;
	s14 =	simm.s32 @p4 $0x6800;
	[sflag:s31] =	ssyncset.done $0x0  }
0xe1: {  	s16 =	simm.s32 @p4 $0x6;
	s11 =	sadd.s32 @p4 $0x1480, s11;
	[sflag:s31] =	ssyncadd.s32 $0xFFFFC000  }
0xe2: {  	[spmem:s2] =	stream.indirect.scatter.add.f32 @p4 [tilespmem:s14], [sflag:$0x6], $0x80, s11, s12, $0xb8;
	[tilespmem:$0x1EB80] =	vst v63  }
0xe3: {  	_ =	swait.ge @p4 [sflag:s16], $0x4000  }
0xe4: {  	[sflag:s16] =	ssyncset.done @p4 $0x0  }
0xe5: {  	s11 =	simm.s32 @!p4 $0x4;
	[sflag:s16] =	ssyncadd.s32 @p4 $0xFFFFC000  }
0xe6: {  	_ =	swait.ge @!p4 [sflag:s11], $0x80  }
0xe7: {  	[sflag:s11] =	ssyncset.done @!p4 $0x0  }
0xe8: {  	[sflag:s11] =	ssyncadd.s32 @!p4 $0xFFFFFF80  }
0xe9: {  	[spmem:s3] =	stream.indirect.scatter.add.f32 @!p4 [tilespmem:s18], [sflag:$0x5], $0x1, s15, s17, $0xb8;
	[tilespmem:$0x1EB80] =	vst v63  }
0xea: {  	s12 =	simm.s32 @!p4 $0x6;
	s11 =	simm.s32 @!p4 $0x6800  }
0xeb: {  	[spmem:s2] =	stream.indirect.scatter.add.f32 @!p4 [tilespmem:s11], [sflag:$0x6], $0x80, s8, s17, $0xb8;
	[tilespmem:$0x1EB80] =	vst v63  }
0xec: {  	_ =	swait.ge @!p4 [sflag:s12], $0x4000  }
0xed: {  	[sflag:s12] =	ssyncset.done @!p4 $0x0  }
0xee: {  	s8 =	simm.s32 @!p4 $0x5;
	[sflag:s12] =	ssyncadd.s32 @!p4 $0xFFFFC000  }
0xef: {  	_ =	swait.ge @!p4 [sflag:s8], $0x80  }
0xf0: {  	[sflag:s8] =	ssyncset.done @!p4 $0x0  }
0xf1: {  	s25 =	simm.s32 $0x1380;
	s14 =	simm.s32 @p1 $0x1;
	[sflag:s8] =	ssyncadd.s32 @!p4 $0xFFFFFF80  }
0xf2: {  	[tilespmem:s29], [sflag:$0x2] =	stream.indirect.gather [hbm4b:s5+s1], $0x80, s25, s1, $0xb8;
	[tilespmem:$0x1EB80] =	vst v63  }
0xf3: {  	s11 =	simm.s32 @p1 $0x2780;
	s12 =	simm.s32 @p1 $0xA880;
	s8 =	simm.s32 @p1 $0x80  }
0xf4: {  	[tilespmem:s12], [sflag:$0x4] =	stream.indirect.gather @p1 [hbm4b:s7+s8], $0x1, s11, s8, $0xb8;
	[tilespmem:$0x1EB80] =	vst v63  }
0xf5: {  	_ =	swait.ge @p1 [sflag:s14], $0x4000  }
0xf6: {  	[sflag:s14] =	ssyncset.done @p1 $0x0  }
0xf7: {  	[sflag:s14] =	ssyncadd.s32 @p1 $0xFFFFC000;
	s14 =	simm.s32 @p1 $0x3  }
0xf8: {  	_ =	swait.ge @p1 [sflag:s14], $0x80  }
0xf9: {  	[sflag:s14] =	ssyncset.done @p1 $0x0  }
0xfa: {  	s15 =	simm.s32 @p1 $0xA800;
	[sflag:s14] =	ssyncadd.s32 @p1 $0xFFFFFF80;
	s14 =	simm.s32 @p1 $0x1300  }
0xfb: {  	[spmem:s3] =	stream.indirect.scatter.add.f32 @p1 [tilespmem:s15], [sflag:$0x5], $0x1, s14, s8, $0xb8;
	[tilespmem:$0x1EB80] =	vst v63  }
0xfc: {  	s16 =	simm.s32 @p1 $0x2800;
	s14 =	simm.s32 @p1 $0x2700  }
0xfd: {  	[spmem:s2] =	stream.indirect.scatter.add.f32 @p1 [tilespmem:s16], [sflag:$0x6], $0x80, s14, s8, $0xb8;
	[tilespmem:$0x1EB80] =	vst v63  }
0xfe: {  	s14 =	simm.s32 @p1 $0x6  }
0xff: {  	_ =	swait.ge @p1 [sflag:s14], $0x4000  }
0x100: {  	[sflag:s14] =	ssyncset.done @p1 $0x0  }
0x101: {  	s17 =	simm.s32 @p1 $0x5;
	[sflag:s14] =	ssyncadd.s32 @p1 $0xFFFFC000  }
0x102: {  	_ =	swait.ge @p1 [sflag:s17], $0x80  }
0x103: {  	[sflag:s17] =	ssyncset.done @p1 $0x0  }
0x104: {  	s18 =	simm.s32 @p1 $0x2;
	[sflag:s17] =	ssyncadd.s32 @p1 $0xFFFFFF80  }
0x105: {  	_ =	swait.ge @p1 [sflag:s18], $0x4000  }
0x106: {  	[sflag:s18] =	ssyncset.done @p1 $0x0  }
0x107: {  	[sflag:s18] =	ssyncadd.s32 @p1 $0xFFFFC000;
	s18 =	simm.s32 @p1 $0x4  }
0x108: {  	_ =	swait.ge @p1 [sflag:s18], $0x80  }
0x109: {  	[sflag:s18] =	ssyncset.done @p1 $0x0  }
0x10a: {  	[sflag:s18] =	ssyncadd.s32 @p1 $0xFFFFFF80;
	s18 =	simm.s32 @p1 $0x1380  }
0x10b: {  	[spmem:s3] =	stream.indirect.scatter.add.f32 @p1 [tilespmem:s12], [sflag:$0x5], $0x1, s18, s8, $0xb8;
	[tilespmem:$0x1EB80] =	vst v63  }
0x10c: {  	s12 =	simm.s32 @p1 $0x6800  }
0x10d: {  	[spmem:s2] =	stream.indirect.scatter.add.f32 @p1 [tilespmem:s12], [sflag:$0x6], $0x80, s11, s8, $0xb8;
	[tilespmem:$0x1EB80] =	vst v63  }
0x10e: {  	_ =	swait.ge @p1 [sflag:s14], $0x4000  }
0x10f: {  	[sflag:s14] =	ssyncset.done @p1 $0x0  }
0x110: {  	[sflag:s14] =	ssyncadd.s32 @p1 $0xFFFFC000  }
0x111: {  	_ =	swait.ge @p1 [sflag:s17], $0x80  }
0x112: {  	[sflag:s17] =	ssyncset.done @p1 $0x0  }
0x113: {  	s11 =	simm.s32 @p1 $0x0;
	s12 =	rddreg [dreg:$0xf];
	[sflag:s17] =	ssyncadd.s32 @p1 $0xFFFFFF80  }
0x114: {  	[tilespmem:s11], [sflag:$0x6] =	stream.linear.gather @p1 [hbm4b:s12+s11], $0x1400, $0x38;
	[tilespmem:$0x1EB80] =	vst v63  }
0x115: {  	_ =	swait.ge @p1 [sflag:s14], $0x1400  }
0x116: {  	[sflag:s14] =	ssyncset.done @p1 $0x0  }
0x117: {  	s12 =	simm.s32 @p1 $0x1400;
	s17 =	rddreg [dreg:$0x10];
	[sflag:s14] =	ssyncadd.s32 @p1 $0xFFFFEC00  }
0x118: {  	[tilespmem:s12], [sflag:$0x6] =	stream.linear.gather @p1 [hbm4b:s17+s11], $0x1400, $0x38;
	[tilespmem:$0x1EB80] =	vst v63  }
0x119: {  	_ =	swait.ge @p1 [sflag:s14], $0x1400  }
0x11a: {  	[sflag:s14] =	ssyncset.done @p1 $0x0  }
0x11b: {  	[sflag:s14] =	ssyncadd.s32 @p1 $0xFFFFEC00  }
0x11c: {  	[tilespmem:s16], [sflag:$0x1] =	stream.indirect.gather @p1 [hbm4b:s5+s8], $0x80, s11, s8, $0xb8;
	[tilespmem:$0x1EB80] =	vst v63  }
0x11d: {  	_ = 	snop  }
0x11e: {  	[tilespmem:s15], [sflag:$0x3] =	stream.indirect.gather @p1 [hbm4b:s7+s8], $0x1, s12, s8, $0xb8;
	[tilespmem:$0x1EB80] =	vst v63  }
0x11f: {  	s8 =	simm.s32 @!p1 $0x1  }
0x120: {  	_ =	swait.ge @!p1 [sflag:s8], $0x4000  }
0x121: {  	s14 =	simm.s32 @!p1 $0x6;
	s11 =	simm.s32 @!p1 $0x2700;
	[sflag:s8] =	ssyncset.done @!p1 $0x0  }
0x122: {  	s12 =	simm.s32 @!p1 $0x2800;
	[sflag:s8] =	ssyncadd.s32 @!p1 $0xFFFFC000;
	s8 =	simm.s32 @!p1 $0x80  }
0x123: {  	[spmem:s2] =	stream.indirect.scatter.add.f32 @!p1 [tilespmem:s12], [sflag:$0x6], $0x80, s11, s8, $0xb8;
	[tilespmem:$0x1EB80] =	vst v63  }
0x124: {  	_ =	swait.ge @!p1 [sflag:s14], $0x4000  }
0x125: {  	[sflag:s14] =	ssyncset.done @!p1 $0x0  }
0x126: {  	s11 =	simm.s32 @!p1 $0x2;
	[sflag:s14] =	ssyncadd.s32 @!p1 $0xFFFFC000  }
0x127: {  	_ =	swait.ge @!p1 [sflag:s11], $0x4000  }
0x128: {  	[sflag:s11] =	ssyncset.done @!p1 $0x0  }
0x129: {  	s15 =	simm.s32 @!p1 $0x6800;
	[sflag:s11] =	ssyncadd.s32 @!p1 $0xFFFFC000;
	s11 =	simm.s32 @!p1 $0x2780  }
0x12a: {  	[spmem:s2] =	stream.indirect.scatter.add.f32 @!p1 [tilespmem:s15], [sflag:$0x6], $0x80, s11, s8, $0xb8;
	[tilespmem:$0x1EB80] =	vst v63  }
0x12b: {  	_ =	swait.ge @!p1 [sflag:s14], $0x4000  }
0x12c: {  	[sflag:s14] =	ssyncset.done @!p1 $0x0  }
0x12d: {  	s11 =	simm.s32 @!p1 $0x0;
	s15 =	rddreg [dreg:$0x11];
	[sflag:s14] =	ssyncadd.s32 @!p1 $0xFFFFC000  }
0x12e: {  	[tilespmem:s11], [sflag:$0x6] =	stream.linear.gather @!p1 [hbm4b:s15+s11], $0x1400, $0x38;
	[tilespmem:$0x1EB80] =	vst v63  }
0x12f: {  	_ =	swait.ge @!p1 [sflag:s14], $0x1400  }
0x130: {  	[sflag:s14] =	ssyncset.done @!p1 $0x0  }
0x131: {  	s15 =	simm.s32 @!p1 $0x1400;
	s16 =	rddreg [dreg:$0x12];
	[sflag:s14] =	ssyncadd.s32 @!p1 $0xFFFFEC00  }
0x132: {  	[tilespmem:s15], [sflag:$0x6] =	stream.linear.gather @!p1 [hbm4b:s16+s11], $0x1400, $0x38;
	[tilespmem:$0x1EB80] =	vst v63  }
0x133: {  	_ =	swait.ge @!p1 [sflag:s14], $0x1400  }
0x134: {  	[sflag:s14] =	ssyncset.done @!p1 $0x0  }
0x135: {  	[sflag:s14] =	ssyncadd.s32 @!p1 $0xFFFFEC00  }
0x136: {  	[tilespmem:s12], [sflag:$0x1] =	stream.indirect.gather @!p1 [hbm4b:s5+s8], $0x80, s11, s8, $0xb8;
	[tilespmem:$0x1EB80] =	vst v63  }
0x137: {  	s11 =	simm.s32 @p1 $0x28  }
0x138: {  	s8 =	simm.s32 $0x80;
	p2 =	sle.u32 s11, $0x1  }
0x139: {  	[tilespmem:s29], [sflag:$0x2] =	stream.indirect.gather [hbm4b:s5+s1], $0x80, s8, s1, $0xb8;
	[tilespmem:$0x1EB80] =	vst v63  }
0x13a: {  	s12 =	simm.s32 @!p2 $0x80;
	s14 =	simm.s32 @!p2 $0xA880;
	s15 =	simm.s32 @!p2 $0x1480  }
0x13b: {  	[tilespmem:s14], [sflag:$0x4] =	stream.indirect.gather @!p2 [hbm4b:s7+s12], $0x1, s15, s12, $0xb8;
	[tilespmem:$0x1EB80] =	vst v63  }
0x13c: {  	p3 =	sle.u32 s11, $0x0;
	_ =	swait.ge [sflag:s6], $0x4000  }
0x13d: {  	s16 =	simm.s32 @p3 $0x1400;
	[sflag:s6] =	ssyncset.done $0x0  }
0x13e: {  	s17 =	simm.s32 @p3 $0x80;
	s18 =	simm.s32 @p3 $0x2800;
	[sflag:s6] =	ssyncadd.s32 $0xFFFFC000  }
0x13f: {  	[spmem:s2] =	stream.indirect.scatter.add.f32 @p3 [tilespmem:s18], [sflag:$0x6], $0x80, s16, s17, $0xb8;
	[tilespmem:$0x1EB80] =	vst v63  }
0x140: {  	s16 =	simm.s32 @p3 $0x6  }
0x141: {  	_ =	swait.ge @p3 [sflag:s16], $0x4000  }
0x142: {  	[sflag:s16] =	ssyncset.done @p3 $0x0  }
0x143: {  	s17 =	simm.s32 @!p3 $0x3;
	[sflag:s16] =	ssyncadd.s32 @p3 $0xFFFFC000  }
0x144: {  	_ =	swait.ge @!p3 [sflag:s17], $0x80  }
0x145: {  	s18 =	simm.s32 @!p3 $0x0;
	[sflag:s17] =	ssyncset.done @!p3 $0x0  }
0x146: {  	s16 =	simm.s32 @!p3 $0xA800;
	[sflag:s17] =	ssyncadd.s32 @!p3 $0xFFFFFF80;
	s17 =	simm.s32 @!p3 $0x80  }
0x147: {  	[spmem:s3] =	stream.indirect.scatter.add.f32 @!p3 [tilespmem:s16], [sflag:$0x5], $0x1, s18, s17, $0xb8;
	[tilespmem:$0x1EB80] =	vst v63  }
0x148: {  	s16 =	simm.s32 @!p3 $0x1400;
	s18 =	simm.s32 @!p3 $0x2800  }
0x149: {  	[spmem:s2] =	stream.indirect.scatter.add.f32 @!p3 [tilespmem:s18], [sflag:$0x6], $0x80, s16, s17, $0xb8;
	[tilespmem:$0x1EB80] =	vst v63  }
0x14a: {  	s16 =	simm.s32 @!p3 $0x6  }
0x14b: {  	_ =	swait.ge @!p3 [sflag:s16], $0x4000  }
0x14c: {  	[sflag:s16] =	ssyncset.done @!p3 $0x0  }
0x14d: {  	s17 =	simm.s32 @!p3 $0x5;
	[sflag:s16] =	ssyncadd.s32 @!p3 $0xFFFFC000  }
0x14e: {  	_ =	swait.ge @!p3 [sflag:s17], $0x80  }
0x14f: {  	[sflag:s17] =	ssyncset.done @!p3 $0x0  }
0x150: {  	s26 =	simm.s32 $0x100;
	p4 =	sle.u32 s11, $0x2;
	[sflag:s17] =	ssyncadd.s32 @!p3 $0xFFFFFF80  }
0x151: {  	[tilespmem:s0], [sflag:$0x1] =	stream.indirect.gather [hbm4b:s5+s1], $0x80, s26, s1, $0xb8;
	[tilespmem:$0x1EB80] =	vst v63  }
0x152: {  	s18 =	simm.s32 @!p4 $0x80;
	s16 =	simm.s32 @!p4 $0xA800;
	s17 =	simm.s32 @!p4 $0x1500  }
0x153: {  	[tilespmem:s16], [sflag:$0x3] =	stream.indirect.gather @!p4 [hbm4b:s7+s18], $0x1, s17, s18, $0xb8;
	[tilespmem:$0x1EB80] =	vst v63  }
0x154: {  	_ =	swait.ge [sflag:s31], $0x4000  }
0x155: {  	s16 =	simm.s32 @p2 $0x1480;
	[sflag:s31] =	ssyncset.done $0x0  }
0x156: {  	s17 =	simm.s32 @p2 $0x80;
	s18 =	simm.s32 @p2 $0x6800;
	[sflag:s31] =	ssyncadd.s32 $0xFFFFC000  }
0x157: {  	[spmem:s2] =	stream.indirect.scatter.add.f32 @p2 [tilespmem:s18], [sflag:$0x6], $0x80, s16, s17, $0xb8;
	[tilespmem:$0x1EB80] =	vst v63  }
0x158: {  	s16 =	simm.s32 @p2 $0x6  }
0x159: {  	_ =	swait.ge @p2 [sflag:s16], $0x4000  }
0x15a: {  	[sflag:s16] =	ssyncset.done @p2 $0x0  }
0x15b: {  	[sflag:s16] =	ssyncadd.s32 @p2 $0xFFFFC000;
	s16 =	simm.s32 @!p2 $0x4  }
0x15c: {  	_ =	swait.ge @!p2 [sflag:s16], $0x80  }
0x15d: {  	[sflag:s16] =	ssyncset.done @!p2 $0x0  }
0x15e: {  	[sflag:s16] =	ssyncadd.s32 @!p2 $0xFFFFFF80  }
0x15f: {  	[spmem:s3] =	stream.indirect.scatter.add.f32 @!p2 [tilespmem:s14], [sflag:$0x5], $0x1, s8, s12, $0xb8;
	[tilespmem:$0x1EB80] =	vst v63  }
0x160: {  	s8 =	simm.s32 @!p2 $0x6800;
	s14 =	simm.s32 @!p2 $0x6  }
0x161: {  	[spmem:s2] =	stream.indirect.scatter.add.f32 @!p2 [tilespmem:s8], [sflag:$0x6], $0x80, s15, s12, $0xb8;
	[tilespmem:$0x1EB80] =	vst v63  }
0x162: {  	_ =	swait.ge @!p2 [sflag:s14], $0x4000  }
0x163: {  	[sflag:s14] =	ssyncset.done @!p2 $0x0  }
0x164: {  	s17 =	simm.s32 @!p2 $0x5;
	s12 =	simm.s32 $0x400;
	[sflag:s14] =	ssyncadd.s32 @!p2 $0xFFFFC000  }
0x165: {  	s15 =	simm.s32 $0x800;
	s14 =	simm.s32 $0x2;
	_ =	swait.ge @!p2 [sflag:s17], $0x80  }
.LBB2_6:
0x166: {  	s8 =	sadd.s32 $0x1, s14;
	s20 =	sshra.s32 s12, $0x2;
	[sflag:s17] =	ssyncset.done @!p2 $0x0  }
0x167: {  	s16 =	sadd.s32 $0x80, s20;
	[sflag:s17] =	ssyncadd.s32 @!p2 $0xFFFFFF80;
	p2 =	sge.u32 s8, s11  }
0x168: {  	[tilespmem:s29], [sflag:$0x2] =	stream.indirect.gather [hbm4b:s5+s1], $0x80, s16, s1, $0xb8;
	[tilespmem:$0x1EB80] =	vst v63  }
0x169: {  	s8 =	sshra.s32 @!p2 s12, $0x2;
	s17 =	simm.s32 @!p2 $0x80;
	s19 =	simm.s32 @!p2 $0xA880  }
0x16a: {  	p5 =	sge.u32 s14, s11;
	s18 =	sadd.s32 @!p2 $0x1480, s8;
	s8 =	sshra.s32 @p2 s12, $0x2  }
0x16b: {  	[tilespmem:s19], [sflag:$0x4] =	stream.indirect.gather @!p2 [hbm4b:s7+s17], $0x1, s18, s17, $0xb8;
	[tilespmem:$0x1EB80] =	vst v63  }
0x16c: {  	s21 =	sshra.s32 @p5 s12, $0x2;
	s22 =	sadd.s32 @p2 $0x1480, s8;
	_ =	swait.ge [sflag:s6], $0x4000  }
0x16d: {  	s8 =	sadd.s32 @p5 $0x1400, s21;
	s21 =	simm.s32 @p5 $0x80;
	[sflag:s6] =	ssyncset.done $0x0  }
0x16e: {  	s23 =	simm.s32 @p5 $0x2800;
	s24 =	simm.s32 @p5 $0x6;
	[sflag:s6] =	ssyncadd.s32 $0xFFFFC000  }
0x16f: {  	[spmem:s2] =	stream.indirect.scatter.add.f32 @p5 [tilespmem:s23], [sflag:$0x6], $0x80, s8, s21, $0xb8;
	[tilespmem:$0x1EB80] =	vst v63  }
0x170: {  	s8 =	smov.u32 s15;
	s15 =	sadd.s32 $0x400, s15;
	_ =	swait.ge @p5 [sflag:s24], $0x4000  }
0x171: {  	s21 =	simm.s32 @!p5 $0x3;
	p4 =	sne.s32 s15, $0x4C00;
	[sflag:s24] =	ssyncset.done @p5 $0x0  }
0x172: {  	[sflag:s24] =	ssyncadd.s32 @p5 $0xFFFFC000  }
0x173: {  	s23 =	simm.s32 @!p5 $0xA800;
	_ =	swait.ge @!p5 [sflag:s21], $0x80  }
0x174: {  	s25 =	simm.s32 @!p5 $0x80;
	s24 =	sshra.s32 @!p5 s12, $0x2;
	[sflag:s21] =	ssyncset.done @!p5 $0x0  }
0x175: {  	s26 =	simm.s32 @!p5 $0x2800;
	[sflag:s21] =	ssyncadd.s32 @!p5 $0xFFFFFF80;
	s21 =	sadd.s32 @!p5 $0x1400, s24  }
0x176: {  	[spmem:s3] =	stream.indirect.scatter.add.f32 @!p5 [tilespmem:s23], [sflag:$0x5], $0x1, s24, s25, $0xb8;
	[tilespmem:$0x1EB80] =	vst v63  }
0x177: {  	s23 =	simm.s32 @!p5 $0x6  }
0x178: {  	[spmem:s2] =	stream.indirect.scatter.add.f32 @!p5 [tilespmem:s26], [sflag:$0x6], $0x80, s21, s25, $0xb8;
	[tilespmem:$0x1EB80] =	vst v63  }
0x179: {  	_ =	swait.ge @!p5 [sflag:s23], $0x4000  }
0x17a: {  	s21 =	simm.s32 @!p5 $0x5;
	[sflag:s23] =	ssyncset.done @!p5 $0x0  }
0x17b: {  	[sflag:s23] =	ssyncadd.s32 @!p5 $0xFFFFC000  }
0x17c: {  	s14 =	sadd.s32 $0x2, s14;
	_ =	swait.ge @!p5 [sflag:s21], $0x80  }
0x17d: {  	p3 =	sge.u32 s14, s11;
	s23 =	sadd.s32 $0x100, s20;
	[sflag:s21] =	ssyncset.done @!p5 $0x0  }
0x17e: {  	s12 =	sshra.s32 @!p3 s12, $0x2;
	s20 =	simm.s32 @!p3 $0xA800;
	[sflag:s21] =	ssyncadd.s32 @!p5 $0xFFFFFF80  }
0x17f: {  	[tilespmem:s0], [sflag:$0x1] =	stream.indirect.gather [hbm4b:s5+s1], $0x80, s23, s1, $0xb8;
	[tilespmem:$0x1EB80] =	vst v63  }
0x180: {  	s21 =	simm.s32 @!p3 $0x80;
	s23 =	sadd.s32 @!p3 $0x1500, s12;
	s12 =	smov.u32 s8  }
0x181: {  	[tilespmem:s20], [sflag:$0x3] =	stream.indirect.gather @!p3 [hbm4b:s7+s21], $0x1, s23, s21, $0xb8;
	[tilespmem:$0x1EB80] =	vst v63  }
0x182: {  	_ =	swait.ge [sflag:s31], $0x4000  }
0x183: {  	s8 =	simm.s32 @p2 $0x80;
	s23 =	simm.s32 @p2 $0x6800;
	[sflag:s31] =	ssyncset.done $0x0  }
0x184: {  	s24 =	simm.s32 @p2 $0x6;
	[sflag:s31] =	ssyncadd.s32 $0xFFFFC000  }
0x185: {  	[spmem:s2] =	stream.indirect.scatter.add.f32 @p2 [tilespmem:s23], [sflag:$0x6], $0x80, s22, s8, $0xb8;
	[tilespmem:$0x1EB80] =	vst v63  }
0x186: {  	_ =	swait.ge @p2 [sflag:s24], $0x4000  }
0x187: {  	s8 =	simm.s32 @!p2 $0x4;
	[sflag:s24] =	ssyncset.done @p2 $0x0  }
0x188: {  	[sflag:s24] =	ssyncadd.s32 @p2 $0xFFFFC000  }
0x189: {  	_ =	swait.ge @!p2 [sflag:s8], $0x80  }
0x18a: {  	[sflag:s8] =	ssyncset.done @!p2 $0x0  }
0x18b: {  	[sflag:s8] =	ssyncadd.s32 @!p2 $0xFFFFFF80;
	s8 =	simm.s32 @!p2 $0x6800  }
0x18c: {  	[spmem:s3] =	stream.indirect.scatter.add.f32 @!p2 [tilespmem:s19], [sflag:$0x5], $0x1, s16, s17, $0xb8;
	[tilespmem:$0x1EB80] =	vst v63  }
0x18d: {  	s16 =	simm.s32 @!p2 $0x6  }
0x18e: {  	[spmem:s2] =	stream.indirect.scatter.add.f32 @!p2 [tilespmem:s8], [sflag:$0x6], $0x80, s18, s17, $0xb8;
	[tilespmem:$0x1EB80] =	vst v63  }
.Ltmp2:
0x18f: {  	_ = 	snop;
	(pc) =	sbr.rel @p4 .LBB2_6-.Ltmp2, $4  }
0x190: {  	_ =	swait.ge @!p2 [sflag:s16], $0x4000  }
0x191: {  	s17 =	simm.s32 @!p2 $0x5;
	[sflag:s16] =	ssyncset.done @!p2 $0x0  }
0x192: {  	[sflag:s16] =	ssyncadd.s32 @!p2 $0xFFFFC000  }
0x193: {  	_ =	swait.ge @!p2 [sflag:s17], $0x80  }
0x194: {  	s8 =	sadd.s32 $0x1, s14;
	s16 =	sshra.s32 s12, $0x2;
	[sflag:s17] =	ssyncset.done @!p2 $0x0  }
0x195: {  	s15 =	sadd.s32 $0x80, s16;
	p4 =	sge.u32 s8, s11;
	[sflag:s17] =	ssyncadd.s32 @!p2 $0xFFFFFF80  }
0x196: {  	[tilespmem:s29], [sflag:$0x2] =	stream.indirect.gather [hbm4b:s5+s1], $0x80, s15, s1, $0xb8;
	[tilespmem:$0x1EB80] =	vst v63  }
0x197: {  	s8 =	sshra.s32 @!p4 s12, $0x2  }
0x198: {  	s17 =	simm.s32 @!p4 $0x80;
	s18 =	simm.s32 @!p4 $0xA880;
	s8 =	sadd.s32 @!p4 $0x1480, s8  }
0x199: {  	[tilespmem:s18], [sflag:$0x4] =	stream.indirect.gather @!p4 [hbm4b:s7+s17], $0x1, s8, s17, $0xb8;
	[tilespmem:$0x1EB80] =	vst v63  }
0x19a: {  	_ =	swait.ge [sflag:s6], $0x4000  }
0x19b: {  	s19 =	sshra.s32 @p3 s12, $0x2;
	s22 =	simm.s32 @p3 $0x80;
	[sflag:s6] =	ssyncset.done $0x0  }
0x19c: {  	s23 =	simm.s32 @p3 $0x2800;
	s19 =	sadd.s32 @p3 $0x1400, s19;
	[sflag:s6] =	ssyncadd.s32 $0xFFFFC000  }
0x19d: {  	[spmem:s2] =	stream.indirect.scatter.add.f32 @p3 [tilespmem:s23], [sflag:$0x6], $0x80, s19, s22, $0xb8;
	[tilespmem:$0x1EB80] =	vst v63  }
0x19e: {  	s19 =	simm.s32 @p3 $0x6  }
0x19f: {  	_ =	swait.ge @p3 [sflag:s19], $0x4000  }
0x1a0: {  	[sflag:s19] =	ssyncset.done @p3 $0x0  }
0x1a1: {  	[sflag:s19] =	ssyncadd.s32 @p3 $0xFFFFC000;
	s19 =	simm.s32 @!p3 $0x3  }
0x1a2: {  	_ =	swait.ge @!p3 [sflag:s19], $0x80  }
0x1a3: {  	[sflag:s19] =	ssyncset.done @!p3 $0x0  }
0x1a4: {  	[sflag:s19] =	ssyncadd.s32 @!p3 $0xFFFFFF80;
	s19 =	sshra.s32 @!p3 s12, $0x2  }
0x1a5: {  	[spmem:s3] =	stream.indirect.scatter.add.f32 @!p3 [tilespmem:s20], [sflag:$0x5], $0x1, s19, s21, $0xb8;
	[tilespmem:$0x1EB80] =	vst v63  }
0x1a6: {  	s19 =	sadd.s32 @!p3 $0x1400, s19;
	s20 =	simm.s32 @!p3 $0x2800  }
0x1a7: {  	[spmem:s2] =	stream.indirect.scatter.add.f32 @!p3 [tilespmem:s20], [sflag:$0x6], $0x80, s19, s21, $0xb8;
	[tilespmem:$0x1EB80] =	vst v63  }
0x1a8: {  	s19 =	simm.s32 @!p3 $0x6  }
0x1a9: {  	_ =	swait.ge @!p3 [sflag:s19], $0x4000  }
0x1aa: {  	[sflag:s19] =	ssyncset.done @!p3 $0x0  }
0x1ab: {  	[sflag:s19] =	ssyncadd.s32 @!p3 $0xFFFFC000;
	s19 =	simm.s32 @!p3 $0x5  }
0x1ac: {  	s20 =	sadd.s32 $0x2, s14;
	_ =	swait.ge @!p3 [sflag:s19], $0x80  }
0x1ad: {  	p2 =	sge.u32 s20, s11;
	[sflag:s19] =	ssyncset.done @!p3 $0x0  }
0x1ae: {  	s21 =	sadd.s32 $0x100, s16;
	s14 =	sshra.s32 @!p2 s12, $0x2;
	[sflag:s19] =	ssyncadd.s32 @!p3 $0xFFFFFF80  }
0x1af: {  	[tilespmem:s0], [sflag:$0x1] =	stream.indirect.gather [hbm4b:s5+s1], $0x80, s21, s1, $0xb8;
	[tilespmem:$0x1EB80] =	vst v63  }
0x1b0: {  	s11 =	simm.s32 @!p2 $0xA800;
	s16 =	simm.s32 @!p2 $0x80;
	s14 =	sadd.s32 @!p2 $0x1500, s14  }
0x1b1: {  	[tilespmem:s11], [sflag:$0x3] =	stream.indirect.gather @!p2 [hbm4b:s7+s16], $0x1, s14, s16, $0xb8;
	[tilespmem:$0x1EB80] =	vst v63  }
0x1b2: {  	_ =	swait.ge [sflag:s31], $0x4000  }
0x1b3: {  	s11 =	sshra.s32 @p4 s12, $0x2;
	s12 =	simm.s32 @p4 $0x80;
	[sflag:s31] =	ssyncset.done $0x0  }
0x1b4: {  	s14 =	simm.s32 @p4 $0x6800;
	s11 =	sadd.s32 @p4 $0x1480, s11;
	[sflag:s31] =	ssyncadd.s32 $0xFFFFC000  }
0x1b5: {  	[spmem:s2] =	stream.indirect.scatter.add.f32 @p4 [tilespmem:s14], [sflag:$0x6], $0x80, s11, s12, $0xb8;
	[tilespmem:$0x1EB80] =	vst v63  }
0x1b6: {  	s11 =	simm.s32 @p4 $0x6  }
0x1b7: {  	_ =	swait.ge @p4 [sflag:s11], $0x4000  }
0x1b8: {  	[sflag:s11] =	ssyncset.done @p4 $0x0  }
0x1b9: {  	s12 =	simm.s32 @!p4 $0x4;
	[sflag:s11] =	ssyncadd.s32 @p4 $0xFFFFC000  }
0x1ba: {  	_ =	swait.ge @!p4 [sflag:s12], $0x80  }
0x1bb: {  	[sflag:s12] =	ssyncset.done @!p4 $0x0  }
0x1bc: {  	[sflag:s12] =	ssyncadd.s32 @!p4 $0xFFFFFF80  }
0x1bd: {  	[spmem:s3] =	stream.indirect.scatter.add.f32 @!p4 [tilespmem:s18], [sflag:$0x5], $0x1, s15, s17, $0xb8;
	[tilespmem:$0x1EB80] =	vst v63  }
0x1be: {  	s11 =	simm.s32 @!p4 $0x6800;
	s12 =	simm.s32 @!p4 $0x6  }
0x1bf: {  	[spmem:s2] =	stream.indirect.scatter.add.f32 @!p4 [tilespmem:s11], [sflag:$0x6], $0x80, s8, s17, $0xb8;
	[tilespmem:$0x1EB80] =	vst v63  }
0x1c0: {  	_ =	swait.ge @!p4 [sflag:s12], $0x4000  }
0x1c1: {  	[sflag:s12] =	ssyncset.done @!p4 $0x0  }
0x1c2: {  	s8 =	simm.s32 @!p4 $0x5;
	[sflag:s12] =	ssyncadd.s32 @!p4 $0xFFFFC000  }
0x1c3: {  	_ =	swait.ge @!p4 [sflag:s8], $0x80  }
0x1c4: {  	[sflag:s8] =	ssyncset.done @!p4 $0x0  }
0x1c5: {  	s22 =	simm.s32 $0x1380;
	s14 =	simm.s32 @p1 $0x1;
	[sflag:s8] =	ssyncadd.s32 @!p4 $0xFFFFFF80  }
0x1c6: {  	[tilespmem:s29], [sflag:$0x2] =	stream.indirect.gather [hbm4b:s5+s1], $0x80, s22, s1, $0xb8;
	[tilespmem:$0x1EB80] =	vst v63  }
0x1c7: {  	s11 =	simm.s32 @p1 $0x2780;
	s12 =	simm.s32 @p1 $0xA880;
	s8 =	simm.s32 @p1 $0x80  }
0x1c8: {  	[tilespmem:s12], [sflag:$0x4] =	stream.indirect.gather @p1 [hbm4b:s7+s8], $0x1, s11, s8, $0xb8;
	[tilespmem:$0x1EB80] =	vst v63  }
0x1c9: {  	_ =	swait.ge @p1 [sflag:s14], $0x4000  }
0x1ca: {  	[sflag:s14] =	ssyncset.done @p1 $0x0  }
0x1cb: {  	[sflag:s14] =	ssyncadd.s32 @p1 $0xFFFFC000;
	s14 =	simm.s32 @p1 $0x3  }
0x1cc: {  	_ =	swait.ge @p1 [sflag:s14], $0x80  }
0x1cd: {  	[sflag:s14] =	ssyncset.done @p1 $0x0  }
0x1ce: {  	s15 =	simm.s32 @p1 $0xA800;
	[sflag:s14] =	ssyncadd.s32 @p1 $0xFFFFFF80;
	s14 =	simm.s32 @p1 $0x1300  }
0x1cf: {  	[spmem:s3] =	stream.indirect.scatter.add.f32 @p1 [tilespmem:s15], [sflag:$0x5], $0x1, s14, s8, $0xb8;
	[tilespmem:$0x1EB80] =	vst v63  }
0x1d0: {  	s14 =	simm.s32 @p1 $0x2700;
	s15 =	simm.s32 @p1 $0x2800  }
0x1d1: {  	[spmem:s2] =	stream.indirect.scatter.add.f32 @p1 [tilespmem:s15], [sflag:$0x6], $0x80, s14, s8, $0xb8;
	[tilespmem:$0x1EB80] =	vst v63  }
0x1d2: {  	s14 =	simm.s32 @p1 $0x6  }
0x1d3: {  	_ =	swait.ge @p1 [sflag:s14], $0x4000  }
0x1d4: {  	[sflag:s14] =	ssyncset.done @p1 $0x0  }
0x1d5: {  	s15 =	simm.s32 @p1 $0x5;
	[sflag:s14] =	ssyncadd.s32 @p1 $0xFFFFC000  }
0x1d6: {  	_ =	swait.ge @p1 [sflag:s15], $0x80  }
0x1d7: {  	[sflag:s15] =	ssyncset.done @p1 $0x0  }
0x1d8: {  	s16 =	simm.s32 @p1 $0x2;
	[sflag:s15] =	ssyncadd.s32 @p1 $0xFFFFFF80  }
0x1d9: {  	_ =	swait.ge @p1 [sflag:s16], $0x4000  }
0x1da: {  	[sflag:s16] =	ssyncset.done @p1 $0x0  }
0x1db: {  	[sflag:s16] =	ssyncadd.s32 @p1 $0xFFFFC000;
	s16 =	simm.s32 @p1 $0x4  }
0x1dc: {  	_ =	swait.ge @p1 [sflag:s16], $0x80  }
0x1dd: {  	[sflag:s16] =	ssyncset.done @p1 $0x0  }
0x1de: {  	[sflag:s16] =	ssyncadd.s32 @p1 $0xFFFFFF80;
	s16 =	simm.s32 @p1 $0x1380  }
0x1df: {  	[spmem:s3] =	stream.indirect.scatter.add.f32 @p1 [tilespmem:s12], [sflag:$0x5], $0x1, s16, s8, $0xb8;
	[tilespmem:$0x1EB80] =	vst v63  }
0x1e0: {  	s12 =	simm.s32 @p1 $0x6800  }
0x1e1: {  	[spmem:s2] =	stream.indirect.scatter.add.f32 @p1 [tilespmem:s12], [sflag:$0x6], $0x80, s11, s8, $0xb8;
	[tilespmem:$0x1EB80] =	vst v63  }
0x1e2: {  	_ =	swait.ge @p1 [sflag:s14], $0x4000  }
0x1e3: {  	[sflag:s14] =	ssyncset.done @p1 $0x0  }
0x1e4: {  	[sflag:s14] =	ssyncadd.s32 @p1 $0xFFFFC000  }
0x1e5: {  	_ =	swait.ge @p1 [sflag:s15], $0x80  }
0x1e6: {  	[sflag:s15] =	ssyncset.done @p1 $0x0  }
0x1e7: {  	s8 =	simm.s32 @!p1 $0x1;
	[sflag:s15] =	ssyncadd.s32 @p1 $0xFFFFFF80  }
0x1e8: {  	_ =	swait.ge @!p1 [sflag:s8], $0x4000  }
0x1e9: {  	s11 =	simm.s32 @!p1 $0x2700;
	[sflag:s8] =	ssyncset.done @!p1 $0x0  }
0x1ea: {  	s12 =	simm.s32 @!p1 $0x2800;
	[sflag:s8] =	ssyncadd.s32 @!p1 $0xFFFFC000;
	s8 =	simm.s32 @!p1 $0x80  }
0x1eb: {  	[spmem:s2] =	stream.indirect.scatter.add.f32 @!p1 [tilespmem:s12], [sflag:$0x6], $0x80, s11, s8, $0xb8;
	[tilespmem:$0x1EB80] =	vst v63  }
0x1ec: {  	s11 =	simm.s32 @!p1 $0x6  }
0x1ed: {  	_ =	swait.ge @!p1 [sflag:s11], $0x4000  }
0x1ee: {  	[sflag:s11] =	ssyncset.done @!p1 $0x0  }
0x1ef: {  	s12 =	simm.s32 @!p1 $0x2;
	[sflag:s11] =	ssyncadd.s32 @!p1 $0xFFFFC000  }
0x1f0: {  	_ =	swait.ge @!p1 [sflag:s12], $0x4000  }
0x1f1: {  	[sflag:s12] =	ssyncset.done @!p1 $0x0  }
0x1f2: {  	s14 =	simm.s32 @!p1 $0x6800;
	[sflag:s12] =	ssyncadd.s32 @!p1 $0xFFFFC000;
	s12 =	simm.s32 @!p1 $0x2780  }
0x1f3: {  	[spmem:s2] =	stream.indirect.scatter.add.f32 @!p1 [tilespmem:s14], [sflag:$0x6], $0x80, s12, s8, $0xb8;
	[tilespmem:$0x1EB80] =	vst v63  }
0x1f4: {  	_ =	swait.ge @!p1 [sflag:s11], $0x4000  }
0x1f5: {  	[sflag:s11] =	ssyncset.done @!p1 $0x0  }
0x1f6: {  	[sflag:s11] =	ssyncadd.s32 @!p1 $0xFFFFC000  }
0x1f7: {  	[bflag:$0x0] =	sbarrier.arrive $0xFFFF  }
0x1f8: {  	s23 =	sshrl.u32 s9, $0x3;
	s24 =	rddreg [dreg:$0x13]  }
0x1f9: {  	[hbm:s24], [sflag:s13] =	dma.local [spmem:s23], $0x2800  }
0x1fa: {  	_ =	swait.ge [sflag:s30], $0x2800  }
0x1fb: {  	[sflag:s30] =	ssyncset.done $0x0  }
0x1fc: {  	s25 =	rddreg [dreg:$0xe];
	[sflag:s30] =	ssyncadd.s32 $0xFFFFD800  }
0x1fd: {  	[hbm:s25], [sflag:s13] =	dma.local [spmem:s10], $0x50  }
0x1fe: {  	_ =	swait.ge [sflag:s30], $0x50  }
0x1ff: {  	s4 =	sadd.s32 $0x1, s4;
	s26 =	rddreg [dreg:$0x14]  }
0x200: {  	p2 =	sne.s32 s4, s26  }
.Ltmp3:
0x201: {  	_ = 	snop;
	(pc) =	sbr.rel @p2 .LBB2_1-.Ltmp3, $3  }
0x202: {  	_ =	sdelay $0x1  }
0x203: {  	[sflag:s30] =	ssyncset.done $0x0  }
0x204: {  	[sflag:s30] =	ssyncadd.s32 $0xFFFFFFB0  }
0x205: {  	_ =	sfence.sel $0x180000  }
0x206: {  	[bflag:$0x0] =	sbarrier.arrive $0xFFFF  }
0x207: {  	_ =	strace $0x9000004A  }
0x208: {  	s0 =	stileid.u32;
	[bflag:$0x2] =	sbarrier.arrive $0xFFFF  }
0x209: {  	p0 =	sne.s32 s0, $0x0;
	s0 =	rddreg [dreg:$0x3]  }
0x20a: {  	s0 =	sadd.s32 @!p0 $0x100000, s0  }
0x20b: {  	[sflag:s0] =	ssyncadd.tile.s32 @!p0 $0x1;
	_ =	shalt  }
.Lfunc_end2:
_tile_overlayer_lowered:
.L_overlay_start_2:
0x20c: {  	(tag) =	ssettag $0x2  }
0x20d: {  	s0 =	rddreg [dreg:$0x0];
	s2 =	stileid.u32  }
0x20e: {  	s1 =	rddreg [dreg:$0x1];
	p0 =	sne.s32 s2, $0x0  }
0x20f: {  	s3 =	rddreg [dreg:$0x2];
	[bflag:$0x3] =	sbarrier.arrive $0xFFFF;
	s2 =	simm.s32 @!p0 $0x1C06  }
0x210: {  	[timem:s3], [sflag:s2] =	dma.local @!p0 [hbm:s0], s1  }
0x211: {  	s0 =	simm.s32 @!p0 $0x6  }
0x212: {  	_ =	swait.ge @!p0 [sflag:s0], s1  }
0x213: {  	s1 =	ssub.s32 @!p0 $0x0, s1;
	[sflag:s0] =	ssyncset.done @!p0 $0x0  }
0x214: {  	[sflag:s0] =	ssyncadd.s32 @!p0 s1  }
0x215: {  	[bflag:$0x3] =	sbarrier.arrive $0xFFFF  }
0x216: {  	_ =	shalt  }

// kernel: kernel.16.cloned.1.call-start
scs
__scs_entry_jumppad:
0x0: {  	(pc) =	sbr.rel $0x88, $3  }
0x1: {  	(tag) =	ssettag $0x0;
	lr =	simm.s32 $0x1  }
0x2: {  	[smem:$0x3F89] =	sst lr;
	_ =	strace $0xD0000000  }
0x3: {  	_ = 	snop  }
0x4: {  	_ = 	snop  }
0x5: {  	_ = 	snop  }
0x6: {  	_ = 	snop  }
0x7: {  	_ = 	snop  }
__scs_overlays_trampoline_lowered:
0x8: {  	[smem:$0x3F98] =	sst s0  }
0x9: {  	[smem:$0x3F99] =	sst s1  }
0xa: {  	[smem:$0x3F9A] =	sst s2  }
0xb: {  	[smem:$0x3F9B] =	sst s3  }
0xc: {  	[smem:$0x3F9C] =	sst s4  }
0xd: {  	[smem:$0x3F9D] =	sst s5  }
0xe: {  	[smem:$0x3F9E] =	sst s6  }
0xf: {  	[smem:$0x3F9F] =	sst s7  }
0x10: {  	[smem:$0x3FA0] =	sst s8  }
0x11: {  	[smem:$0x3FA1] =	sst s9;
	s0 =	simm.s32 @!p0 $0x0  }
0x12: {  	s1 =	sld [smem:$0x3F87];
	s0 =	simm.s32 @p0 $0x1  }
0x13: {  	[smem:$0x3FA2] =	sst s0;
	s0 =	simm.s32 @!p1 $0x0  }
0x14: {  	s2 =	sld [smem:$0x3F86];
	s0 =	simm.s32 @p1 $0x1  }
0x15: {  	[smem:$0x3FA3] =	sst s0;
	s0 =	simm.s32 @!p2 $0x0  }
0x16: {  	s3 =	sld [smem:$0x3FDB];
	s0 =	simm.s32 @p2 $0x1  }
0x17: {  	s4 =	simm.s32 $0x1BF5;
	[smem:$0x3FA5] =	sst s0  }
0x18: {  	s0 =	sld [smem:$0x3F88];
	_ =	swait.ge [sflag:s4], $0x0  }
0x19: {  	s7 =	sld [smem:$0x3F89]  }
0x1a: {  	s8 =	sadd.s32 $0xFFFFE003, lr  }
0x1b: {  	s9 =	sadd.s32 $0xFFFFFEF7, lr;
	s5 =	simm.s32 $0xFFFFFFFF;
	p2 =	slt.u32 s8, $0xFFFFF086  }
0x1c: {  	p1 =	slt.u32 s9, $0xF7A;
	s5 =	simm.s32 @!p2 $0x0  }
0x1d: {  	s5 =	simm.s32 @p1 $0x1;
	p0 =	seq.s32 s7, s2  }
0x1e: {  	s7 =	smul.u32 @!p0 $0xF7A, s2;
	p2 =	seq.s32 @!p0 s5, $0x0  }
0x1f: {  	s9 =	smul.u32 $0xF7A, s1;
	s8 =	simm.s32 @!p0 $0x1BF5;
	p2 =	por !p2, p0  }
0x20: {  	[sflag:s8] =	ssyncset.s32 @!p0 $0xFFFFF086;
	s6 =	sadd.s32 @!p0 s3, s7;
	s7 =	simm.s32 @!p0 $0x108  }
0x21: {  	s3 =	sadd.s32 s3, s9;
	s6 =	sadd.s32 @!p0 $0x88, s6;
	s7 =	simm.s32 @p2 $0x1082  }
0x22: {  	[simem:s7], [sflag:s8] =	dma.local @!p0 [hbm:s6], $0xF7A  }
0x23: {  	s9 =	sor.u32 $0xD0000000, s2;
	s6 =	simm.s32 $0x108;
	_ =	swait.ge @!p0 [sflag:s8], $0x0  }
0x24: {  	s3 =	sadd.s32 $0x88, s3;
	s6 =	simm.s32 @!p1 $0x1082;
	[sflag:s4] =	ssyncset.s32 $0xFFFFF086  }
0x25: {  	[simem:s6], [sflag:s4] =	dma.local [hbm:s3], $0xF7A  }
0x26: {  	[smem:$0x3F89] =	sst s1;
	(tag) =	ssettag s2;
	_ =	strace s9  }
0x27: {  	s1 =	sld [smem:$0x3F99]  }
0x28: {  	s2 =	sld [smem:$0x3F9A]  }
0x29: {  	s4 =	sld [smem:$0x3F9C]  }
0x2a: {  	p0 =	seq.s32 s5, $0x0;
	s5 =	sld [smem:$0x3F9D]  }
0x2b: {  	s6 =	sld [smem:$0x3F9E]  }
0x2c: {  	s7 =	sld [smem:$0x3F9F]  }
0x2d: {  	s3 =	simm.s32 $0x108;
	s8 =	sld [smem:$0x3FA0]  }
0x2e: {  	s3 =	simm.s32 @!p0 $0x1082;
	s9 =	sld [smem:$0x3FA1]  }
0x2f: {  	lr =	sadd.s32 s0, s3;
	s0 =	sld [smem:$0x3F98]  }
0x30: {  	s3 =	sld [smem:$0x3F9B]  }
0x31: {  	[smem:$0x3FA4] =	sst s10  }
0x32: {  	s10 =	sld [smem:$0x3FA2];
	_ =	sdelay $0x3  }
0x33: {  	p0 =	seq.s32 s10, $0x1;
	s10 =	sld [smem:$0x3FA4];
	_ =	sdelay $0x3  }
0x34: {  	[smem:$0x3FA4] =	sst s10  }
0x35: {  	s10 =	sld [smem:$0x3FA3];
	_ =	sdelay $0x3  }
0x36: {  	p1 =	seq.s32 s10, $0x1;
	s10 =	sld [smem:$0x3FA4];
	_ =	sdelay $0x3  }
0x37: {  	[smem:$0x3FA4] =	sst s10  }
0x38: {  	s10 =	sld [smem:$0x3FA5]  }
0x39: {  	_ = 	snop;
	(pc) =	sbr.ind lr, $3  }
0x3a: {  	_ = 	snop  }
0x3b: {  	_ = 	snop  }
0x3c: {  	p2 =	seq.s32 s10, $0x1;
	s10 =	sld [smem:$0x3FA4]  }
0x3d: {  	_ =	shalt  }
0x3e: {  	_ =	shalt  }
0x3f: {  	_ =	shalt  }
0x40: {  	_ =	shalt  }
0x41: {  	_ =	shalt  }
0x42: {  	_ =	shalt  }
0x43: {  	_ =	shalt  }
0x44: {  	_ =	shalt  }
0x45: {  	_ =	shalt  }
0x46: {  	_ =	shalt  }
0x47: {  	_ =	shalt  }
0x48: {  	_ =	shalt  }
0x49: {  	_ =	shalt  }
0x4a: {  	_ =	shalt  }
0x4b: {  	_ =	shalt  }
0x4c: {  	_ =	shalt  }
0x4d: {  	_ =	shalt  }
0x4e: {  	_ =	shalt  }
0x4f: {  	_ =	shalt  }
0x50: {  	_ =	shalt  }
0x51: {  	_ =	shalt  }
0x52: {  	_ =	shalt  }
0x53: {  	_ =	shalt  }
0x54: {  	_ =	shalt  }
0x55: {  	_ =	shalt  }
0x56: {  	_ =	shalt  }
0x57: {  	_ =	shalt  }
0x58: {  	_ =	shalt  }
0x59: {  	_ =	shalt  }
0x5a: {  	_ =	shalt  }
0x5b: {  	_ =	shalt  }
0x5c: {  	_ =	shalt  }
0x5d: {  	_ =	shalt  }
0x5e: {  	_ =	shalt  }
0x5f: {  	_ =	shalt  }
0x60: {  	_ =	shalt  }
0x61: {  	_ =	shalt  }
0x62: {  	_ =	shalt  }
0x63: {  	_ =	shalt  }
0x64: {  	_ =	shalt  }
0x65: {  	_ =	shalt  }
0x66: {  	_ =	shalt  }
0x67: {  	_ =	shalt  }
0x68: {  	_ =	shalt  }
0x69: {  	_ =	shalt  }
0x6a: {  	_ =	shalt  }
0x6b: {  	_ =	shalt  }
0x6c: {  	_ =	shalt  }
0x6d: {  	_ =	shalt  }
0x6e: {  	_ =	shalt  }
0x6f: {  	_ =	shalt  }
0x70: {  	_ =	shalt  }
0x71: {  	_ =	shalt  }
0x72: {  	_ =	shalt  }
0x73: {  	_ =	shalt  }
0x74: {  	_ =	shalt  }
0x75: {  	_ =	shalt  }
0x76: {  	_ =	shalt  }
0x77: {  	_ =	shalt  }
0x78: {  	_ =	shalt  }
0x79: {  	_ =	shalt  }
0x7a: {  	_ =	shalt  }
0x7b: {  	_ =	shalt  }
0x7c: {  	_ =	shalt  }
0x7d: {  	_ =	shalt  }
0x7e: {  	_ =	shalt  }
0x7f: {  	_ =	shalt  }
0x80: {  	_ =	shalt  }
0x81: {  	_ =	shalt  }
0x82: {  	_ =	shalt  }
0x83: {  	_ =	shalt  }
0x84: {  	_ =	shalt  }
0x85: {  	_ =	shalt  }
0x86: {  	_ =	shalt  }
0x87: {  	_ =	shalt  }
.Lfunc_end0:
.L_simem_size_0:
called_computation.2_lowered:
.L_overlay_start_0:
0x88: {  	s2 =	sld [smem:$0x3FD9]  }
0x89: {  	s3 =	sld [smem:$0x3FFE];
	_ =	sdelay $0x1  }
0x8a: {  	s1 =	srdreg.scid  }
0x8b: {  	s0 =	sand.u32 $0x1, s1  }
0x8c: {  	s16 =	sshll.u32 s0, $0xA;
	s2 =	sadd.s32 s3, s2  }
0x8d: {  	s2 =	sadd.s32 s2, s16  }
0x8e: {  	[smem:$0x3FB0] =	sst s2  }
0x8f: {  	_ = 	snop  }
0x90: {  	(tm) =	ssettm $0x1  }
0x91: {  	s17 =	sld [smem:$0x3FFB];
	_ =	sdelay $0x3  }
0x92: {  	_ =	strace s17  }
0x93: {  	s2 =	sld [smem:$0x3FFC];
	_ =	sdelay $0x3  }
0x94: {  	_ =	strace s2  }
0x95: {  	s2 =	sld [smem:$0x3FFD];
	_ =	sdelay $0x3  }
0x96: {  	_ =	strace s2  }
0x97: {  	_ =	strace $0x8FFFFFFF  }
0x98: {  	s18 =	sld [smem:$0x3FDB];
	_ =	sdelay $0x1  }
0x99: {  	s19 =	simm.s32 $_scs_section_size  }
0x9a: {  	s4 =	simm.s32 $_size__tile_overlayer_lowered;
	s5 =	simm.s32 $_tile_overlayer_lowered  }
0x9b: {  	s22 =	simm.s32 $0x1BFF;
	s21 =	sshll.u32 s5, $0x1;
	s2 =	sadd.s32 s19, s18  }
0x9c: {  	s6 =	simm.s32 $0x0;
	s20 =	sshll.u32 s4, $0x1;
	s4 =	sadd.s32 s21, s2  }
0x9d: {  	[timem:s6], [sflag:s22] =	dma.local [hbm:s4], s20  }
0x9e: {  	_ =	swait.ge [sflag:s22], s20  }
0x9f: {  	s3 =	ssub.s32 $0x0, s20;
	[sflag:s22] =	ssyncset.done $0x0  }
0xa0: {  	[sflag:s22] =	ssyncadd.s32 s3;
	_ =	sdelay $0x1  }
0xa1: {  	s23 =	simm.s32 $0x1B8B  }
0xa2: {  	_ =	swait.ge [sflag:s23], $0x1  }
0xa3: {  	[sflag:s23] =	ssyncset.done $0x0  }
0xa4: {  	s25 =	simm.s32 $0x1B8E;
	s24 =	sld [smem:$0x3FFE];
	[sflag:s23] =	ssyncadd.s32 $0xFFFFFFFF  }
0xa5: {  	s26 =	simm.s32 $execute0_lowered;
	[smem:$0x3FD2] =	sst s25  }
0xa6: {  	s4 =	sshll.u32 s26, $0x1;
	_ =	strace $0x8000004C;
	[dreg:$0x1] =	wrdreg $0xFFFFFFFF  }
0xa7: {  	s28 =	simm.s32 $_size_execute0_lowered;
	s2 =	sadd.s32 s2, s4;
	[dreg:$0x0] =	wrdreg $0x0  }
0xa8: {  	s4 =	sshll.u32 s28, $0x1;
	[dreg:$0x2] =	wrdreg s2  }
0xa9: {  	[dreg:$0x3] =	wrdreg s4  }
0xaa: {  	[dreg:$0x4] =	wrdreg $0xC0  }
0xab: {  	_ =	task [dreg:s6], $0x5FFFF  }
0xac: {  	[dreg:$0x1] =	wrdreg $0xFFFFFFFF  }
0xad: {  	[dreg:$0x0] =	wrdreg $0x60  }
0xae: {  	[dreg:$0x2] =	wrdreg s24  }
0xaf: {  	[dreg:$0x3] =	wrdreg $0xA8000  }
0xb0: {  	[dreg:$0x4] =	wrdreg $0x9  }
0xb1: {  	_ =	task.clear_ibuf [dreg:s6], $0x5FFFF;
	_ =	strace $0x9000004C  }
0xb2: {  	s29 =	simm.s32 $0x9;
	_ =	strace $0x8000004E  }
0xb3: {  	_ =	swait.ge [sflag:s29], $0x1  }
0xb4: {  	[sflag:s29] =	ssyncadd.s32 $0xFFFFFFFF  }
0xb5: {  	_ =	strace $0x9000004E  }
0xb6: {  	_ =	sfence  }
0xb7: {  	s30 =	sld [smem:$0x0];
	_ =	sdelay $0x2  }
0xb8: {  	s31 =	sshll.u32 s1, $0xD;
	s1 =	sshrl.u32 s1, $0x2  }
0xb9: {  	s3 =	sand.u32 $0x4000, s31;
	s1 =	sadd.s32 s1, s30  }
0xba: {  	s0 =	sor.u32 s3, s0;
	s1 =	sshll.u32 s1, $0x11  }
0xbb: {  	s0 =	sor.u32 s1, s0  }
0xbc: {  	s0 =	sadd.s32 $0x8F2B, s0  }
0xbd: {  	[sflag:s0] =	ssyncadd.remote.s32 $0x1  }
0xbe: {  	_ =	sfence.sel $0xFFFF  }
0xbf: {  	[dreg:$0x0] =	wrdreg $0xFFFFFFFF;
	(pc) =	sbr.abs _section_cstart, $3  }
0xc0: {  	[dreg:$0x1] =	wrdreg $0xFFFFFFFF  }
0xc1: {  	_ =	task.clear_ibuf [dreg:s6], $0x2FFFF;
	_ =	strace $0x9FFFFFFF  }
0xc2: {  	(tm) =	ssettm $0x7FFFFFFF  }
0xc3: {  	_ =	shalt  }
tec
execute0_lowered:
.L_overlay_start_1:
0x0: {  	(tag) =	ssettag $0x1  }
0x1: {  	s0 =	srdreg.scid  }
0x2: {  	s25 =	stileid.u32;
	s18 =	rddreg [dreg:$0x0]  }
0x3: {  	s3 =	simm.s32 $0x0;
	s22 =	simm.s32 $0x80;
	s23 =	simm.s32 $0x2800  }
0x4: {  	s24 =	simm.s32 $0x1;
	s28 =	simm.s32 $0x2700;
	s29 =	simm.s32 $0x2780  }
0x5: {  	s1 =	sand.u32 $0x1, s0;
	[smem:$0x7FF] =	sst s3;
	s7 =	smul.u32 $0x14000, s25  }
0x6: {  	s8 =	smul.u32 $0x50000, s25;
	s26 =	sadd.s32 $0x19C00, s18;
	s13 =	sadd.s32 $0xFD00, s18  }
0x7: {  	s14 =	sadd.s32 $0x19980, s18;
	s15 =	sadd.s32 $0x1A000, s18;
	s20 =	sadd.s32 $0x19D80, s18  }
0x8: {  	s21 =	sadd.s32 $0x1A180, s18;
	s2 =	sshll.u32 s1, $0x4;
	s6 =	smul.u32 $0x140000, s1  }
0x9: {  	s1 =	ssub.s32 $0x2, s1;
	s11 =	sor.u32 s25, s2;
	s2 =	rddreg [dreg:$0x1]  }
0xa: {  	_ =	strace $0x8000004D;
	[dreg:$0x3] =	wrdreg s26;
	s30 =	sshrl.u32 s8, $0x2  }
0xb: {  	s9 =	sshrl.u32 s1, $0x1;
	s25 =	simm.s32 $0x3;
	s26 =	simm.s32 $0x1380  }
0xc: {  	s4 =	smul.u32 $0x2800, s11;
	s6 =	sadd.s32 s7, s6;
	s1 =	ssub.s32 s1, s9  }
0xd: {  	p0 =	seq.s32 s11, $0x1F;
	s31 =	sshrl.u32 s6, $0x3;
	s6 =	sadd.s32 s30, s2  }
0xe: {  	s5 =	sshrl.u32 s4, $0x3;
	s4 =	sadd.s32 $0x1A400, s18;
	s19 =	sadd.s32 s31, s18  }
0xf: {  	s7 =	sadd.s32 $0x4000, s6;
	s8 =	sadd.s32 $0x8000, s6;
	s9 =	sadd.s32 $0xC000, s6  }
0x10: {  	s10 =	sadd.s32 $0x10000, s6;
	s17 =	sadd.s32 s5, s18;
	s18 =	sadd.s32 $0x42C00, s19  }
0x11: {  	s19 =	smax.u32 s1, $0x1;
	s11 =	sadd.s32 $0x6200, s17;
	s16 =	sadd.s32 $0x6480, s17  }
0x12: {  	s12 =	sadd.s32 $0xFE80, s17;
	s17 =	sadd.s32 $0x10100, s17;
	s16 =	smov.u32 @p0 s20  }
0x13: {  	v0 =	vimm.f32 $0.0e+00;
	s17 =	smov.u32 @p0 s21;
	s20 =	simm.s32 $0x6800;
	s21 =	simm.s32 $0x2  }
.LBB2_1:
0x14: {  	s31 =	simm.s32 $0x0;
	s1 =	simm.s32 $0x200  }
.LBB2_2:
0x15: {  	p1 =	sne.s32 s1, $0xFE00;
	[tilespmem:s31+$0x6870] =	vst v0  }
0x16: {  	[tilespmem:s31+$0x6800] =	vst v0  }
0x17: {  	[tilespmem:s31+$0x6810] =	vst v0  }
.Ltmp0:
0x18: {  	[tilespmem:s31+$0x6820] =	vst v0;
	(pc) =	sbr.rel @p1 .LBB2_2-.Ltmp0, $4  }
0x19: {  	[tilespmem:s31+$0x6830] =	vst v0  }
0x1a: {  	[tilespmem:s31+$0x6840] =	vst v0  }
0x1b: {  	[tilespmem:s31+$0x6850] =	vst v0  }
0x1c: {  	[tilespmem:s31+$0x6860] =	vst v0;
	s31 =	sshra.s32 s1, $0x2;
	s1 =	sadd.s32 $0x200, s1  }
0x1d: {  	[tilespmem:s31+$0x6870] =	vst v0  }
0x1e: {  	[tilespmem:s31+$0x6800] =	vst v0  }
0x1f: {  	[tilespmem:s31+$0x6810] =	vst v0  }
0x20: {  	[tilespmem:s31+$0x6820] =	vst v0  }
0x21: {  	[tilespmem:s31+$0x6830] =	vst v0  }
0x22: {  	[tilespmem:s31+$0x6840] =	vst v0  }
0x23: {  	[tilespmem:s31+$0x6850] =	vst v0  }
0x24: {  	[tilespmem:s31+$0x6860] =	vst v0  }
0x25: {  	[spmem:s6] =	stream.linear.scatter [tilespmem:s20], [sflag:$0x2], $0x4000, $0x38;
	[tilespmem:$0x1E800] =	vst v63  }
0x26: {  	_ = 	snop  }
0x27: {  	[spmem:s7] =	stream.linear.scatter [tilespmem:s20], [sflag:$0x2], $0x4000, $0x38;
	[tilespmem:$0x1E800] =	vst v63  }
0x28: {  	_ = 	snop  }
0x29: {  	[spmem:s8] =	stream.linear.scatter [tilespmem:s20], [sflag:$0x2], $0x4000, $0x38;
	[tilespmem:$0x1E800] =	vst v63  }
0x2a: {  	_ = 	snop  }
0x2b: {  	[spmem:s9] =	stream.linear.scatter [tilespmem:s20], [sflag:$0x2], $0x4000, $0x38;
	[tilespmem:$0x1E800] =	vst v63  }
0x2c: {  	_ = 	snop  }
0x2d: {  	[spmem:s10] =	stream.linear.scatter [tilespmem:s20], [sflag:$0x2], $0x4000, $0x38;
	[tilespmem:$0x1E800] =	vst v63  }
0x2e: {  	s1 =	simm.s32 @p0 $0x0;
	s31 =	simm.s32 @p0 $0x3  }
0x2f: {  	[tilespmem:s1], [sflag:$0x3] =	stream.linear.gather @p0 [hbm4b:s13+s1], $0x800, $0x38;
	[tilespmem:$0x1E800] =	vst v63  }
0x30: {  	_ =	swait.ge @p0 [sflag:s31], $0x800  }
0x31: {  	[sflag:s31] =	ssyncset.done @p0 $0x0  }
0x32: {  	s0 =	simm.s32 @p0 $0x1400;
	[sflag:s31] =	ssyncadd.s32 @p0 $0xFFFFF800  }
0x33: {  	[tilespmem:s0], [sflag:$0x3] =	stream.linear.gather @p0 [hbm4b:s14+s1], $0x800, $0x38;
	[tilespmem:$0x1E800] =	vst v63  }
0x34: {  	_ =	swait.ge @p0 [sflag:s31], $0x800  }
0x35: {  	[sflag:s31] =	ssyncset.done @p0 $0x0  }
0x36: {  	s0 =	simm.s32 @p0 $0x800;
	s5 =	rddreg [dreg:$0x3];
	[sflag:s31] =	ssyncadd.s32 @p0 $0xFFFFF800  }
0x37: {  	[tilespmem:s0], [sflag:$0x3] =	stream.linear.gather @p0 [hbm4b:s5+s1], $0xC00, $0x38;
	[tilespmem:$0x1E800] =	vst v63  }
0x38: {  	_ =	swait.ge @p0 [sflag:s31], $0xC00  }
0x39: {  	[sflag:s31] =	ssyncset.done @p0 $0x0  }
0x3a: {  	s0 =	simm.s32 @p0 $0x1C00;
	[sflag:s31] =	ssyncadd.s32 @p0 $0xFFFFF400  }
0x3b: {  	[tilespmem:s0], [sflag:$0x3] =	stream.linear.gather @p0 [hbm4b:s15+s1], $0xC00, $0x38;
	[tilespmem:$0x1E800] =	vst v63  }
0x3c: {  	_ =	swait.ge @p0 [sflag:s31], $0xC00  }
0x3d: {  	[sflag:s31] =	ssyncset.done @p0 $0x0  }
0x3e: {  	s0 =	simm.s32 @!p0 $0x0;
	s1 =	simm.s32 @!p0 $0x3;
	[sflag:s31] =	ssyncadd.s32 @p0 $0xFFFFF400  }
0x3f: {  	[tilespmem:s0], [sflag:$0x3] =	stream.linear.gather @!p0 [hbm4b:s11+s0], $0x1400, $0x38;
	[tilespmem:$0x1E800] =	vst v63  }
0x40: {  	_ =	swait.ge @!p0 [sflag:s1], $0x1400  }
0x41: {  	[sflag:s1] =	ssyncset.done @!p0 $0x0  }
0x42: {  	s31 =	simm.s32 @!p0 $0x1400;
	[sflag:s1] =	ssyncadd.s32 @!p0 $0xFFFFEC00  }
0x43: {  	[tilespmem:s31], [sflag:$0x3] =	stream.linear.gather @!p0 [hbm4b:s12+s0], $0x1400, $0x38;
	[tilespmem:$0x1E800] =	vst v63  }
0x44: {  	_ =	swait.ge @!p0 [sflag:s1], $0x1400  }
0x45: {  	[sflag:s1] =	ssyncset.done @!p0 $0x0  }
0x46: {  	[sflag:s1] =	ssyncadd.s32 @!p0 $0xFFFFEC00  }
0x47: {  	_ =	swait.ge [sflag:s21], $0x4000  }
0x48: {  	[sflag:s21] =	ssyncset.done $0x0  }
0x49: {  	[sflag:s21] =	ssyncadd.s32 $0xFFFFC000  }
0x4a: {  	_ =	swait.ge [sflag:s21], $0x4000  }
0x4b: {  	[sflag:s21] =	ssyncset.done $0x0  }
0x4c: {  	[sflag:s21] =	ssyncadd.s32 $0xFFFFC000  }
0x4d: {  	_ =	swait.ge [sflag:s21], $0x4000  }
0x4e: {  	[sflag:s21] =	ssyncset.done $0x0  }
0x4f: {  	[sflag:s21] =	ssyncadd.s32 $0xFFFFC000  }
0x50: {  	_ =	swait.ge [sflag:s21], $0x4000  }
0x51: {  	[sflag:s21] =	ssyncset.done $0x0  }
0x52: {  	[sflag:s21] =	ssyncadd.s32 $0xFFFFC000  }
0x53: {  	_ =	swait.ge [sflag:s21], $0x4000  }
0x54: {  	[sflag:s21] =	ssyncset.done $0x0  }
0x55: {  	[sflag:s21] =	ssyncadd.s32 $0xFFFFC000  }
0x56: {  	s5 =	simm.s32 $0x0;
	[bflag:$0x0] =	sbarrier.arrive $0xFFFF  }
0x57: {  	[tilespmem:s23], [sflag:$0x1] =	stream.indirect.gather [hbm4b:s4+s22], $0x80, s5, s22, $0xb8;
	[tilespmem:$0x1E800] =	vst v63  }
0x58: {  	s30 =	simm.s32 $0x80  }
0x59: {  	[tilespmem:s20], [sflag:$0x2] =	stream.indirect.gather [hbm4b:s4+s22], $0x80, s30, s22, $0xb8;
	[tilespmem:$0x1E800] =	vst v63  }
0x5a: {  	_ =	swait.ge [sflag:s24], $0x4000  }
0x5b: {  	[sflag:s24] =	ssyncset.done $0x0  }
0x5c: {  	s1 =	simm.s32 $0x1400;
	[sflag:s24] =	ssyncadd.s32 $0xFFFFC000  }
0x5d: {  	[spmem:s2] =	stream.indirect.scatter.add.f32 [tilespmem:s23], [sflag:$0x3], $0x80, s1, s22, $0xb8;
	[tilespmem:$0x1E800] =	vst v63  }
0x5e: {  	_ =	swait.ge [sflag:s25], $0x4000  }
0x5f: {  	[sflag:s25] =	ssyncset.done $0x0  }
0x60: {  	s5 =	simm.s32 $0x100;
	[sflag:s25] =	ssyncadd.s32 $0xFFFFC000  }
0x61: {  	[tilespmem:s23], [sflag:$0x1] =	stream.indirect.gather [hbm4b:s4+s22], $0x80, s5, s22, $0xb8;
	[tilespmem:$0x1E800] =	vst v63  }
0x62: {  	_ =	swait.ge [sflag:s21], $0x4000  }
0x63: {  	[sflag:s21] =	ssyncset.done $0x0  }
0x64: {  	s30 =	simm.s32 $0x1480;
	[sflag:s21] =	ssyncadd.s32 $0xFFFFC000  }
0x65: {  	[spmem:s2] =	stream.indirect.scatter.add.f32 [tilespmem:s20], [sflag:$0x3], $0x80, s30, s22, $0xb8;
	[tilespmem:$0x1E800] =	vst v63  }
0x66: {  	_ =	swait.ge [sflag:s25], $0x4000  }
0x67: {  	s31 =	simm.s32 $0x100;
	s1 =	simm.s32 $0x800;
	[sflag:s25] =	ssyncset.done $0x0  }
.LBB2_4:
0x68: {  	s0 =	sadd.s32 $0x80, s31  }
0x69: {  	[sflag:s25] =	ssyncadd.s32 $0xFFFFC000;
	s30 =	smov.u32 s1;
	s5 =	sadd.s32 $0x400, s1  }
0x6a: {  	[tilespmem:s20], [sflag:$0x2] =	stream.indirect.gather [hbm4b:s4+s22], $0x80, s0, s22, $0xb8;
	[tilespmem:$0x1E800] =	vst v63  }
0x6b: {  	p1 =	sne.s32 s1, $0x4800;
	_ =	swait.ge [sflag:s24], $0x4000  }
0x6c: {  	[sflag:s24] =	ssyncset.done $0x0  }
0x6d: {  	s0 =	sadd.s32 $0x1400, s31;
	[sflag:s24] =	ssyncadd.s32 $0xFFFFC000  }
0x6e: {  	[spmem:s2] =	stream.indirect.scatter.add.f32 [tilespmem:s23], [sflag:$0x3], $0x80, s0, s22, $0xb8;
	[tilespmem:$0x1E800] =	vst v63  }
0x6f: {  	_ =	swait.ge [sflag:s25], $0x4000  }
0x70: {  	[sflag:s25] =	ssyncset.done $0x0  }
0x71: {  	s0 =	sadd.s32 $0x100, s31;
	[sflag:s25] =	ssyncadd.s32 $0xFFFFC000  }
0x72: {  	[tilespmem:s23], [sflag:$0x1] =	stream.indirect.gather [hbm4b:s4+s22], $0x80, s0, s22, $0xb8;
	[tilespmem:$0x1E800] =	vst v63  }
0x73: {  	_ =	swait.ge [sflag:s21], $0x4000  }
.Ltmp1:
0x74: {  	[sflag:s21] =	ssyncset.done $0x0;
	(pc) =	sbr.rel @p1 .LBB2_4-.Ltmp1, $4  }
0x75: {  	s0 =	sadd.s32 $0x1480, s31;
	[sflag:s21] =	ssyncadd.s32 $0xFFFFC000  }
0x76: {  	[spmem:s2] =	stream.indirect.scatter.add.f32 [tilespmem:s20], [sflag:$0x3], $0x80, s0, s22, $0xb8;
	[tilespmem:$0x1E800] =	vst v63  }
0x77: {  	_ =	swait.ge [sflag:s25], $0x4000  }
0x78: {  	s1 =	smov.u32 s5;
	s31 =	sshra.s32 s30, $0x2;
	[sflag:s25] =	ssyncset.done $0x0  }
0x79: {  	s0 =	sadd.s32 $0x80, s31;
	[sflag:s25] =	ssyncadd.s32 $0xFFFFC000  }
0x7a: {  	[tilespmem:s20], [sflag:$0x2] =	stream.indirect.gather [hbm4b:s4+s22], $0x80, s0, s22, $0xb8;
	[tilespmem:$0x1E800] =	vst v63  }
0x7b: {  	_ =	swait.ge [sflag:s24], $0x4000  }
0x7c: {  	[sflag:s24] =	ssyncset.done $0x0  }
0x7d: {  	s5 =	sadd.s32 $0x1400, s31;
	[sflag:s24] =	ssyncadd.s32 $0xFFFFC000  }
0x7e: {  	[spmem:s2] =	stream.indirect.scatter.add.f32 [tilespmem:s23], [sflag:$0x3], $0x80, s5, s22, $0xb8;
	[tilespmem:$0x1E800] =	vst v63  }
0x7f: {  	_ =	swait.ge [sflag:s25], $0x4000  }
0x80: {  	[sflag:s25] =	ssyncset.done $0x0  }
0x81: {  	s30 =	sadd.s32 $0x100, s31;
	[sflag:s25] =	ssyncadd.s32 $0xFFFFC000  }
0x82: {  	[tilespmem:s23], [sflag:$0x1] =	stream.indirect.gather [hbm4b:s4+s22], $0x80, s30, s22, $0xb8;
	[tilespmem:$0x1E800] =	vst v63  }
0x83: {  	_ =	swait.ge [sflag:s21], $0x4000  }
0x84: {  	[sflag:s21] =	ssyncset.done $0x0  }
0x85: {  	s1 =	sadd.s32 $0x1480, s31;
	[sflag:s21] =	ssyncadd.s32 $0xFFFFC000  }
0x86: {  	[spmem:s2] =	stream.indirect.scatter.add.f32 [tilespmem:s20], [sflag:$0x3], $0x80, s1, s22, $0xb8;
	[tilespmem:$0x1E800] =	vst v63  }
0x87: {  	_ =	swait.ge [sflag:s25], $0x4000  }
0x88: {  	[sflag:s25] =	ssyncset.done $0x0  }
0x89: {  	[sflag:s25] =	ssyncadd.s32 $0xFFFFC000  }
0x8a: {  	[tilespmem:s20], [sflag:$0x2] =	stream.indirect.gather [hbm4b:s4+s22], $0x80, s26, s22, $0xb8;
	[tilespmem:$0x1E800] =	vst v63  }
0x8b: {  	_ =	swait.ge [sflag:s24], $0x4000  }
0x8c: {  	[sflag:s24] =	ssyncset.done $0x0  }
0x8d: {  	[sflag:s24] =	ssyncadd.s32 $0xFFFFC000  }
0x8e: {  	[spmem:s2] =	stream.indirect.scatter.add.f32 [tilespmem:s23], [sflag:$0x3], $0x80, s28, s22, $0xb8;
	[tilespmem:$0x1E800] =	vst v63  }
0x8f: {  	_ =	swait.ge [sflag:s25], $0x4000  }
0x90: {  	[sflag:s25] =	ssyncset.done $0x0  }
0x91: {  	[sflag:s25] =	ssyncadd.s32 $0xFFFFC000  }
0x92: {  	_ =	swait.ge [sflag:s21], $0x4000  }
0x93: {  	[sflag:s21] =	ssyncset.done $0x0  }
0x94: {  	[sflag:s21] =	ssyncadd.s32 $0xFFFFC000  }
0x95: {  	[spmem:s2] =	stream.indirect.scatter.add.f32 [tilespmem:s20], [sflag:$0x3], $0x80, s29, s22, $0xb8;
	[tilespmem:$0x1E800] =	vst v63  }
0x96: {  	_ =	swait.ge [sflag:s25], $0x4000  }
0x97: {  	[sflag:s25] =	ssyncset.done $0x0  }
0x98: {  	s5 =	simm.s32 $0x0;
	[sflag:s25] =	ssyncadd.s32 $0xFFFFC000  }
0x99: {  	[tilespmem:s5], [sflag:$0x3] =	stream.linear.gather [hbm4b:s16+s5], $0x1400, $0x38;
	[tilespmem:$0x1E800] =	vst v63  }
0x9a: {  	_ =	swait.ge [sflag:s25], $0x1400  }
0x9b: {  	[sflag:s25] =	ssyncset.done $0x0  }
0x9c: {  	s1 =	simm.s32 $0x1400;
	[sflag:s25] =	ssyncadd.s32 $0xFFFFEC00  }
0x9d: {  	[tilespmem:s1], [sflag:$0x3] =	stream.linear.gather [hbm4b:s17+s5], $0x1400, $0x38;
	[tilespmem:$0x1E800] =	vst v63  }
0x9e: {  	_ =	swait.ge [sflag:s25], $0x1400  }
0x9f: {  	[sflag:s25] =	ssyncset.done $0x0  }
0xa0: {  	[sflag:s25] =	ssyncadd.s32 $0xFFFFEC00  }
0xa1: {  	[tilespmem:s23], [sflag:$0x1] =	stream.indirect.gather [hbm4b:s4+s22], $0x80, s5, s22, $0xb8;
	[tilespmem:$0x1E800] =	vst v63  }
0xa2: {  	s30 =	simm.s32 $0x80  }
0xa3: {  	[tilespmem:s20], [sflag:$0x2] =	stream.indirect.gather [hbm4b:s4+s22], $0x80, s30, s22, $0xb8;
	[tilespmem:$0x1E800] =	vst v63  }
0xa4: {  	_ =	swait.ge [sflag:s24], $0x4000  }
0xa5: {  	[sflag:s24] =	ssyncset.done $0x0  }
0xa6: {  	s1 =	simm.s32 $0x1400;
	[sflag:s24] =	ssyncadd.s32 $0xFFFFC000  }
0xa7: {  	[spmem:s2] =	stream.indirect.scatter.add.f32 [tilespmem:s23], [sflag:$0x3], $0x80, s1, s22, $0xb8;
	[tilespmem:$0x1E800] =	vst v63  }
0xa8: {  	_ =	swait.ge [sflag:s25], $0x4000  }
0xa9: {  	[sflag:s25] =	ssyncset.done $0x0  }
0xaa: {  	s5 =	simm.s32 $0x100;
	[sflag:s25] =	ssyncadd.s32 $0xFFFFC000  }
0xab: {  	[tilespmem:s23], [sflag:$0x1] =	stream.indirect.gather [hbm4b:s4+s22], $0x80, s5, s22, $0xb8;
	[tilespmem:$0x1E800] =	vst v63  }
0xac: {  	_ =	swait.ge [sflag:s21], $0x4000  }
0xad: {  	[sflag:s21] =	ssyncset.done $0x0  }
0xae: {  	s30 =	simm.s32 $0x1480;
	[sflag:s21] =	ssyncadd.s32 $0xFFFFC000  }
0xaf: {  	[spmem:s2] =	stream.indirect.scatter.add.f32 [tilespmem:s20], [sflag:$0x3], $0x80, s30, s22, $0xb8;
	[tilespmem:$0x1E800] =	vst v63  }
0xb0: {  	_ =	swait.ge [sflag:s25], $0x4000  }
0xb1: {  	s31 =	simm.s32 $0x100;
	s1 =	simm.s32 $0x800;
	[sflag:s25] =	ssyncset.done $0x0  }
.LBB2_6:
0xb2: {  	s0 =	sadd.s32 $0x80, s31  }
0xb3: {  	[sflag:s25] =	ssyncadd.s32 $0xFFFFC000;
	s5 =	smov.u32 s1;
	s30 =	sadd.s32 $0x400, s1  }
0xb4: {  	[tilespmem:s20], [sflag:$0x2] =	stream.indirect.gather [hbm4b:s4+s22], $0x80, s0, s22, $0xb8;
	[tilespmem:$0x1E800] =	vst v63  }
0xb5: {  	p1 =	sne.s32 s1, $0x4800;
	_ =	swait.ge [sflag:s24], $0x4000  }
0xb6: {  	[sflag:s24] =	ssyncset.done $0x0  }
0xb7: {  	s0 =	sadd.s32 $0x1400, s31;
	[sflag:s24] =	ssyncadd.s32 $0xFFFFC000  }
0xb8: {  	[spmem:s2] =	stream.indirect.scatter.add.f32 [tilespmem:s23], [sflag:$0x3], $0x80, s0, s22, $0xb8;
	[tilespmem:$0x1E800] =	vst v63  }
0xb9: {  	_ =	swait.ge [sflag:s25], $0x4000  }
0xba: {  	[sflag:s25] =	ssyncset.done $0x0  }
0xbb: {  	s0 =	sadd.s32 $0x100, s31;
	[sflag:s25] =	ssyncadd.s32 $0xFFFFC000  }
0xbc: {  	[tilespmem:s23], [sflag:$0x1] =	stream.indirect.gather [hbm4b:s4+s22], $0x80, s0, s22, $0xb8;
	[tilespmem:$0x1E800] =	vst v63  }
0xbd: {  	_ =	swait.ge [sflag:s21], $0x4000  }
.Ltmp2:
0xbe: {  	[sflag:s21] =	ssyncset.done $0x0;
	(pc) =	sbr.rel @p1 .LBB2_6-.Ltmp2, $4  }
0xbf: {  	s0 =	sadd.s32 $0x1480, s31;
	[sflag:s21] =	ssyncadd.s32 $0xFFFFC000  }
0xc0: {  	[spmem:s2] =	stream.indirect.scatter.add.f32 [tilespmem:s20], [sflag:$0x3], $0x80, s0, s22, $0xb8;
	[tilespmem:$0x1E800] =	vst v63  }
0xc1: {  	_ =	swait.ge [sflag:s25], $0x4000  }
0xc2: {  	s1 =	smov.u32 s30;
	s31 =	sshra.s32 s5, $0x2;
	[sflag:s25] =	ssyncset.done $0x0  }
0xc3: {  	s0 =	sadd.s32 $0x80, s31;
	[sflag:s25] =	ssyncadd.s32 $0xFFFFC000  }
0xc4: {  	[tilespmem:s20], [sflag:$0x2] =	stream.indirect.gather [hbm4b:s4+s22], $0x80, s0, s22, $0xb8;
	[tilespmem:$0x1E800] =	vst v63  }
0xc5: {  	_ =	swait.ge [sflag:s24], $0x4000  }
0xc6: {  	[sflag:s24] =	ssyncset.done $0x0  }
0xc7: {  	s1 =	sadd.s32 $0x1400, s31;
	[sflag:s24] =	ssyncadd.s32 $0xFFFFC000  }
0xc8: {  	[spmem:s2] =	stream.indirect.scatter.add.f32 [tilespmem:s23], [sflag:$0x3], $0x80, s1, s22, $0xb8;
	[tilespmem:$0x1E800] =	vst v63  }
0xc9: {  	_ =	swait.ge [sflag:s25], $0x4000  }
0xca: {  	[sflag:s25] =	ssyncset.done $0x0  }
0xcb: {  	s5 =	sadd.s32 $0x100, s31;
	[sflag:s25] =	ssyncadd.s32 $0xFFFFC000  }
0xcc: {  	[tilespmem:s23], [sflag:$0x1] =	stream.indirect.gather [hbm4b:s4+s22], $0x80, s5, s22, $0xb8;
	[tilespmem:$0x1E800] =	vst v63  }
0xcd: {  	_ =	swait.ge [sflag:s21], $0x4000  }
0xce: {  	[sflag:s21] =	ssyncset.done $0x0  }
0xcf: {  	s30 =	sadd.s32 $0x1480, s31;
	[sflag:s21] =	ssyncadd.s32 $0xFFFFC000  }
0xd0: {  	[spmem:s2] =	stream.indirect.scatter.add.f32 [tilespmem:s20], [sflag:$0x3], $0x80, s30, s22, $0xb8;
	[tilespmem:$0x1E800] =	vst v63  }
0xd1: {  	_ =	swait.ge [sflag:s25], $0x4000  }
0xd2: {  	[sflag:s25] =	ssyncset.done $0x0  }
0xd3: {  	[sflag:s25] =	ssyncadd.s32 $0xFFFFC000  }
0xd4: {  	[tilespmem:s20], [sflag:$0x2] =	stream.indirect.gather [hbm4b:s4+s22], $0x80, s26, s22, $0xb8;
	[tilespmem:$0x1E800] =	vst v63  }
0xd5: {  	_ =	swait.ge [sflag:s24], $0x4000  }
0xd6: {  	[sflag:s24] =	ssyncset.done $0x0  }
0xd7: {  	[sflag:s24] =	ssyncadd.s32 $0xFFFFC000  }
0xd8: {  	[spmem:s2] =	stream.indirect.scatter.add.f32 [tilespmem:s23], [sflag:$0x3], $0x80, s28, s22, $0xb8;
	[tilespmem:$0x1E800] =	vst v63  }
0xd9: {  	_ =	swait.ge [sflag:s25], $0x4000  }
0xda: {  	[sflag:s25] =	ssyncset.done $0x0  }
0xdb: {  	[sflag:s25] =	ssyncadd.s32 $0xFFFFC000  }
0xdc: {  	_ =	swait.ge [sflag:s21], $0x4000  }
0xdd: {  	[sflag:s21] =	ssyncset.done $0x0  }
0xde: {  	[sflag:s21] =	ssyncadd.s32 $0xFFFFC000  }
0xdf: {  	[spmem:s2] =	stream.indirect.scatter.add.f32 [tilespmem:s20], [sflag:$0x3], $0x80, s29, s22, $0xb8;
	[tilespmem:$0x1E800] =	vst v63  }
0xe0: {  	s31 =	stileid.u32;
	_ =	swait.ge [sflag:s25], $0x4000  }
0xe1: {  	s3 =	sadd.s32 $0x1, s3;
	s0 =	sshll.u32 s31, $0x6;
	[sflag:s25] =	ssyncset.done $0x0  }
0xe2: {  	p1 =	sne.s32 s3, s19;
	s0 =	sor.u32 $0x1C03, s0;
	[sflag:s25] =	ssyncadd.s32 $0xFFFFC000  }
.Ltmp3:
0xe3: {  	s1 =	sshrl.u32 s6, $0x3;
	[bflag:$0x0] =	sbarrier.arrive $0xFFFF;
	(pc) =	sbr.rel @p1 .LBB2_1-.Ltmp3, $4  }
0xe4: {  	[hbm:s18], [sflag:s0] =	dma.local [spmem:s1], $0x2800  }
0xe5: {  	_ =	swait.ge [sflag:s25], $0x2800  }
0xe6: {  	[sflag:s25] =	ssyncset.done $0x0  }
0xe7: {  	[sflag:s25] =	ssyncadd.s32 $0xFFFFD800  }
0xe8: {  	_ =	sfence.sel $0x180000  }
0xe9: {  	[bflag:$0x0] =	sbarrier.arrive $0xFFFF  }
0xea: {  	_ =	strace $0x9000004D  }
0xeb: {  	s0 =	stileid.u32;
	[bflag:$0x2] =	sbarrier.arrive $0xFFFF  }
0xec: {  	p0 =	sne.s32 s0, $0x0;
	s0 =	rddreg [dreg:$0x2]  }
0xed: {  	s0 =	sadd.s32 @!p0 $0x100000, s0  }
0xee: {  	[sflag:s0] =	ssyncadd.tile.s32 @!p0 $0x1;
	_ =	shalt  }
.Lfunc_end2:
_tile_overlayer_lowered:
.L_overlay_start_2:
0xef: {  	(tag) =	ssettag $0x2  }
0xf0: {  	s0 =	rddreg [dreg:$0x0];
	s2 =	stileid.u32  }
0xf1: {  	s1 =	rddreg [dreg:$0x1];
	p0 =	sne.s32 s2, $0x0  }
0xf2: {  	s3 =	rddreg [dreg:$0x2];
	[bflag:$0x3] =	sbarrier.arrive $0xFFFF;
	s2 =	simm.s32 @!p0 $0x1C03  }
0xf3: {  	[timem:s3], [sflag:s2] =	dma.local @!p0 [hbm:s0], s1  }
0xf4: {  	s0 =	simm.s32 @!p0 $0x3  }
0xf5: {  	_ =	swait.ge @!p0 [sflag:s0], s1  }
0xf6: {  	s1 =	ssub.s32 @!p0 $0x0, s1;
	[sflag:s0] =	ssyncset.done @!p0 $0x0  }
0xf7: {  	[sflag:s0] =	ssyncadd.s32 @!p0 s1  }
0xf8: {  	[bflag:$0x3] =	sbarrier.arrive $0xFFFF  }
0xf9: {  	_ =	shalt  }

</sc_bundles>
